<compile_context>
chip_gen: v7x
topology: tpu7x:2x2x1
jax: 0.10.2.dev20260603
libtpu: 0.0.44.dev20260713+nightly
codegen_flags: <defaults>
</compile_context>

<pallas_src>
import functools

import jax
import jax.numpy as jnp
from jax import lax
from jax.experimental import pallas as pl
from jax.experimental.pallas import tpu as pltpu
from jax.experimental.pallas import tpu_sc as plsc

NUM_FIELDS = 26
VOCAB = 100000
EMBED_DIM = 16
BATCH = 16384

_ROWS = NUM_FIELDS * EMBED_DIM
_VPAD = 100096
_W = 6272
_WL = 5888
_VTAIL = 15 * _W + _WL
_BCH = BATCH // 16


def _gather_body(it_hbm, t2_hbm, tail_hbm, out_hbm, shared, tsp, itsp, sidx,
                 obuf, gbufa, gbufb, gsema, gsemb, stsem, osem):
    c = lax.axis_index("c")
    s = lax.axis_index("s")
    b0 = s * _BCH
    bufs = (gbufa, gbufb)
    sems = (gsema, gsemb)

    def field(f, cnt):
        active = lax.rem(f, 2) == c

        @pl.when(active)
        def _process():
            pltpu.sync_copy(
                it_hbm.at[pl.ds(8 * (f // 8), 8), pl.ds(b0, _BCH)], itsp)
            fr = lax.rem(f, 8)

            def seed(r, _):
                for k in range(4):
                    o = r * 64 + k * 16
                    sidx[pl.ds(o, 16)] = itsp[fr, pl.ds(o, 16)]
                return 0

            lax.fori_loop(0, _BCH // 64, seed, 0)

            for g in range(2):
                row0 = 16 * f + 8 * g

                @pl.when(s < 15)
                def _stage_main():
                    pltpu.sync_copy(
                        t2_hbm.at[pl.ds(row0, 8), pl.ds(s * _W, _W)], tsp)
                    hs = [pltpu.async_copy(
                        tsp.at[d], shared.at[pl.ds(d * _VPAD + s * _W, _W)],
                        stsem) for d in range(8)]
                    for h in hs:
                        h.wait()

                @pl.when(s == 15)
                def _stage_last():
                    pltpu.sync_copy(
                        t2_hbm.at[pl.ds(row0, 8), pl.ds(15 * _W, _WL)],
                        tsp.at[pl.ds(0, 8), pl.ds(0, _WL)])
                    pltpu.sync_copy(
                        tail_hbm.at[f, pl.ds(8 * g, 8), :],
                        tsp.at[pl.ds(0, 8), pl.ds(_WL, 128)])
                    hs = [pltpu.async_copy(
                        tsp.at[d, pl.ds(0, _WL)],
                        shared.at[pl.ds(d * _VPAD + 15 * _W, _WL)],
                        stsem) for d in range(8)]
                    hs += [pltpu.async_copy(
                        tsp.at[d, pl.ds(_WL, 128)],
                        shared.at[pl.ds(d * _VPAD + _VTAIL, 128)],
                        stsem) for d in range(8)]
                    for h in hs:
                        h.wait()

                plsc.subcore_barrier()

                @pl.when(cnt + g > 0)
                def _drain():
                    pltpu.make_async_copy(
                        obuf, out_hbm.at[f, pl.ds(8 * g, 8), pl.ds(b0, _BCH)],
                        osem).wait()

                def bump(delta):
                    def go(r, _):
                        for k in range(4):
                            o = r * 64 + k * 16
                            sidx[pl.ds(o, 16)] = sidx[pl.ds(o, 16)] + delta
                        return 0

                    lax.fori_loop(0, _BCH // 64, go, 0)

                if g == 1:
                    bump(-7 * _VPAD)
                h = pltpu.async_copy(shared.at[sidx], bufs[0], sems[0])
                for dd in range(8):
                    h.wait()
                    if dd < 7:
                        bump(_VPAD)
                        h = pltpu.async_copy(
                            shared.at[sidx], bufs[(dd + 1) % 2],
                            sems[(dd + 1) % 2])
                    buf = bufs[dd % 2]

                    def put(r, _):
                        for k in range(4):
                            o = r * 64 + k * 16
                            obuf[dd, pl.ds(o, 16)] = buf[pl.ds(o, 16)]
                        return 0

                    lax.fori_loop(0, _BCH // 64, put, 0)

                pltpu.async_copy(
                    obuf, out_hbm.at[f, pl.ds(8 * g, 8), pl.ds(b0, _BCH)],
                    osem)
                plsc.subcore_barrier()

        return cnt + 2 * active.astype(jnp.int32)

    cnt = lax.fori_loop(0, NUM_FIELDS, field, 0)

    @pl.when(cnt > 0)
    def _final_drain():
        pltpu.make_async_copy(
            obuf, out_hbm.at[0, pl.ds(0, 8), pl.ds(b0, _BCH)], osem).wait()


_sc_gather = functools.partial(
    pl.kernel,
    mesh=plsc.VectorSubcoreMesh(core_axis_name="c", subcore_axis_name="s"),
    out_type=jax.ShapeDtypeStruct((NUM_FIELDS, EMBED_DIM, BATCH),
                                  jnp.float32),
    scratch_types=[
        pltpu.VMEM_SHARED((8 * _VPAD,), jnp.float32),
        pltpu.VMEM((8, _W), jnp.float32),
        pltpu.VMEM((8, _BCH), jnp.int32),
        pltpu.VMEM((_BCH,), jnp.int32),
        pltpu.VMEM((8, _BCH), jnp.float32),
        pltpu.VMEM((_BCH,), jnp.float32),
        pltpu.VMEM((_BCH,), jnp.float32),
        pltpu.SemaphoreType.DMA,
        pltpu.SemaphoreType.DMA,
        pltpu.SemaphoreType.DMA,
        pltpu.SemaphoreType.DMA,
    ],
)(_gather_body)


def kernel(indices, label, tables):
    del label
    it = indices.astype(jnp.int32).T
    t2 = jnp.swapaxes(tables, 1, 2).reshape(_ROWS, VOCAB + 1)
    tail = jnp.pad(jnp.swapaxes(tables[:, _VTAIL:, :], 1, 2),
                   ((0, 0), (0, 0), (0, 128 - (VOCAB + 1 - _VTAIL))))
    out = _sc_gather(it, t2, tail)
    return out.transpose(2, 0, 1)

# --- scband reference (transcript-rebuilt; emitter-appended) ---
"""Pipeline reference for scband-embedding-18777597018198 (READ-ONLY COPY).

The authoritative reference and input builder live on the scoring server;
editing this copy changes nothing except your own understanding.
"""

import jax, jax.numpy as jnp
import numpy as np

NUM_FIELDS = 26
VOCAB = 100000
EMBED_DIM = 16
BATCH = 16384


def setup_inputs(seed: int = 0) -> dict:
    key = jax.random.key(seed)
    k_tab, k_idx, k_lab = jax.random.split(key, 3)
    # one embedding table per field, each (vocab + 1, embedding_size),
    # xavier_uniform init: bound = sqrt(6 / (fan_in + fan_out))
    bound = float(np.sqrt(6.0 / ((VOCAB + 1) + EMBED_DIM)))
    tables = jax.random.uniform(
        k_tab, (NUM_FIELDS, VOCAB + 1, EMBED_DIM), dtype=jnp.float32,
        minval=-bound, maxval=bound)
    indices = jax.random.randint(k_idx, (BATCH, NUM_FIELDS), 0, VOCAB, dtype=jnp.int64)
    label = jax.random.uniform(k_lab, (BATCH,), dtype=jnp.float32)
    return {"indices": indices, "label": label, "tables": tables}


def reference(indices, label, tables):
    # Faithful to Embedding.forward (mode='normal'):
    # for each feature field, look up its embedding table and append a
    # [B, 1, D] slice, then concatenate along dim=-2 -> [B, F, D].
    # label is only used to determine the batch size.
    del label
    # per-field gather: tables[f][indices[:, f]] -> stacked to [B, F, D]
    out = jax.vmap(lambda tab, idx: jnp.take(tab, idx, axis=0),
                   in_axes=(0, 1), out_axes=1)(tables, indices)
    return out

if __name__ == "__main__":
    import jax
    _d = setup_inputs()
    print(jax.jit(kernel)(*tuple(_d.values())))

</pallas_src>

<mosaic_0001>
#map = affine_map<(d0, d1) -> (0, 0)>
#map1 = affine_map<(d0, d1) -> (0, 0, 0)>
module attributes {stable_mosaic.version = 14 : i64} {
  func.func @_gather_body(%arg0: i32, %arg1: i32, %arg2: memref<26x16384xi32, #tpu.memory_space<hbm>>, %arg3: memref<416x100001xf32, #tpu.memory_space<hbm>>, %arg4: memref<26x16x128xf32, #tpu.memory_space<hbm>>, %arg5: memref<26x16x16384xf32, #tpu.memory_space<hbm>>, %arg6: memref<800768xf32, #tpu.memory_space<vmem_shared>>, %arg7: memref<8x6272xf32, #tpu.memory_space<vmem>>, %arg8: memref<8x1024xi32, #tpu.memory_space<vmem>>, %arg9: memref<1024xi32, #tpu.memory_space<vmem>>, %arg10: memref<8x1024xf32, #tpu.memory_space<vmem>>, %arg11: memref<1024xf32, #tpu.memory_space<vmem>>, %arg12: memref<1024xf32, #tpu.memory_space<vmem>>, %arg13: memref<!tpu.dma_semaphore, #tpu.memory_space<semaphore_mem>>, %arg14: memref<!tpu.dma_semaphore, #tpu.memory_space<semaphore_mem>>, %arg15: memref<!tpu.dma_semaphore, #tpu.memory_space<semaphore_mem>>, %arg16: memref<!tpu.dma_semaphore, #tpu.memory_space<semaphore_mem>>) attributes {dimension_semantics = [#tpu.dimension_semantics<core_parallel>, #tpu.dimension_semantics<subcore_parallel>], iteration_bounds = array<i64: 2, 16>, scalar_prefetch = 0 : i64, scratch_operands = 11 : i64, tpu.core_type = #tpu.core_type<sc_vector_subcore>, window_params = [{transform_indices = #map}, {transform_indices = #map}, {transform_indices = #map1}, {transform_indices = #map1}]} {
    %mul3A = arith.constant 1024 : i32
    %mul3A_0 = arith.muli %arg1, %mul3A : i32
    %scan3A = arith.constant 0 : i32
    %scan3A_1 = arith.constant 0 : i32
    %scan3A_2 = arith.constant 26 : i32
    %scan3A_3 = arith.addi %scan3A_1, %scan3A_2 : i32
    %scan3A_4 = arith.constant 1 : i32
    %scan3A_5 = scf.for %scan3A_9 = %scan3A_1 to %scan3A_3 step %scan3A_4 iter_args(%scan3A_10 = %scan3A) -> (i32)  : i32 {
      %rem3A = arith.constant 2 : i32
      %rem3A_11 = arith.remsi %scan3A_9, %rem3A : i32
      %eq3A = arith.cmpi eq, %rem3A_11, %arg0 : i32
      %convert_element_type3A_12 = arith.extui %eq3A : i1 to i32
      %cond3A_13 = arith.constant 0 : i32
      %cond3A_14 = arith.cmpi ne, %convert_element_type3A_12, %cond3A_13 : i32
      scf.if %cond3A_14 {
        %jit3A = arith.constant 8 : i32
        %div3A = arith.divsi %scan3A_9, %jit3A : i32
        %sign3A = arith.constant 0 : i32
        %sign3A_18 = arith.cmpi sgt, %scan3A_9, %sign3A : i32
        %sign3A_19 = arith.extui %sign3A_18 : i1 to i32
        %sign3A_20 = arith.constant 0 : i32
        %sign3A_21 = arith.cmpi slt, %scan3A_9, %sign3A_20 : i32
        %sign3A_22 = arith.extui %sign3A_21 : i1 to i32
        %sign3A_23 = arith.subi %sign3A_19, %sign3A_22 : i32
        %sign3A_24 = arith.constant 0 : i32
        %sign3A_25 = arith.cmpi sgt, %jit3A, %sign3A_24 : i32
        %sign3A_26 = arith.extui %sign3A_25 : i1 to i32
        %sign3A_27 = arith.constant 0 : i32
        %sign3A_28 = arith.cmpi slt, %jit3A, %sign3A_27 : i32
        %sign3A_29 = arith.extui %sign3A_28 : i1 to i32
        %sign3A_30 = arith.subi %sign3A_26, %sign3A_29 : i32
        %ne3A = arith.cmpi ne, %sign3A_23, %sign3A_30 : i32
        %rem3A_31 = arith.remsi %scan3A_9, %jit3A : i32
        %ne3A_32 = arith.constant 0 : i32
        %ne3A_33 = arith.cmpi ne, %rem3A_31, %ne3A_32 : i32
        %and3A = arith.andi %ne3A, %ne3A_33 : i1
        %sub3A = arith.constant 1 : i32
        %sub3A_34 = arith.subi %div3A, %sub3A : i32
        %select_n3A = arith.select %and3A, %sub3A_34, %div3A : i32
        %mul3A_35 = arith.constant 8 : i32
        %mul3A_36 = arith.muli %mul3A_35, %select_n3A : i32
        "tpu.region"() ({
          %run_scoped3A = tpu.sem_alloc : memref<!tpu.dma_semaphore, #tpu.memory_space<semaphore_mem>>
          %dma_start3A_381 = tpu.memref_slice %arg2[%mul3A_36, %mul3A_0] : memref<26x16384xi32, #tpu.memory_space<hbm>> -> memref<8x1024xi32, #tpu.memory_space<hbm>>
          %dma_start3A_382 = tpu.memref_slice %arg2[%mul3A_36, %mul3A_0] : memref<26x16384xi32, #tpu.memory_space<hbm>> -> memref<8x1024xi32, #tpu.memory_space<hbm>>
          tpu.enqueue_dma source(%dma_start3A_382 : memref<8x1024xi32, #tpu.memory_space<hbm>>) target(%arg8 : memref<8x1024xi32, #tpu.memory_space<vmem>>) target_semaphore(%run_scoped3A : memref<!tpu.dma_semaphore, #tpu.memory_space<semaphore_mem>>)
          %dma_wait3A_383 = tpu.memref_slice %arg2[%mul3A_36, %mul3A_0] : memref<26x16384xi32, #tpu.memory_space<hbm>> -> memref<8x1024xi32, #tpu.memory_space<hbm>>
          %dma_wait3A_384 = tpu.memref_slice %arg2[%mul3A_36, %mul3A_0] : memref<26x16384xi32, #tpu.memory_space<hbm>> -> memref<8x1024xi32, #tpu.memory_space<hbm>>
          tpu.wait_dma2 semaphore(%run_scoped3A : memref<!tpu.dma_semaphore, #tpu.memory_space<semaphore_mem>>) src(%dma_wait3A_384 : memref<8x1024xi32, #tpu.memory_space<hbm>>) dst(%arg8 : memref<8x1024xi32, #tpu.memory_space<vmem>>)
          tpu.yield
        }) : () -> ()
        %rem3A_37 = arith.constant 8 : i32
        %rem3A_38 = arith.remsi %scan3A_9, %rem3A_37 : i32
        %scan3A_39 = arith.constant 0 : i32
        %scan3A_40 = arith.constant 0 : i32
        %scan3A_41 = arith.constant 16 : i32
        %scan3A_42 = arith.addi %scan3A_40, %scan3A_41 : i32
        %scan3A_43 = arith.constant 1 : i32
        %scan3A_44 = scf.for %scan3A_381 = %scan3A_40 to %scan3A_42 step %scan3A_43 iter_args(%scan3A_382 = %scan3A_39) -> (i32)  : i32 {
          %mul3A_383 = arith.constant 64 : i32
          %mul3A_384 = arith.muli %scan3A_381, %mul3A_383 : i32
          %add3A_385 = arith.constant 0 : i32
          %add3A_386 = arith.addi %mul3A_384, %add3A_385 : i32
          %get3A = arith.index_cast %rem3A_38 : i32 to index
          %get3A_387 = arith.index_cast %add3A_386 : i32 to index
          %get3A_388 = tpu.vector_load %arg8[%get3A, %get3A_387] {strides = array<i32>} : memref<8x1024xi32, #tpu.memory_space<vmem>>, vector<1x16xi32>,
          %get3A_389 = vector.shape_cast %get3A_388 : vector<1x16xi32> to vector<16xi32>
          %swap3A = arith.index_cast %add3A_386 : i32 to index
          %swap3A_390 = tpu.vector_load %arg9[%swap3A] {strides = array<i32>} : memref<1024xi32, #tpu.memory_space<vmem>>, vector<16xi32>,
          %swap3A_391 = vector.shape_cast %swap3A_390 : vector<16xi32> to vector<16xi32>
          %swap3A_392 = vector.shape_cast %get3A_389 : vector<16xi32> to vector<16xi32>
          tpu.vector_store %arg9[%swap3A], %swap3A_392 {strides = array<i32>} : memref<1024xi32, #tpu.memory_space<vmem>>, vector<16xi32>,
          %mul3A_393 = arith.constant 64 : i32
          %mul3A_394 = arith.muli %scan3A_381, %mul3A_393 : i32
          %add3A_395 = arith.constant 16 : i32
          %add3A_396 = arith.addi %mul3A_394, %add3A_395 : i32
          %get3A_397 = arith.index_cast %rem3A_38 : i32 to index
          %get3A_398 = arith.index_cast %add3A_396 : i32 to index
          %get3A_399 = tpu.vector_load %arg8[%get3A_397, %get3A_398] {strides = array<i32>} : memref<8x1024xi32, #tpu.memory_space<vmem>>, vector<1x16xi32>,
          %get3A_400 = vector.shape_cast %get3A_399 : vector<1x16xi32> to vector<16xi32>
          %swap3A_401 = arith.index_cast %add3A_396 : i32 to index
          %swap3A_402 = tpu.vector_load %arg9[%swap3A_401] {strides = array<i32>} : memref<1024xi32, #tpu.memory_space<vmem>>, vector<16xi32>,
          %swap3A_403 = vector.shape_cast %swap3A_402 : vector<16xi32> to vector<16xi32>
          %swap3A_404 = vector.shape_cast %get3A_400 : vector<16xi32> to vector<16xi32>
          tpu.vector_store %arg9[%swap3A_401], %swap3A_404 {strides = array<i32>} : memref<1024xi32, #tpu.memory_space<vmem>>, vector<16xi32>,
          %mul3A_405 = arith.constant 64 : i32
          %mul3A_406 = arith.muli %scan3A_381, %mul3A_405 : i32
          %add3A_407 = arith.constant 32 : i32
          %add3A_408 = arith.addi %mul3A_406, %add3A_407 : i32
          %get3A_409 = arith.index_cast %rem3A_38 : i32 to index
          %get3A_410 = arith.index_cast %add3A_408 : i32 to index
          %get3A_411 = tpu.vector_load %arg8[%get3A_409, %get3A_410] {strides = array<i32>} : memref<8x1024xi32, #tpu.memory_space<vmem>>, vector<1x16xi32>,
          %get3A_412 = vector.shape_cast %get3A_411 : vector<1x16xi32> to vector<16xi32>
          %swap3A_413 = arith.index_cast %add3A_408 : i32 to index
          %swap3A_414 = tpu.vector_load %arg9[%swap3A_413] {strides = array<i32>} : memref<1024xi32, #tpu.memory_space<vmem>>, vector<16xi32>,
          %swap3A_415 = vector.shape_cast %swap3A_414 : vector<16xi32> to vector<16xi32>
          %swap3A_416 = vector.shape_cast %get3A_412 : vector<16xi32> to vector<16xi32>
          tpu.vector_store %arg9[%swap3A_413], %swap3A_416 {strides = array<i32>} : memref<1024xi32, #tpu.memory_space<vmem>>, vector<16xi32>,
          %mul3A_417 = arith.constant 64 : i32
          %mul3A_418 = arith.muli %scan3A_381, %mul3A_417 : i32
          %add3A_419 = arith.constant 48 : i32
          %add3A_420 = arith.addi %mul3A_418, %add3A_419 : i32
          %get3A_421 = arith.index_cast %rem3A_38 : i32 to index
          %get3A_422 = arith.index_cast %add3A_420 : i32 to index
          %get3A_423 = tpu.vector_load %arg8[%get3A_421, %get3A_422] {strides = array<i32>} : memref<8x1024xi32, #tpu.memory_space<vmem>>, vector<1x16xi32>,
          %get3A_424 = vector.shape_cast %get3A_423 : vector<1x16xi32> to vector<16xi32>
          %swap3A_425 = arith.index_cast %add3A_420 : i32 to index
          %swap3A_426 = tpu.vector_load %arg9[%swap3A_425] {strides = array<i32>} : memref<1024xi32, #tpu.memory_space<vmem>>, vector<16xi32>,
          %swap3A_427 = vector.shape_cast %swap3A_426 : vector<16xi32> to vector<16xi32>
          %swap3A_428 = vector.shape_cast %get3A_424 : vector<16xi32> to vector<16xi32>
          tpu.vector_store %arg9[%swap3A_425], %swap3A_428 {strides = array<i32>} : memref<1024xi32, #tpu.memory_space<vmem>>, vector<16xi32>,
          %scan3A_429 = arith.constant 0 : i32
          scf.yield %scan3A_429 : i32
        }
        %scan3A_45 = arith.constant 16 : i32
        %mul3A_46 = arith.constant 16 : i32
        %mul3A_47 = arith.muli %mul3A_46, %scan3A_9 : i32
        %add3A_48 = arith.constant 0 : i32
        %add3A_49 = arith.addi %mul3A_47, %add3A_48 : i32
        %lt3A = arith.constant 15 : i32
        %lt3A_50 = arith.cmpi slt, %arg1, %lt3A : i32
        %convert_element_type3A_51 = arith.extui %lt3A_50 : i1 to i32
        %cond3A_52 = arith.constant 0 : i32
        %cond3A_53 = arith.cmpi ne, %convert_element_type3A_51, %cond3A_52 : i32
        scf.if %cond3A_53 {
          %mul3A_381 = arith.constant 6272 : i32
          %mul3A_382 = arith.muli %arg1, %mul3A_381 : i32
          "tpu.region"() ({
            %run_scoped3A = tpu.sem_alloc : memref<!tpu.dma_semaphore, #tpu.memory_space<semaphore_mem>>
            %dma_start3A_559 = tpu.memref_slice %arg3[%add3A_49, %mul3A_382] : memref<416x100001xf32, #tpu.memory_space<hbm>> -> memref<8x6272xf32, #tpu.memory_space<hbm>>
            %dma_start3A_560 = tpu.memref_slice %arg3[%add3A_49, %mul3A_382] : memref<416x100001xf32, #tpu.memory_space<hbm>> -> memref<8x6272xf32, #tpu.memory_space<hbm>>
            tpu.enqueue_dma source(%dma_start3A_560 : memref<8x6272xf32, #tpu.memory_space<hbm>>) target(%arg7 : memref<8x6272xf32, #tpu.memory_space<vmem>>) target_semaphore(%run_scoped3A : memref<!tpu.dma_semaphore, #tpu.memory_space<semaphore_mem>>)
            %dma_wait3A_561 = tpu.memref_slice %arg3[%add3A_49, %mul3A_382] : memref<416x100001xf32, #tpu.memory_space<hbm>> -> memref<8x6272xf32, #tpu.memory_space<hbm>>
            %dma_wait3A_562 = tpu.memref_slice %arg3[%add3A_49, %mul3A_382] : memref<416x100001xf32, #tpu.memory_space<hbm>> -> memref<8x6272xf32, #tpu.memory_space<hbm>>
            tpu.wait_dma2 semaphore(%run_scoped3A : memref<!tpu.dma_semaphore, #tpu.memory_space<semaphore_mem>>) src(%dma_wait3A_562 : memref<8x6272xf32, #tpu.memory_space<hbm>>) dst(%arg7 : memref<8x6272xf32, #tpu.memory_space<vmem>>)
            tpu.yield
          }) : () -> ()
          %mul3A_383 = arith.constant 6272 : i32
          %mul3A_384 = arith.muli %arg1, %mul3A_383 : i32
          %add3A_385 = arith.constant 0 : i32
          %add3A_386 = arith.addi %add3A_385, %mul3A_384 : i32
          %dma_start3A_387 = arith.constant 0 : i32
          %dma_start3A_388 = arith.constant 0 : i32
          %dma_start3A_389 = tpu.memref_slice %arg7[%dma_start3A_387, %dma_start3A_388] : memref<8x6272xf32, #tpu.memory_space<vmem>> -> memref<1x6272xf32, #tpu.memory_space<vmem>>
          %dma_start3A_390 = tpu.memref_squeeze %dma_start3A_389 : memref<1x6272xf32, #tpu.memory_space<vmem>> -> memref<6272xf32, #tpu.memory_space<vmem>>
          %dma_start3A_391 = tpu.memref_slice %arg6[%add3A_386] : memref<800768xf32, #tpu.memory_space<vmem_shared>> -> memref<6272xf32, #tpu.memory_space<vmem_shared>>
          %dma_start3A_392 = tpu.memref_slice %arg6[%add3A_386] : memref<800768xf32, #tpu.memory_space<vmem_shared>> -> memref<6272xf32, #tpu.memory_space<vmem_shared>>
          %dma_start3A_393 = arith.constant 0 : i32
          %dma_start3A_394 = tpu.memref_slice %arg7[%dma_start3A_387, %dma_start3A_393] : memref<8x6272xf32, #tpu.memory_space<vmem>> -> memref<1x6272xf32, #tpu.memory_space<vmem>>
          %dma_start3A_395 = tpu.memref_squeeze %dma_start3A_394 : memref<1x6272xf32, #tpu.memory_space<vmem>> -> memref<6272xf32, #tpu.memory_space<vmem>>
          tpu.enqueue_dma source(%dma_start3A_395 : memref<6272xf32, #tpu.memory_space<vmem>>) target(%dma_start3A_392 : memref<6272xf32, #tpu.memory_space<vmem_shared>>) target_semaphore(%arg15 : memref<!tpu.dma_semaphore, #tpu.memory_space<semaphore_mem>>)
          %mul3A_396 = arith.constant 6272 : i32
          %mul3A_397 = arith.muli %arg1, %mul3A_396 : i32
          %add3A_398 = arith.constant 100096 : i32
          %add3A_399 = arith.addi %add3A_398, %mul3A_397 : i32
          %dma_start3A_400 = arith.constant 1 : i32
          %dma_start3A_401 = arith.constant 0 : i32
          %dma_start3A_402 = tpu.memref_slice %arg7[%dma_start3A_400, %dma_start3A_401] : memref<8x6272xf32, #tpu.memory_space<vmem>> -> memref<1x6272xf32, #tpu.memory_space<vmem>>
          %dma_start3A_403 = tpu.memref_squeeze %dma_start3A_402 : memref<1x6272xf32, #tpu.memory_space<vmem>> -> memref<6272xf32, #tpu.memory_space<vmem>>
          %dma_start3A_404 = tpu.memref_slice %arg6[%add3A_399] : memref<800768xf32, #tpu.memory_space<vmem_shared>> -> memref<6272xf32, #tpu.memory_space<vmem_shared>>
          %dma_start3A_405 = tpu.memref_slice %arg6[%add3A_399] : memref<800768xf32, #tpu.memory_space<vmem_shared>> -> memref<6272xf32, #tpu.memory_space<vmem_shared>>
          %dma_start3A_406 = arith.constant 0 : i32
          %dma_start3A_407 = tpu.memref_slice %arg7[%dma_start3A_400, %dma_start3A_406] : memref<8x6272xf32, #tpu.memory_space<vmem>> -> memref<1x6272xf32, #tpu.memory_space<vmem>>
          %dma_start3A_408 = tpu.memref_squeeze %dma_start3A_407 : memref<1x6272xf32, #tpu.memory_space<vmem>> -> memref<6272xf32, #tpu.memory_space<vmem>>
          tpu.enqueue_dma source(%dma_start3A_408 : memref<6272xf32, #tpu.memory_space<vmem>>) target(%dma_start3A_405 : memref<6272xf32, #tpu.memory_space<vmem_shared>>) target_semaphore(%arg15 : memref<!tpu.dma_semaphore, #tpu.memory_space<semaphore_mem>>)
          %mul3A_409 = arith.constant 6272 : i32
          %mul3A_410 = arith.muli %arg1, %mul3A_409 : i32
          %add3A_411 = arith.constant 200192 : i32
          %add3A_412 = arith.addi %add3A_411, %mul3A_410 : i32
          %dma_start3A_413 = arith.constant 2 : i32
          %dma_start3A_414 = arith.constant 0 : i32
          %dma_start3A_415 = tpu.memref_slice %arg7[%dma_start3A_413, %dma_start3A_414] : memref<8x6272xf32, #tpu.memory_space<vmem>> -> memref<1x6272xf32, #tpu.memory_space<vmem>>
          %dma_start3A_416 = tpu.memref_squeeze %dma_start3A_415 : memref<1x6272xf32, #tpu.memory_space<vmem>> -> memref<6272xf32, #tpu.memory_space<vmem>>
          %dma_start3A_417 = tpu.memref_slice %arg6[%add3A_412] : memref<800768xf32, #tpu.memory_space<vmem_shared>> -> memref<6272xf32, #tpu.memory_space<vmem_shared>>
          %dma_start3A_418 = tpu.memref_slice %arg6[%add3A_412] : memref<800768xf32, #tpu.memory_space<vmem_shared>> -> memref<6272xf32, #tpu.memory_space<vmem_shared>>
          %dma_start3A_419 = arith.constant 0 : i32
          %dma_start3A_420 = tpu.memref_slice %arg7[%dma_start3A_413, %dma_start3A_419] : memref<8x6272xf32, #tpu.memory_space<vmem>> -> memref<1x6272xf32, #tpu.memory_space<vmem>>
          %dma_start3A_421 = tpu.memref_squeeze %dma_start3A_420 : memref<1x6272xf32, #tpu.memory_space<vmem>> -> memref<6272xf32, #tpu.memory_space<vmem>>
          tpu.enqueue_dma source(%dma_start3A_421 : memref<6272xf32, #tpu.memory_space<vmem>>) target(%dma_start3A_418 : memref<6272xf32, #tpu.memory_space<vmem_shared>>) target_semaphore(%arg15 : memref<!tpu.dma_semaphore, #tpu.memory_space<semaphore_mem>>)
          %mul3A_422 = arith.constant 6272 : i32
          %mul3A_423 = arith.muli %arg1, %mul3A_422 : i32
          %add3A_424 = arith.constant 300288 : i32
          %add3A_425 = arith.addi %add3A_424, %mul3A_423 : i32
          %dma_start3A_426 = arith.constant 3 : i32
          %dma_start3A_427 = arith.constant 0 : i32
          %dma_start3A_428 = tpu.memref_slice %arg7[%dma_start3A_426, %dma_start3A_427] : memref<8x6272xf32, #tpu.memory_space<vmem>> -> memref<1x6272xf32, #tpu.memory_space<vmem>>
          %dma_start3A_429 = tpu.memref_squeeze %dma_start3A_428 : memref<1x6272xf32, #tpu.memory_space<vmem>> -> memref<6272xf32, #tpu.memory_space<vmem>>
          %dma_start3A_430 = tpu.memref_slice %arg6[%add3A_425] : memref<800768xf32, #tpu.memory_space<vmem_shared>> -> memref<6272xf32, #tpu.memory_space<vmem_shared>>
          %dma_start3A_431 = tpu.memref_slice %arg6[%add3A_425] : memref<800768xf32, #tpu.memory_space<vmem_shared>> -> memref<6272xf32, #tpu.memory_space<vmem_shared>>
          %dma_start3A_432 = arith.constant 0 : i32
          %dma_start3A_433 = tpu.memref_slice %arg7[%dma_start3A_426, %dma_start3A_432] : memref<8x6272xf32, #tpu.memory_space<vmem>> -> memref<1x6272xf32, #tpu.memory_space<vmem>>
          %dma_start3A_434 = tpu.memref_squeeze %dma_start3A_433 : memref<1x6272xf32, #tpu.memory_space<vmem>> -> memref<6272xf32, #tpu.memory_space<vmem>>
          tpu.enqueue_dma source(%dma_start3A_434 : memref<6272xf32, #tpu.memory_space<vmem>>) target(%dma_start3A_431 : memref<6272xf32, #tpu.memory_space<vmem_shared>>) target_semaphore(%arg15 : memref<!tpu.dma_semaphore, #tpu.memory_space<semaphore_mem>>)
          %mul3A_435 = arith.constant 6272 : i32
          %mul3A_436 = arith.muli %arg1, %mul3A_435 : i32
          %add3A_437 = arith.constant 400384 : i32
          %add3A_438 = arith.addi %add3A_437, %mul3A_436 : i32
          %dma_start3A_439 = arith.constant 4 : i32
          %dma_start3A_440 = arith.constant 0 : i32
          %dma_start3A_441 = tpu.memref_slice %arg7[%dma_start3A_439, %dma_start3A_440] : memref<8x6272xf32, #tpu.memory_space<vmem>> -> memref<1x6272xf32, #tpu.memory_space<vmem>>
          %dma_start3A_442 = tpu.memref_squeeze %dma_start3A_441 : memref<1x6272xf32, #tpu.memory_space<vmem>> -> memref<6272xf32, #tpu.memory_space<vmem>>
          %dma_start3A_443 = tpu.memref_slice %arg6[%add3A_438] : memref<800768xf32, #tpu.memory_space<vmem_shared>> -> memref<6272xf32, #tpu.memory_space<vmem_shared>>
          %dma_start3A_444 = tpu.memref_slice %arg6[%add3A_438] : memref<800768xf32, #tpu.memory_space<vmem_shared>> -> memref<6272xf32, #tpu.memory_space<vmem_shared>>
          %dma_start3A_445 = arith.constant 0 : i32
          %dma_start3A_446 = tpu.memref_slice %arg7[%dma_start3A_439, %dma_start3A_445] : memref<8x6272xf32, #tpu.memory_space<vmem>> -> memref<1x6272xf32, #tpu.memory_space<vmem>>
          %dma_start3A_447 = tpu.memref_squeeze %dma_start3A_446 : memref<1x6272xf32, #tpu.memory_space<vmem>> -> memref<6272xf32, #tpu.memory_space<vmem>>
          tpu.enqueue_dma source(%dma_start3A_447 : memref<6272xf32, #tpu.memory_space<vmem>>) target(%dma_start3A_444 : memref<6272xf32, #tpu.memory_space<vmem_shared>>) target_semaphore(%arg15 : memref<!tpu.dma_semaphore, #tpu.memory_space<semaphore_mem>>)
          %mul3A_448 = arith.constant 6272 : i32
          %mul3A_449 = arith.muli %arg1, %mul3A_448 : i32
          %add3A_450 = arith.constant 500480 : i32
          %add3A_451 = arith.addi %add3A_450, %mul3A_449 : i32
          %dma_start3A_452 = arith.constant 5 : i32
          %dma_start3A_453 = arith.constant 0 : i32
          %dma_start3A_454 = tpu.memref_slice %arg7[%dma_start3A_452, %dma_start3A_453] : memref<8x6272xf32, #tpu.memory_space<vmem>> -> memref<1x6272xf32, #tpu.memory_space<vmem>>
          %dma_start3A_455 = tpu.memref_squeeze %dma_start3A_454 : memref<1x6272xf32, #tpu.memory_space<vmem>> -> memref<6272xf32, #tpu.memory_space<vmem>>
          %dma_start3A_456 = tpu.memref_slice %arg6[%add3A_451] : memref<800768xf32, #tpu.memory_space<vmem_shared>> -> memref<6272xf32, #tpu.memory_space<vmem_shared>>
          %dma_start3A_457 = tpu.memref_slice %arg6[%add3A_451] : memref<800768xf32, #tpu.memory_space<vmem_shared>> -> memref<6272xf32, #tpu.memory_space<vmem_shared>>
          %dma_start3A_458 = arith.constant 0 : i32
          %dma_start3A_459 = tpu.memref_slice %arg7[%dma_start3A_452, %dma_start3A_458] : memref<8x6272xf32, #tpu.memory_space<vmem>> -> memref<1x6272xf32, #tpu.memory_space<vmem>>
          %dma_start3A_460 = tpu.memref_squeeze %dma_start3A_459 : memref<1x6272xf32, #tpu.memory_space<vmem>> -> memref<6272xf32, #tpu.memory_space<vmem>>
          tpu.enqueue_dma source(%dma_start3A_460 : memref<6272xf32, #tpu.memory_space<vmem>>) target(%dma_start3A_457 : memref<6272xf32, #tpu.memory_space<vmem_shared>>) target_semaphore(%arg15 : memref<!tpu.dma_semaphore, #tpu.memory_space<semaphore_mem>>)
          %mul3A_461 = arith.constant 6272 : i32
          %mul3A_462 = arith.muli %arg1, %mul3A_461 : i32
          %add3A_463 = arith.constant 600576 : i32
          %add3A_464 = arith.addi %add3A_463, %mul3A_462 : i32
          %dma_start3A_465 = arith.constant 6 : i32
          %dma_start3A_466 = arith.constant 0 : i32
          %dma_start3A_467 = tpu.memref_slice %arg7[%dma_start3A_465, %dma_start3A_466] : memref<8x6272xf32, #tpu.memory_space<vmem>> -> memref<1x6272xf32, #tpu.memory_space<vmem>>
          %dma_start3A_468 = tpu.memref_squeeze %dma_start3A_467 : memref<1x6272xf32, #tpu.memory_space<vmem>> -> memref<6272xf32, #tpu.memory_space<vmem>>
          %dma_start3A_469 = tpu.memref_slice %arg6[%add3A_464] : memref<800768xf32, #tpu.memory_space<vmem_shared>> -> memref<6272xf32, #tpu.memory_space<vmem_shared>>
          %dma_start3A_470 = tpu.memref_slice %arg6[%add3A_464] : memref<800768xf32, #tpu.memory_space<vmem_shared>> -> memref<6272xf32, #tpu.memory_space<vmem_shared>>
          %dma_start3A_471 = arith.constant 0 : i32
          %dma_start3A_472 = tpu.memref_slice %arg7[%dma_start3A_465, %dma_start3A_471] : memref<8x6272xf32, #tpu.memory_space<vmem>> -> memref<1x6272xf32, #tpu.memory_space<vmem>>
          %dma_start3A_473 = tpu.memref_squeeze %dma_start3A_472 : memref<1x6272xf32, #tpu.memory_space<vmem>> -> memref<6272xf32, #tpu.memory_space<vmem>>
          tpu.enqueue_dma source(%dma_start3A_473 : memref<6272xf32, #tpu.memory_space<vmem>>) target(%dma_start3A_470 : memref<6272xf32, #tpu.memory_space<vmem_shared>>) target_semaphore(%arg15 : memref<!tpu.dma_semaphore, #tpu.memory_space<semaphore_mem>>)
          %mul3A_474 = arith.constant 6272 : i32
          %mul3A_475 = arith.muli %arg1, %mul3A_474 : i32
          %add3A_476 = arith.constant 700672 : i32
          %add3A_477 = arith.addi %add3A_476, %mul3A_475 : i32
          %dma_start3A_478 = arith.constant 7 : i32
          %dma_start3A_479 = arith.constant 0 : i32
          %dma_start3A_480 = tpu.memref_slice %arg7[%dma_start3A_478, %dma_start3A_479] : memref<8x6272xf32, #tpu.memory_space<vmem>> -> memref<1x6272xf32, #tpu.memory_space<vmem>>
          %dma_start3A_481 = tpu.memref_squeeze %dma_start3A_480 : memref<1x6272xf32, #tpu.memory_space<vmem>> -> memref<6272xf32, #tpu.memory_space<vmem>>
          %dma_start3A_482 = tpu.memref_slice %arg6[%add3A_477] : memref<800768xf32, #tpu.memory_space<vmem_shared>> -> memref<6272xf32, #tpu.memory_space<vmem_shared>>
          %dma_start3A_483 = tpu.memref_slice %arg6[%add3A_477] : memref<800768xf32, #tpu.memory_space<vmem_shared>> -> memref<6272xf32, #tpu.memory_space<vmem_shared>>
          %dma_start3A_484 = arith.constant 0 : i32
          %dma_start3A_485 = tpu.memref_slice %arg7[%dma_start3A_478, %dma_start3A_484] : memref<8x6272xf32, #tpu.memory_space<vmem>> -> memref<1x6272xf32, #tpu.memory_space<vmem>>
          %dma_start3A_486 = tpu.memref_squeeze %dma_start3A_485 : memref<1x6272xf32, #tpu.memory_space<vmem>> -> memref<6272xf32, #tpu.memory_space<vmem>>
          tpu.enqueue_dma source(%dma_start3A_486 : memref<6272xf32, #tpu.memory_space<vmem>>) target(%dma_start3A_483 : memref<6272xf32, #tpu.memory_space<vmem_shared>>) target_semaphore(%arg15 : memref<!tpu.dma_semaphore, #tpu.memory_space<semaphore_mem>>)
          %dma_wait3A_487 = arith.constant 0 : i32
          %dma_wait3A_488 = arith.constant 0 : i32
          %dma_wait3A_489 = tpu.memref_slice %arg7[%dma_wait3A_487, %dma_wait3A_488] : memref<8x6272xf32, #tpu.memory_space<vmem>> -> memref<1x6272xf32, #tpu.memory_space<vmem>>
          %dma_wait3A_490 = tpu.memref_squeeze %dma_wait3A_489 : memref<1x6272xf32, #tpu.memory_space<vmem>> -> memref<6272xf32, #tpu.memory_space<vmem>>
          %dma_wait3A_491 = tpu.memref_slice %arg6[%add3A_386] : memref<800768xf32, #tpu.memory_space<vmem_shared>> -> memref<6272xf32, #tpu.memory_space<vmem_shared>>
          %dma_wait3A_492 = tpu.memref_slice %arg6[%add3A_386] : memref<800768xf32, #tpu.memory_space<vmem_shared>> -> memref<6272xf32, #tpu.memory_space<vmem_shared>>
          %dma_wait3A_493 = arith.constant 0 : i32
          %dma_wait3A_494 = tpu.memref_slice %arg7[%dma_wait3A_487, %dma_wait3A_493] : memref<8x6272xf32, #tpu.memory_space<vmem>> -> memref<1x6272xf32, #tpu.memory_space<vmem>>
          %dma_wait3A_495 = tpu.memref_squeeze %dma_wait3A_494 : memref<1x6272xf32, #tpu.memory_space<vmem>> -> memref<6272xf32, #tpu.memory_space<vmem>>
          tpu.wait_dma2 semaphore(%arg15 : memref<!tpu.dma_semaphore, #tpu.memory_space<semaphore_mem>>) src(%dma_wait3A_495 : memref<6272xf32, #tpu.memory_space<vmem>>) dst(%dma_wait3A_492 : memref<6272xf32, #tpu.memory_space<vmem_shared>>)
          %dma_wait3A_496 = arith.constant 1 : i32
          %dma_wait3A_497 = arith.constant 0 : i32
          %dma_wait3A_498 = tpu.memref_slice %arg7[%dma_wait3A_496, %dma_wait3A_497] : memref<8x6272xf32, #tpu.memory_space<vmem>> -> memref<1x6272xf32, #tpu.memory_space<vmem>>
          %dma_wait3A_499 = tpu.memref_squeeze %dma_wait3A_498 : memref<1x6272xf32, #tpu.memory_space<vmem>> -> memref<6272xf32, #tpu.memory_space<vmem>>
          %dma_wait3A_500 = tpu.memref_slice %arg6[%add3A_399] : memref<800768xf32, #tpu.memory_space<vmem_shared>> -> memref<6272xf32, #tpu.memory_space<vmem_shared>>
          %dma_wait3A_501 = tpu.memref_slice %arg6[%add3A_399] : memref<800768xf32, #tpu.memory_space<vmem_shared>> -> memref<6272xf32, #tpu.memory_space<vmem_shared>>
          %dma_wait3A_502 = arith.constant 0 : i32
          %dma_wait3A_503 = tpu.memref_slice %arg7[%dma_wait3A_496, %dma_wait3A_502] : memref<8x6272xf32, #tpu.memory_space<vmem>> -> memref<1x6272xf32, #tpu.memory_space<vmem>>
          %dma_wait3A_504 = tpu.memref_squeeze %dma_wait3A_503 : memref<1x6272xf32, #tpu.memory_space<vmem>> -> memref<6272xf32, #tpu.memory_space<vmem>>
          tpu.wait_dma2 semaphore(%arg15 : memref<!tpu.dma_semaphore, #tpu.memory_space<semaphore_mem>>) src(%dma_wait3A_504 : memref<6272xf32, #tpu.memory_space<vmem>>) dst(%dma_wait3A_501 : memref<6272xf32, #tpu.memory_space<vmem_shared>>)
          %dma_wait3A_505 = arith.constant 2 : i32
          %dma_wait3A_506 = arith.constant 0 : i32
          %dma_wait3A_507 = tpu.memref_slice %arg7[%dma_wait3A_505, %dma_wait3A_506] : memref<8x6272xf32, #tpu.memory_space<vmem>> -> memref<1x6272xf32, #tpu.memory_space<vmem>>
          %dma_wait3A_508 = tpu.memref_squeeze %dma_wait3A_507 : memref<1x6272xf32, #tpu.memory_space<vmem>> -> memref<6272xf32, #tpu.memory_space<vmem>>
          %dma_wait3A_509 = tpu.memref_slice %arg6[%add3A_412] : memref<800768xf32, #tpu.memory_space<vmem_shared>> -> memref<6272xf32, #tpu.memory_space<vmem_shared>>
          %dma_wait3A_510 = tpu.memref_slice %arg6[%add3A_412] : memref<800768xf32, #tpu.memory_space<vmem_shared>> -> memref<6272xf32, #tpu.memory_space<vmem_shared>>
          %dma_wait3A_511 = arith.constant 0 : i32
          %dma_wait3A_512 = tpu.memref_slice %arg7[%dma_wait3A_505, %dma_wait3A_511] : memref<8x6272xf32, #tpu.memory_space<vmem>> -> memref<1x6272xf32, #tpu.memory_space<vmem>>
          %dma_wait3A_513 = tpu.memref_squeeze %dma_wait3A_512 : memref<1x6272xf32, #tpu.memory_space<vmem>> -> memref<6272xf32, #tpu.memory_space<vmem>>
          tpu.wait_dma2 semaphore(%arg15 : memref<!tpu.dma_semaphore, #tpu.memory_space<semaphore_mem>>) src(%dma_wait3A_513 : memref<6272xf32, #tpu.memory_space<vmem>>) dst(%dma_wait3A_510 : memref<6272xf32, #tpu.memory_space<vmem_shared>>)
          %dma_wait3A_514 = arith.constant 3 : i32
          %dma_wait3A_515 = arith.constant 0 : i32
          %dma_wait3A_516 = tpu.memref_slice %arg7[%dma_wait3A_514, %dma_wait3A_515] : memref<8x6272xf32, #tpu.memory_space<vmem>> -> memref<1x6272xf32, #tpu.memory_space<vmem>>
          %dma_wait3A_517 = tpu.memref_squeeze %dma_wait3A_516 : memref<1x6272xf32, #tpu.memory_space<vmem>> -> memref<6272xf32, #tpu.memory_space<vmem>>
          %dma_wait3A_518 = tpu.memref_slice %arg6[%add3A_425] : memref<800768xf32, #tpu.memory_space<vmem_shared>> -> memref<6272xf32, #tpu.memory_space<vmem_shared>>
          %dma_wait3A_519 = tpu.memref_slice %arg6[%add3A_425] : memref<800768xf32, #tpu.memory_space<vmem_shared>> -> memref<6272xf32, #tpu.memory_space<vmem_shared>>
          %dma_wait3A_520 = arith.constant 0 : i32
          %dma_wait3A_521 = tpu.memref_slice %arg7[%dma_wait3A_514, %dma_wait3A_520] : memref<8x6272xf32, #tpu.memory_space<vmem>> -> memref<1x6272xf32, #tpu.memory_space<vmem>>
          %dma_wait3A_522 = tpu.memref_squeeze %dma_wait3A_521 : memref<1x6272xf32, #tpu.memory_space<vmem>> -> memref<6272xf32, #tpu.memory_space<vmem>>
          tpu.wait_dma2 semaphore(%arg15 : memref<!tpu.dma_semaphore, #tpu.memory_space<semaphore_mem>>) src(%dma_wait3A_522 : memref<6272xf32, #tpu.memory_space<vmem>>) dst(%dma_wait3A_519 : memref<6272xf32, #tpu.memory_space<vmem_shared>>)
          %dma_wait3A_523 = arith.constant 4 : i32
          %dma_wait3A_524 = arith.constant 0 : i32
          %dma_wait3A_525 = tpu.memref_slice %arg7[%dma_wait3A_523, %dma_wait3A_524] : memref<8x6272xf32, #tpu.memory_space<vmem>> -> memref<1x6272xf32, #tpu.memory_space<vmem>>
          %dma_wait3A_526 = tpu.memref_squeeze %dma_wait3A_525 : memref<1x6272xf32, #tpu.memory_space<vmem>> -> memref<6272xf32, #tpu.memory_space<vmem>>
          %dma_wait3A_527 = tpu.memref_slice %arg6[%add3A_438] : memref<800768xf32, #tpu.memory_space<vmem_shared>> -> memref<6272xf32, #tpu.memory_space<vmem_shared>>
          %dma_wait3A_528 = tpu.memref_slice %arg6[%add3A_438] : memref<800768xf32, #tpu.memory_space<vmem_shared>> -> memref<6272xf32, #tpu.memory_space<vmem_shared>>
          %dma_wait3A_529 = arith.constant 0 : i32
          %dma_wait3A_530 = tpu.memref_slice %arg7[%dma_wait3A_523, %dma_wait3A_529] : memref<8x6272xf32, #tpu.memory_space<vmem>> -> memref<1x6272xf32, #tpu.memory_space<vmem>>
          %dma_wait3A_531 = tpu.memref_squeeze %dma_wait3A_530 : memref<1x6272xf32, #tpu.memory_space<vmem>> -> memref<6272xf32, #tpu.memory_space<vmem>>
          tpu.wait_dma2 semaphore(%arg15 : memref<!tpu.dma_semaphore, #tpu.memory_space<semaphore_mem>>) src(%dma_wait3A_531 : memref<6272xf32, #tpu.memory_space<vmem>>) dst(%dma_wait3A_528 : memref<6272xf32, #tpu.memory_space<vmem_shared>>)
          %dma_wait3A_532 = arith.constant 5 : i32
          %dma_wait3A_533 = arith.constant 0 : i32
          %dma_wait3A_534 = tpu.memref_slice %arg7[%dma_wait3A_532, %dma_wait3A_533] : memref<8x6272xf32, #tpu.memory_space<vmem>> -> memref<1x6272xf32, #tpu.memory_space<vmem>>
          %dma_wait3A_535 = tpu.memref_squeeze %dma_wait3A_534 : memref<1x6272xf32, #tpu.memory_space<vmem>> -> memref<6272xf32, #tpu.memory_space<vmem>>
          %dma_wait3A_536 = tpu.memref_slice %arg6[%add3A_451] : memref<800768xf32, #tpu.memory_space<vmem_shared>> -> memref<6272xf32, #tpu.memory_space<vmem_shared>>
          %dma_wait3A_537 = tpu.memref_slice %arg6[%add3A_451] : memref<800768xf32, #tpu.memory_space<vmem_shared>> -> memref<6272xf32, #tpu.memory_space<vmem_shared>>
          %dma_wait3A_538 = arith.constant 0 : i32
          %dma_wait3A_539 = tpu.memref_slice %arg7[%dma_wait3A_532, %dma_wait3A_538] : memref<8x6272xf32, #tpu.memory_space<vmem>> -> memref<1x6272xf32, #tpu.memory_space<vmem>>
          %dma_wait3A_540 = tpu.memref_squeeze %dma_wait3A_539 : memref<1x6272xf32, #tpu.memory_space<vmem>> -> memref<6272xf32, #tpu.memory_space<vmem>>
          tpu.wait_dma2 semaphore(%arg15 : memref<!tpu.dma_semaphore, #tpu.memory_space<semaphore_mem>>) src(%dma_wait3A_540 : memref<6272xf32, #tpu.memory_space<vmem>>) dst(%dma_wait3A_537 : memref<6272xf32, #tpu.memory_space<vmem_shared>>)
          %dma_wait3A_541 = arith.constant 6 : i32
          %dma_wait3A_542 = arith.constant 0 : i32
          %dma_wait3A_543 = tpu.memref_slice %arg7[%dma_wait3A_541, %dma_wait3A_542] : memref<8x6272xf32, #tpu.memory_space<vmem>> -> memref<1x6272xf32, #tpu.memory_space<vmem>>
          %dma_wait3A_544 = tpu.memref_squeeze %dma_wait3A_543 : memref<1x6272xf32, #tpu.memory_space<vmem>> -> memref<6272xf32, #tpu.memory_space<vmem>>
          %dma_wait3A_545 = tpu.memref_slice %arg6[%add3A_464] : memref<800768xf32, #tpu.memory_space<vmem_shared>> -> memref<6272xf32, #tpu.memory_space<vmem_shared>>
          %dma_wait3A_546 = tpu.memref_slice %arg6[%add3A_464] : memref<800768xf32, #tpu.memory_space<vmem_shared>> -> memref<6272xf32, #tpu.memory_space<vmem_shared>>
          %dma_wait3A_547 = arith.constant 0 : i32
          %dma_wait3A_548 = tpu.memref_slice %arg7[%dma_wait3A_541, %dma_wait3A_547] : memref<8x6272xf32, #tpu.memory_space<vmem>> -> memref<1x6272xf32, #tpu.memory_space<vmem>>
          %dma_wait3A_549 = tpu.memref_squeeze %dma_wait3A_548 : memref<1x6272xf32, #tpu.memory_space<vmem>> -> memref<6272xf32, #tpu.memory_space<vmem>>
          tpu.wait_dma2 semaphore(%arg15 : memref<!tpu.dma_semaphore, #tpu.memory_space<semaphore_mem>>) src(%dma_wait3A_549 : memref<6272xf32, #tpu.memory_space<vmem>>) dst(%dma_wait3A_546 : memref<6272xf32, #tpu.memory_space<vmem_shared>>)
          %dma_wait3A_550 = arith.constant 7 : i32
          %dma_wait3A_551 = arith.constant 0 : i32
          %dma_wait3A_552 = tpu.memref_slice %arg7[%dma_wait3A_550, %dma_wait3A_551] : memref<8x6272xf32, #tpu.memory_space<vmem>> -> memref<1x6272xf32, #tpu.memory_space<vmem>>
          %dma_wait3A_553 = tpu.memref_squeeze %dma_wait3A_552 : memref<1x6272xf32, #tpu.memory_space<vmem>> -> memref<6272xf32, #tpu.memory_space<vmem>>
          %dma_wait3A_554 = tpu.memref_slice %arg6[%add3A_477] : memref<800768xf32, #tpu.memory_space<vmem_shared>> -> memref<6272xf32, #tpu.memory_space<vmem_shared>>
          %dma_wait3A_555 = tpu.memref_slice %arg6[%add3A_477] : memref<800768xf32, #tpu.memory_space<vmem_shared>> -> memref<6272xf32, #tpu.memory_space<vmem_shared>>
          %dma_wait3A_556 = arith.constant 0 : i32
          %dma_wait3A_557 = tpu.memref_slice %arg7[%dma_wait3A_550, %dma_wait3A_556] : memref<8x6272xf32, #tpu.memory_space<vmem>> -> memref<1x6272xf32, #tpu.memory_space<vmem>>
          %dma_wait3A_558 = tpu.memref_squeeze %dma_wait3A_557 : memref<1x6272xf32, #tpu.memory_space<vmem>> -> memref<6272xf32, #tpu.memory_space<vmem>>
          tpu.wait_dma2 semaphore(%arg15 : memref<!tpu.dma_semaphore, #tpu.memory_space<semaphore_mem>>) src(%dma_wait3A_558 : memref<6272xf32, #tpu.memory_space<vmem>>) dst(%dma_wait3A_555 : memref<6272xf32, #tpu.memory_space<vmem_shared>>)
        } else {
        }
        %eq3A_54 = arith.constant 15 : i32
        %eq3A_55 = arith.cmpi eq, %arg1, %eq3A_54 : i32
        %convert_element_type3A_56 = arith.extui %eq3A_55 : i1 to i32
        %cond3A_57 = arith.constant 0 : i32
        %cond3A_58 = arith.cmpi ne, %convert_element_type3A_56, %cond3A_57 : i32
        scf.if %cond3A_58 {
          "tpu.region"() ({
            %run_scoped3A = tpu.sem_alloc : memref<!tpu.dma_semaphore, #tpu.memory_space<semaphore_mem>>
            %dma_start3A_733 = arith.constant 0 : i32
            %dma_start3A_734 = arith.constant 0 : i32
            %dma_start3A_735 = tpu.memref_slice %arg7[%dma_start3A_733, %dma_start3A_734] : memref<8x6272xf32, #tpu.memory_space<vmem>> -> memref<8x5888xf32, #tpu.memory_space<vmem>>
            %dma_start3A_736 = arith.constant 94080 : i32
            %dma_start3A_737 = tpu.memref_slice %arg3[%add3A_49, %dma_start3A_736] : memref<416x100001xf32, #tpu.memory_space<hbm>> -> memref<8x5888xf32, #tpu.memory_space<hbm>>
            %dma_start3A_738 = arith.constant 0 : i32
            %dma_start3A_739 = arith.constant 0 : i32
            %dma_start3A_740 = tpu.memref_slice %arg7[%dma_start3A_738, %dma_start3A_739] : memref<8x6272xf32, #tpu.memory_space<vmem>> -> memref<8x5888xf32, #tpu.memory_space<vmem>>
            %dma_start3A_741 = arith.constant 94080 : i32
            %dma_start3A_742 = tpu.memref_slice %arg3[%add3A_49, %dma_start3A_741] : memref<416x100001xf32, #tpu.memory_space<hbm>> -> memref<8x5888xf32, #tpu.memory_space<hbm>>
            tpu.enqueue_dma source(%dma_start3A_742 : memref<8x5888xf32, #tpu.memory_space<hbm>>) target(%dma_start3A_740 : memref<8x5888xf32, #tpu.memory_space<vmem>>) target_semaphore(%run_scoped3A : memref<!tpu.dma_semaphore, #tpu.memory_space<semaphore_mem>>)
            %dma_wait3A_743 = arith.constant 0 : i32
            %dma_wait3A_744 = arith.constant 0 : i32
            %dma_wait3A_745 = tpu.memref_slice %arg7[%dma_wait3A_743, %dma_wait3A_744] : memref<8x6272xf32, #tpu.memory_space<vmem>> -> memref<8x5888xf32, #tpu.memory_space<vmem>>
            %dma_wait3A_746 = arith.constant 94080 : i32
            %dma_wait3A_747 = tpu.memref_slice %arg3[%add3A_49, %dma_wait3A_746] : memref<416x100001xf32, #tpu.memory_space<hbm>> -> memref<8x5888xf32, #tpu.memory_space<hbm>>
            %dma_wait3A_748 = arith.constant 0 : i32
            %dma_wait3A_749 = arith.constant 0 : i32
            %dma_wait3A_750 = tpu.memref_slice %arg7[%dma_wait3A_748, %dma_wait3A_749] : memref<8x6272xf32, #tpu.memory_space<vmem>> -> memref<8x5888xf32, #tpu.memory_space<vmem>>
            %dma_wait3A_751 = arith.constant 94080 : i32
            %dma_wait3A_752 = tpu.memref_slice %arg3[%add3A_49, %dma_wait3A_751] : memref<416x100001xf32, #tpu.memory_space<hbm>> -> memref<8x5888xf32, #tpu.memory_space<hbm>>
            tpu.wait_dma2 semaphore(%run_scoped3A : memref<!tpu.dma_semaphore, #tpu.memory_space<semaphore_mem>>) src(%dma_wait3A_752 : memref<8x5888xf32, #tpu.memory_space<hbm>>) dst(%dma_wait3A_750 : memref<8x5888xf32, #tpu.memory_space<vmem>>)
            tpu.yield
          }) : () -> ()
          "tpu.region"() ({
            %run_scoped3A = tpu.sem_alloc : memref<!tpu.dma_semaphore, #tpu.memory_space<semaphore_mem>>
            %dma_start3A_733 = arith.constant 0 : i32
            %dma_start3A_734 = arith.constant 5888 : i32
            %dma_start3A_735 = tpu.memref_slice %arg7[%dma_start3A_733, %dma_start3A_734] : memref<8x6272xf32, #tpu.memory_space<vmem>> -> memref<8x128xf32, #tpu.memory_space<vmem>>
            %dma_start3A_736 = arith.constant 0 : i32
            %dma_start3A_737 = arith.constant 0 : i32
            %dma_start3A_738 = tpu.memref_slice %arg4[%scan3A_9, %dma_start3A_736, %dma_start3A_737] : memref<26x16x128xf32, #tpu.memory_space<hbm>> -> memref<1x8x128xf32, #tpu.memory_space<hbm>>
            %dma_start3A_739 = tpu.memref_squeeze %dma_start3A_738 : memref<1x8x128xf32, #tpu.memory_space<hbm>> -> memref<8x128xf32, #tpu.memory_space<hbm>>
            %dma_start3A_740 = arith.constant 0 : i32
            %dma_start3A_741 = arith.constant 5888 : i32
            %dma_start3A_742 = tpu.memref_slice %arg7[%dma_start3A_740, %dma_start3A_741] : memref<8x6272xf32, #tpu.memory_space<vmem>> -> memref<8x128xf32, #tpu.memory_space<vmem>>
            %dma_start3A_743 = arith.constant 0 : i32
            %dma_start3A_744 = arith.constant 0 : i32
            %dma_start3A_745 = tpu.memref_slice %arg4[%scan3A_9, %dma_start3A_743, %dma_start3A_744] : memref<26x16x128xf32, #tpu.memory_space<hbm>> -> memref<1x8x128xf32, #tpu.memory_space<hbm>>
            %dma_start3A_746 = tpu.memref_squeeze %dma_start3A_745 : memref<1x8x128xf32, #tpu.memory_space<hbm>> -> memref<8x128xf32, #tpu.memory_space<hbm>>
            tpu.enqueue_dma source(%dma_start3A_746 : memref<8x128xf32, #tpu.memory_space<hbm>>) target(%dma_start3A_742 : memref<8x128xf32, #tpu.memory_space<vmem>>) target_semaphore(%run_scoped3A : memref<!tpu.dma_semaphore, #tpu.memory_space<semaphore_mem>>)
            %dma_wait3A_747 = arith.constant 0 : i32
            %dma_wait3A_748 = arith.constant 5888 : i32
            %dma_wait3A_749 = tpu.memref_slice %arg7[%dma_wait3A_747, %dma_wait3A_748] : memref<8x6272xf32, #tpu.memory_space<vmem>> -> memref<8x128xf32, #tpu.memory_space<vmem>>
            %dma_wait3A_750 = arith.constant 0 : i32
            %dma_wait3A_751 = arith.constant 0 : i32
            %dma_wait3A_752 = tpu.memref_slice %arg4[%scan3A_9, %dma_wait3A_750, %dma_wait3A_751] : memref<26x16x128xf32, #tpu.memory_space<hbm>> -> memref<1x8x128xf32, #tpu.memory_space<hbm>>
            %dma_wait3A_753 = tpu.memref_squeeze %dma_wait3A_752 : memref<1x8x128xf32, #tpu.memory_space<hbm>> -> memref<8x128xf32, #tpu.memory_space<hbm>>
            %dma_wait3A_754 = arith.constant 0 : i32
            %dma_wait3A_755 = arith.constant 5888 : i32
            %dma_wait3A_756 = tpu.memref_slice %arg7[%dma_wait3A_754, %dma_wait3A_755] : memref<8x6272xf32, #tpu.memory_space<vmem>> -> memref<8x128xf32, #tpu.memory_space<vmem>>
            %dma_wait3A_757 = arith.constant 0 : i32
            %dma_wait3A_758 = arith.constant 0 : i32
            %dma_wait3A_759 = tpu.memref_slice %arg4[%scan3A_9, %dma_wait3A_757, %dma_wait3A_758] : memref<26x16x128xf32, #tpu.memory_space<hbm>> -> memref<1x8x128xf32, #tpu.memory_space<hbm>>
            %dma_wait3A_760 = tpu.memref_squeeze %dma_wait3A_759 : memref<1x8x128xf32, #tpu.memory_space<hbm>> -> memref<8x128xf32, #tpu.memory_space<hbm>>
            tpu.wait_dma2 semaphore(%run_scoped3A : memref<!tpu.dma_semaphore, #tpu.memory_space<semaphore_mem>>) src(%dma_wait3A_760 : memref<8x128xf32, #tpu.memory_space<hbm>>) dst(%dma_wait3A_756 : memref<8x128xf32, #tpu.memory_space<vmem>>)
            tpu.yield
          }) : () -> ()
          %dma_start3A_381 = arith.constant 0 : i32
          %dma_start3A_382 = arith.constant 0 : i32
          %dma_start3A_383 = tpu.memref_slice %arg7[%dma_start3A_381, %dma_start3A_382] : memref<8x6272xf32, #tpu.memory_space<vmem>> -> memref<1x5888xf32, #tpu.memory_space<vmem>>
          %dma_start3A_384 = tpu.memref_squeeze %dma_start3A_383 : memref<1x5888xf32, #tpu.memory_space<vmem>> -> memref<5888xf32, #tpu.memory_space<vmem>>
          %dma_start3A_385 = arith.constant 94080 : i32
          %dma_start3A_386 = tpu.memref_slice %arg6[%dma_start3A_385] : memref<800768xf32, #tpu.memory_space<vmem_shared>> -> memref<5888xf32, #tpu.memory_space<vmem_shared>>
          %dma_start3A_387 = arith.constant 94080 : i32
          %dma_start3A_388 = tpu.memref_slice %arg6[%dma_start3A_387] : memref<800768xf32, #tpu.memory_space<vmem_shared>> -> memref<5888xf32, #tpu.memory_space<vmem_shared>>
          %dma_start3A_389 = arith.constant 0 : i32
          %dma_start3A_390 = tpu.memref_slice %arg7[%dma_start3A_381, %dma_start3A_389] : memref<8x6272xf32, #tpu.memory_space<vmem>> -> memref<1x5888xf32, #tpu.memory_space<vmem>>
          %dma_start3A_391 = tpu.memref_squeeze %dma_start3A_390 : memref<1x5888xf32, #tpu.memory_space<vmem>> -> memref<5888xf32, #tpu.memory_space<vmem>>
          tpu.enqueue_dma source(%dma_start3A_391 : memref<5888xf32, #tpu.memory_space<vmem>>) target(%dma_start3A_388 : memref<5888xf32, #tpu.memory_space<vmem_shared>>) target_semaphore(%arg15 : memref<!tpu.dma_semaphore, #tpu.memory_space<semaphore_mem>>)
          %dma_start3A_392 = arith.constant 1 : i32
          %dma_start3A_393 = arith.constant 0 : i32
          %dma_start3A_394 = tpu.memref_slice %arg7[%dma_start3A_392, %dma_start3A_393] : memref<8x6272xf32, #tpu.memory_space<vmem>> -> memref<1x5888xf32, #tpu.memory_space<vmem>>
          %dma_start3A_395 = tpu.memref_squeeze %dma_start3A_394 : memref<1x5888xf32, #tpu.memory_space<vmem>> -> memref<5888xf32, #tpu.memory_space<vmem>>
          %dma_start3A_396 = arith.constant 194176 : i32
          %dma_start3A_397 = tpu.memref_slice %arg6[%dma_start3A_396] : memref<800768xf32, #tpu.memory_space<vmem_shared>> -> memref<5888xf32, #tpu.memory_space<vmem_shared>>
          %dma_start3A_398 = arith.constant 194176 : i32
          %dma_start3A_399 = tpu.memref_slice %arg6[%dma_start3A_398] : memref<800768xf32, #tpu.memory_space<vmem_shared>> -> memref<5888xf32, #tpu.memory_space<vmem_shared>>
          %dma_start3A_400 = arith.constant 0 : i32
          %dma_start3A_401 = tpu.memref_slice %arg7[%dma_start3A_392, %dma_start3A_400] : memref<8x6272xf32, #tpu.memory_space<vmem>> -> memref<1x5888xf32, #tpu.memory_space<vmem>>
          %dma_start3A_402 = tpu.memref_squeeze %dma_start3A_401 : memref<1x5888xf32, #tpu.memory_space<vmem>> -> memref<5888xf32, #tpu.memory_space<vmem>>
          tpu.enqueue_dma source(%dma_start3A_402 : memref<5888xf32, #tpu.memory_space<vmem>>) target(%dma_start3A_399 : memref<5888xf32, #tpu.memory_space<vmem_shared>>) target_semaphore(%arg15 : memref<!tpu.dma_semaphore, #tpu.memory_space<semaphore_mem>>)
          %dma_start3A_403 = arith.constant 2 : i32
          %dma_start3A_404 = arith.constant 0 : i32
          %dma_start3A_405 = tpu.memref_slice %arg7[%dma_start3A_403, %dma_start3A_404] : memref<8x6272xf32, #tpu.memory_space<vmem>> -> memref<1x5888xf32, #tpu.memory_space<vmem>>
          %dma_start3A_406 = tpu.memref_squeeze %dma_start3A_405 : memref<1x5888xf32, #tpu.memory_space<vmem>> -> memref<5888xf32, #tpu.memory_space<vmem>>
          %dma_start3A_407 = arith.constant 294272 : i32
          %dma_start3A_408 = tpu.memref_slice %arg6[%dma_start3A_407] : memref<800768xf32, #tpu.memory_space<vmem_shared>> -> memref<5888xf32, #tpu.memory_space<vmem_shared>>
          %dma_start3A_409 = arith.constant 294272 : i32
          %dma_start3A_410 = tpu.memref_slice %arg6[%dma_start3A_409] : memref<800768xf32, #tpu.memory_space<vmem_shared>> -> memref<5888xf32, #tpu.memory_space<vmem_shared>>
          %dma_start3A_411 = arith.constant 0 : i32
          %dma_start3A_412 = tpu.memref_slice %arg7[%dma_start3A_403, %dma_start3A_411] : memref<8x6272xf32, #tpu.memory_space<vmem>> -> memref<1x5888xf32, #tpu.memory_space<vmem>>
          %dma_start3A_413 = tpu.memref_squeeze %dma_start3A_412 : memref<1x5888xf32, #tpu.memory_space<vmem>> -> memref<5888xf32, #tpu.memory_space<vmem>>
          tpu.enqueue_dma source(%dma_start3A_413 : memref<5888xf32, #tpu.memory_space<vmem>>) target(%dma_start3A_410 : memref<5888xf32, #tpu.memory_space<vmem_shared>>) target_semaphore(%arg15 : memref<!tpu.dma_semaphore, #tpu.memory_space<semaphore_mem>>)
          %dma_start3A_414 = arith.constant 3 : i32
          %dma_start3A_415 = arith.constant 0 : i32
          %dma_start3A_416 = tpu.memref_slice %arg7[%dma_start3A_414, %dma_start3A_415] : memref<8x6272xf32, #tpu.memory_space<vmem>> -> memref<1x5888xf32, #tpu.memory_space<vmem>>
          %dma_start3A_417 = tpu.memref_squeeze %dma_start3A_416 : memref<1x5888xf32, #tpu.memory_space<vmem>> -> memref<5888xf32, #tpu.memory_space<vmem>>
          %dma_start3A_418 = arith.constant 394368 : i32
          %dma_start3A_419 = tpu.memref_slice %arg6[%dma_start3A_418] : memref<800768xf32, #tpu.memory_space<vmem_shared>> -> memref<5888xf32, #tpu.memory_space<vmem_shared>>
          %dma_start3A_420 = arith.constant 394368 : i32
          %dma_start3A_421 = tpu.memref_slice %arg6[%dma_start3A_420] : memref<800768xf32, #tpu.memory_space<vmem_shared>> -> memref<5888xf32, #tpu.memory_space<vmem_shared>>
          %dma_start3A_422 = arith.constant 0 : i32
          %dma_start3A_423 = tpu.memref_slice %arg7[%dma_start3A_414, %dma_start3A_422] : memref<8x6272xf32, #tpu.memory_space<vmem>> -> memref<1x5888xf32, #tpu.memory_space<vmem>>
          %dma_start3A_424 = tpu.memref_squeeze %dma_start3A_423 : memref<1x5888xf32, #tpu.memory_space<vmem>> -> memref<5888xf32, #tpu.memory_space<vmem>>
          tpu.enqueue_dma source(%dma_start3A_424 : memref<5888xf32, #tpu.memory_space<vmem>>) target(%dma_start3A_421 : memref<5888xf32, #tpu.memory_space<vmem_shared>>) target_semaphore(%arg15 : memref<!tpu.dma_semaphore, #tpu.memory_space<semaphore_mem>>)
          %dma_start3A_425 = arith.constant 4 : i32
          %dma_start3A_426 = arith.constant 0 : i32
          %dma_start3A_427 = tpu.memref_slice %arg7[%dma_start3A_425, %dma_start3A_426] : memref<8x6272xf32, #tpu.memory_space<vmem>> -> memref<1x5888xf32, #tpu.memory_space<vmem>>
          %dma_start3A_428 = tpu.memref_squeeze %dma_start3A_427 : memref<1x5888xf32, #tpu.memory_space<vmem>> -> memref<5888xf32, #tpu.memory_space<vmem>>
          %dma_start3A_429 = arith.constant 494464 : i32
          %dma_start3A_430 = tpu.memref_slice %arg6[%dma_start3A_429] : memref<800768xf32, #tpu.memory_space<vmem_shared>> -> memref<5888xf32, #tpu.memory_space<vmem_shared>>
          %dma_start3A_431 = arith.constant 494464 : i32
          %dma_start3A_432 = tpu.memref_slice %arg6[%dma_start3A_431] : memref<800768xf32, #tpu.memory_space<vmem_shared>> -> memref<5888xf32, #tpu.memory_space<vmem_shared>>
          %dma_start3A_433 = arith.constant 0 : i32
          %dma_start3A_434 = tpu.memref_slice %arg7[%dma_start3A_425, %dma_start3A_433] : memref<8x6272xf32, #tpu.memory_space<vmem>> -> memref<1x5888xf32, #tpu.memory_space<vmem>>
          %dma_start3A_435 = tpu.memref_squeeze %dma_start3A_434 : memref<1x5888xf32, #tpu.memory_space<vmem>> -> memref<5888xf32, #tpu.memory_space<vmem>>
          tpu.enqueue_dma source(%dma_start3A_435 : memref<5888xf32, #tpu.memory_space<vmem>>) target(%dma_start3A_432 : memref<5888xf32, #tpu.memory_space<vmem_shared>>) target_semaphore(%arg15 : memref<!tpu.dma_semaphore, #tpu.memory_space<semaphore_mem>>)
          %dma_start3A_436 = arith.constant 5 : i32
          %dma_start3A_437 = arith.constant 0 : i32
          %dma_start3A_438 = tpu.memref_slice %arg7[%dma_start3A_436, %dma_start3A_437] : memref<8x6272xf32, #tpu.memory_space<vmem>> -> memref<1x5888xf32, #tpu.memory_space<vmem>>
          %dma_start3A_439 = tpu.memref_squeeze %dma_start3A_438 : memref<1x5888xf32, #tpu.memory_space<vmem>> -> memref<5888xf32, #tpu.memory_space<vmem>>
          %dma_start3A_440 = arith.constant 594560 : i32
          %dma_start3A_441 = tpu.memref_slice %arg6[%dma_start3A_440] : memref<800768xf32, #tpu.memory_space<vmem_shared>> -> memref<5888xf32, #tpu.memory_space<vmem_shared>>
          %dma_start3A_442 = arith.constant 594560 : i32
          %dma_start3A_443 = tpu.memref_slice %arg6[%dma_start3A_442] : memref<800768xf32, #tpu.memory_space<vmem_shared>> -> memref<5888xf32, #tpu.memory_space<vmem_shared>>
          %dma_start3A_444 = arith.constant 0 : i32
          %dma_start3A_445 = tpu.memref_slice %arg7[%dma_start3A_436, %dma_start3A_444] : memref<8x6272xf32, #tpu.memory_space<vmem>> -> memref<1x5888xf32, #tpu.memory_space<vmem>>
          %dma_start3A_446 = tpu.memref_squeeze %dma_start3A_445 : memref<1x5888xf32, #tpu.memory_space<vmem>> -> memref<5888xf32, #tpu.memory_space<vmem>>
          tpu.enqueue_dma source(%dma_start3A_446 : memref<5888xf32, #tpu.memory_space<vmem>>) target(%dma_start3A_443 : memref<5888xf32, #tpu.memory_space<vmem_shared>>) target_semaphore(%arg15 : memref<!tpu.dma_semaphore, #tpu.memory_space<semaphore_mem>>)
          %dma_start3A_447 = arith.constant 6 : i32
          %dma_start3A_448 = arith.constant 0 : i32
          %dma_start3A_449 = tpu.memref_slice %arg7[%dma_start3A_447, %dma_start3A_448] : memref<8x6272xf32, #tpu.memory_space<vmem>> -> memref<1x5888xf32, #tpu.memory_space<vmem>>
          %dma_start3A_450 = tpu.memref_squeeze %dma_start3A_449 : memref<1x5888xf32, #tpu.memory_space<vmem>> -> memref<5888xf32, #tpu.memory_space<vmem>>
          %dma_start3A_451 = arith.constant 694656 : i32
          %dma_start3A_452 = tpu.memref_slice %arg6[%dma_start3A_451] : memref<800768xf32, #tpu.memory_space<vmem_shared>> -> memref<5888xf32, #tpu.memory_space<vmem_shared>>
          %dma_start3A_453 = arith.constant 694656 : i32
          %dma_start3A_454 = tpu.memref_slice %arg6[%dma_start3A_453] : memref<800768xf32, #tpu.memory_space<vmem_shared>> -> memref<5888xf32, #tpu.memory_space<vmem_shared>>
          %dma_start3A_455 = arith.constant 0 : i32
          %dma_start3A_456 = tpu.memref_slice %arg7[%dma_start3A_447, %dma_start3A_455] : memref<8x6272xf32, #tpu.memory_space<vmem>> -> memref<1x5888xf32, #tpu.memory_space<vmem>>
          %dma_start3A_457 = tpu.memref_squeeze %dma_start3A_456 : memref<1x5888xf32, #tpu.memory_space<vmem>> -> memref<5888xf32, #tpu.memory_space<vmem>>
          tpu.enqueue_dma source(%dma_start3A_457 : memref<5888xf32, #tpu.memory_space<vmem>>) target(%dma_start3A_454 : memref<5888xf32, #tpu.memory_space<vmem_shared>>) target_semaphore(%arg15 : memref<!tpu.dma_semaphore, #tpu.memory_space<semaphore_mem>>)
          %dma_start3A_458 = arith.constant 7 : i32
          %dma_start3A_459 = arith.constant 0 : i32
          %dma_start3A_460 = tpu.memref_slice %arg7[%dma_start3A_458, %dma_start3A_459] : memref<8x6272xf32, #tpu.memory_space<vmem>> -> memref<1x5888xf32, #tpu.memory_space<vmem>>
          %dma_start3A_461 = tpu.memref_squeeze %dma_start3A_460 : memref<1x5888xf32, #tpu.memory_space<vmem>> -> memref<5888xf32, #tpu.memory_space<vmem>>
          %dma_start3A_462 = arith.constant 794752 : i32
          %dma_start3A_463 = tpu.memref_slice %arg6[%dma_start3A_462] : memref<800768xf32, #tpu.memory_space<vmem_shared>> -> memref<5888xf32, #tpu.memory_space<vmem_shared>>
          %dma_start3A_464 = arith.constant 794752 : i32
          %dma_start3A_465 = tpu.memref_slice %arg6[%dma_start3A_464] : memref<800768xf32, #tpu.memory_space<vmem_shared>> -> memref<5888xf32, #tpu.memory_space<vmem_shared>>
          %dma_start3A_466 = arith.constant 0 : i32
          %dma_start3A_467 = tpu.memref_slice %arg7[%dma_start3A_458, %dma_start3A_466] : memref<8x6272xf32, #tpu.memory_space<vmem>> -> memref<1x5888xf32, #tpu.memory_space<vmem>>
          %dma_start3A_468 = tpu.memref_squeeze %dma_start3A_467 : memref<1x5888xf32, #tpu.memory_space<vmem>> -> memref<5888xf32, #tpu.memory_space<vmem>>
          tpu.enqueue_dma source(%dma_start3A_468 : memref<5888xf32, #tpu.memory_space<vmem>>) target(%dma_start3A_465 : memref<5888xf32, #tpu.memory_space<vmem_shared>>) target_semaphore(%arg15 : memref<!tpu.dma_semaphore, #tpu.memory_space<semaphore_mem>>)
          %dma_start3A_469 = arith.constant 0 : i32
          %dma_start3A_470 = arith.constant 5888 : i32
          %dma_start3A_471 = tpu.memref_slice %arg7[%dma_start3A_469, %dma_start3A_470] : memref<8x6272xf32, #tpu.memory_space<vmem>> -> memref<1x128xf32, #tpu.memory_space<vmem>>
          %dma_start3A_472 = tpu.memref_squeeze %dma_start3A_471 : memref<1x128xf32, #tpu.memory_space<vmem>> -> memref<128xf32, #tpu.memory_space<vmem>>
          %dma_start3A_473 = arith.constant 99968 : i32
          %dma_start3A_474 = tpu.memref_slice %arg6[%dma_start3A_473] : memref<800768xf32, #tpu.memory_space<vmem_shared>> -> memref<128xf32, #tpu.memory_space<vmem_shared>>
          %dma_start3A_475 = arith.constant 99968 : i32
          %dma_start3A_476 = tpu.memref_slice %arg6[%dma_start3A_475] : memref<800768xf32, #tpu.memory_space<vmem_shared>> -> memref<128xf32, #tpu.memory_space<vmem_shared>>
          %dma_start3A_477 = arith.constant 5888 : i32
          %dma_start3A_478 = tpu.memref_slice %arg7[%dma_start3A_469, %dma_start3A_477] : memref<8x6272xf32, #tpu.memory_space<vmem>> -> memref<1x128xf32, #tpu.memory_space<vmem>>
          %dma_start3A_479 = tpu.memref_squeeze %dma_start3A_478 : memref<1x128xf32, #tpu.memory_space<vmem>> -> memref<128xf32, #tpu.memory_space<vmem>>
          tpu.enqueue_dma source(%dma_start3A_479 : memref<128xf32, #tpu.memory_space<vmem>>) target(%dma_start3A_476 : memref<128xf32, #tpu.memory_space<vmem_shared>>) target_semaphore(%arg15 : memref<!tpu.dma_semaphore, #tpu.memory_space<semaphore_mem>>)
          %dma_start3A_480 = arith.constant 1 : i32
          %dma_start3A_481 = arith.constant 5888 : i32
          %dma_start3A_482 = tpu.memref_slice %arg7[%dma_start3A_480, %dma_start3A_481] : memref<8x6272xf32, #tpu.memory_space<vmem>> -> memref<1x128xf32, #tpu.memory_space<vmem>>
          %dma_start3A_483 = tpu.memref_squeeze %dma_start3A_482 : memref<1x128xf32, #tpu.memory_space<vmem>> -> memref<128xf32, #tpu.memory_space<vmem>>
          %dma_start3A_484 = arith.constant 200064 : i32
          %dma_start3A_485 = tpu.memref_slice %arg6[%dma_start3A_484] : memref<800768xf32, #tpu.memory_space<vmem_shared>> -> memref<128xf32, #tpu.memory_space<vmem_shared>>
          %dma_start3A_486 = arith.constant 200064 : i32
          %dma_start3A_487 = tpu.memref_slice %arg6[%dma_start3A_486] : memref<800768xf32, #tpu.memory_space<vmem_shared>> -> memref<128xf32, #tpu.memory_space<vmem_shared>>
          %dma_start3A_488 = arith.constant 5888 : i32
          %dma_start3A_489 = tpu.memref_slice %arg7[%dma_start3A_480, %dma_start3A_488] : memref<8x6272xf32, #tpu.memory_space<vmem>> -> memref<1x128xf32, #tpu.memory_space<vmem>>
          %dma_start3A_490 = tpu.memref_squeeze %dma_start3A_489 : memref<1x128xf32, #tpu.memory_space<vmem>> -> memref<128xf32, #tpu.memory_space<vmem>>
          tpu.enqueue_dma source(%dma_start3A_490 : memref<128xf32, #tpu.memory_space<vmem>>) target(%dma_start3A_487 : memref<128xf32, #tpu.memory_space<vmem_shared>>) target_semaphore(%arg15 : memref<!tpu.dma_semaphore, #tpu.memory_space<semaphore_mem>>)
          %dma_start3A_491 = arith.constant 2 : i32
          %dma_start3A_492 = arith.constant 5888 : i32
          %dma_start3A_493 = tpu.memref_slice %arg7[%dma_start3A_491, %dma_start3A_492] : memref<8x6272xf32, #tpu.memory_space<vmem>> -> memref<1x128xf32, #tpu.memory_space<vmem>>
          %dma_start3A_494 = tpu.memref_squeeze %dma_start3A_493 : memref<1x128xf32, #tpu.memory_space<vmem>> -> memref<128xf32, #tpu.memory_space<vmem>>
          %dma_start3A_495 = arith.constant 300160 : i32
          %dma_start3A_496 = tpu.memref_slice %arg6[%dma_start3A_495] : memref<800768xf32, #tpu.memory_space<vmem_shared>> -> memref<128xf32, #tpu.memory_space<vmem_shared>>
          %dma_start3A_497 = arith.constant 300160 : i32
          %dma_start3A_498 = tpu.memref_slice %arg6[%dma_start3A_497] : memref<800768xf32, #tpu.memory_space<vmem_shared>> -> memref<128xf32, #tpu.memory_space<vmem_shared>>
          %dma_start3A_499 = arith.constant 5888 : i32
          %dma_start3A_500 = tpu.memref_slice %arg7[%dma_start3A_491, %dma_start3A_499] : memref<8x6272xf32, #tpu.memory_space<vmem>> -> memref<1x128xf32, #tpu.memory_space<vmem>>
          %dma_start3A_501 = tpu.memref_squeeze %dma_start3A_500 : memref<1x128xf32, #tpu.memory_space<vmem>> -> memref<128xf32, #tpu.memory_space<vmem>>
          tpu.enqueue_dma source(%dma_start3A_501 : memref<128xf32, #tpu.memory_space<vmem>>) target(%dma_start3A_498 : memref<128xf32, #tpu.memory_space<vmem_shared>>) target_semaphore(%arg15 : memref<!tpu.dma_semaphore, #tpu.memory_space<semaphore_mem>>)
          %dma_start3A_502 = arith.constant 3 : i32
          %dma_start3A_503 = arith.constant 5888 : i32
          %dma_start3A_504 = tpu.memref_slice %arg7[%dma_start3A_502, %dma_start3A_503] : memref<8x6272xf32, #tpu.memory_space<vmem>> -> memref<1x128xf32, #tpu.memory_space<vmem>>
          %dma_start3A_505 = tpu.memref_squeeze %dma_start3A_504 : memref<1x128xf32, #tpu.memory_space<vmem>> -> memref<128xf32, #tpu.memory_space<vmem>>
          %dma_start3A_506 = arith.constant 400256 : i32
          %dma_start3A_507 = tpu.memref_slice %arg6[%dma_start3A_506] : memref<800768xf32, #tpu.memory_space<vmem_shared>> -> memref<128xf32, #tpu.memory_space<vmem_shared>>
          %dma_start3A_508 = arith.constant 400256 : i32
          %dma_start3A_509 = tpu.memref_slice %arg6[%dma_start3A_508] : memref<800768xf32, #tpu.memory_space<vmem_shared>> -> memref<128xf32, #tpu.memory_space<vmem_shared>>
          %dma_start3A_510 = arith.constant 5888 : i32
          %dma_start3A_511 = tpu.memref_slice %arg7[%dma_start3A_502, %dma_start3A_510] : memref<8x6272xf32, #tpu.memory_space<vmem>> -> memref<1x128xf32, #tpu.memory_space<vmem>>
          %dma_start3A_512 = tpu.memref_squeeze %dma_start3A_511 : memref<1x128xf32, #tpu.memory_space<vmem>> -> memref<128xf32, #tpu.memory_space<vmem>>
          tpu.enqueue_dma source(%dma_start3A_512 : memref<128xf32, #tpu.memory_space<vmem>>) target(%dma_start3A_509 : memref<128xf32, #tpu.memory_space<vmem_shared>>) target_semaphore(%arg15 : memref<!tpu.dma_semaphore, #tpu.memory_space<semaphore_mem>>)
          %dma_start3A_513 = arith.constant 4 : i32
          %dma_start3A_514 = arith.constant 5888 : i32
          %dma_start3A_515 = tpu.memref_slice %arg7[%dma_start3A_513, %dma_start3A_514] : memref<8x6272xf32, #tpu.memory_space<vmem>> -> memref<1x128xf32, #tpu.memory_space<vmem>>
          %dma_start3A_516 = tpu.memref_squeeze %dma_start3A_515 : memref<1x128xf32, #tpu.memory_space<vmem>> -> memref<128xf32, #tpu.memory_space<vmem>>
          %dma_start3A_517 = arith.constant 500352 : i32
          %dma_start3A_518 = tpu.memref_slice %arg6[%dma_start3A_517] : memref<800768xf32, #tpu.memory_space<vmem_shared>> -> memref<128xf32, #tpu.memory_space<vmem_shared>>
          %dma_start3A_519 = arith.constant 500352 : i32
          %dma_start3A_520 = tpu.memref_slice %arg6[%dma_start3A_519] : memref<800768xf32, #tpu.memory_space<vmem_shared>> -> memref<128xf32, #tpu.memory_space<vmem_shared>>
          %dma_start3A_521 = arith.constant 5888 : i32
          %dma_start3A_522 = tpu.memref_slice %arg7[%dma_start3A_513, %dma_start3A_521] : memref<8x6272xf32, #tpu.memory_space<vmem>> -> memref<1x128xf32, #tpu.memory_space<vmem>>
          %dma_start3A_523 = tpu.memref_squeeze %dma_start3A_522 : memref<1x128xf32, #tpu.memory_space<vmem>> -> memref<128xf32, #tpu.memory_space<vmem>>
          tpu.enqueue_dma source(%dma_start3A_523 : memref<128xf32, #tpu.memory_space<vmem>>) target(%dma_start3A_520 : memref<128xf32, #tpu.memory_space<vmem_shared>>) target_semaphore(%arg15 : memref<!tpu.dma_semaphore, #tpu.memory_space<semaphore_mem>>)
          %dma_start3A_524 = arith.constant 5 : i32
          %dma_start3A_525 = arith.constant 5888 : i32
          %dma_start3A_526 = tpu.memref_slice %arg7[%dma_start3A_524, %dma_start3A_525] : memref<8x6272xf32, #tpu.memory_space<vmem>> -> memref<1x128xf32, #tpu.memory_space<vmem>>
          %dma_start3A_527 = tpu.memref_squeeze %dma_start3A_526 : memref<1x128xf32, #tpu.memory_space<vmem>> -> memref<128xf32, #tpu.memory_space<vmem>>
          %dma_start3A_528 = arith.constant 600448 : i32
          %dma_start3A_529 = tpu.memref_slice %arg6[%dma_start3A_528] : memref<800768xf32, #tpu.memory_space<vmem_shared>> -> memref<128xf32, #tpu.memory_space<vmem_shared>>
          %dma_start3A_530 = arith.constant 600448 : i32
          %dma_start3A_531 = tpu.memref_slice %arg6[%dma_start3A_530] : memref<800768xf32, #tpu.memory_space<vmem_shared>> -> memref<128xf32, #tpu.memory_space<vmem_shared>>
          %dma_start3A_532 = arith.constant 5888 : i32
          %dma_start3A_533 = tpu.memref_slice %arg7[%dma_start3A_524, %dma_start3A_532] : memref<8x6272xf32, #tpu.memory_space<vmem>> -> memref<1x128xf32, #tpu.memory_space<vmem>>
          %dma_start3A_534 = tpu.memref_squeeze %dma_start3A_533 : memref<1x128xf32, #tpu.memory_space<vmem>> -> memref<128xf32, #tpu.memory_space<vmem>>
          tpu.enqueue_dma source(%dma_start3A_534 : memref<128xf32, #tpu.memory_space<vmem>>) target(%dma_start3A_531 : memref<128xf32, #tpu.memory_space<vmem_shared>>) target_semaphore(%arg15 : memref<!tpu.dma_semaphore, #tpu.memory_space<semaphore_mem>>)
          %dma_start3A_535 = arith.constant 6 : i32
          %dma_start3A_536 = arith.constant 5888 : i32
          %dma_start3A_537 = tpu.memref_slice %arg7[%dma_start3A_535, %dma_start3A_536] : memref<8x6272xf32, #tpu.memory_space<vmem>> -> memref<1x128xf32, #tpu.memory_space<vmem>>
          %dma_start3A_538 = tpu.memref_squeeze %dma_start3A_537 : memref<1x128xf32, #tpu.memory_space<vmem>> -> memref<128xf32, #tpu.memory_space<vmem>>
          %dma_start3A_539 = arith.constant 700544 : i32
          %dma_start3A_540 = tpu.memref_slice %arg6[%dma_start3A_539] : memref<800768xf32, #tpu.memory_space<vmem_shared>> -> memref<128xf32, #tpu.memory_space<vmem_shared>>
          %dma_start3A_541 = arith.constant 700544 : i32
          %dma_start3A_542 = tpu.memref_slice %arg6[%dma_start3A_541] : memref<800768xf32, #tpu.memory_space<vmem_shared>> -> memref<128xf32, #tpu.memory_space<vmem_shared>>
          %dma_start3A_543 = arith.constant 5888 : i32
          %dma_start3A_544 = tpu.memref_slice %arg7[%dma_start3A_535, %dma_start3A_543] : memref<8x6272xf32, #tpu.memory_space<vmem>> -> memref<1x128xf32, #tpu.memory_space<vmem>>
          %dma_start3A_545 = tpu.memref_squeeze %dma_start3A_544 : memref<1x128xf32, #tpu.memory_space<vmem>> -> memref<128xf32, #tpu.memory_space<vmem>>
          tpu.enqueue_dma source(%dma_start3A_545 : memref<128xf32, #tpu.memory_space<vmem>>) target(%dma_start3A_542 : memref<128xf32, #tpu.memory_space<vmem_shared>>) target_semaphore(%arg15 : memref<!tpu.dma_semaphore, #tpu.memory_space<semaphore_mem>>)
          %dma_start3A_546 = arith.constant 7 : i32
          %dma_start3A_547 = arith.constant 5888 : i32
          %dma_start3A_548 = tpu.memref_slice %arg7[%dma_start3A_546, %dma_start3A_547] : memref<8x6272xf32, #tpu.memory_space<vmem>> -> memref<1x128xf32, #tpu.memory_space<vmem>>
          %dma_start3A_549 = tpu.memref_squeeze %dma_start3A_548 : memref<1x128xf32, #tpu.memory_space<vmem>> -> memref<128xf32, #tpu.memory_space<vmem>>
          %dma_start3A_550 = arith.constant 800640 : i32
          %dma_start3A_551 = tpu.memref_slice %arg6[%dma_start3A_550] : memref<800768xf32, #tpu.memory_space<vmem_shared>> -> memref<128xf32, #tpu.memory_space<vmem_shared>>
          %dma_start3A_552 = arith.constant 800640 : i32
          %dma_start3A_553 = tpu.memref_slice %arg6[%dma_start3A_552] : memref<800768xf32, #tpu.memory_space<vmem_shared>> -> memref<128xf32, #tpu.memory_space<vmem_shared>>
          %dma_start3A_554 = arith.constant 5888 : i32
          %dma_start3A_555 = tpu.memref_slice %arg7[%dma_start3A_546, %dma_start3A_554] : memref<8x6272xf32, #tpu.memory_space<vmem>> -> memref<1x128xf32, #tpu.memory_space<vmem>>
          %dma_start3A_556 = tpu.memref_squeeze %dma_start3A_555 : memref<1x128xf32, #tpu.memory_space<vmem>> -> memref<128xf32, #tpu.memory_space<vmem>>
          tpu.enqueue_dma source(%dma_start3A_556 : memref<128xf32, #tpu.memory_space<vmem>>) target(%dma_start3A_553 : memref<128xf32, #tpu.memory_space<vmem_shared>>) target_semaphore(%arg15 : memref<!tpu.dma_semaphore, #tpu.memory_space<semaphore_mem>>)
          %dma_wait3A_557 = arith.constant 0 : i32
          %dma_wait3A_558 = arith.constant 0 : i32
          %dma_wait3A_559 = tpu.memref_slice %arg7[%dma_wait3A_557, %dma_wait3A_558] : memref<8x6272xf32, #tpu.memory_space<vmem>> -> memref<1x5888xf32, #tpu.memory_space<vmem>>
          %dma_wait3A_560 = tpu.memref_squeeze %dma_wait3A_559 : memref<1x5888xf32, #tpu.memory_space<vmem>> -> memref<5888xf32, #tpu.memory_space<vmem>>
          %dma_wait3A_561 = arith.constant 94080 : i32
          %dma_wait3A_562 = tpu.memref_slice %arg6[%dma_wait3A_561] : memref<800768xf32, #tpu.memory_space<vmem_shared>> -> memref<5888xf32, #tpu.memory_space<vmem_shared>>
          %dma_wait3A_563 = arith.constant 94080 : i32
          %dma_wait3A_564 = tpu.memref_slice %arg6[%dma_wait3A_563] : memref<800768xf32, #tpu.memory_space<vmem_shared>> -> memref<5888xf32, #tpu.memory_space<vmem_shared>>
          %dma_wait3A_565 = arith.constant 0 : i32
          %dma_wait3A_566 = tpu.memref_slice %arg7[%dma_wait3A_557, %dma_wait3A_565] : memref<8x6272xf32, #tpu.memory_space<vmem>> -> memref<1x5888xf32, #tpu.memory_space<vmem>>
          %dma_wait3A_567 = tpu.memref_squeeze %dma_wait3A_566 : memref<1x5888xf32, #tpu.memory_space<vmem>> -> memref<5888xf32, #tpu.memory_space<vmem>>
          tpu.wait_dma2 semaphore(%arg15 : memref<!tpu.dma_semaphore, #tpu.memory_space<semaphore_mem>>) src(%dma_wait3A_567 : memref<5888xf32, #tpu.memory_space<vmem>>) dst(%dma_wait3A_564 : memref<5888xf32, #tpu.memory_space<vmem_shared>>)
          %dma_wait3A_568 = arith.constant 1 : i32
          %dma_wait3A_569 = arith.constant 0 : i32
          %dma_wait3A_570 = tpu.memref_slice %arg7[%dma_wait3A_568, %dma_wait3A_569] : memref<8x6272xf32, #tpu.memory_space<vmem>> -> memref<1x5888xf32, #tpu.memory_space<vmem>>
          %dma_wait3A_571 = tpu.memref_squeeze %dma_wait3A_570 : memref<1x5888xf32, #tpu.memory_space<vmem>> -> memref<5888xf32, #tpu.memory_space<vmem>>
          %dma_wait3A_572 = arith.constant 194176 : i32
          %dma_wait3A_573 = tpu.memref_slice %arg6[%dma_wait3A_572] : memref<800768xf32, #tpu.memory_space<vmem_shared>> -> memref<5888xf32, #tpu.memory_space<vmem_shared>>
          %dma_wait3A_574 = arith.constant 194176 : i32
          %dma_wait3A_575 = tpu.memref_slice %arg6[%dma_wait3A_574] : memref<800768xf32, #tpu.memory_space<vmem_shared>> -> memref<5888xf32, #tpu.memory_space<vmem_shared>>
          %dma_wait3A_576 = arith.constant 0 : i32
          %dma_wait3A_577 = tpu.memref_slice %arg7[%dma_wait3A_568, %dma_wait3A_576] : memref<8x6272xf32, #tpu.memory_space<vmem>> -> memref<1x5888xf32, #tpu.memory_space<vmem>>
          %dma_wait3A_578 = tpu.memref_squeeze %dma_wait3A_577 : memref<1x5888xf32, #tpu.memory_space<vmem>> -> memref<5888xf32, #tpu.memory_space<vmem>>
          tpu.wait_dma2 semaphore(%arg15 : memref<!tpu.dma_semaphore, #tpu.memory_space<semaphore_mem>>) src(%dma_wait3A_578 : memref<5888xf32, #tpu.memory_space<vmem>>) dst(%dma_wait3A_575 : memref<5888xf32, #tpu.memory_space<vmem_shared>>)
          %dma_wait3A_579 = arith.constant 2 : i32
          %dma_wait3A_580 = arith.constant 0 : i32
          %dma_wait3A_581 = tpu.memref_slice %arg7[%dma_wait3A_579, %dma_wait3A_580] : memref<8x6272xf32, #tpu.memory_space<vmem>> -> memref<1x5888xf32, #tpu.memory_space<vmem>>
          %dma_wait3A_582 = tpu.memref_squeeze %dma_wait3A_581 : memref<1x5888xf32, #tpu.memory_space<vmem>> -> memref<5888xf32, #tpu.memory_space<vmem>>
          %dma_wait3A_583 = arith.constant 294272 : i32
          %dma_wait3A_584 = tpu.memref_slice %arg6[%dma_wait3A_583] : memref<800768xf32, #tpu.memory_space<vmem_shared>> -> memref<5888xf32, #tpu.memory_space<vmem_shared>>
          %dma_wait3A_585 = arith.constant 294272 : i32
          %dma_wait3A_586 = tpu.memref_slice %arg6[%dma_wait3A_585] : memref<800768xf32, #tpu.memory_space<vmem_shared>> -> memref<5888xf32, #tpu.memory_space<vmem_shared>>
          %dma_wait3A_587 = arith.constant 0 : i32
          %dma_wait3A_588 = tpu.memref_slice %arg7[%dma_wait3A_579, %dma_wait3A_587] : memref<8x6272xf32, #tpu.memory_space<vmem>> -> memref<1x5888xf32, #tpu.memory_space<vmem>>
          %dma_wait3A_589 = tpu.memref_squeeze %dma_wait3A_588 : memref<1x5888xf32, #tpu.memory_space<vmem>> -> memref<5888xf32, #tpu.memory_space<vmem>>
          tpu.wait_dma2 semaphore(%arg15 : memref<!tpu.dma_semaphore, #tpu.memory_space<semaphore_mem>>) src(%dma_wait3A_589 : memref<5888xf32, #tpu.memory_space<vmem>>) dst(%dma_wait3A_586 : memref<5888xf32, #tpu.memory_space<vmem_shared>>)
          %dma_wait3A_590 = arith.constant 3 : i32
          %dma_wait3A_591 = arith.constant 0 : i32
          %dma_wait3A_592 = tpu.memref_slice %arg7[%dma_wait3A_590, %dma_wait3A_591] : memref<8x6272xf32, #tpu.memory_space<vmem>> -> memref<1x5888xf32, #tpu.memory_space<vmem>>
          %dma_wait3A_593 = tpu.memref_squeeze %dma_wait3A_592 : memref<1x5888xf32, #tpu.memory_space<vmem>> -> memref<5888xf32, #tpu.memory_space<vmem>>
          %dma_wait3A_594 = arith.constant 394368 : i32
          %dma_wait3A_595 = tpu.memref_slice %arg6[%dma_wait3A_594] : memref<800768xf32, #tpu.memory_space<vmem_shared>> -> memref<5888xf32, #tpu.memory_space<vmem_shared>>
          %dma_wait3A_596 = arith.constant 394368 : i32
          %dma_wait3A_597 = tpu.memref_slice %arg6[%dma_wait3A_596] : memref<800768xf32, #tpu.memory_space<vmem_shared>> -> memref<5888xf32, #tpu.memory_space<vmem_shared>>
          %dma_wait3A_598 = arith.constant 0 : i32
          %dma_wait3A_599 = tpu.memref_slice %arg7[%dma_wait3A_590, %dma_wait3A_598] : memref<8x6272xf32, #tpu.memory_space<vmem>> -> memref<1x5888xf32, #tpu.memory_space<vmem>>
          %dma_wait3A_600 = tpu.memref_squeeze %dma_wait3A_599 : memref<1x5888xf32, #tpu.memory_space<vmem>> -> memref<5888xf32, #tpu.memory_space<vmem>>
          tpu.wait_dma2 semaphore(%arg15 : memref<!tpu.dma_semaphore, #tpu.memory_space<semaphore_mem>>) src(%dma_wait3A_600 : memref<5888xf32, #tpu.memory_space<vmem>>) dst(%dma_wait3A_597 : memref<5888xf32, #tpu.memory_space<vmem_shared>>)
          %dma_wait3A_601 = arith.constant 4 : i32
          %dma_wait3A_602 = arith.constant 0 : i32
          %dma_wait3A_603 = tpu.memref_slice %arg7[%dma_wait3A_601, %dma_wait3A_602] : memref<8x6272xf32, #tpu.memory_space<vmem>> -> memref<1x5888xf32, #tpu.memory_space<vmem>>
          %dma_wait3A_604 = tpu.memref_squeeze %dma_wait3A_603 : memref<1x5888xf32, #tpu.memory_space<vmem>> -> memref<5888xf32, #tpu.memory_space<vmem>>
          %dma_wait3A_605 = arith.constant 494464 : i32
          %dma_wait3A_606 = tpu.memref_slice %arg6[%dma_wait3A_605] : memref<800768xf32, #tpu.memory_space<vmem_shared>> -> memref<5888xf32, #tpu.memory_space<vmem_shared>>
          %dma_wait3A_607 = arith.constant 494464 : i32
          %dma_wait3A_608 = tpu.memref_slice %arg6[%dma_wait3A_607] : memref<800768xf32, #tpu.memory_space<vmem_shared>> -> memref<5888xf32, #tpu.memory_space<vmem_shared>>
          %dma_wait3A_609 = arith.constant 0 : i32
          %dma_wait3A_610 = tpu.memref_slice %arg7[%dma_wait3A_601, %dma_wait3A_609] : memref<8x6272xf32, #tpu.memory_space<vmem>> -> memref<1x5888xf32, #tpu.memory_space<vmem>>
          %dma_wait3A_611 = tpu.memref_squeeze %dma_wait3A_610 : memref<1x5888xf32, #tpu.memory_space<vmem>> -> memref<5888xf32, #tpu.memory_space<vmem>>
          tpu.wait_dma2 semaphore(%arg15 : memref<!tpu.dma_semaphore, #tpu.memory_space<semaphore_mem>>) src(%dma_wait3A_611 : memref<5888xf32, #tpu.memory_space<vmem>>) dst(%dma_wait3A_608 : memref<5888xf32, #tpu.memory_space<vmem_shared>>)
          %dma_wait3A_612 = arith.constant 5 : i32
          %dma_wait3A_613 = arith.constant 0 : i32
          %dma_wait3A_614 = tpu.memref_slice %arg7[%dma_wait3A_612, %dma_wait3A_613] : memref<8x6272xf32, #tpu.memory_space<vmem>> -> memref<1x5888xf32, #tpu.memory_space<vmem>>
          %dma_wait3A_615 = tpu.memref_squeeze %dma_wait3A_614 : memref<1x5888xf32, #tpu.memory_space<vmem>> -> memref<5888xf32, #tpu.memory_space<vmem>>
          %dma_wait3A_616 = arith.constant 594560 : i32
          %dma_wait3A_617 = tpu.memref_slice %arg6[%dma_wait3A_616] : memref<800768xf32, #tpu.memory_space<vmem_shared>> -> memref<5888xf32, #tpu.memory_space<vmem_shared>>
          %dma_wait3A_618 = arith.constant 594560 : i32
          %dma_wait3A_619 = tpu.memref_slice %arg6[%dma_wait3A_618] : memref<800768xf32, #tpu.memory_space<vmem_shared>> -> memref<5888xf32, #tpu.memory_space<vmem_shared>>
          %dma_wait3A_620 = arith.constant 0 : i32
          %dma_wait3A_621 = tpu.memref_slice %arg7[%dma_wait3A_612, %dma_wait3A_620] : memref<8x6272xf32, #tpu.memory_space<vmem>> -> memref<1x5888xf32, #tpu.memory_space<vmem>>
          %dma_wait3A_622 = tpu.memref_squeeze %dma_wait3A_621 : memref<1x5888xf32, #tpu.memory_space<vmem>> -> memref<5888xf32, #tpu.memory_space<vmem>>
          tpu.wait_dma2 semaphore(%arg15 : memref<!tpu.dma_semaphore, #tpu.memory_space<semaphore_mem>>) src(%dma_wait3A_622 : memref<5888xf32, #tpu.memory_space<vmem>>) dst(%dma_wait3A_619 : memref<5888xf32, #tpu.memory_space<vmem_shared>>)
          %dma_wait3A_623 = arith.constant 6 : i32
          %dma_wait3A_624 = arith.constant 0 : i32
          %dma_wait3A_625 = tpu.memref_slice %arg7[%dma_wait3A_623, %dma_wait3A_624] : memref<8x6272xf32, #tpu.memory_space<vmem>> -> memref<1x5888xf32, #tpu.memory_space<vmem>>
          %dma_wait3A_626 = tpu.memref_squeeze %dma_wait3A_625 : memref<1x5888xf32, #tpu.memory_space<vmem>> -> memref<5888xf32, #tpu.memory_space<vmem>>
          %dma_wait3A_627 = arith.constant 694656 : i32
          %dma_wait3A_628 = tpu.memref_slice %arg6[%dma_wait3A_627] : memref<800768xf32, #tpu.memory_space<vmem_shared>> -> memref<5888xf32, #tpu.memory_space<vmem_shared>>
          %dma_wait3A_629 = arith.constant 694656 : i32
          %dma_wait3A_630 = tpu.memref_slice %arg6[%dma_wait3A_629] : memref<800768xf32, #tpu.memory_space<vmem_shared>> -> memref<5888xf32, #tpu.memory_space<vmem_shared>>
          %dma_wait3A_631 = arith.constant 0 : i32
          %dma_wait3A_632 = tpu.memref_slice %arg7[%dma_wait3A_623, %dma_wait3A_631] : memref<8x6272xf32, #tpu.memory_space<vmem>> -> memref<1x5888xf32, #tpu.memory_space<vmem>>
          %dma_wait3A_633 = tpu.memref_squeeze %dma_wait3A_632 : memref<1x5888xf32, #tpu.memory_space<vmem>> -> memref<5888xf32, #tpu.memory_space<vmem>>
          tpu.wait_dma2 semaphore(%arg15 : memref<!tpu.dma_semaphore, #tpu.memory_space<semaphore_mem>>) src(%dma_wait3A_633 : memref<5888xf32, #tpu.memory_space<vmem>>) dst(%dma_wait3A_630 : memref<5888xf32, #tpu.memory_space<vmem_shared>>)
          %dma_wait3A_634 = arith.constant 7 : i32
          %dma_wait3A_635 = arith.constant 0 : i32
          %dma_wait3A_636 = tpu.memref_slice %arg7[%dma_wait3A_634, %dma_wait3A_635] : memref<8x6272xf32, #tpu.memory_space<vmem>> -> memref<1x5888xf32, #tpu.memory_space<vmem>>
          %dma_wait3A_637 = tpu.memref_squeeze %dma_wait3A_636 : memref<1x5888xf32, #tpu.memory_space<vmem>> -> memref<5888xf32, #tpu.memory_space<vmem>>
          %dma_wait3A_638 = arith.constant 794752 : i32
          %dma_wait3A_639 = tpu.memref_slice %arg6[%dma_wait3A_638] : memref<800768xf32, #tpu.memory_space<vmem_shared>> -> memref<5888xf32, #tpu.memory_space<vmem_shared>>
          %dma_wait3A_640 = arith.constant 794752 : i32
          %dma_wait3A_641 = tpu.memref_slice %arg6[%dma_wait3A_640] : memref<800768xf32, #tpu.memory_space<vmem_shared>> -> memref<5888xf32, #tpu.memory_space<vmem_shared>>
          %dma_wait3A_642 = arith.constant 0 : i32
          %dma_wait3A_643 = tpu.memref_slice %arg7[%dma_wait3A_634, %dma_wait3A_642] : memref<8x6272xf32, #tpu.memory_space<vmem>> -> memref<1x5888xf32, #tpu.memory_space<vmem>>
          %dma_wait3A_644 = tpu.memref_squeeze %dma_wait3A_643 : memref<1x5888xf32, #tpu.memory_space<vmem>> -> memref<5888xf32, #tpu.memory_space<vmem>>
          tpu.wait_dma2 semaphore(%arg15 : memref<!tpu.dma_semaphore, #tpu.memory_space<semaphore_mem>>) src(%dma_wait3A_644 : memref<5888xf32, #tpu.memory_space<vmem>>) dst(%dma_wait3A_641 : memref<5888xf32, #tpu.memory_space<vmem_shared>>)
          %dma_wait3A_645 = arith.constant 0 : i32
          %dma_wait3A_646 = arith.constant 5888 : i32
          %dma_wait3A_647 = tpu.memref_slice %arg7[%dma_wait3A_645, %dma_wait3A_646] : memref<8x6272xf32, #tpu.memory_space<vmem>> -> memref<1x128xf32, #tpu.memory_space<vmem>>
          %dma_wait3A_648 = tpu.memref_squeeze %dma_wait3A_647 : memref<1x128xf32, #tpu.memory_space<vmem>> -> memref<128xf32, #tpu.memory_space<vmem>>
          %dma_wait3A_649 = arith.constant 99968 : i32
          %dma_wait3A_650 = tpu.memref_slice %arg6[%dma_wait3A_649] : memref<800768xf32, #tpu.memory_space<vmem_shared>> -> memref<128xf32, #tpu.memory_space<vmem_shared>>
          %dma_wait3A_651 = arith.constant 99968 : i32
          %dma_wait3A_652 = tpu.memref_slice %arg6[%dma_wait3A_651] : memref<800768xf32, #tpu.memory_space<vmem_shared>> -> memref<128xf32, #tpu.memory_space<vmem_shared>>
          %dma_wait3A_653 = arith.constant 5888 : i32
          %dma_wait3A_654 = tpu.memref_slice %arg7[%dma_wait3A_645, %dma_wait3A_653] : memref<8x6272xf32, #tpu.memory_space<vmem>> -> memref<1x128xf32, #tpu.memory_space<vmem>>
          %dma_wait3A_655 = tpu.memref_squeeze %dma_wait3A_654 : memref<1x128xf32, #tpu.memory_space<vmem>> -> memref<128xf32, #tpu.memory_space<vmem>>
          tpu.wait_dma2 semaphore(%arg15 : memref<!tpu.dma_semaphore, #tpu.memory_space<semaphore_mem>>) src(%dma_wait3A_655 : memref<128xf32, #tpu.memory_space<vmem>>) dst(%dma_wait3A_652 : memref<128xf32, #tpu.memory_space<vmem_shared>>)
          %dma_wait3A_656 = arith.constant 1 : i32
          %dma_wait3A_657 = arith.constant 5888 : i32
          %dma_wait3A_658 = tpu.memref_slice %arg7[%dma_wait3A_656, %dma_wait3A_657] : memref<8x6272xf32, #tpu.memory_space<vmem>> -> memref<1x128xf32, #tpu.memory_space<vmem>>
          %dma_wait3A_659 = tpu.memref_squeeze %dma_wait3A_658 : memref<1x128xf32, #tpu.memory_space<vmem>> -> memref<128xf32, #tpu.memory_space<vmem>>
          %dma_wait3A_660 = arith.constant 200064 : i32
          %dma_wait3A_661 = tpu.memref_slice %arg6[%dma_wait3A_660] : memref<800768xf32, #tpu.memory_space<vmem_shared>> -> memref<128xf32, #tpu.memory_space<vmem_shared>>
          %dma_wait3A_662 = arith.constant 200064 : i32
          %dma_wait3A_663 = tpu.memref_slice %arg6[%dma_wait3A_662] : memref<800768xf32, #tpu.memory_space<vmem_shared>> -> memref<128xf32, #tpu.memory_space<vmem_shared>>
          %dma_wait3A_664 = arith.constant 5888 : i32
          %dma_wait3A_665 = tpu.memref_slice %arg7[%dma_wait3A_656, %dma_wait3A_664] : memref<8x6272xf32, #tpu.memory_space<vmem>> -> memref<1x128xf32, #tpu.memory_space<vmem>>
          %dma_wait3A_666 = tpu.memref_squeeze %dma_wait3A_665 : memref<1x128xf32, #tpu.memory_space<vmem>> -> memref<128xf32, #tpu.memory_space<vmem>>
          tpu.wait_dma2 semaphore(%arg15 : memref<!tpu.dma_semaphore, #tpu.memory_space<semaphore_mem>>) src(%dma_wait3A_666 : memref<128xf32, #tpu.memory_space<vmem>>) dst(%dma_wait3A_663 : memref<128xf32, #tpu.memory_space<vmem_shared>>)
          %dma_wait3A_667 = arith.constant 2 : i32
          %dma_wait3A_668 = arith.constant 5888 : i32
          %dma_wait3A_669 = tpu.memref_slice %arg7[%dma_wait3A_667, %dma_wait3A_668] : memref<8x6272xf32, #tpu.memory_space<vmem>> -> memref<1x128xf32, #tpu.memory_space<vmem>>
          %dma_wait3A_670 = tpu.memref_squeeze %dma_wait3A_669 : memref<1x128xf32, #tpu.memory_space<vmem>> -> memref<128xf32, #tpu.memory_space<vmem>>
          %dma_wait3A_671 = arith.constant 300160 : i32
          %dma_wait3A_672 = tpu.memref_slice %arg6[%dma_wait3A_671] : memref<800768xf32, #tpu.memory_space<vmem_shared>> -> memref<128xf32, #tpu.memory_space<vmem_shared>>
          %dma_wait3A_673 = arith.constant 300160 : i32
          %dma_wait3A_674 = tpu.memref_slice %arg6[%dma_wait3A_673] : memref<800768xf32, #tpu.memory_space<vmem_shared>> -> memref<128xf32, #tpu.memory_space<vmem_shared>>
          %dma_wait3A_675 = arith.constant 5888 : i32
          %dma_wait3A_676 = tpu.memref_slice %arg7[%dma_wait3A_667, %dma_wait3A_675] : memref<8x6272xf32, #tpu.memory_space<vmem>> -> memref<1x128xf32, #tpu.memory_space<vmem>>
          %dma_wait3A_677 = tpu.memref_squeeze %dma_wait3A_676 : memref<1x128xf32, #tpu.memory_space<vmem>> -> memref<128xf32, #tpu.memory_space<vmem>>
          tpu.wait_dma2 semaphore(%arg15 : memref<!tpu.dma_semaphore, #tpu.memory_space<semaphore_mem>>) src(%dma_wait3A_677 : memref<128xf32, #tpu.memory_space<vmem>>) dst(%dma_wait3A_674 : memref<128xf32, #tpu.memory_space<vmem_shared>>)
          %dma_wait3A_678 = arith.constant 3 : i32
          %dma_wait3A_679 = arith.constant 5888 : i32
          %dma_wait3A_680 = tpu.memref_slice %arg7[%dma_wait3A_678, %dma_wait3A_679] : memref<8x6272xf32, #tpu.memory_space<vmem>> -> memref<1x128xf32, #tpu.memory_space<vmem>>
          %dma_wait3A_681 = tpu.memref_squeeze %dma_wait3A_680 : memref<1x128xf32, #tpu.memory_space<vmem>> -> memref<128xf32, #tpu.memory_space<vmem>>
          %dma_wait3A_682 = arith.constant 400256 : i32
          %dma_wait3A_683 = tpu.memref_slice %arg6[%dma_wait3A_682] : memref<800768xf32, #tpu.memory_space<vmem_shared>> -> memref<128xf32, #tpu.memory_space<vmem_shared>>
          %dma_wait3A_684 = arith.constant 400256 : i32
          %dma_wait3A_685 = tpu.memref_slice %arg6[%dma_wait3A_684] : memref<800768xf32, #tpu.memory_space<vmem_shared>> -> memref<128xf32, #tpu.memory_space<vmem_shared>>
          %dma_wait3A_686 = arith.constant 5888 : i32
          %dma_wait3A_687 = tpu.memref_slice %arg7[%dma_wait3A_678, %dma_wait3A_686] : memref<8x6272xf32, #tpu.memory_space<vmem>> -> memref<1x128xf32, #tpu.memory_space<vmem>>
          %dma_wait3A_688 = tpu.memref_squeeze %dma_wait3A_687 : memref<1x128xf32, #tpu.memory_space<vmem>> -> memref<128xf32, #tpu.memory_space<vmem>>
          tpu.wait_dma2 semaphore(%arg15 : memref<!tpu.dma_semaphore, #tpu.memory_space<semaphore_mem>>) src(%dma_wait3A_688 : memref<128xf32, #tpu.memory_space<vmem>>) dst(%dma_wait3A_685 : memref<128xf32, #tpu.memory_space<vmem_shared>>)
          %dma_wait3A_689 = arith.constant 4 : i32
          %dma_wait3A_690 = arith.constant 5888 : i32
          %dma_wait3A_691 = tpu.memref_slice %arg7[%dma_wait3A_689, %dma_wait3A_690] : memref<8x6272xf32, #tpu.memory_space<vmem>> -> memref<1x128xf32, #tpu.memory_space<vmem>>
          %dma_wait3A_692 = tpu.memref_squeeze %dma_wait3A_691 : memref<1x128xf32, #tpu.memory_space<vmem>> -> memref<128xf32, #tpu.memory_space<vmem>>
          %dma_wait3A_693 = arith.constant 500352 : i32
          %dma_wait3A_694 = tpu.memref_slice %arg6[%dma_wait3A_693] : memref<800768xf32, #tpu.memory_space<vmem_shared>> -> memref<128xf32, #tpu.memory_space<vmem_shared>>
          %dma_wait3A_695 = arith.constant 500352 : i32
          %dma_wait3A_696 = tpu.memref_slice %arg6[%dma_wait3A_695] : memref<800768xf32, #tpu.memory_space<vmem_shared>> -> memref<128xf32, #tpu.memory_space<vmem_shared>>
          %dma_wait3A_697 = arith.constant 5888 : i32
          %dma_wait3A_698 = tpu.memref_slice %arg7[%dma_wait3A_689, %dma_wait3A_697] : memref<8x6272xf32, #tpu.memory_space<vmem>> -> memref<1x128xf32, #tpu.memory_space<vmem>>
          %dma_wait3A_699 = tpu.memref_squeeze %dma_wait3A_698 : memref<1x128xf32, #tpu.memory_space<vmem>> -> memref<128xf32, #tpu.memory_space<vmem>>
          tpu.wait_dma2 semaphore(%arg15 : memref<!tpu.dma_semaphore, #tpu.memory_space<semaphore_mem>>) src(%dma_wait3A_699 : memref<128xf32, #tpu.memory_space<vmem>>) dst(%dma_wait3A_696 : memref<128xf32, #tpu.memory_space<vmem_shared>>)
          %dma_wait3A_700 = arith.constant 5 : i32
          %dma_wait3A_701 = arith.constant 5888 : i32
          %dma_wait3A_702 = tpu.memref_slice %arg7[%dma_wait3A_700, %dma_wait3A_701] : memref<8x6272xf32, #tpu.memory_space<vmem>> -> memref<1x128xf32, #tpu.memory_space<vmem>>
          %dma_wait3A_703 = tpu.memref_squeeze %dma_wait3A_702 : memref<1x128xf32, #tpu.memory_space<vmem>> -> memref<128xf32, #tpu.memory_space<vmem>>
          %dma_wait3A_704 = arith.constant 600448 : i32
          %dma_wait3A_705 = tpu.memref_slice %arg6[%dma_wait3A_704] : memref<800768xf32, #tpu.memory_space<vmem_shared>> -> memref<128xf32, #tpu.memory_space<vmem_shared>>
          %dma_wait3A_706 = arith.constant 600448 : i32
          %dma_wait3A_707 = tpu.memref_slice %arg6[%dma_wait3A_706] : memref<800768xf32, #tpu.memory_space<vmem_shared>> -> memref<128xf32, #tpu.memory_space<vmem_shared>>
          %dma_wait3A_708 = arith.constant 5888 : i32
          %dma_wait3A_709 = tpu.memref_slice %arg7[%dma_wait3A_700, %dma_wait3A_708] : memref<8x6272xf32, #tpu.memory_space<vmem>> -> memref<1x128xf32, #tpu.memory_space<vmem>>
          %dma_wait3A_710 = tpu.memref_squeeze %dma_wait3A_709 : memref<1x128xf32, #tpu.memory_space<vmem>> -> memref<128xf32, #tpu.memory_space<vmem>>
          tpu.wait_dma2 semaphore(%arg15 : memref<!tpu.dma_semaphore, #tpu.memory_space<semaphore_mem>>) src(%dma_wait3A_710 : memref<128xf32, #tpu.memory_space<vmem>>) dst(%dma_wait3A_707 : memref<128xf32, #tpu.memory_space<vmem_shared>>)
          %dma_wait3A_711 = arith.constant 6 : i32
          %dma_wait3A_712 = arith.constant 5888 : i32
          %dma_wait3A_713 = tpu.memref_slice %arg7[%dma_wait3A_711, %dma_wait3A_712] : memref<8x6272xf32, #tpu.memory_space<vmem>> -> memref<1x128xf32, #tpu.memory_space<vmem>>
          %dma_wait3A_714 = tpu.memref_squeeze %dma_wait3A_713 : memref<1x128xf32, #tpu.memory_space<vmem>> -> memref<128xf32, #tpu.memory_space<vmem>>
          %dma_wait3A_715 = arith.constant 700544 : i32
          %dma_wait3A_716 = tpu.memref_slice %arg6[%dma_wait3A_715] : memref<800768xf32, #tpu.memory_space<vmem_shared>> -> memref<128xf32, #tpu.memory_space<vmem_shared>>
          %dma_wait3A_717 = arith.constant 700544 : i32
          %dma_wait3A_718 = tpu.memref_slice %arg6[%dma_wait3A_717] : memref<800768xf32, #tpu.memory_space<vmem_shared>> -> memref<128xf32, #tpu.memory_space<vmem_shared>>
          %dma_wait3A_719 = arith.constant 5888 : i32
          %dma_wait3A_720 = tpu.memref_slice %arg7[%dma_wait3A_711, %dma_wait3A_719] : memref<8x6272xf32, #tpu.memory_space<vmem>> -> memref<1x128xf32, #tpu.memory_space<vmem>>
          %dma_wait3A_721 = tpu.memref_squeeze %dma_wait3A_720 : memref<1x128xf32, #tpu.memory_space<vmem>> -> memref<128xf32, #tpu.memory_space<vmem>>
          tpu.wait_dma2 semaphore(%arg15 : memref<!tpu.dma_semaphore, #tpu.memory_space<semaphore_mem>>) src(%dma_wait3A_721 : memref<128xf32, #tpu.memory_space<vmem>>) dst(%dma_wait3A_718 : memref<128xf32, #tpu.memory_space<vmem_shared>>)
          %dma_wait3A_722 = arith.constant 7 : i32
          %dma_wait3A_723 = arith.constant 5888 : i32
          %dma_wait3A_724 = tpu.memref_slice %arg7[%dma_wait3A_722, %dma_wait3A_723] : memref<8x6272xf32, #tpu.memory_space<vmem>> -> memref<1x128xf32, #tpu.memory_space<vmem>>
          %dma_wait3A_725 = tpu.memref_squeeze %dma_wait3A_724 : memref<1x128xf32, #tpu.memory_space<vmem>> -> memref<128xf32, #tpu.memory_space<vmem>>
          %dma_wait3A_726 = arith.constant 800640 : i32
          %dma_wait3A_727 = tpu.memref_slice %arg6[%dma_wait3A_726] : memref<800768xf32, #tpu.memory_space<vmem_shared>> -> memref<128xf32, #tpu.memory_space<vmem_shared>>
          %dma_wait3A_728 = arith.constant 800640 : i32
          %dma_wait3A_729 = tpu.memref_slice %arg6[%dma_wait3A_728] : memref<800768xf32, #tpu.memory_space<vmem_shared>> -> memref<128xf32, #tpu.memory_space<vmem_shared>>
          %dma_wait3A_730 = arith.constant 5888 : i32
          %dma_wait3A_731 = tpu.memref_slice %arg7[%dma_wait3A_722, %dma_wait3A_730] : memref<8x6272xf32, #tpu.memory_space<vmem>> -> memref<1x128xf32, #tpu.memory_space<vmem>>
          %dma_wait3A_732 = tpu.memref_squeeze %dma_wait3A_731 : memref<1x128xf32, #tpu.memory_space<vmem>> -> memref<128xf32, #tpu.memory_space<vmem>>
          tpu.wait_dma2 semaphore(%arg15 : memref<!tpu.dma_semaphore, #tpu.memory_space<semaphore_mem>>) src(%dma_wait3A_732 : memref<128xf32, #tpu.memory_space<vmem>>) dst(%dma_wait3A_729 : memref<128xf32, #tpu.memory_space<vmem_shared>>)
        } else {
        }
        %barrier3A = arith.constant 0 : index
        tpu.barrier barrier_id(%barrier3A)
        %add3A_59 = arith.constant 0 : i32
        %add3A_60 = arith.addi %scan3A_10, %add3A_59 : i32
        %gt3A_61 = arith.constant 0 : i32
        %gt3A_62 = arith.cmpi sgt, %add3A_60, %gt3A_61 : i32
        %convert_element_type3A_63 = arith.extui %gt3A_62 : i1 to i32
        %cond3A_64 = arith.constant 0 : i32
        %cond3A_65 = arith.cmpi ne, %convert_element_type3A_63, %cond3A_64 : i32
        scf.if %cond3A_65 {
          %dma_wait3A_381 = arith.constant 0 : i32
          %dma_wait3A_382 = tpu.memref_slice %arg5[%scan3A_9, %dma_wait3A_381, %mul3A_0] : memref<26x16x16384xf32, #tpu.memory_space<hbm>> -> memref<1x8x1024xf32, #tpu.memory_space<hbm>>
          %dma_wait3A_383 = tpu.memref_squeeze %dma_wait3A_382 : memref<1x8x1024xf32, #tpu.memory_space<hbm>> -> memref<8x1024xf32, #tpu.memory_space<hbm>>
          %dma_wait3A_384 = arith.constant 0 : i32
          %dma_wait3A_385 = tpu.memref_slice %arg5[%scan3A_9, %dma_wait3A_384, %mul3A_0] : memref<26x16x16384xf32, #tpu.memory_space<hbm>> -> memref<1x8x1024xf32, #tpu.memory_space<hbm>>
          %dma_wait3A_386 = tpu.memref_squeeze %dma_wait3A_385 : memref<1x8x1024xf32, #tpu.memory_space<hbm>> -> memref<8x1024xf32, #tpu.memory_space<hbm>>
          tpu.wait_dma2 semaphore(%arg16 : memref<!tpu.dma_semaphore, #tpu.memory_space<semaphore_mem>>) src(%arg10 : memref<8x1024xf32, #tpu.memory_space<vmem>>) dst(%dma_wait3A_386 : memref<8x1024xf32, #tpu.memory_space<hbm>>)
        } else {
        }
        %dma_start3A = arith.constant 0 : i32
        %dma_start3A_66 = tpu.memref_slice %arg6[%dma_start3A] : memref<800768xf32, #tpu.memory_space<vmem_shared>> -> memref<800768xf32, #tpu.memory_space<vmem_shared>>
        tpu.enqueue_indirect_dma source(%dma_start3A_66 : memref<800768xf32, #tpu.memory_space<vmem_shared>>) target(%arg11 : memref<1024xf32, #tpu.memory_space<vmem>>) offsets(%arg9 : memref<1024xi32, #tpu.memory_space<vmem>>) semaphore(%arg13 : memref<!tpu.dma_semaphore, #tpu.memory_space<semaphore_mem>>)
        %dma_wait3A = arith.constant 0 : i32
        %dma_wait3A_67 = tpu.memref_slice %arg6[%dma_wait3A] : memref<800768xf32, #tpu.memory_space<vmem_shared>> -> memref<800768xf32, #tpu.memory_space<vmem_shared>>
        tpu.wait_indirect_dma semaphore(%arg13 : memref<!tpu.dma_semaphore, #tpu.memory_space<semaphore_mem>>) src(%dma_wait3A_67 : memref<800768xf32, #tpu.memory_space<vmem_shared>>) dst(%arg11 : memref<1024xf32, #tpu.memory_space<vmem>>)
        %scan3A_68 = arith.constant 0 : i32
        %scan3A_69 = arith.constant 0 : i32
        %scan3A_70 = arith.constant 16 : i32
        %scan3A_71 = arith.addi %scan3A_69, %scan3A_70 : i32
        %scan3A_72 = arith.constant 1 : i32
        %scan3A_73 = scf.for %scan3A_381 = %scan3A_69 to %scan3A_71 step %scan3A_72 iter_args(%scan3A_382 = %scan3A_68) -> (i32)  : i32 {
          %mul3A_383 = arith.constant 64 : i32
          %mul3A_384 = arith.muli %scan3A_381, %mul3A_383 : i32
          %add3A_385 = arith.constant 0 : i32
          %add3A_386 = arith.addi %mul3A_384, %add3A_385 : i32
          %get3A = arith.index_cast %add3A_386 : i32 to index
          %get3A_387 = tpu.vector_load %arg9[%get3A] {strides = array<i32>} : memref<1024xi32, #tpu.memory_space<vmem>>, vector<16xi32>,
          %get3A_388 = vector.shape_cast %get3A_387 : vector<16xi32> to vector<16xi32>
          %add3A_389 = arith.constant 100096 : i32
          %add3A_390 = vector.broadcast %add3A_389 : i32 to vector<16xi32>
          %add3A_391 = arith.addi %get3A_388, %add3A_390 : vector<16xi32>
          %swap3A = arith.index_cast %add3A_386 : i32 to index
          %swap3A_392 = tpu.vector_load %arg9[%swap3A] {strides = array<i32>} : memref<1024xi32, #tpu.memory_space<vmem>>, vector<16xi32>,
          %swap3A_393 = vector.shape_cast %swap3A_392 : vector<16xi32> to vector<16xi32>
          %swap3A_394 = vector.shape_cast %add3A_391 : vector<16xi32> to vector<16xi32>
          tpu.vector_store %arg9[%swap3A], %swap3A_394 {strides = array<i32>} : memref<1024xi32, #tpu.memory_space<vmem>>, vector<16xi32>,
          %mul3A_395 = arith.constant 64 : i32
          %mul3A_396 = arith.muli %scan3A_381, %mul3A_395 : i32
          %add3A_397 = arith.constant 16 : i32
          %add3A_398 = arith.addi %mul3A_396, %add3A_397 : i32
          %get3A_399 = arith.index_cast %add3A_398 : i32 to index
          %get3A_400 = tpu.vector_load %arg9[%get3A_399] {strides = array<i32>} : memref<1024xi32, #tpu.memory_space<vmem>>, vector<16xi32>,
          %get3A_401 = vector.shape_cast %get3A_400 : vector<16xi32> to vector<16xi32>
          %add3A_402 = arith.constant 100096 : i32
          %add3A_403 = vector.broadcast %add3A_402 : i32 to vector<16xi32>
          %add3A_404 = arith.addi %get3A_401, %add3A_403 : vector<16xi32>
          %swap3A_405 = arith.index_cast %add3A_398 : i32 to index
          %swap3A_406 = tpu.vector_load %arg9[%swap3A_405] {strides = array<i32>} : memref<1024xi32, #tpu.memory_space<vmem>>, vector<16xi32>,
          %swap3A_407 = vector.shape_cast %swap3A_406 : vector<16xi32> to vector<16xi32>
          %swap3A_408 = vector.shape_cast %add3A_404 : vector<16xi32> to vector<16xi32>
          tpu.vector_store %arg9[%swap3A_405], %swap3A_408 {strides = array<i32>} : memref<1024xi32, #tpu.memory_space<vmem>>, vector<16xi32>,
          %mul3A_409 = arith.constant 64 : i32
          %mul3A_410 = arith.muli %scan3A_381, %mul3A_409 : i32
          %add3A_411 = arith.constant 32 : i32
          %add3A_412 = arith.addi %mul3A_410, %add3A_411 : i32
          %get3A_413 = arith.index_cast %add3A_412 : i32 to index
          %get3A_414 = tpu.vector_load %arg9[%get3A_413] {strides = array<i32>} : memref<1024xi32, #tpu.memory_space<vmem>>, vector<16xi32>,
          %get3A_415 = vector.shape_cast %get3A_414 : vector<16xi32> to vector<16xi32>
          %add3A_416 = arith.constant 100096 : i32
          %add3A_417 = vector.broadcast %add3A_416 : i32 to vector<16xi32>
          %add3A_418 = arith.addi %get3A_415, %add3A_417 : vector<16xi32>
          %swap3A_419 = arith.index_cast %add3A_412 : i32 to index
          %swap3A_420 = tpu.vector_load %arg9[%swap3A_419] {strides = array<i32>} : memref<1024xi32, #tpu.memory_space<vmem>>, vector<16xi32>,
          %swap3A_421 = vector.shape_cast %swap3A_420 : vector<16xi32> to vector<16xi32>
          %swap3A_422 = vector.shape_cast %add3A_418 : vector<16xi32> to vector<16xi32>
          tpu.vector_store %arg9[%swap3A_419], %swap3A_422 {strides = array<i32>} : memref<1024xi32, #tpu.memory_space<vmem>>, vector<16xi32>,
          %mul3A_423 = arith.constant 64 : i32
          %mul3A_424 = arith.muli %scan3A_381, %mul3A_423 : i32
          %add3A_425 = arith.constant 48 : i32
          %add3A_426 = arith.addi %mul3A_424, %add3A_425 : i32
          %get3A_427 = arith.index_cast %add3A_426 : i32 to index
          %get3A_428 = tpu.vector_load %arg9[%get3A_427] {strides = array<i32>} : memref<1024xi32, #tpu.memory_space<vmem>>, vector<16xi32>,
          %get3A_429 = vector.shape_cast %get3A_428 : vector<16xi32> to vector<16xi32>
          %add3A_430 = arith.constant 100096 : i32
          %add3A_431 = vector.broadcast %add3A_430 : i32 to vector<16xi32>
          %add3A_432 = arith.addi %get3A_429, %add3A_431 : vector<16xi32>
          %swap3A_433 = arith.index_cast %add3A_426 : i32 to index
          %swap3A_434 = tpu.vector_load %arg9[%swap3A_433] {strides = array<i32>} : memref<1024xi32, #tpu.memory_space<vmem>>, vector<16xi32>,
          %swap3A_435 = vector.shape_cast %swap3A_434 : vector<16xi32> to vector<16xi32>
          %swap3A_436 = vector.shape_cast %add3A_432 : vector<16xi32> to vector<16xi32>
          tpu.vector_store %arg9[%swap3A_433], %swap3A_436 {strides = array<i32>} : memref<1024xi32, #tpu.memory_space<vmem>>, vector<16xi32>,
          %scan3A_437 = arith.constant 0 : i32
          scf.yield %scan3A_437 : i32
        }
        %scan3A_74 = arith.constant 16 : i32
        %dma_start3A_75 = arith.constant 0 : i32
        %dma_start3A_76 = tpu.memref_slice %arg6[%dma_start3A_75] : memref<800768xf32, #tpu.memory_space<vmem_shared>> -> memref<800768xf32, #tpu.memory_space<vmem_shared>>
        tpu.enqueue_indirect_dma source(%dma_start3A_76 : memref<800768xf32, #tpu.memory_space<vmem_shared>>) target(%arg12 : memref<1024xf32, #tpu.memory_space<vmem>>) offsets(%arg9 : memref<1024xi32, #tpu.memory_space<vmem>>) semaphore(%arg14 : memref<!tpu.dma_semaphore, #tpu.memory_space<semaphore_mem>>)
        %scan3A_77 = arith.constant 0 : i32
        %scan3A_78 = arith.constant 0 : i32
        %scan3A_79 = arith.constant 16 : i32
        %scan3A_80 = arith.addi %scan3A_78, %scan3A_79 : i32
        %scan3A_81 = arith.constant 1 : i32
        %scan3A_82 = scf.for %scan3A_381 = %scan3A_78 to %scan3A_80 step %scan3A_81 iter_args(%scan3A_382 = %scan3A_77) -> (i32)  : i32 {
          %mul3A_383 = arith.constant 64 : i32
          %mul3A_384 = arith.muli %scan3A_381, %mul3A_383 : i32
          %add3A_385 = arith.constant 0 : i32
          %add3A_386 = arith.addi %mul3A_384, %add3A_385 : i32
          %get3A = arith.index_cast %add3A_386 : i32 to index
          %get3A_387 = tpu.vector_load %arg11[%get3A] {strides = array<i32>} : memref<1024xf32, #tpu.memory_space<vmem>>, vector<16xf32>,
          %get3A_388 = vector.shape_cast %get3A_387 : vector<16xf32> to vector<16xf32>
          %swap3A = arith.constant 0 : i32
          %swap3A_389 = arith.index_cast %swap3A : i32 to index
          %swap3A_390 = arith.index_cast %add3A_386 : i32 to index
          %swap3A_391 = tpu.vector_load %arg10[%swap3A_389, %swap3A_390] {strides = array<i32>} : memref<8x1024xf32, #tpu.memory_space<vmem>>, vector<1x16xf32>,
          %swap3A_392 = vector.shape_cast %swap3A_391 : vector<1x16xf32> to vector<16xf32>
          %swap3A_393 = vector.shape_cast %get3A_388 : vector<16xf32> to vector<1x16xf32>
          tpu.vector_store %arg10[%swap3A_389, %swap3A_390], %swap3A_393 {strides = array<i32>} : memref<8x1024xf32, #tpu.memory_space<vmem>>, vector<1x16xf32>,
          %mul3A_394 = arith.constant 64 : i32
          %mul3A_395 = arith.muli %scan3A_381, %mul3A_394 : i32
          %add3A_396 = arith.constant 16 : i32
          %add3A_397 = arith.addi %mul3A_395, %add3A_396 : i32
          %get3A_398 = arith.index_cast %add3A_397 : i32 to index
          %get3A_399 = tpu.vector_load %arg11[%get3A_398] {strides = array<i32>} : memref<1024xf32, #tpu.memory_space<vmem>>, vector<16xf32>,
          %get3A_400 = vector.shape_cast %get3A_399 : vector<16xf32> to vector<16xf32>
          %swap3A_401 = arith.constant 0 : i32
          %swap3A_402 = arith.index_cast %swap3A_401 : i32 to index
          %swap3A_403 = arith.index_cast %add3A_397 : i32 to index
          %swap3A_404 = tpu.vector_load %arg10[%swap3A_402, %swap3A_403] {strides = array<i32>} : memref<8x1024xf32, #tpu.memory_space<vmem>>, vector<1x16xf32>,
          %swap3A_405 = vector.shape_cast %swap3A_404 : vector<1x16xf32> to vector<16xf32>
          %swap3A_406 = vector.shape_cast %get3A_400 : vector<16xf32> to vector<1x16xf32>
          tpu.vector_store %arg10[%swap3A_402, %swap3A_403], %swap3A_406 {strides = array<i32>} : memref<8x1024xf32, #tpu.memory_space<vmem>>, vector<1x16xf32>,
          %mul3A_407 = arith.constant 64 : i32
          %mul3A_408 = arith.muli %scan3A_381, %mul3A_407 : i32
          %add3A_409 = arith.constant 32 : i32
          %add3A_410 = arith.addi %mul3A_408, %add3A_409 : i32
          %get3A_411 = arith.index_cast %add3A_410 : i32 to index
          %get3A_412 = tpu.vector_load %arg11[%get3A_411] {strides = array<i32>} : memref<1024xf32, #tpu.memory_space<vmem>>, vector<16xf32>,
          %get3A_413 = vector.shape_cast %get3A_412 : vector<16xf32> to vector<16xf32>
          %swap3A_414 = arith.constant 0 : i32
          %swap3A_415 = arith.index_cast %swap3A_414 : i32 to index
          %swap3A_416 = arith.index_cast %add3A_410 : i32 to index
          %swap3A_417 = tpu.vector_load %arg10[%swap3A_415, %swap3A_416] {strides = array<i32>} : memref<8x1024xf32, #tpu.memory_space<vmem>>, vector<1x16xf32>,
          %swap3A_418 = vector.shape_cast %swap3A_417 : vector<1x16xf32> to vector<16xf32>
          %swap3A_419 = vector.shape_cast %get3A_413 : vector<16xf32> to vector<1x16xf32>
          tpu.vector_store %arg10[%swap3A_415, %swap3A_416], %swap3A_419 {strides = array<i32>} : memref<8x1024xf32, #tpu.memory_space<vmem>>, vector<1x16xf32>,
          %mul3A_420 = arith.constant 64 : i32
          %mul3A_421 = arith.muli %scan3A_381, %mul3A_420 : i32
          %add3A_422 = arith.constant 48 : i32
          %add3A_423 = arith.addi %mul3A_421, %add3A_422 : i32
          %get3A_424 = arith.index_cast %add3A_423 : i32 to index
          %get3A_425 = tpu.vector_load %arg11[%get3A_424] {strides = array<i32>} : memref<1024xf32, #tpu.memory_space<vmem>>, vector<16xf32>,
          %get3A_426 = vector.shape_cast %get3A_425 : vector<16xf32> to vector<16xf32>
          %swap3A_427 = arith.constant 0 : i32
          %swap3A_428 = arith.index_cast %swap3A_427 : i32 to index
          %swap3A_429 = arith.index_cast %add3A_423 : i32 to index
          %swap3A_430 = tpu.vector_load %arg10[%swap3A_428, %swap3A_429] {strides = array<i32>} : memref<8x1024xf32, #tpu.memory_space<vmem>>, vector<1x16xf32>,
          %swap3A_431 = vector.shape_cast %swap3A_430 : vector<1x16xf32> to vector<16xf32>
          %swap3A_432 = vector.shape_cast %get3A_426 : vector<16xf32> to vector<1x16xf32>
          tpu.vector_store %arg10[%swap3A_428, %swap3A_429], %swap3A_432 {strides = array<i32>} : memref<8x1024xf32, #tpu.memory_space<vmem>>, vector<1x16xf32>,
          %scan3A_433 = arith.constant 0 : i32
          scf.yield %scan3A_433 : i32
        }
        %scan3A_83 = arith.constant 16 : i32
        %dma_wait3A_84 = arith.constant 0 : i32
        %dma_wait3A_85 = tpu.memref_slice %arg6[%dma_wait3A_84] : memref<800768xf32, #tpu.memory_space<vmem_shared>> -> memref<800768xf32, #tpu.memory_space<vmem_shared>>
        tpu.wait_indirect_dma semaphore(%arg14 : memref<!tpu.dma_semaphore, #tpu.memory_space<semaphore_mem>>) src(%dma_wait3A_85 : memref<800768xf32, #tpu.memory_space<vmem_shared>>) dst(%arg12 : memref<1024xf32, #tpu.memory_space<vmem>>)
        %scan3A_86 = arith.constant 0 : i32
        %scan3A_87 = arith.constant 0 : i32
        %scan3A_88 = arith.constant 16 : i32
        %scan3A_89 = arith.addi %scan3A_87, %scan3A_88 : i32
        %scan3A_90 = arith.constant 1 : i32
        %scan3A_91 = scf.for %scan3A_381 = %scan3A_87 to %scan3A_89 step %scan3A_90 iter_args(%scan3A_382 = %scan3A_86) -> (i32)  : i32 {
          %mul3A_383 = arith.constant 64 : i32
          %mul3A_384 = arith.muli %scan3A_381, %mul3A_383 : i32
          %add3A_385 = arith.constant 0 : i32
          %add3A_386 = arith.addi %mul3A_384, %add3A_385 : i32
          %get3A = arith.index_cast %add3A_386 : i32 to index
          %get3A_387 = tpu.vector_load %arg9[%get3A] {strides = array<i32>} : memref<1024xi32, #tpu.memory_space<vmem>>, vector<16xi32>,
          %get3A_388 = vector.shape_cast %get3A_387 : vector<16xi32> to vector<16xi32>
          %add3A_389 = arith.constant 100096 : i32
          %add3A_390 = vector.broadcast %add3A_389 : i32 to vector<16xi32>
          %add3A_391 = arith.addi %get3A_388, %add3A_390 : vector<16xi32>
          %swap3A = arith.index_cast %add3A_386 : i32 to index
          %swap3A_392 = tpu.vector_load %arg9[%swap3A] {strides = array<i32>} : memref<1024xi32, #tpu.memory_space<vmem>>, vector<16xi32>,
          %swap3A_393 = vector.shape_cast %swap3A_392 : vector<16xi32> to vector<16xi32>
          %swap3A_394 = vector.shape_cast %add3A_391 : vector<16xi32> to vector<16xi32>
          tpu.vector_store %arg9[%swap3A], %swap3A_394 {strides = array<i32>} : memref<1024xi32, #tpu.memory_space<vmem>>, vector<16xi32>,
          %mul3A_395 = arith.constant 64 : i32
          %mul3A_396 = arith.muli %scan3A_381, %mul3A_395 : i32
          %add3A_397 = arith.constant 16 : i32
          %add3A_398 = arith.addi %mul3A_396, %add3A_397 : i32
          %get3A_399 = arith.index_cast %add3A_398 : i32 to index
          %get3A_400 = tpu.vector_load %arg9[%get3A_399] {strides = array<i32>} : memref<1024xi32, #tpu.memory_space<vmem>>, vector<16xi32>,
          %get3A_401 = vector.shape_cast %get3A_400 : vector<16xi32> to vector<16xi32>
          %add3A_402 = arith.constant 100096 : i32
          %add3A_403 = vector.broadcast %add3A_402 : i32 to vector<16xi32>
          %add3A_404 = arith.addi %get3A_401, %add3A_403 : vector<16xi32>
          %swap3A_405 = arith.index_cast %add3A_398 : i32 to index
          %swap3A_406 = tpu.vector_load %arg9[%swap3A_405] {strides = array<i32>} : memref<1024xi32, #tpu.memory_space<vmem>>, vector<16xi32>,
          %swap3A_407 = vector.shape_cast %swap3A_406 : vector<16xi32> to vector<16xi32>
          %swap3A_408 = vector.shape_cast %add3A_404 : vector<16xi32> to vector<16xi32>
          tpu.vector_store %arg9[%swap3A_405], %swap3A_408 {strides = array<i32>} : memref<1024xi32, #tpu.memory_space<vmem>>, vector<16xi32>,
          %mul3A_409 = arith.constant 64 : i32
          %mul3A_410 = arith.muli %scan3A_381, %mul3A_409 : i32
          %add3A_411 = arith.constant 32 : i32
          %add3A_412 = arith.addi %mul3A_410, %add3A_411 : i32
          %get3A_413 = arith.index_cast %add3A_412 : i32 to index
          %get3A_414 = tpu.vector_load %arg9[%get3A_413] {strides = array<i32>} : memref<1024xi32, #tpu.memory_space<vmem>>, vector<16xi32>,
          %get3A_415 = vector.shape_cast %get3A_414 : vector<16xi32> to vector<16xi32>
          %add3A_416 = arith.constant 100096 : i32
          %add3A_417 = vector.broadcast %add3A_416 : i32 to vector<16xi32>
          %add3A_418 = arith.addi %get3A_415, %add3A_417 : vector<16xi32>
          %swap3A_419 = arith.index_cast %add3A_412 : i32 to index
          %swap3A_420 = tpu.vector_load %arg9[%swap3A_419] {strides = array<i32>} : memref<1024xi32, #tpu.memory_space<vmem>>, vector<16xi32>,
          %swap3A_421 = vector.shape_cast %swap3A_420 : vector<16xi32> to vector<16xi32>
          %swap3A_422 = vector.shape_cast %add3A_418 : vector<16xi32> to vector<16xi32>
          tpu.vector_store %arg9[%swap3A_419], %swap3A_422 {strides = array<i32>} : memref<1024xi32, #tpu.memory_space<vmem>>, vector<16xi32>,
          %mul3A_423 = arith.constant 64 : i32
          %mul3A_424 = arith.muli %scan3A_381, %mul3A_423 : i32
          %add3A_425 = arith.constant 48 : i32
          %add3A_426 = arith.addi %mul3A_424, %add3A_425 : i32
          %get3A_427 = arith.index_cast %add3A_426 : i32 to index
          %get3A_428 = tpu.vector_load %arg9[%get3A_427] {strides = array<i32>} : memref<1024xi32, #tpu.memory_space<vmem>>, vector<16xi32>,
          %get3A_429 = vector.shape_cast %get3A_428 : vector<16xi32> to vector<16xi32>
          %add3A_430 = arith.constant 100096 : i32
          %add3A_431 = vector.broadcast %add3A_430 : i32 to vector<16xi32>
          %add3A_432 = arith.addi %get3A_429, %add3A_431 : vector<16xi32>
          %swap3A_433 = arith.index_cast %add3A_426 : i32 to index
          %swap3A_434 = tpu.vector_load %arg9[%swap3A_433] {strides = array<i32>} : memref<1024xi32, #tpu.memory_space<vmem>>, vector<16xi32>,
          %swap3A_435 = vector.shape_cast %swap3A_434 : vector<16xi32> to vector<16xi32>
          %swap3A_436 = vector.shape_cast %add3A_432 : vector<16xi32> to vector<16xi32>
          tpu.vector_store %arg9[%swap3A_433], %swap3A_436 {strides = array<i32>} : memref<1024xi32, #tpu.memory_space<vmem>>, vector<16xi32>,
          %scan3A_437 = arith.constant 0 : i32
          scf.yield %scan3A_437 : i32
        }
        %scan3A_92 = arith.constant 16 : i32
        %dma_start3A_93 = arith.constant 0 : i32
        %dma_start3A_94 = tpu.memref_slice %arg6[%dma_start3A_93] : memref<800768xf32, #tpu.memory_space<vmem_shared>> -> memref<800768xf32, #tpu.memory_space<vmem_shared>>
        tpu.enqueue_indirect_dma source(%dma_start3A_94 : memref<800768xf32, #tpu.memory_space<vmem_shared>>) target(%arg11 : memref<1024xf32, #tpu.memory_space<vmem>>) offsets(%arg9 : memref<1024xi32, #tpu.memory_space<vmem>>) semaphore(%arg13 : memref<!tpu.dma_semaphore, #tpu.memory_space<semaphore_mem>>)
        %scan3A_95 = arith.constant 0 : i32
        %scan3A_96 = arith.constant 0 : i32
        %scan3A_97 = arith.constant 16 : i32
        %scan3A_98 = arith.addi %scan3A_96, %scan3A_97 : i32
        %scan3A_99 = arith.constant 1 : i32
        %scan3A_100 = scf.for %scan3A_381 = %scan3A_96 to %scan3A_98 step %scan3A_99 iter_args(%scan3A_382 = %scan3A_95) -> (i32)  : i32 {
          %mul3A_383 = arith.constant 64 : i32
          %mul3A_384 = arith.muli %scan3A_381, %mul3A_383 : i32
          %add3A_385 = arith.constant 0 : i32
          %add3A_386 = arith.addi %mul3A_384, %add3A_385 : i32
          %get3A = arith.index_cast %add3A_386 : i32 to index
          %get3A_387 = tpu.vector_load %arg12[%get3A] {strides = array<i32>} : memref<1024xf32, #tpu.memory_space<vmem>>, vector<16xf32>,
          %get3A_388 = vector.shape_cast %get3A_387 : vector<16xf32> to vector<16xf32>
          %swap3A = arith.constant 1 : i32
          %swap3A_389 = arith.index_cast %swap3A : i32 to index
          %swap3A_390 = arith.index_cast %add3A_386 : i32 to index
          %swap3A_391 = tpu.vector_load %arg10[%swap3A_389, %swap3A_390] {strides = array<i32>} : memref<8x1024xf32, #tpu.memory_space<vmem>>, vector<1x16xf32>,
          %swap3A_392 = vector.shape_cast %swap3A_391 : vector<1x16xf32> to vector<16xf32>
          %swap3A_393 = vector.shape_cast %get3A_388 : vector<16xf32> to vector<1x16xf32>
          tpu.vector_store %arg10[%swap3A_389, %swap3A_390], %swap3A_393 {strides = array<i32>} : memref<8x1024xf32, #tpu.memory_space<vmem>>, vector<1x16xf32>,
          %mul3A_394 = arith.constant 64 : i32
          %mul3A_395 = arith.muli %scan3A_381, %mul3A_394 : i32
          %add3A_396 = arith.constant 16 : i32
          %add3A_397 = arith.addi %mul3A_395, %add3A_396 : i32
          %get3A_398 = arith.index_cast %add3A_397 : i32 to index
          %get3A_399 = tpu.vector_load %arg12[%get3A_398] {strides = array<i32>} : memref<1024xf32, #tpu.memory_space<vmem>>, vector<16xf32>,
          %get3A_400 = vector.shape_cast %get3A_399 : vector<16xf32> to vector<16xf32>
          %swap3A_401 = arith.constant 1 : i32
          %swap3A_402 = arith.index_cast %swap3A_401 : i32 to index
          %swap3A_403 = arith.index_cast %add3A_397 : i32 to index
          %swap3A_404 = tpu.vector_load %arg10[%swap3A_402, %swap3A_403] {strides = array<i32>} : memref<8x1024xf32, #tpu.memory_space<vmem>>, vector<1x16xf32>,
          %swap3A_405 = vector.shape_cast %swap3A_404 : vector<1x16xf32> to vector<16xf32>
          %swap3A_406 = vector.shape_cast %get3A_400 : vector<16xf32> to vector<1x16xf32>
          tpu.vector_store %arg10[%swap3A_402, %swap3A_403], %swap3A_406 {strides = array<i32>} : memref<8x1024xf32, #tpu.memory_space<vmem>>, vector<1x16xf32>,
          %mul3A_407 = arith.constant 64 : i32
          %mul3A_408 = arith.muli %scan3A_381, %mul3A_407 : i32
          %add3A_409 = arith.constant 32 : i32
          %add3A_410 = arith.addi %mul3A_408, %add3A_409 : i32
          %get3A_411 = arith.index_cast %add3A_410 : i32 to index
          %get3A_412 = tpu.vector_load %arg12[%get3A_411] {strides = array<i32>} : memref<1024xf32, #tpu.memory_space<vmem>>, vector<16xf32>,
          %get3A_413 = vector.shape_cast %get3A_412 : vector<16xf32> to vector<16xf32>
          %swap3A_414 = arith.constant 1 : i32
          %swap3A_415 = arith.index_cast %swap3A_414 : i32 to index
          %swap3A_416 = arith.index_cast %add3A_410 : i32 to index
          %swap3A_417 = tpu.vector_load %arg10[%swap3A_415, %swap3A_416] {strides = array<i32>} : memref<8x1024xf32, #tpu.memory_space<vmem>>, vector<1x16xf32>,
          %swap3A_418 = vector.shape_cast %swap3A_417 : vector<1x16xf32> to vector<16xf32>
          %swap3A_419 = vector.shape_cast %get3A_413 : vector<16xf32> to vector<1x16xf32>
          tpu.vector_store %arg10[%swap3A_415, %swap3A_416], %swap3A_419 {strides = array<i32>} : memref<8x1024xf32, #tpu.memory_space<vmem>>, vector<1x16xf32>,
          %mul3A_420 = arith.constant 64 : i32
          %mul3A_421 = arith.muli %scan3A_381, %mul3A_420 : i32
          %add3A_422 = arith.constant 48 : i32
          %add3A_423 = arith.addi %mul3A_421, %add3A_422 : i32
          %get3A_424 = arith.index_cast %add3A_423 : i32 to index
          %get3A_425 = tpu.vector_load %arg12[%get3A_424] {strides = array<i32>} : memref<1024xf32, #tpu.memory_space<vmem>>, vector<16xf32>,
          %get3A_426 = vector.shape_cast %get3A_425 : vector<16xf32> to vector<16xf32>
          %swap3A_427 = arith.constant 1 : i32
          %swap3A_428 = arith.index_cast %swap3A_427 : i32 to index
          %swap3A_429 = arith.index_cast %add3A_423 : i32 to index
          %swap3A_430 = tpu.vector_load %arg10[%swap3A_428, %swap3A_429] {strides = array<i32>} : memref<8x1024xf32, #tpu.memory_space<vmem>>, vector<1x16xf32>,
          %swap3A_431 = vector.shape_cast %swap3A_430 : vector<1x16xf32> to vector<16xf32>
          %swap3A_432 = vector.shape_cast %get3A_426 : vector<16xf32> to vector<1x16xf32>
          tpu.vector_store %arg10[%swap3A_428, %swap3A_429], %swap3A_432 {strides = array<i32>} : memref<8x1024xf32, #tpu.memory_space<vmem>>, vector<1x16xf32>,
          %scan3A_433 = arith.constant 0 : i32
          scf.yield %scan3A_433 : i32
        }
        %scan3A_101 = arith.constant 16 : i32
        %dma_wait3A_102 = arith.constant 0 : i32
        %dma_wait3A_103 = tpu.memref_slice %arg6[%dma_wait3A_102] : memref<800768xf32, #tpu.memory_space<vmem_shared>> -> memref<800768xf32, #tpu.memory_space<vmem_shared>>
        tpu.wait_indirect_dma semaphore(%arg13 : memref<!tpu.dma_semaphore, #tpu.memory_space<semaphore_mem>>) src(%dma_wait3A_103 : memref<800768xf32, #tpu.memory_space<vmem_shared>>) dst(%arg11 : memref<1024xf32, #tpu.memory_space<vmem>>)
        %scan3A_104 = arith.constant 0 : i32
        %scan3A_105 = arith.constant 0 : i32
        %scan3A_106 = arith.constant 16 : i32
        %scan3A_107 = arith.addi %scan3A_105, %scan3A_106 : i32
        %scan3A_108 = arith.constant 1 : i32
        %scan3A_109 = scf.for %scan3A_381 = %scan3A_105 to %scan3A_107 step %scan3A_108 iter_args(%scan3A_382 = %scan3A_104) -> (i32)  : i32 {
          %mul3A_383 = arith.constant 64 : i32
          %mul3A_384 = arith.muli %scan3A_381, %mul3A_383 : i32
          %add3A_385 = arith.constant 0 : i32
          %add3A_386 = arith.addi %mul3A_384, %add3A_385 : i32
          %get3A = arith.index_cast %add3A_386 : i32 to index
          %get3A_387 = tpu.vector_load %arg9[%get3A] {strides = array<i32>} : memref<1024xi32, #tpu.memory_space<vmem>>, vector<16xi32>,
          %get3A_388 = vector.shape_cast %get3A_387 : vector<16xi32> to vector<16xi32>
          %add3A_389 = arith.constant 100096 : i32
          %add3A_390 = vector.broadcast %add3A_389 : i32 to vector<16xi32>
          %add3A_391 = arith.addi %get3A_388, %add3A_390 : vector<16xi32>
          %swap3A = arith.index_cast %add3A_386 : i32 to index
          %swap3A_392 = tpu.vector_load %arg9[%swap3A] {strides = array<i32>} : memref<1024xi32, #tpu.memory_space<vmem>>, vector<16xi32>,
          %swap3A_393 = vector.shape_cast %swap3A_392 : vector<16xi32> to vector<16xi32>
          %swap3A_394 = vector.shape_cast %add3A_391 : vector<16xi32> to vector<16xi32>
          tpu.vector_store %arg9[%swap3A], %swap3A_394 {strides = array<i32>} : memref<1024xi32, #tpu.memory_space<vmem>>, vector<16xi32>,
          %mul3A_395 = arith.constant 64 : i32
          %mul3A_396 = arith.muli %scan3A_381, %mul3A_395 : i32
          %add3A_397 = arith.constant 16 : i32
          %add3A_398 = arith.addi %mul3A_396, %add3A_397 : i32
          %get3A_399 = arith.index_cast %add3A_398 : i32 to index
          %get3A_400 = tpu.vector_load %arg9[%get3A_399] {strides = array<i32>} : memref<1024xi32, #tpu.memory_space<vmem>>, vector<16xi32>,
          %get3A_401 = vector.shape_cast %get3A_400 : vector<16xi32> to vector<16xi32>
          %add3A_402 = arith.constant 100096 : i32
          %add3A_403 = vector.broadcast %add3A_402 : i32 to vector<16xi32>
          %add3A_404 = arith.addi %get3A_401, %add3A_403 : vector<16xi32>
          %swap3A_405 = arith.index_cast %add3A_398 : i32 to index
          %swap3A_406 = tpu.vector_load %arg9[%swap3A_405] {strides = array<i32>} : memref<1024xi32, #tpu.memory_space<vmem>>, vector<16xi32>,
          %swap3A_407 = vector.shape_cast %swap3A_406 : vector<16xi32> to vector<16xi32>
          %swap3A_408 = vector.shape_cast %add3A_404 : vector<16xi32> to vector<16xi32>
          tpu.vector_store %arg9[%swap3A_405], %swap3A_408 {strides = array<i32>} : memref<1024xi32, #tpu.memory_space<vmem>>, vector<16xi32>,
          %mul3A_409 = arith.constant 64 : i32
          %mul3A_410 = arith.muli %scan3A_381, %mul3A_409 : i32
          %add3A_411 = arith.constant 32 : i32
          %add3A_412 = arith.addi %mul3A_410, %add3A_411 : i32
          %get3A_413 = arith.index_cast %add3A_412 : i32 to index
          %get3A_414 = tpu.vector_load %arg9[%get3A_413] {strides = array<i32>} : memref<1024xi32, #tpu.memory_space<vmem>>, vector<16xi32>,
          %get3A_415 = vector.shape_cast %get3A_414 : vector<16xi32> to vector<16xi32>
          %add3A_416 = arith.constant 100096 : i32
          %add3A_417 = vector.broadcast %add3A_416 : i32 to vector<16xi32>
          %add3A_418 = arith.addi %get3A_415, %add3A_417 : vector<16xi32>
          %swap3A_419 = arith.index_cast %add3A_412 : i32 to index
          %swap3A_420 = tpu.vector_load %arg9[%swap3A_419] {strides = array<i32>} : memref<1024xi32, #tpu.memory_space<vmem>>, vector<16xi32>,
          %swap3A_421 = vector.shape_cast %swap3A_420 : vector<16xi32> to vector<16xi32>
          %swap3A_422 = vector.shape_cast %add3A_418 : vector<16xi32> to vector<16xi32>
          tpu.vector_store %arg9[%swap3A_419], %swap3A_422 {strides = array<i32>} : memref<1024xi32, #tpu.memory_space<vmem>>, vector<16xi32>,
          %mul3A_423 = arith.constant 64 : i32
          %mul3A_424 = arith.muli %scan3A_381, %mul3A_423 : i32
          %add3A_425 = arith.constant 48 : i32
          %add3A_426 = arith.addi %mul3A_424, %add3A_425 : i32
          %get3A_427 = arith.index_cast %add3A_426 : i32 to index
          %get3A_428 = tpu.vector_load %arg9[%get3A_427] {strides = array<i32>} : memref<1024xi32, #tpu.memory_space<vmem>>, vector<16xi32>,
          %get3A_429 = vector.shape_cast %get3A_428 : vector<16xi32> to vector<16xi32>
          %add3A_430 = arith.constant 100096 : i32
          %add3A_431 = vector.broadcast %add3A_430 : i32 to vector<16xi32>
          %add3A_432 = arith.addi %get3A_429, %add3A_431 : vector<16xi32>
          %swap3A_433 = arith.index_cast %add3A_426 : i32 to index
          %swap3A_434 = tpu.vector_load %arg9[%swap3A_433] {strides = array<i32>} : memref<1024xi32, #tpu.memory_space<vmem>>, vector<16xi32>,
          %swap3A_435 = vector.shape_cast %swap3A_434 : vector<16xi32> to vector<16xi32>
          %swap3A_436 = vector.shape_cast %add3A_432 : vector<16xi32> to vector<16xi32>
          tpu.vector_store %arg9[%swap3A_433], %swap3A_436 {strides = array<i32>} : memref<1024xi32, #tpu.memory_space<vmem>>, vector<16xi32>,
          %scan3A_437 = arith.constant 0 : i32
          scf.yield %scan3A_437 : i32
        }
        %scan3A_110 = arith.constant 16 : i32
        %dma_start3A_111 = arith.constant 0 : i32
        %dma_start3A_112 = tpu.memref_slice %arg6[%dma_start3A_111] : memref<800768xf32, #tpu.memory_space<vmem_shared>> -> memref<800768xf32, #tpu.memory_space<vmem_shared>>
        tpu.enqueue_indirect_dma source(%dma_start3A_112 : memref<800768xf32, #tpu.memory_space<vmem_shared>>) target(%arg12 : memref<1024xf32, #tpu.memory_space<vmem>>) offsets(%arg9 : memref<1024xi32, #tpu.memory_space<vmem>>) semaphore(%arg14 : memref<!tpu.dma_semaphore, #tpu.memory_space<semaphore_mem>>)
        %scan3A_113 = arith.constant 0 : i32
        %scan3A_114 = arith.constant 0 : i32
        %scan3A_115 = arith.constant 16 : i32
        %scan3A_116 = arith.addi %scan3A_114, %scan3A_115 : i32
        %scan3A_117 = arith.constant 1 : i32
        %scan3A_118 = scf.for %scan3A_381 = %scan3A_114 to %scan3A_116 step %scan3A_117 iter_args(%scan3A_382 = %scan3A_113) -> (i32)  : i32 {
          %mul3A_383 = arith.constant 64 : i32
          %mul3A_384 = arith.muli %scan3A_381, %mul3A_383 : i32
          %add3A_385 = arith.constant 0 : i32
          %add3A_386 = arith.addi %mul3A_384, %add3A_385 : i32
          %get3A = arith.index_cast %add3A_386 : i32 to index
          %get3A_387 = tpu.vector_load %arg11[%get3A] {strides = array<i32>} : memref<1024xf32, #tpu.memory_space<vmem>>, vector<16xf32>,
          %get3A_388 = vector.shape_cast %get3A_387 : vector<16xf32> to vector<16xf32>
          %swap3A = arith.constant 2 : i32
          %swap3A_389 = arith.index_cast %swap3A : i32 to index
          %swap3A_390 = arith.index_cast %add3A_386 : i32 to index
          %swap3A_391 = tpu.vector_load %arg10[%swap3A_389, %swap3A_390] {strides = array<i32>} : memref<8x1024xf32, #tpu.memory_space<vmem>>, vector<1x16xf32>,
          %swap3A_392 = vector.shape_cast %swap3A_391 : vector<1x16xf32> to vector<16xf32>
          %swap3A_393 = vector.shape_cast %get3A_388 : vector<16xf32> to vector<1x16xf32>
          tpu.vector_store %arg10[%swap3A_389, %swap3A_390], %swap3A_393 {strides = array<i32>} : memref<8x1024xf32, #tpu.memory_space<vmem>>, vector<1x16xf32>,
          %mul3A_394 = arith.constant 64 : i32
          %mul3A_395 = arith.muli %scan3A_381, %mul3A_394 : i32
          %add3A_396 = arith.constant 16 : i32
          %add3A_397 = arith.addi %mul3A_395, %add3A_396 : i32
          %get3A_398 = arith.index_cast %add3A_397 : i32 to index
          %get3A_399 = tpu.vector_load %arg11[%get3A_398] {strides = array<i32>} : memref<1024xf32, #tpu.memory_space<vmem>>, vector<16xf32>,
          %get3A_400 = vector.shape_cast %get3A_399 : vector<16xf32> to vector<16xf32>
          %swap3A_401 = arith.constant 2 : i32
          %swap3A_402 = arith.index_cast %swap3A_401 : i32 to index
          %swap3A_403 = arith.index_cast %add3A_397 : i32 to index
          %swap3A_404 = tpu.vector_load %arg10[%swap3A_402, %swap3A_403] {strides = array<i32>} : memref<8x1024xf32, #tpu.memory_space<vmem>>, vector<1x16xf32>,
          %swap3A_405 = vector.shape_cast %swap3A_404 : vector<1x16xf32> to vector<16xf32>
          %swap3A_406 = vector.shape_cast %get3A_400 : vector<16xf32> to vector<1x16xf32>
          tpu.vector_store %arg10[%swap3A_402, %swap3A_403], %swap3A_406 {strides = array<i32>} : memref<8x1024xf32, #tpu.memory_space<vmem>>, vector<1x16xf32>,
          %mul3A_407 = arith.constant 64 : i32
          %mul3A_408 = arith.muli %scan3A_381, %mul3A_407 : i32
          %add3A_409 = arith.constant 32 : i32
          %add3A_410 = arith.addi %mul3A_408, %add3A_409 : i32
          %get3A_411 = arith.index_cast %add3A_410 : i32 to index
          %get3A_412 = tpu.vector_load %arg11[%get3A_411] {strides = array<i32>} : memref<1024xf32, #tpu.memory_space<vmem>>, vector<16xf32>,
          %get3A_413 = vector.shape_cast %get3A_412 : vector<16xf32> to vector<16xf32>
          %swap3A_414 = arith.constant 2 : i32
          %swap3A_415 = arith.index_cast %swap3A_414 : i32 to index
          %swap3A_416 = arith.index_cast %add3A_410 : i32 to index
          %swap3A_417 = tpu.vector_load %arg10[%swap3A_415, %swap3A_416] {strides = array<i32>} : memref<8x1024xf32, #tpu.memory_space<vmem>>, vector<1x16xf32>,
          %swap3A_418 = vector.shape_cast %swap3A_417 : vector<1x16xf32> to vector<16xf32>
          %swap3A_419 = vector.shape_cast %get3A_413 : vector<16xf32> to vector<1x16xf32>
          tpu.vector_store %arg10[%swap3A_415, %swap3A_416], %swap3A_419 {strides = array<i32>} : memref<8x1024xf32, #tpu.memory_space<vmem>>, vector<1x16xf32>,
          %mul3A_420 = arith.constant 64 : i32
          %mul3A_421 = arith.muli %scan3A_381, %mul3A_420 : i32
          %add3A_422 = arith.constant 48 : i32
          %add3A_423 = arith.addi %mul3A_421, %add3A_422 : i32
          %get3A_424 = arith.index_cast %add3A_423 : i32 to index
          %get3A_425 = tpu.vector_load %arg11[%get3A_424] {strides = array<i32>} : memref<1024xf32, #tpu.memory_space<vmem>>, vector<16xf32>,
          %get3A_426 = vector.shape_cast %get3A_425 : vector<16xf32> to vector<16xf32>
          %swap3A_427 = arith.constant 2 : i32
          %swap3A_428 = arith.index_cast %swap3A_427 : i32 to index
          %swap3A_429 = arith.index_cast %add3A_423 : i32 to index
          %swap3A_430 = tpu.vector_load %arg10[%swap3A_428, %swap3A_429] {strides = array<i32>} : memref<8x1024xf32, #tpu.memory_space<vmem>>, vector<1x16xf32>,
          %swap3A_431 = vector.shape_cast %swap3A_430 : vector<1x16xf32> to vector<16xf32>
          %swap3A_432 = vector.shape_cast %get3A_426 : vector<16xf32> to vector<1x16xf32>
          tpu.vector_store %arg10[%swap3A_428, %swap3A_429], %swap3A_432 {strides = array<i32>} : memref<8x1024xf32, #tpu.memory_space<vmem>>, vector<1x16xf32>,
          %scan3A_433 = arith.constant 0 : i32
          scf.yield %scan3A_433 : i32
        }
        %scan3A_119 = arith.constant 16 : i32
        %dma_wait3A_120 = arith.constant 0 : i32
        %dma_wait3A_121 = tpu.memref_slice %arg6[%dma_wait3A_120] : memref<800768xf32, #tpu.memory_space<vmem_shared>> -> memref<800768xf32, #tpu.memory_space<vmem_shared>>
        tpu.wait_indirect_dma semaphore(%arg14 : memref<!tpu.dma_semaphore, #tpu.memory_space<semaphore_mem>>) src(%dma_wait3A_121 : memref<800768xf32, #tpu.memory_space<vmem_shared>>) dst(%arg12 : memref<1024xf32, #tpu.memory_space<vmem>>)
        %scan3A_122 = arith.constant 0 : i32
        %scan3A_123 = arith.constant 0 : i32
        %scan3A_124 = arith.constant 16 : i32
        %scan3A_125 = arith.addi %scan3A_123, %scan3A_124 : i32
        %scan3A_126 = arith.constant 1 : i32
        %scan3A_127 = scf.for %scan3A_381 = %scan3A_123 to %scan3A_125 step %scan3A_126 iter_args(%scan3A_382 = %scan3A_122) -> (i32)  : i32 {
          %mul3A_383 = arith.constant 64 : i32
          %mul3A_384 = arith.muli %scan3A_381, %mul3A_383 : i32
          %add3A_385 = arith.constant 0 : i32
          %add3A_386 = arith.addi %mul3A_384, %add3A_385 : i32
          %get3A = arith.index_cast %add3A_386 : i32 to index
          %get3A_387 = tpu.vector_load %arg9[%get3A] {strides = array<i32>} : memref<1024xi32, #tpu.memory_space<vmem>>, vector<16xi32>,
          %get3A_388 = vector.shape_cast %get3A_387 : vector<16xi32> to vector<16xi32>
          %add3A_389 = arith.constant 100096 : i32
          %add3A_390 = vector.broadcast %add3A_389 : i32 to vector<16xi32>
          %add3A_391 = arith.addi %get3A_388, %add3A_390 : vector<16xi32>
          %swap3A = arith.index_cast %add3A_386 : i32 to index
          %swap3A_392 = tpu.vector_load %arg9[%swap3A] {strides = array<i32>} : memref<1024xi32, #tpu.memory_space<vmem>>, vector<16xi32>,
          %swap3A_393 = vector.shape_cast %swap3A_392 : vector<16xi32> to vector<16xi32>
          %swap3A_394 = vector.shape_cast %add3A_391 : vector<16xi32> to vector<16xi32>
          tpu.vector_store %arg9[%swap3A], %swap3A_394 {strides = array<i32>} : memref<1024xi32, #tpu.memory_space<vmem>>, vector<16xi32>,
          %mul3A_395 = arith.constant 64 : i32
          %mul3A_396 = arith.muli %scan3A_381, %mul3A_395 : i32
          %add3A_397 = arith.constant 16 : i32
          %add3A_398 = arith.addi %mul3A_396, %add3A_397 : i32
          %get3A_399 = arith.index_cast %add3A_398 : i32 to index
          %get3A_400 = tpu.vector_load %arg9[%get3A_399] {strides = array<i32>} : memref<1024xi32, #tpu.memory_space<vmem>>, vector<16xi32>,
          %get3A_401 = vector.shape_cast %get3A_400 : vector<16xi32> to vector<16xi32>
          %add3A_402 = arith.constant 100096 : i32
          %add3A_403 = vector.broadcast %add3A_402 : i32 to vector<16xi32>
          %add3A_404 = arith.addi %get3A_401, %add3A_403 : vector<16xi32>
          %swap3A_405 = arith.index_cast %add3A_398 : i32 to index
          %swap3A_406 = tpu.vector_load %arg9[%swap3A_405] {strides = array<i32>} : memref<1024xi32, #tpu.memory_space<vmem>>, vector<16xi32>,
          %swap3A_407 = vector.shape_cast %swap3A_406 : vector<16xi32> to vector<16xi32>
          %swap3A_408 = vector.shape_cast %add3A_404 : vector<16xi32> to vector<16xi32>
          tpu.vector_store %arg9[%swap3A_405], %swap3A_408 {strides = array<i32>} : memref<1024xi32, #tpu.memory_space<vmem>>, vector<16xi32>,
          %mul3A_409 = arith.constant 64 : i32
          %mul3A_410 = arith.muli %scan3A_381, %mul3A_409 : i32
          %add3A_411 = arith.constant 32 : i32
          %add3A_412 = arith.addi %mul3A_410, %add3A_411 : i32
          %get3A_413 = arith.index_cast %add3A_412 : i32 to index
          %get3A_414 = tpu.vector_load %arg9[%get3A_413] {strides = array<i32>} : memref<1024xi32, #tpu.memory_space<vmem>>, vector<16xi32>,
          %get3A_415 = vector.shape_cast %get3A_414 : vector<16xi32> to vector<16xi32>
          %add3A_416 = arith.constant 100096 : i32
          %add3A_417 = vector.broadcast %add3A_416 : i32 to vector<16xi32>
          %add3A_418 = arith.addi %get3A_415, %add3A_417 : vector<16xi32>
          %swap3A_419 = arith.index_cast %add3A_412 : i32 to index
          %swap3A_420 = tpu.vector_load %arg9[%swap3A_419] {strides = array<i32>} : memref<1024xi32, #tpu.memory_space<vmem>>, vector<16xi32>,
          %swap3A_421 = vector.shape_cast %swap3A_420 : vector<16xi32> to vector<16xi32>
          %swap3A_422 = vector.shape_cast %add3A_418 : vector<16xi32> to vector<16xi32>
          tpu.vector_store %arg9[%swap3A_419], %swap3A_422 {strides = array<i32>} : memref<1024xi32, #tpu.memory_space<vmem>>, vector<16xi32>,
          %mul3A_423 = arith.constant 64 : i32
          %mul3A_424 = arith.muli %scan3A_381, %mul3A_423 : i32
          %add3A_425 = arith.constant 48 : i32
          %add3A_426 = arith.addi %mul3A_424, %add3A_425 : i32
          %get3A_427 = arith.index_cast %add3A_426 : i32 to index
          %get3A_428 = tpu.vector_load %arg9[%get3A_427] {strides = array<i32>} : memref<1024xi32, #tpu.memory_space<vmem>>, vector<16xi32>,
          %get3A_429 = vector.shape_cast %get3A_428 : vector<16xi32> to vector<16xi32>
          %add3A_430 = arith.constant 100096 : i32
          %add3A_431 = vector.broadcast %add3A_430 : i32 to vector<16xi32>
          %add3A_432 = arith.addi %get3A_429, %add3A_431 : vector<16xi32>
          %swap3A_433 = arith.index_cast %add3A_426 : i32 to index
          %swap3A_434 = tpu.vector_load %arg9[%swap3A_433] {strides = array<i32>} : memref<1024xi32, #tpu.memory_space<vmem>>, vector<16xi32>,
          %swap3A_435 = vector.shape_cast %swap3A_434 : vector<16xi32> to vector<16xi32>
          %swap3A_436 = vector.shape_cast %add3A_432 : vector<16xi32> to vector<16xi32>
          tpu.vector_store %arg9[%swap3A_433], %swap3A_436 {strides = array<i32>} : memref<1024xi32, #tpu.memory_space<vmem>>, vector<16xi32>,
          %scan3A_437 = arith.constant 0 : i32
          scf.yield %scan3A_437 : i32
        }
        %scan3A_128 = arith.constant 16 : i32
        %dma_start3A_129 = arith.constant 0 : i32
        %dma_start3A_130 = tpu.memref_slice %arg6[%dma_start3A_129] : memref<800768xf32, #tpu.memory_space<vmem_shared>> -> memref<800768xf32, #tpu.memory_space<vmem_shared>>
        tpu.enqueue_indirect_dma source(%dma_start3A_130 : memref<800768xf32, #tpu.memory_space<vmem_shared>>) target(%arg11 : memref<1024xf32, #tpu.memory_space<vmem>>) offsets(%arg9 : memref<1024xi32, #tpu.memory_space<vmem>>) semaphore(%arg13 : memref<!tpu.dma_semaphore, #tpu.memory_space<semaphore_mem>>)
        %scan3A_131 = arith.constant 0 : i32
        %scan3A_132 = arith.constant 0 : i32
        %scan3A_133 = arith.constant 16 : i32
        %scan3A_134 = arith.addi %scan3A_132, %scan3A_133 : i32
        %scan3A_135 = arith.constant 1 : i32
        %scan3A_136 = scf.for %scan3A_381 = %scan3A_132 to %scan3A_134 step %scan3A_135 iter_args(%scan3A_382 = %scan3A_131) -> (i32)  : i32 {
          %mul3A_383 = arith.constant 64 : i32
          %mul3A_384 = arith.muli %scan3A_381, %mul3A_383 : i32
          %add3A_385 = arith.constant 0 : i32
          %add3A_386 = arith.addi %mul3A_384, %add3A_385 : i32
          %get3A = arith.index_cast %add3A_386 : i32 to index
          %get3A_387 = tpu.vector_load %arg12[%get3A] {strides = array<i32>} : memref<1024xf32, #tpu.memory_space<vmem>>, vector<16xf32>,
          %get3A_388 = vector.shape_cast %get3A_387 : vector<16xf32> to vector<16xf32>
          %swap3A = arith.constant 3 : i32
          %swap3A_389 = arith.index_cast %swap3A : i32 to index
          %swap3A_390 = arith.index_cast %add3A_386 : i32 to index
          %swap3A_391 = tpu.vector_load %arg10[%swap3A_389, %swap3A_390] {strides = array<i32>} : memref<8x1024xf32, #tpu.memory_space<vmem>>, vector<1x16xf32>,
          %swap3A_392 = vector.shape_cast %swap3A_391 : vector<1x16xf32> to vector<16xf32>
          %swap3A_393 = vector.shape_cast %get3A_388 : vector<16xf32> to vector<1x16xf32>
          tpu.vector_store %arg10[%swap3A_389, %swap3A_390], %swap3A_393 {strides = array<i32>} : memref<8x1024xf32, #tpu.memory_space<vmem>>, vector<1x16xf32>,
          %mul3A_394 = arith.constant 64 : i32
          %mul3A_395 = arith.muli %scan3A_381, %mul3A_394 : i32
          %add3A_396 = arith.constant 16 : i32
          %add3A_397 = arith.addi %mul3A_395, %add3A_396 : i32
          %get3A_398 = arith.index_cast %add3A_397 : i32 to index
          %get3A_399 = tpu.vector_load %arg12[%get3A_398] {strides = array<i32>} : memref<1024xf32, #tpu.memory_space<vmem>>, vector<16xf32>,
          %get3A_400 = vector.shape_cast %get3A_399 : vector<16xf32> to vector<16xf32>
          %swap3A_401 = arith.constant 3 : i32
          %swap3A_402 = arith.index_cast %swap3A_401 : i32 to index
          %swap3A_403 = arith.index_cast %add3A_397 : i32 to index
          %swap3A_404 = tpu.vector_load %arg10[%swap3A_402, %swap3A_403] {strides = array<i32>} : memref<8x1024xf32, #tpu.memory_space<vmem>>, vector<1x16xf32>,
          %swap3A_405 = vector.shape_cast %swap3A_404 : vector<1x16xf32> to vector<16xf32>
          %swap3A_406 = vector.shape_cast %get3A_400 : vector<16xf32> to vector<1x16xf32>
          tpu.vector_store %arg10[%swap3A_402, %swap3A_403], %swap3A_406 {strides = array<i32>} : memref<8x1024xf32, #tpu.memory_space<vmem>>, vector<1x16xf32>,
          %mul3A_407 = arith.constant 64 : i32
          %mul3A_408 = arith.muli %scan3A_381, %mul3A_407 : i32
          %add3A_409 = arith.constant 32 : i32
          %add3A_410 = arith.addi %mul3A_408, %add3A_409 : i32
          %get3A_411 = arith.index_cast %add3A_410 : i32 to index
          %get3A_412 = tpu.vector_load %arg12[%get3A_411] {strides = array<i32>} : memref<1024xf32, #tpu.memory_space<vmem>>, vector<16xf32>,
          %get3A_413 = vector.shape_cast %get3A_412 : vector<16xf32> to vector<16xf32>
          %swap3A_414 = arith.constant 3 : i32
          %swap3A_415 = arith.index_cast %swap3A_414 : i32 to index
          %swap3A_416 = arith.index_cast %add3A_410 : i32 to index
          %swap3A_417 = tpu.vector_load %arg10[%swap3A_415, %swap3A_416] {strides = array<i32>} : memref<8x1024xf32, #tpu.memory_space<vmem>>, vector<1x16xf32>,
          %swap3A_418 = vector.shape_cast %swap3A_417 : vector<1x16xf32> to vector<16xf32>
          %swap3A_419 = vector.shape_cast %get3A_413 : vector<16xf32> to vector<1x16xf32>
          tpu.vector_store %arg10[%swap3A_415, %swap3A_416], %swap3A_419 {strides = array<i32>} : memref<8x1024xf32, #tpu.memory_space<vmem>>, vector<1x16xf32>,
          %mul3A_420 = arith.constant 64 : i32
          %mul3A_421 = arith.muli %scan3A_381, %mul3A_420 : i32
          %add3A_422 = arith.constant 48 : i32
          %add3A_423 = arith.addi %mul3A_421, %add3A_422 : i32
          %get3A_424 = arith.index_cast %add3A_423 : i32 to index
          %get3A_425 = tpu.vector_load %arg12[%get3A_424] {strides = array<i32>} : memref<1024xf32, #tpu.memory_space<vmem>>, vector<16xf32>,
          %get3A_426 = vector.shape_cast %get3A_425 : vector<16xf32> to vector<16xf32>
          %swap3A_427 = arith.constant 3 : i32
          %swap3A_428 = arith.index_cast %swap3A_427 : i32 to index
          %swap3A_429 = arith.index_cast %add3A_423 : i32 to index
          %swap3A_430 = tpu.vector_load %arg10[%swap3A_428, %swap3A_429] {strides = array<i32>} : memref<8x1024xf32, #tpu.memory_space<vmem>>, vector<1x16xf32>,
          %swap3A_431 = vector.shape_cast %swap3A_430 : vector<1x16xf32> to vector<16xf32>
          %swap3A_432 = vector.shape_cast %get3A_426 : vector<16xf32> to vector<1x16xf32>
          tpu.vector_store %arg10[%swap3A_428, %swap3A_429], %swap3A_432 {strides = array<i32>} : memref<8x1024xf32, #tpu.memory_space<vmem>>, vector<1x16xf32>,
          %scan3A_433 = arith.constant 0 : i32
          scf.yield %scan3A_433 : i32
        }
        %scan3A_137 = arith.constant 16 : i32
        %dma_wait3A_138 = arith.constant 0 : i32
        %dma_wait3A_139 = tpu.memref_slice %arg6[%dma_wait3A_138] : memref<800768xf32, #tpu.memory_space<vmem_shared>> -> memref<800768xf32, #tpu.memory_space<vmem_shared>>
        tpu.wait_indirect_dma semaphore(%arg13 : memref<!tpu.dma_semaphore, #tpu.memory_space<semaphore_mem>>) src(%dma_wait3A_139 : memref<800768xf32, #tpu.memory_space<vmem_shared>>) dst(%arg11 : memref<1024xf32, #tpu.memory_space<vmem>>)
        %scan3A_140 = arith.constant 0 : i32
        %scan3A_141 = arith.constant 0 : i32
        %scan3A_142 = arith.constant 16 : i32
        %scan3A_143 = arith.addi %scan3A_141, %scan3A_142 : i32
        %scan3A_144 = arith.constant 1 : i32
        %scan3A_145 = scf.for %scan3A_381 = %scan3A_141 to %scan3A_143 step %scan3A_144 iter_args(%scan3A_382 = %scan3A_140) -> (i32)  : i32 {
          %mul3A_383 = arith.constant 64 : i32
          %mul3A_384 = arith.muli %scan3A_381, %mul3A_383 : i32
          %add3A_385 = arith.constant 0 : i32
          %add3A_386 = arith.addi %mul3A_384, %add3A_385 : i32
          %get3A = arith.index_cast %add3A_386 : i32 to index
          %get3A_387 = tpu.vector_load %arg9[%get3A] {strides = array<i32>} : memref<1024xi32, #tpu.memory_space<vmem>>, vector<16xi32>,
          %get3A_388 = vector.shape_cast %get3A_387 : vector<16xi32> to vector<16xi32>
          %add3A_389 = arith.constant 100096 : i32
          %add3A_390 = vector.broadcast %add3A_389 : i32 to vector<16xi32>
          %add3A_391 = arith.addi %get3A_388, %add3A_390 : vector<16xi32>
          %swap3A = arith.index_cast %add3A_386 : i32 to index
          %swap3A_392 = tpu.vector_load %arg9[%swap3A] {strides = array<i32>} : memref<1024xi32, #tpu.memory_space<vmem>>, vector<16xi32>,
          %swap3A_393 = vector.shape_cast %swap3A_392 : vector<16xi32> to vector<16xi32>
          %swap3A_394 = vector.shape_cast %add3A_391 : vector<16xi32> to vector<16xi32>
          tpu.vector_store %arg9[%swap3A], %swap3A_394 {strides = array<i32>} : memref<1024xi32, #tpu.memory_space<vmem>>, vector<16xi32>,
          %mul3A_395 = arith.constant 64 : i32
          %mul3A_396 = arith.muli %scan3A_381, %mul3A_395 : i32
          %add3A_397 = arith.constant 16 : i32
          %add3A_398 = arith.addi %mul3A_396, %add3A_397 : i32
          %get3A_399 = arith.index_cast %add3A_398 : i32 to index
          %get3A_400 = tpu.vector_load %arg9[%get3A_399] {strides = array<i32>} : memref<1024xi32, #tpu.memory_space<vmem>>, vector<16xi32>,
          %get3A_401 = vector.shape_cast %get3A_400 : vector<16xi32> to vector<16xi32>
          %add3A_402 = arith.constant 100096 : i32
          %add3A_403 = vector.broadcast %add3A_402 : i32 to vector<16xi32>
          %add3A_404 = arith.addi %get3A_401, %add3A_403 : vector<16xi32>
          %swap3A_405 = arith.index_cast %add3A_398 : i32 to index
          %swap3A_406 = tpu.vector_load %arg9[%swap3A_405] {strides = array<i32>} : memref<1024xi32, #tpu.memory_space<vmem>>, vector<16xi32>,
          %swap3A_407 = vector.shape_cast %swap3A_406 : vector<16xi32> to vector<16xi32>
          %swap3A_408 = vector.shape_cast %add3A_404 : vector<16xi32> to vector<16xi32>
          tpu.vector_store %arg9[%swap3A_405], %swap3A_408 {strides = array<i32>} : memref<1024xi32, #tpu.memory_space<vmem>>, vector<16xi32>,
          %mul3A_409 = arith.constant 64 : i32
          %mul3A_410 = arith.muli %scan3A_381, %mul3A_409 : i32
          %add3A_411 = arith.constant 32 : i32
          %add3A_412 = arith.addi %mul3A_410, %add3A_411 : i32
          %get3A_413 = arith.index_cast %add3A_412 : i32 to index
          %get3A_414 = tpu.vector_load %arg9[%get3A_413] {strides = array<i32>} : memref<1024xi32, #tpu.memory_space<vmem>>, vector<16xi32>,
          %get3A_415 = vector.shape_cast %get3A_414 : vector<16xi32> to vector<16xi32>
          %add3A_416 = arith.constant 100096 : i32
          %add3A_417 = vector.broadcast %add3A_416 : i32 to vector<16xi32>
          %add3A_418 = arith.addi %get3A_415, %add3A_417 : vector<16xi32>
          %swap3A_419 = arith.index_cast %add3A_412 : i32 to index
          %swap3A_420 = tpu.vector_load %arg9[%swap3A_419] {strides = array<i32>} : memref<1024xi32, #tpu.memory_space<vmem>>, vector<16xi32>,
          %swap3A_421 = vector.shape_cast %swap3A_420 : vector<16xi32> to vector<16xi32>
          %swap3A_422 = vector.shape_cast %add3A_418 : vector<16xi32> to vector<16xi32>
          tpu.vector_store %arg9[%swap3A_419], %swap3A_422 {strides = array<i32>} : memref<1024xi32, #tpu.memory_space<vmem>>, vector<16xi32>,
          %mul3A_423 = arith.constant 64 : i32
          %mul3A_424 = arith.muli %scan3A_381, %mul3A_423 : i32
          %add3A_425 = arith.constant 48 : i32
          %add3A_426 = arith.addi %mul3A_424, %add3A_425 : i32
          %get3A_427 = arith.index_cast %add3A_426 : i32 to index
          %get3A_428 = tpu.vector_load %arg9[%get3A_427] {strides = array<i32>} : memref<1024xi32, #tpu.memory_space<vmem>>, vector<16xi32>,
          %get3A_429 = vector.shape_cast %get3A_428 : vector<16xi32> to vector<16xi32>
          %add3A_430 = arith.constant 100096 : i32
          %add3A_431 = vector.broadcast %add3A_430 : i32 to vector<16xi32>
          %add3A_432 = arith.addi %get3A_429, %add3A_431 : vector<16xi32>
          %swap3A_433 = arith.index_cast %add3A_426 : i32 to index
          %swap3A_434 = tpu.vector_load %arg9[%swap3A_433] {strides = array<i32>} : memref<1024xi32, #tpu.memory_space<vmem>>, vector<16xi32>,
          %swap3A_435 = vector.shape_cast %swap3A_434 : vector<16xi32> to vector<16xi32>
          %swap3A_436 = vector.shape_cast %add3A_432 : vector<16xi32> to vector<16xi32>
          tpu.vector_store %arg9[%swap3A_433], %swap3A_436 {strides = array<i32>} : memref<1024xi32, #tpu.memory_space<vmem>>, vector<16xi32>,
          %scan3A_437 = arith.constant 0 : i32
          scf.yield %scan3A_437 : i32
        }
        %scan3A_146 = arith.constant 16 : i32
        %dma_start3A_147 = arith.constant 0 : i32
        %dma_start3A_148 = tpu.memref_slice %arg6[%dma_start3A_147] : memref<800768xf32, #tpu.memory_space<vmem_shared>> -> memref<800768xf32, #tpu.memory_space<vmem_shared>>
        tpu.enqueue_indirect_dma source(%dma_start3A_148 : memref<800768xf32, #tpu.memory_space<vmem_shared>>) target(%arg12 : memref<1024xf32, #tpu.memory_space<vmem>>) offsets(%arg9 : memref<1024xi32, #tpu.memory_space<vmem>>) semaphore(%arg14 : memref<!tpu.dma_semaphore, #tpu.memory_space<semaphore_mem>>)
        %scan3A_149 = arith.constant 0 : i32
        %scan3A_150 = arith.constant 0 : i32
        %scan3A_151 = arith.constant 16 : i32
        %scan3A_152 = arith.addi %scan3A_150, %scan3A_151 : i32
        %scan3A_153 = arith.constant 1 : i32
        %scan3A_154 = scf.for %scan3A_381 = %scan3A_150 to %scan3A_152 step %scan3A_153 iter_args(%scan3A_382 = %scan3A_149) -> (i32)  : i32 {
          %mul3A_383 = arith.constant 64 : i32
          %mul3A_384 = arith.muli %scan3A_381, %mul3A_383 : i32
          %add3A_385 = arith.constant 0 : i32
          %add3A_386 = arith.addi %mul3A_384, %add3A_385 : i32
          %get3A = arith.index_cast %add3A_386 : i32 to index
          %get3A_387 = tpu.vector_load %arg11[%get3A] {strides = array<i32>} : memref<1024xf32, #tpu.memory_space<vmem>>, vector<16xf32>,
          %get3A_388 = vector.shape_cast %get3A_387 : vector<16xf32> to vector<16xf32>
          %swap3A = arith.constant 4 : i32
          %swap3A_389 = arith.index_cast %swap3A : i32 to index
          %swap3A_390 = arith.index_cast %add3A_386 : i32 to index
          %swap3A_391 = tpu.vector_load %arg10[%swap3A_389, %swap3A_390] {strides = array<i32>} : memref<8x1024xf32, #tpu.memory_space<vmem>>, vector<1x16xf32>,
          %swap3A_392 = vector.shape_cast %swap3A_391 : vector<1x16xf32> to vector<16xf32>
          %swap3A_393 = vector.shape_cast %get3A_388 : vector<16xf32> to vector<1x16xf32>
          tpu.vector_store %arg10[%swap3A_389, %swap3A_390], %swap3A_393 {strides = array<i32>} : memref<8x1024xf32, #tpu.memory_space<vmem>>, vector<1x16xf32>,
          %mul3A_394 = arith.constant 64 : i32
          %mul3A_395 = arith.muli %scan3A_381, %mul3A_394 : i32
          %add3A_396 = arith.constant 16 : i32
          %add3A_397 = arith.addi %mul3A_395, %add3A_396 : i32
          %get3A_398 = arith.index_cast %add3A_397 : i32 to index
          %get3A_399 = tpu.vector_load %arg11[%get3A_398] {strides = array<i32>} : memref<1024xf32, #tpu.memory_space<vmem>>, vector<16xf32>,
          %get3A_400 = vector.shape_cast %get3A_399 : vector<16xf32> to vector<16xf32>
          %swap3A_401 = arith.constant 4 : i32
          %swap3A_402 = arith.index_cast %swap3A_401 : i32 to index
          %swap3A_403 = arith.index_cast %add3A_397 : i32 to index
          %swap3A_404 = tpu.vector_load %arg10[%swap3A_402, %swap3A_403] {strides = array<i32>} : memref<8x1024xf32, #tpu.memory_space<vmem>>, vector<1x16xf32>,
          %swap3A_405 = vector.shape_cast %swap3A_404 : vector<1x16xf32> to vector<16xf32>
          %swap3A_406 = vector.shape_cast %get3A_400 : vector<16xf32> to vector<1x16xf32>
          tpu.vector_store %arg10[%swap3A_402, %swap3A_403], %swap3A_406 {strides = array<i32>} : memref<8x1024xf32, #tpu.memory_space<vmem>>, vector<1x16xf32>,
          %mul3A_407 = arith.constant 64 : i32
          %mul3A_408 = arith.muli %scan3A_381, %mul3A_407 : i32
          %add3A_409 = arith.constant 32 : i32
          %add3A_410 = arith.addi %mul3A_408, %add3A_409 : i32
          %get3A_411 = arith.index_cast %add3A_410 : i32 to index
          %get3A_412 = tpu.vector_load %arg11[%get3A_411] {strides = array<i32>} : memref<1024xf32, #tpu.memory_space<vmem>>, vector<16xf32>,
          %get3A_413 = vector.shape_cast %get3A_412 : vector<16xf32> to vector<16xf32>
          %swap3A_414 = arith.constant 4 : i32
          %swap3A_415 = arith.index_cast %swap3A_414 : i32 to index
          %swap3A_416 = arith.index_cast %add3A_410 : i32 to index
          %swap3A_417 = tpu.vector_load %arg10[%swap3A_415, %swap3A_416] {strides = array<i32>} : memref<8x1024xf32, #tpu.memory_space<vmem>>, vector<1x16xf32>,
          %swap3A_418 = vector.shape_cast %swap3A_417 : vector<1x16xf32> to vector<16xf32>
          %swap3A_419 = vector.shape_cast %get3A_413 : vector<16xf32> to vector<1x16xf32>
          tpu.vector_store %arg10[%swap3A_415, %swap3A_416], %swap3A_419 {strides = array<i32>} : memref<8x1024xf32, #tpu.memory_space<vmem>>, vector<1x16xf32>,
          %mul3A_420 = arith.constant 64 : i32
          %mul3A_421 = arith.muli %scan3A_381, %mul3A_420 : i32
          %add3A_422 = arith.constant 48 : i32
          %add3A_423 = arith.addi %mul3A_421, %add3A_422 : i32
          %get3A_424 = arith.index_cast %add3A_423 : i32 to index
          %get3A_425 = tpu.vector_load %arg11[%get3A_424] {strides = array<i32>} : memref<1024xf32, #tpu.memory_space<vmem>>, vector<16xf32>,
          %get3A_426 = vector.shape_cast %get3A_425 : vector<16xf32> to vector<16xf32>
          %swap3A_427 = arith.constant 4 : i32
          %swap3A_428 = arith.index_cast %swap3A_427 : i32 to index
          %swap3A_429 = arith.index_cast %add3A_423 : i32 to index
          %swap3A_430 = tpu.vector_load %arg10[%swap3A_428, %swap3A_429] {strides = array<i32>} : memref<8x1024xf32, #tpu.memory_space<vmem>>, vector<1x16xf32>,
          %swap3A_431 = vector.shape_cast %swap3A_430 : vector<1x16xf32> to vector<16xf32>
          %swap3A_432 = vector.shape_cast %get3A_426 : vector<16xf32> to vector<1x16xf32>
          tpu.vector_store %arg10[%swap3A_428, %swap3A_429], %swap3A_432 {strides = array<i32>} : memref<8x1024xf32, #tpu.memory_space<vmem>>, vector<1x16xf32>,
          %scan3A_433 = arith.constant 0 : i32
          scf.yield %scan3A_433 : i32
        }
        %scan3A_155 = arith.constant 16 : i32
        %dma_wait3A_156 = arith.constant 0 : i32
        %dma_wait3A_157 = tpu.memref_slice %arg6[%dma_wait3A_156] : memref<800768xf32, #tpu.memory_space<vmem_shared>> -> memref<800768xf32, #tpu.memory_space<vmem_shared>>
        tpu.wait_indirect_dma semaphore(%arg14 : memref<!tpu.dma_semaphore, #tpu.memory_space<semaphore_mem>>) src(%dma_wait3A_157 : memref<800768xf32, #tpu.memory_space<vmem_shared>>) dst(%arg12 : memref<1024xf32, #tpu.memory_space<vmem>>)
        %scan3A_158 = arith.constant 0 : i32
        %scan3A_159 = arith.constant 0 : i32
        %scan3A_160 = arith.constant 16 : i32
        %scan3A_161 = arith.addi %scan3A_159, %scan3A_160 : i32
        %scan3A_162 = arith.constant 1 : i32
        %scan3A_163 = scf.for %scan3A_381 = %scan3A_159 to %scan3A_161 step %scan3A_162 iter_args(%scan3A_382 = %scan3A_158) -> (i32)  : i32 {
          %mul3A_383 = arith.constant 64 : i32
          %mul3A_384 = arith.muli %scan3A_381, %mul3A_383 : i32
          %add3A_385 = arith.constant 0 : i32
          %add3A_386 = arith.addi %mul3A_384, %add3A_385 : i32
          %get3A = arith.index_cast %add3A_386 : i32 to index
          %get3A_387 = tpu.vector_load %arg9[%get3A] {strides = array<i32>} : memref<1024xi32, #tpu.memory_space<vmem>>, vector<16xi32>,
          %get3A_388 = vector.shape_cast %get3A_387 : vector<16xi32> to vector<16xi32>
          %add3A_389 = arith.constant 100096 : i32
          %add3A_390 = vector.broadcast %add3A_389 : i32 to vector<16xi32>
          %add3A_391 = arith.addi %get3A_388, %add3A_390 : vector<16xi32>
          %swap3A = arith.index_cast %add3A_386 : i32 to index
          %swap3A_392 = tpu.vector_load %arg9[%swap3A] {strides = array<i32>} : memref<1024xi32, #tpu.memory_space<vmem>>, vector<16xi32>,
          %swap3A_393 = vector.shape_cast %swap3A_392 : vector<16xi32> to vector<16xi32>
          %swap3A_394 = vector.shape_cast %add3A_391 : vector<16xi32> to vector<16xi32>
          tpu.vector_store %arg9[%swap3A], %swap3A_394 {strides = array<i32>} : memref<1024xi32, #tpu.memory_space<vmem>>, vector<16xi32>,
          %mul3A_395 = arith.constant 64 : i32
          %mul3A_396 = arith.muli %scan3A_381, %mul3A_395 : i32
          %add3A_397 = arith.constant 16 : i32
          %add3A_398 = arith.addi %mul3A_396, %add3A_397 : i32
          %get3A_399 = arith.index_cast %add3A_398 : i32 to index
          %get3A_400 = tpu.vector_load %arg9[%get3A_399] {strides = array<i32>} : memref<1024xi32, #tpu.memory_space<vmem>>, vector<16xi32>,
          %get3A_401 = vector.shape_cast %get3A_400 : vector<16xi32> to vector<16xi32>
          %add3A_402 = arith.constant 100096 : i32
          %add3A_403 = vector.broadcast %add3A_402 : i32 to vector<16xi32>
          %add3A_404 = arith.addi %get3A_401, %add3A_403 : vector<16xi32>
          %swap3A_405 = arith.index_cast %add3A_398 : i32 to index
          %swap3A_406 = tpu.vector_load %arg9[%swap3A_405] {strides = array<i32>} : memref<1024xi32, #tpu.memory_space<vmem>>, vector<16xi32>,
          %swap3A_407 = vector.shape_cast %swap3A_406 : vector<16xi32> to vector<16xi32>
          %swap3A_408 = vector.shape_cast %add3A_404 : vector<16xi32> to vector<16xi32>
          tpu.vector_store %arg9[%swap3A_405], %swap3A_408 {strides = array<i32>} : memref<1024xi32, #tpu.memory_space<vmem>>, vector<16xi32>,
          %mul3A_409 = arith.constant 64 : i32
          %mul3A_410 = arith.muli %scan3A_381, %mul3A_409 : i32
          %add3A_411 = arith.constant 32 : i32
          %add3A_412 = arith.addi %mul3A_410, %add3A_411 : i32
          %get3A_413 = arith.index_cast %add3A_412 : i32 to index
          %get3A_414 = tpu.vector_load %arg9[%get3A_413] {strides = array<i32>} : memref<1024xi32, #tpu.memory_space<vmem>>, vector<16xi32>,
          %get3A_415 = vector.shape_cast %get3A_414 : vector<16xi32> to vector<16xi32>
          %add3A_416 = arith.constant 100096 : i32
          %add3A_417 = vector.broadcast %add3A_416 : i32 to vector<16xi32>
          %add3A_418 = arith.addi %get3A_415, %add3A_417 : vector<16xi32>
          %swap3A_419 = arith.index_cast %add3A_412 : i32 to index
          %swap3A_420 = tpu.vector_load %arg9[%swap3A_419] {strides = array<i32>} : memref<1024xi32, #tpu.memory_space<vmem>>, vector<16xi32>,
          %swap3A_421 = vector.shape_cast %swap3A_420 : vector<16xi32> to vector<16xi32>
          %swap3A_422 = vector.shape_cast %add3A_418 : vector<16xi32> to vector<16xi32>
          tpu.vector_store %arg9[%swap3A_419], %swap3A_422 {strides = array<i32>} : memref<1024xi32, #tpu.memory_space<vmem>>, vector<16xi32>,
          %mul3A_423 = arith.constant 64 : i32
          %mul3A_424 = arith.muli %scan3A_381, %mul3A_423 : i32
          %add3A_425 = arith.constant 48 : i32
          %add3A_426 = arith.addi %mul3A_424, %add3A_425 : i32
          %get3A_427 = arith.index_cast %add3A_426 : i32 to index
          %get3A_428 = tpu.vector_load %arg9[%get3A_427] {strides = array<i32>} : memref<1024xi32, #tpu.memory_space<vmem>>, vector<16xi32>,
          %get3A_429 = vector.shape_cast %get3A_428 : vector<16xi32> to vector<16xi32>
          %add3A_430 = arith.constant 100096 : i32
          %add3A_431 = vector.broadcast %add3A_430 : i32 to vector<16xi32>
          %add3A_432 = arith.addi %get3A_429, %add3A_431 : vector<16xi32>
          %swap3A_433 = arith.index_cast %add3A_426 : i32 to index
          %swap3A_434 = tpu.vector_load %arg9[%swap3A_433] {strides = array<i32>} : memref<1024xi32, #tpu.memory_space<vmem>>, vector<16xi32>,
          %swap3A_435 = vector.shape_cast %swap3A_434 : vector<16xi32> to vector<16xi32>
          %swap3A_436 = vector.shape_cast %add3A_432 : vector<16xi32> to vector<16xi32>
          tpu.vector_store %arg9[%swap3A_433], %swap3A_436 {strides = array<i32>} : memref<1024xi32, #tpu.memory_space<vmem>>, vector<16xi32>,
          %scan3A_437 = arith.constant 0 : i32
          scf.yield %scan3A_437 : i32
        }
        %scan3A_164 = arith.constant 16 : i32
        %dma_start3A_165 = arith.constant 0 : i32
        %dma_start3A_166 = tpu.memref_slice %arg6[%dma_start3A_165] : memref<800768xf32, #tpu.memory_space<vmem_shared>> -> memref<800768xf32, #tpu.memory_space<vmem_shared>>
        tpu.enqueue_indirect_dma source(%dma_start3A_166 : memref<800768xf32, #tpu.memory_space<vmem_shared>>) target(%arg11 : memref<1024xf32, #tpu.memory_space<vmem>>) offsets(%arg9 : memref<1024xi32, #tpu.memory_space<vmem>>) semaphore(%arg13 : memref<!tpu.dma_semaphore, #tpu.memory_space<semaphore_mem>>)
        %scan3A_167 = arith.constant 0 : i32
        %scan3A_168 = arith.constant 0 : i32
        %scan3A_169 = arith.constant 16 : i32
        %scan3A_170 = arith.addi %scan3A_168, %scan3A_169 : i32
        %scan3A_171 = arith.constant 1 : i32
        %scan3A_172 = scf.for %scan3A_381 = %scan3A_168 to %scan3A_170 step %scan3A_171 iter_args(%scan3A_382 = %scan3A_167) -> (i32)  : i32 {
          %mul3A_383 = arith.constant 64 : i32
          %mul3A_384 = arith.muli %scan3A_381, %mul3A_383 : i32
          %add3A_385 = arith.constant 0 : i32
          %add3A_386 = arith.addi %mul3A_384, %add3A_385 : i32
          %get3A = arith.index_cast %add3A_386 : i32 to index
          %get3A_387 = tpu.vector_load %arg12[%get3A] {strides = array<i32>} : memref<1024xf32, #tpu.memory_space<vmem>>, vector<16xf32>,
          %get3A_388 = vector.shape_cast %get3A_387 : vector<16xf32> to vector<16xf32>
          %swap3A = arith.constant 5 : i32
          %swap3A_389 = arith.index_cast %swap3A : i32 to index
          %swap3A_390 = arith.index_cast %add3A_386 : i32 to index
          %swap3A_391 = tpu.vector_load %arg10[%swap3A_389, %swap3A_390] {strides = array<i32>} : memref<8x1024xf32, #tpu.memory_space<vmem>>, vector<1x16xf32>,
          %swap3A_392 = vector.shape_cast %swap3A_391 : vector<1x16xf32> to vector<16xf32>
          %swap3A_393 = vector.shape_cast %get3A_388 : vector<16xf32> to vector<1x16xf32>
          tpu.vector_store %arg10[%swap3A_389, %swap3A_390], %swap3A_393 {strides = array<i32>} : memref<8x1024xf32, #tpu.memory_space<vmem>>, vector<1x16xf32>,
          %mul3A_394 = arith.constant 64 : i32
          %mul3A_395 = arith.muli %scan3A_381, %mul3A_394 : i32
          %add3A_396 = arith.constant 16 : i32
          %add3A_397 = arith.addi %mul3A_395, %add3A_396 : i32
          %get3A_398 = arith.index_cast %add3A_397 : i32 to index
          %get3A_399 = tpu.vector_load %arg12[%get3A_398] {strides = array<i32>} : memref<1024xf32, #tpu.memory_space<vmem>>, vector<16xf32>,
          %get3A_400 = vector.shape_cast %get3A_399 : vector<16xf32> to vector<16xf32>
          %swap3A_401 = arith.constant 5 : i32
          %swap3A_402 = arith.index_cast %swap3A_401 : i32 to index
          %swap3A_403 = arith.index_cast %add3A_397 : i32 to index
          %swap3A_404 = tpu.vector_load %arg10[%swap3A_402, %swap3A_403] {strides = array<i32>} : memref<8x1024xf32, #tpu.memory_space<vmem>>, vector<1x16xf32>,
          %swap3A_405 = vector.shape_cast %swap3A_404 : vector<1x16xf32> to vector<16xf32>
          %swap3A_406 = vector.shape_cast %get3A_400 : vector<16xf32> to vector<1x16xf32>
          tpu.vector_store %arg10[%swap3A_402, %swap3A_403], %swap3A_406 {strides = array<i32>} : memref<8x1024xf32, #tpu.memory_space<vmem>>, vector<1x16xf32>,
          %mul3A_407 = arith.constant 64 : i32
          %mul3A_408 = arith.muli %scan3A_381, %mul3A_407 : i32
          %add3A_409 = arith.constant 32 : i32
          %add3A_410 = arith.addi %mul3A_408, %add3A_409 : i32
          %get3A_411 = arith.index_cast %add3A_410 : i32 to index
          %get3A_412 = tpu.vector_load %arg12[%get3A_411] {strides = array<i32>} : memref<1024xf32, #tpu.memory_space<vmem>>, vector<16xf32>,
          %get3A_413 = vector.shape_cast %get3A_412 : vector<16xf32> to vector<16xf32>
          %swap3A_414 = arith.constant 5 : i32
          %swap3A_415 = arith.index_cast %swap3A_414 : i32 to index
          %swap3A_416 = arith.index_cast %add3A_410 : i32 to index
          %swap3A_417 = tpu.vector_load %arg10[%swap3A_415, %swap3A_416] {strides = array<i32>} : memref<8x1024xf32, #tpu.memory_space<vmem>>, vector<1x16xf32>,
          %swap3A_418 = vector.shape_cast %swap3A_417 : vector<1x16xf32> to vector<16xf32>
          %swap3A_419 = vector.shape_cast %get3A_413 : vector<16xf32> to vector<1x16xf32>
          tpu.vector_store %arg10[%swap3A_415, %swap3A_416], %swap3A_419 {strides = array<i32>} : memref<8x1024xf32, #tpu.memory_space<vmem>>, vector<1x16xf32>,
          %mul3A_420 = arith.constant 64 : i32
          %mul3A_421 = arith.muli %scan3A_381, %mul3A_420 : i32
          %add3A_422 = arith.constant 48 : i32
          %add3A_423 = arith.addi %mul3A_421, %add3A_422 : i32
          %get3A_424 = arith.index_cast %add3A_423 : i32 to index
          %get3A_425 = tpu.vector_load %arg12[%get3A_424] {strides = array<i32>} : memref<1024xf32, #tpu.memory_space<vmem>>, vector<16xf32>,
          %get3A_426 = vector.shape_cast %get3A_425 : vector<16xf32> to vector<16xf32>
          %swap3A_427 = arith.constant 5 : i32
          %swap3A_428 = arith.index_cast %swap3A_427 : i32 to index
          %swap3A_429 = arith.index_cast %add3A_423 : i32 to index
          %swap3A_430 = tpu.vector_load %arg10[%swap3A_428, %swap3A_429] {strides = array<i32>} : memref<8x1024xf32, #tpu.memory_space<vmem>>, vector<1x16xf32>,
          %swap3A_431 = vector.shape_cast %swap3A_430 : vector<1x16xf32> to vector<16xf32>
          %swap3A_432 = vector.shape_cast %get3A_426 : vector<16xf32> to vector<1x16xf32>
          tpu.vector_store %arg10[%swap3A_428, %swap3A_429], %swap3A_432 {strides = array<i32>} : memref<8x1024xf32, #tpu.memory_space<vmem>>, vector<1x16xf32>,
          %scan3A_433 = arith.constant 0 : i32
          scf.yield %scan3A_433 : i32
        }
        %scan3A_173 = arith.constant 16 : i32
        %dma_wait3A_174 = arith.constant 0 : i32
        %dma_wait3A_175 = tpu.memref_slice %arg6[%dma_wait3A_174] : memref<800768xf32, #tpu.memory_space<vmem_shared>> -> memref<800768xf32, #tpu.memory_space<vmem_shared>>
        tpu.wait_indirect_dma semaphore(%arg13 : memref<!tpu.dma_semaphore, #tpu.memory_space<semaphore_mem>>) src(%dma_wait3A_175 : memref<800768xf32, #tpu.memory_space<vmem_shared>>) dst(%arg11 : memref<1024xf32, #tpu.memory_space<vmem>>)
        %scan3A_176 = arith.constant 0 : i32
        %scan3A_177 = arith.constant 0 : i32
        %scan3A_178 = arith.constant 16 : i32
        %scan3A_179 = arith.addi %scan3A_177, %scan3A_178 : i32
        %scan3A_180 = arith.constant 1 : i32
        %scan3A_181 = scf.for %scan3A_381 = %scan3A_177 to %scan3A_179 step %scan3A_180 iter_args(%scan3A_382 = %scan3A_176) -> (i32)  : i32 {
          %mul3A_383 = arith.constant 64 : i32
          %mul3A_384 = arith.muli %scan3A_381, %mul3A_383 : i32
          %add3A_385 = arith.constant 0 : i32
          %add3A_386 = arith.addi %mul3A_384, %add3A_385 : i32
          %get3A = arith.index_cast %add3A_386 : i32 to index
          %get3A_387 = tpu.vector_load %arg9[%get3A] {strides = array<i32>} : memref<1024xi32, #tpu.memory_space<vmem>>, vector<16xi32>,
          %get3A_388 = vector.shape_cast %get3A_387 : vector<16xi32> to vector<16xi32>
          %add3A_389 = arith.constant 100096 : i32
          %add3A_390 = vector.broadcast %add3A_389 : i32 to vector<16xi32>
          %add3A_391 = arith.addi %get3A_388, %add3A_390 : vector<16xi32>
          %swap3A = arith.index_cast %add3A_386 : i32 to index
          %swap3A_392 = tpu.vector_load %arg9[%swap3A] {strides = array<i32>} : memref<1024xi32, #tpu.memory_space<vmem>>, vector<16xi32>,
          %swap3A_393 = vector.shape_cast %swap3A_392 : vector<16xi32> to vector<16xi32>
          %swap3A_394 = vector.shape_cast %add3A_391 : vector<16xi32> to vector<16xi32>
          tpu.vector_store %arg9[%swap3A], %swap3A_394 {strides = array<i32>} : memref<1024xi32, #tpu.memory_space<vmem>>, vector<16xi32>,
          %mul3A_395 = arith.constant 64 : i32
          %mul3A_396 = arith.muli %scan3A_381, %mul3A_395 : i32
          %add3A_397 = arith.constant 16 : i32
          %add3A_398 = arith.addi %mul3A_396, %add3A_397 : i32
          %get3A_399 = arith.index_cast %add3A_398 : i32 to index
          %get3A_400 = tpu.vector_load %arg9[%get3A_399] {strides = array<i32>} : memref<1024xi32, #tpu.memory_space<vmem>>, vector<16xi32>,
          %get3A_401 = vector.shape_cast %get3A_400 : vector<16xi32> to vector<16xi32>
          %add3A_402 = arith.constant 100096 : i32
          %add3A_403 = vector.broadcast %add3A_402 : i32 to vector<16xi32>
          %add3A_404 = arith.addi %get3A_401, %add3A_403 : vector<16xi32>
          %swap3A_405 = arith.index_cast %add3A_398 : i32 to index
          %swap3A_406 = tpu.vector_load %arg9[%swap3A_405] {strides = array<i32>} : memref<1024xi32, #tpu.memory_space<vmem>>, vector<16xi32>,
          %swap3A_407 = vector.shape_cast %swap3A_406 : vector<16xi32> to vector<16xi32>
          %swap3A_408 = vector.shape_cast %add3A_404 : vector<16xi32> to vector<16xi32>
          tpu.vector_store %arg9[%swap3A_405], %swap3A_408 {strides = array<i32>} : memref<1024xi32, #tpu.memory_space<vmem>>, vector<16xi32>,
          %mul3A_409 = arith.constant 64 : i32
          %mul3A_410 = arith.muli %scan3A_381, %mul3A_409 : i32
          %add3A_411 = arith.constant 32 : i32
          %add3A_412 = arith.addi %mul3A_410, %add3A_411 : i32
          %get3A_413 = arith.index_cast %add3A_412 : i32 to index
          %get3A_414 = tpu.vector_load %arg9[%get3A_413] {strides = array<i32>} : memref<1024xi32, #tpu.memory_space<vmem>>, vector<16xi32>,
          %get3A_415 = vector.shape_cast %get3A_414 : vector<16xi32> to vector<16xi32>
          %add3A_416 = arith.constant 100096 : i32
          %add3A_417 = vector.broadcast %add3A_416 : i32 to vector<16xi32>
          %add3A_418 = arith.addi %get3A_415, %add3A_417 : vector<16xi32>
          %swap3A_419 = arith.index_cast %add3A_412 : i32 to index
          %swap3A_420 = tpu.vector_load %arg9[%swap3A_419] {strides = array<i32>} : memref<1024xi32, #tpu.memory_space<vmem>>, vector<16xi32>,
          %swap3A_421 = vector.shape_cast %swap3A_420 : vector<16xi32> to vector<16xi32>
          %swap3A_422 = vector.shape_cast %add3A_418 : vector<16xi32> to vector<16xi32>
          tpu.vector_store %arg9[%swap3A_419], %swap3A_422 {strides = array<i32>} : memref<1024xi32, #tpu.memory_space<vmem>>, vector<16xi32>,
          %mul3A_423 = arith.constant 64 : i32
          %mul3A_424 = arith.muli %scan3A_381, %mul3A_423 : i32
          %add3A_425 = arith.constant 48 : i32
          %add3A_426 = arith.addi %mul3A_424, %add3A_425 : i32
          %get3A_427 = arith.index_cast %add3A_426 : i32 to index
          %get3A_428 = tpu.vector_load %arg9[%get3A_427] {strides = array<i32>} : memref<1024xi32, #tpu.memory_space<vmem>>, vector<16xi32>,
          %get3A_429 = vector.shape_cast %get3A_428 : vector<16xi32> to vector<16xi32>
          %add3A_430 = arith.constant 100096 : i32
          %add3A_431 = vector.broadcast %add3A_430 : i32 to vector<16xi32>
          %add3A_432 = arith.addi %get3A_429, %add3A_431 : vector<16xi32>
          %swap3A_433 = arith.index_cast %add3A_426 : i32 to index
          %swap3A_434 = tpu.vector_load %arg9[%swap3A_433] {strides = array<i32>} : memref<1024xi32, #tpu.memory_space<vmem>>, vector<16xi32>,
          %swap3A_435 = vector.shape_cast %swap3A_434 : vector<16xi32> to vector<16xi32>
          %swap3A_436 = vector.shape_cast %add3A_432 : vector<16xi32> to vector<16xi32>
          tpu.vector_store %arg9[%swap3A_433], %swap3A_436 {strides = array<i32>} : memref<1024xi32, #tpu.memory_space<vmem>>, vector<16xi32>,
          %scan3A_437 = arith.constant 0 : i32
          scf.yield %scan3A_437 : i32
        }
        %scan3A_182 = arith.constant 16 : i32
        %dma_start3A_183 = arith.constant 0 : i32
        %dma_start3A_184 = tpu.memref_slice %arg6[%dma_start3A_183] : memref<800768xf32, #tpu.memory_space<vmem_shared>> -> memref<800768xf32, #tpu.memory_space<vmem_shared>>
        tpu.enqueue_indirect_dma source(%dma_start3A_184 : memref<800768xf32, #tpu.memory_space<vmem_shared>>) target(%arg12 : memref<1024xf32, #tpu.memory_space<vmem>>) offsets(%arg9 : memref<1024xi32, #tpu.memory_space<vmem>>) semaphore(%arg14 : memref<!tpu.dma_semaphore, #tpu.memory_space<semaphore_mem>>)
        %scan3A_185 = arith.constant 0 : i32
        %scan3A_186 = arith.constant 0 : i32
        %scan3A_187 = arith.constant 16 : i32
        %scan3A_188 = arith.addi %scan3A_186, %scan3A_187 : i32
        %scan3A_189 = arith.constant 1 : i32
        %scan3A_190 = scf.for %scan3A_381 = %scan3A_186 to %scan3A_188 step %scan3A_189 iter_args(%scan3A_382 = %scan3A_185) -> (i32)  : i32 {
          %mul3A_383 = arith.constant 64 : i32
          %mul3A_384 = arith.muli %scan3A_381, %mul3A_383 : i32
          %add3A_385 = arith.constant 0 : i32
          %add3A_386 = arith.addi %mul3A_384, %add3A_385 : i32
          %get3A = arith.index_cast %add3A_386 : i32 to index
          %get3A_387 = tpu.vector_load %arg11[%get3A] {strides = array<i32>} : memref<1024xf32, #tpu.memory_space<vmem>>, vector<16xf32>,
          %get3A_388 = vector.shape_cast %get3A_387 : vector<16xf32> to vector<16xf32>
          %swap3A = arith.constant 6 : i32
          %swap3A_389 = arith.index_cast %swap3A : i32 to index
          %swap3A_390 = arith.index_cast %add3A_386 : i32 to index
          %swap3A_391 = tpu.vector_load %arg10[%swap3A_389, %swap3A_390] {strides = array<i32>} : memref<8x1024xf32, #tpu.memory_space<vmem>>, vector<1x16xf32>,
          %swap3A_392 = vector.shape_cast %swap3A_391 : vector<1x16xf32> to vector<16xf32>
          %swap3A_393 = vector.shape_cast %get3A_388 : vector<16xf32> to vector<1x16xf32>
          tpu.vector_store %arg10[%swap3A_389, %swap3A_390], %swap3A_393 {strides = array<i32>} : memref<8x1024xf32, #tpu.memory_space<vmem>>, vector<1x16xf32>,
          %mul3A_394 = arith.constant 64 : i32
          %mul3A_395 = arith.muli %scan3A_381, %mul3A_394 : i32
          %add3A_396 = arith.constant 16 : i32
          %add3A_397 = arith.addi %mul3A_395, %add3A_396 : i32
          %get3A_398 = arith.index_cast %add3A_397 : i32 to index
          %get3A_399 = tpu.vector_load %arg11[%get3A_398] {strides = array<i32>} : memref<1024xf32, #tpu.memory_space<vmem>>, vector<16xf32>,
          %get3A_400 = vector.shape_cast %get3A_399 : vector<16xf32> to vector<16xf32>
          %swap3A_401 = arith.constant 6 : i32
          %swap3A_402 = arith.index_cast %swap3A_401 : i32 to index
          %swap3A_403 = arith.index_cast %add3A_397 : i32 to index
          %swap3A_404 = tpu.vector_load %arg10[%swap3A_402, %swap3A_403] {strides = array<i32>} : memref<8x1024xf32, #tpu.memory_space<vmem>>, vector<1x16xf32>,
          %swap3A_405 = vector.shape_cast %swap3A_404 : vector<1x16xf32> to vector<16xf32>
          %swap3A_406 = vector.shape_cast %get3A_400 : vector<16xf32> to vector<1x16xf32>
          tpu.vector_store %arg10[%swap3A_402, %swap3A_403], %swap3A_406 {strides = array<i32>} : memref<8x1024xf32, #tpu.memory_space<vmem>>, vector<1x16xf32>,
          %mul3A_407 = arith.constant 64 : i32
          %mul3A_408 = arith.muli %scan3A_381, %mul3A_407 : i32
          %add3A_409 = arith.constant 32 : i32
          %add3A_410 = arith.addi %mul3A_408, %add3A_409 : i32
          %get3A_411 = arith.index_cast %add3A_410 : i32 to index
          %get3A_412 = tpu.vector_load %arg11[%get3A_411] {strides = array<i32>} : memref<1024xf32, #tpu.memory_space<vmem>>, vector<16xf32>,
          %get3A_413 = vector.shape_cast %get3A_412 : vector<16xf32> to vector<16xf32>
          %swap3A_414 = arith.constant 6 : i32
          %swap3A_415 = arith.index_cast %swap3A_414 : i32 to index
          %swap3A_416 = arith.index_cast %add3A_410 : i32 to index
          %swap3A_417 = tpu.vector_load %arg10[%swap3A_415, %swap3A_416] {strides = array<i32>} : memref<8x1024xf32, #tpu.memory_space<vmem>>, vector<1x16xf32>,
          %swap3A_418 = vector.shape_cast %swap3A_417 : vector<1x16xf32> to vector<16xf32>
          %swap3A_419 = vector.shape_cast %get3A_413 : vector<16xf32> to vector<1x16xf32>
          tpu.vector_store %arg10[%swap3A_415, %swap3A_416], %swap3A_419 {strides = array<i32>} : memref<8x1024xf32, #tpu.memory_space<vmem>>, vector<1x16xf32>,
          %mul3A_420 = arith.constant 64 : i32
          %mul3A_421 = arith.muli %scan3A_381, %mul3A_420 : i32
          %add3A_422 = arith.constant 48 : i32
          %add3A_423 = arith.addi %mul3A_421, %add3A_422 : i32
          %get3A_424 = arith.index_cast %add3A_423 : i32 to index
          %get3A_425 = tpu.vector_load %arg11[%get3A_424] {strides = array<i32>} : memref<1024xf32, #tpu.memory_space<vmem>>, vector<16xf32>,
          %get3A_426 = vector.shape_cast %get3A_425 : vector<16xf32> to vector<16xf32>
          %swap3A_427 = arith.constant 6 : i32
          %swap3A_428 = arith.index_cast %swap3A_427 : i32 to index
          %swap3A_429 = arith.index_cast %add3A_423 : i32 to index
          %swap3A_430 = tpu.vector_load %arg10[%swap3A_428, %swap3A_429] {strides = array<i32>} : memref<8x1024xf32, #tpu.memory_space<vmem>>, vector<1x16xf32>,
          %swap3A_431 = vector.shape_cast %swap3A_430 : vector<1x16xf32> to vector<16xf32>
          %swap3A_432 = vector.shape_cast %get3A_426 : vector<16xf32> to vector<1x16xf32>
          tpu.vector_store %arg10[%swap3A_428, %swap3A_429], %swap3A_432 {strides = array<i32>} : memref<8x1024xf32, #tpu.memory_space<vmem>>, vector<1x16xf32>,
          %scan3A_433 = arith.constant 0 : i32
          scf.yield %scan3A_433 : i32
        }
        %scan3A_191 = arith.constant 16 : i32
        %dma_wait3A_192 = arith.constant 0 : i32
        %dma_wait3A_193 = tpu.memref_slice %arg6[%dma_wait3A_192] : memref<800768xf32, #tpu.memory_space<vmem_shared>> -> memref<800768xf32, #tpu.memory_space<vmem_shared>>
        tpu.wait_indirect_dma semaphore(%arg14 : memref<!tpu.dma_semaphore, #tpu.memory_space<semaphore_mem>>) src(%dma_wait3A_193 : memref<800768xf32, #tpu.memory_space<vmem_shared>>) dst(%arg12 : memref<1024xf32, #tpu.memory_space<vmem>>)
        %scan3A_194 = arith.constant 0 : i32
        %scan3A_195 = arith.constant 0 : i32
        %scan3A_196 = arith.constant 16 : i32
        %scan3A_197 = arith.addi %scan3A_195, %scan3A_196 : i32
        %scan3A_198 = arith.constant 1 : i32
        %scan3A_199 = scf.for %scan3A_381 = %scan3A_195 to %scan3A_197 step %scan3A_198 iter_args(%scan3A_382 = %scan3A_194) -> (i32)  : i32 {
          %mul3A_383 = arith.constant 64 : i32
          %mul3A_384 = arith.muli %scan3A_381, %mul3A_383 : i32
          %add3A_385 = arith.constant 0 : i32
          %add3A_386 = arith.addi %mul3A_384, %add3A_385 : i32
          %get3A = arith.index_cast %add3A_386 : i32 to index
          %get3A_387 = tpu.vector_load %arg12[%get3A] {strides = array<i32>} : memref<1024xf32, #tpu.memory_space<vmem>>, vector<16xf32>,
          %get3A_388 = vector.shape_cast %get3A_387 : vector<16xf32> to vector<16xf32>
          %swap3A = arith.constant 7 : i32
          %swap3A_389 = arith.index_cast %swap3A : i32 to index
          %swap3A_390 = arith.index_cast %add3A_386 : i32 to index
          %swap3A_391 = tpu.vector_load %arg10[%swap3A_389, %swap3A_390] {strides = array<i32>} : memref<8x1024xf32, #tpu.memory_space<vmem>>, vector<1x16xf32>,
          %swap3A_392 = vector.shape_cast %swap3A_391 : vector<1x16xf32> to vector<16xf32>
          %swap3A_393 = vector.shape_cast %get3A_388 : vector<16xf32> to vector<1x16xf32>
          tpu.vector_store %arg10[%swap3A_389, %swap3A_390], %swap3A_393 {strides = array<i32>} : memref<8x1024xf32, #tpu.memory_space<vmem>>, vector<1x16xf32>,
          %mul3A_394 = arith.constant 64 : i32
          %mul3A_395 = arith.muli %scan3A_381, %mul3A_394 : i32
          %add3A_396 = arith.constant 16 : i32
          %add3A_397 = arith.addi %mul3A_395, %add3A_396 : i32
          %get3A_398 = arith.index_cast %add3A_397 : i32 to index
          %get3A_399 = tpu.vector_load %arg12[%get3A_398] {strides = array<i32>} : memref<1024xf32, #tpu.memory_space<vmem>>, vector<16xf32>,
          %get3A_400 = vector.shape_cast %get3A_399 : vector<16xf32> to vector<16xf32>
          %swap3A_401 = arith.constant 7 : i32
          %swap3A_402 = arith.index_cast %swap3A_401 : i32 to index
          %swap3A_403 = arith.index_cast %add3A_397 : i32 to index
          %swap3A_404 = tpu.vector_load %arg10[%swap3A_402, %swap3A_403] {strides = array<i32>} : memref<8x1024xf32, #tpu.memory_space<vmem>>, vector<1x16xf32>,
          %swap3A_405 = vector.shape_cast %swap3A_404 : vector<1x16xf32> to vector<16xf32>
          %swap3A_406 = vector.shape_cast %get3A_400 : vector<16xf32> to vector<1x16xf32>
          tpu.vector_store %arg10[%swap3A_402, %swap3A_403], %swap3A_406 {strides = array<i32>} : memref<8x1024xf32, #tpu.memory_space<vmem>>, vector<1x16xf32>,
          %mul3A_407 = arith.constant 64 : i32
          %mul3A_408 = arith.muli %scan3A_381, %mul3A_407 : i32
          %add3A_409 = arith.constant 32 : i32
          %add3A_410 = arith.addi %mul3A_408, %add3A_409 : i32
          %get3A_411 = arith.index_cast %add3A_410 : i32 to index
          %get3A_412 = tpu.vector_load %arg12[%get3A_411] {strides = array<i32>} : memref<1024xf32, #tpu.memory_space<vmem>>, vector<16xf32>,
          %get3A_413 = vector.shape_cast %get3A_412 : vector<16xf32> to vector<16xf32>
          %swap3A_414 = arith.constant 7 : i32
          %swap3A_415 = arith.index_cast %swap3A_414 : i32 to index
          %swap3A_416 = arith.index_cast %add3A_410 : i32 to index
          %swap3A_417 = tpu.vector_load %arg10[%swap3A_415, %swap3A_416] {strides = array<i32>} : memref<8x1024xf32, #tpu.memory_space<vmem>>, vector<1x16xf32>,
          %swap3A_418 = vector.shape_cast %swap3A_417 : vector<1x16xf32> to vector<16xf32>
          %swap3A_419 = vector.shape_cast %get3A_413 : vector<16xf32> to vector<1x16xf32>
          tpu.vector_store %arg10[%swap3A_415, %swap3A_416], %swap3A_419 {strides = array<i32>} : memref<8x1024xf32, #tpu.memory_space<vmem>>, vector<1x16xf32>,
          %mul3A_420 = arith.constant 64 : i32
          %mul3A_421 = arith.muli %scan3A_381, %mul3A_420 : i32
          %add3A_422 = arith.constant 48 : i32
          %add3A_423 = arith.addi %mul3A_421, %add3A_422 : i32
          %get3A_424 = arith.index_cast %add3A_423 : i32 to index
          %get3A_425 = tpu.vector_load %arg12[%get3A_424] {strides = array<i32>} : memref<1024xf32, #tpu.memory_space<vmem>>, vector<16xf32>,
          %get3A_426 = vector.shape_cast %get3A_425 : vector<16xf32> to vector<16xf32>
          %swap3A_427 = arith.constant 7 : i32
          %swap3A_428 = arith.index_cast %swap3A_427 : i32 to index
          %swap3A_429 = arith.index_cast %add3A_423 : i32 to index
          %swap3A_430 = tpu.vector_load %arg10[%swap3A_428, %swap3A_429] {strides = array<i32>} : memref<8x1024xf32, #tpu.memory_space<vmem>>, vector<1x16xf32>,
          %swap3A_431 = vector.shape_cast %swap3A_430 : vector<1x16xf32> to vector<16xf32>
          %swap3A_432 = vector.shape_cast %get3A_426 : vector<16xf32> to vector<1x16xf32>
          tpu.vector_store %arg10[%swap3A_428, %swap3A_429], %swap3A_432 {strides = array<i32>} : memref<8x1024xf32, #tpu.memory_space<vmem>>, vector<1x16xf32>,
          %scan3A_433 = arith.constant 0 : i32
          scf.yield %scan3A_433 : i32
        }
        %scan3A_200 = arith.constant 16 : i32
        %dma_start3A_201 = arith.constant 0 : i32
        %dma_start3A_202 = tpu.memref_slice %arg5[%scan3A_9, %dma_start3A_201, %mul3A_0] : memref<26x16x16384xf32, #tpu.memory_space<hbm>> -> memref<1x8x1024xf32, #tpu.memory_space<hbm>>
        %dma_start3A_203 = tpu.memref_squeeze %dma_start3A_202 : memref<1x8x1024xf32, #tpu.memory_space<hbm>> -> memref<8x1024xf32, #tpu.memory_space<hbm>>
        %dma_start3A_204 = arith.constant 0 : i32
        %dma_start3A_205 = tpu.memref_slice %arg5[%scan3A_9, %dma_start3A_204, %mul3A_0] : memref<26x16x16384xf32, #tpu.memory_space<hbm>> -> memref<1x8x1024xf32, #tpu.memory_space<hbm>>
        %dma_start3A_206 = tpu.memref_squeeze %dma_start3A_205 : memref<1x8x1024xf32, #tpu.memory_space<hbm>> -> memref<8x1024xf32, #tpu.memory_space<hbm>>
        tpu.enqueue_dma source(%arg10 : memref<8x1024xf32, #tpu.memory_space<vmem>>) target(%dma_start3A_206 : memref<8x1024xf32, #tpu.memory_space<hbm>>) target_semaphore(%arg16 : memref<!tpu.dma_semaphore, #tpu.memory_space<semaphore_mem>>)
        %barrier3A_207 = arith.constant 0 : index
        tpu.barrier barrier_id(%barrier3A_207)
        %mul3A_208 = arith.constant 16 : i32
        %mul3A_209 = arith.muli %mul3A_208, %scan3A_9 : i32
        %add3A_210 = arith.constant 8 : i32
        %add3A_211 = arith.addi %mul3A_209, %add3A_210 : i32
        %lt3A_212 = arith.constant 15 : i32
        %lt3A_213 = arith.cmpi slt, %arg1, %lt3A_212 : i32
        %convert_element_type3A_214 = arith.extui %lt3A_213 : i1 to i32
        %cond3A_215 = arith.constant 0 : i32
        %cond3A_216 = arith.cmpi ne, %convert_element_type3A_214, %cond3A_215 : i32
        scf.if %cond3A_216 {
          %mul3A_381 = arith.constant 6272 : i32
          %mul3A_382 = arith.muli %arg1, %mul3A_381 : i32
          "tpu.region"() ({
            %run_scoped3A = tpu.sem_alloc : memref<!tpu.dma_semaphore, #tpu.memory_space<semaphore_mem>>
            %dma_start3A_559 = tpu.memref_slice %arg3[%add3A_211, %mul3A_382] : memref<416x100001xf32, #tpu.memory_space<hbm>> -> memref<8x6272xf32, #tpu.memory_space<hbm>>
            %dma_start3A_560 = tpu.memref_slice %arg3[%add3A_211, %mul3A_382] : memref<416x100001xf32, #tpu.memory_space<hbm>> -> memref<8x6272xf32, #tpu.memory_space<hbm>>
            tpu.enqueue_dma source(%dma_start3A_560 : memref<8x6272xf32, #tpu.memory_space<hbm>>) target(%arg7 : memref<8x6272xf32, #tpu.memory_space<vmem>>) target_semaphore(%run_scoped3A : memref<!tpu.dma_semaphore, #tpu.memory_space<semaphore_mem>>)
            %dma_wait3A_561 = tpu.memref_slice %arg3[%add3A_211, %mul3A_382] : memref<416x100001xf32, #tpu.memory_space<hbm>> -> memref<8x6272xf32, #tpu.memory_space<hbm>>
            %dma_wait3A_562 = tpu.memref_slice %arg3[%add3A_211, %mul3A_382] : memref<416x100001xf32, #tpu.memory_space<hbm>> -> memref<8x6272xf32, #tpu.memory_space<hbm>>
            tpu.wait_dma2 semaphore(%run_scoped3A : memref<!tpu.dma_semaphore, #tpu.memory_space<semaphore_mem>>) src(%dma_wait3A_562 : memref<8x6272xf32, #tpu.memory_space<hbm>>) dst(%arg7 : memref<8x6272xf32, #tpu.memory_space<vmem>>)
            tpu.yield
          }) : () -> ()
          %mul3A_383 = arith.constant 6272 : i32
          %mul3A_384 = arith.muli %arg1, %mul3A_383 : i32
          %add3A_385 = arith.constant 0 : i32
          %add3A_386 = arith.addi %add3A_385, %mul3A_384 : i32
          %dma_start3A_387 = arith.constant 0 : i32
          %dma_start3A_388 = arith.constant 0 : i32
          %dma_start3A_389 = tpu.memref_slice %arg7[%dma_start3A_387, %dma_start3A_388] : memref<8x6272xf32, #tpu.memory_space<vmem>> -> memref<1x6272xf32, #tpu.memory_space<vmem>>
          %dma_start3A_390 = tpu.memref_squeeze %dma_start3A_389 : memref<1x6272xf32, #tpu.memory_space<vmem>> -> memref<6272xf32, #tpu.memory_space<vmem>>
          %dma_start3A_391 = tpu.memref_slice %arg6[%add3A_386] : memref<800768xf32, #tpu.memory_space<vmem_shared>> -> memref<6272xf32, #tpu.memory_space<vmem_shared>>
          %dma_start3A_392 = tpu.memref_slice %arg6[%add3A_386] : memref<800768xf32, #tpu.memory_space<vmem_shared>> -> memref<6272xf32, #tpu.memory_space<vmem_shared>>
          %dma_start3A_393 = arith.constant 0 : i32
          %dma_start3A_394 = tpu.memref_slice %arg7[%dma_start3A_387, %dma_start3A_393] : memref<8x6272xf32, #tpu.memory_space<vmem>> -> memref<1x6272xf32, #tpu.memory_space<vmem>>
          %dma_start3A_395 = tpu.memref_squeeze %dma_start3A_394 : memref<1x6272xf32, #tpu.memory_space<vmem>> -> memref<6272xf32, #tpu.memory_space<vmem>>
          tpu.enqueue_dma source(%dma_start3A_395 : memref<6272xf32, #tpu.memory_space<vmem>>) target(%dma_start3A_392 : memref<6272xf32, #tpu.memory_space<vmem_shared>>) target_semaphore(%arg15 : memref<!tpu.dma_semaphore, #tpu.memory_space<semaphore_mem>>)
          %mul3A_396 = arith.constant 6272 : i32
          %mul3A_397 = arith.muli %arg1, %mul3A_396 : i32
          %add3A_398 = arith.constant 100096 : i32
          %add3A_399 = arith.addi %add3A_398, %mul3A_397 : i32
          %dma_start3A_400 = arith.constant 1 : i32
          %dma_start3A_401 = arith.constant 0 : i32
          %dma_start3A_402 = tpu.memref_slice %arg7[%dma_start3A_400, %dma_start3A_401] : memref<8x6272xf32, #tpu.memory_space<vmem>> -> memref<1x6272xf32, #tpu.memory_space<vmem>>
          %dma_start3A_403 = tpu.memref_squeeze %dma_start3A_402 : memref<1x6272xf32, #tpu.memory_space<vmem>> -> memref<6272xf32, #tpu.memory_space<vmem>>
          %dma_start3A_404 = tpu.memref_slice %arg6[%add3A_399] : memref<800768xf32, #tpu.memory_space<vmem_shared>> -> memref<6272xf32, #tpu.memory_space<vmem_shared>>
          %dma_start3A_405 = tpu.memref_slice %arg6[%add3A_399] : memref<800768xf32, #tpu.memory_space<vmem_shared>> -> memref<6272xf32, #tpu.memory_space<vmem_shared>>
          %dma_start3A_406 = arith.constant 0 : i32
          %dma_start3A_407 = tpu.memref_slice %arg7[%dma_start3A_400, %dma_start3A_406] : memref<8x6272xf32, #tpu.memory_space<vmem>> -> memref<1x6272xf32, #tpu.memory_space<vmem>>
          %dma_start3A_408 = tpu.memref_squeeze %dma_start3A_407 : memref<1x6272xf32, #tpu.memory_space<vmem>> -> memref<6272xf32, #tpu.memory_space<vmem>>
          tpu.enqueue_dma source(%dma_start3A_408 : memref<6272xf32, #tpu.memory_space<vmem>>) target(%dma_start3A_405 : memref<6272xf32, #tpu.memory_space<vmem_shared>>) target_semaphore(%arg15 : memref<!tpu.dma_semaphore, #tpu.memory_space<semaphore_mem>>)
          %mul3A_409 = arith.constant 6272 : i32
          %mul3A_410 = arith.muli %arg1, %mul3A_409 : i32
          %add3A_411 = arith.constant 200192 : i32
          %add3A_412 = arith.addi %add3A_411, %mul3A_410 : i32
          %dma_start3A_413 = arith.constant 2 : i32
          %dma_start3A_414 = arith.constant 0 : i32
          %dma_start3A_415 = tpu.memref_slice %arg7[%dma_start3A_413, %dma_start3A_414] : memref<8x6272xf32, #tpu.memory_space<vmem>> -> memref<1x6272xf32, #tpu.memory_space<vmem>>
          %dma_start3A_416 = tpu.memref_squeeze %dma_start3A_415 : memref<1x6272xf32, #tpu.memory_space<vmem>> -> memref<6272xf32, #tpu.memory_space<vmem>>
          %dma_start3A_417 = tpu.memref_slice %arg6[%add3A_412] : memref<800768xf32, #tpu.memory_space<vmem_shared>> -> memref<6272xf32, #tpu.memory_space<vmem_shared>>
          %dma_start3A_418 = tpu.memref_slice %arg6[%add3A_412] : memref<800768xf32, #tpu.memory_space<vmem_shared>> -> memref<6272xf32, #tpu.memory_space<vmem_shared>>
          %dma_start3A_419 = arith.constant 0 : i32
          %dma_start3A_420 = tpu.memref_slice %arg7[%dma_start3A_413, %dma_start3A_419] : memref<8x6272xf32, #tpu.memory_space<vmem>> -> memref<1x6272xf32, #tpu.memory_space<vmem>>
          %dma_start3A_421 = tpu.memref_squeeze %dma_start3A_420 : memref<1x6272xf32, #tpu.memory_space<vmem>> -> memref<6272xf32, #tpu.memory_space<vmem>>
          tpu.enqueue_dma source(%dma_start3A_421 : memref<6272xf32, #tpu.memory_space<vmem>>) target(%dma_start3A_418 : memref<6272xf32, #tpu.memory_space<vmem_shared>>) target_semaphore(%arg15 : memref<!tpu.dma_semaphore, #tpu.memory_space<semaphore_mem>>)
          %mul3A_422 = arith.constant 6272 : i32
          %mul3A_423 = arith.muli %arg1, %mul3A_422 : i32
          %add3A_424 = arith.constant 300288 : i32
          %add3A_425 = arith.addi %add3A_424, %mul3A_423 : i32
          %dma_start3A_426 = arith.constant 3 : i32
          %dma_start3A_427 = arith.constant 0 : i32
          %dma_start3A_428 = tpu.memref_slice %arg7[%dma_start3A_426, %dma_start3A_427] : memref<8x6272xf32, #tpu.memory_space<vmem>> -> memref<1x6272xf32, #tpu.memory_space<vmem>>
          %dma_start3A_429 = tpu.memref_squeeze %dma_start3A_428 : memref<1x6272xf32, #tpu.memory_space<vmem>> -> memref<6272xf32, #tpu.memory_space<vmem>>
          %dma_start3A_430 = tpu.memref_slice %arg6[%add3A_425] : memref<800768xf32, #tpu.memory_space<vmem_shared>> -> memref<6272xf32, #tpu.memory_space<vmem_shared>>
          %dma_start3A_431 = tpu.memref_slice %arg6[%add3A_425] : memref<800768xf32, #tpu.memory_space<vmem_shared>> -> memref<6272xf32, #tpu.memory_space<vmem_shared>>
          %dma_start3A_432 = arith.constant 0 : i32
          %dma_start3A_433 = tpu.memref_slice %arg7[%dma_start3A_426, %dma_start3A_432] : memref<8x6272xf32, #tpu.memory_space<vmem>> -> memref<1x6272xf32, #tpu.memory_space<vmem>>
          %dma_start3A_434 = tpu.memref_squeeze %dma_start3A_433 : memref<1x6272xf32, #tpu.memory_space<vmem>> -> memref<6272xf32, #tpu.memory_space<vmem>>
          tpu.enqueue_dma source(%dma_start3A_434 : memref<6272xf32, #tpu.memory_space<vmem>>) target(%dma_start3A_431 : memref<6272xf32, #tpu.memory_space<vmem_shared>>) target_semaphore(%arg15 : memref<!tpu.dma_semaphore, #tpu.memory_space<semaphore_mem>>)
          %mul3A_435 = arith.constant 6272 : i32
          %mul3A_436 = arith.muli %arg1, %mul3A_435 : i32
          %add3A_437 = arith.constant 400384 : i32
          %add3A_438 = arith.addi %add3A_437, %mul3A_436 : i32
          %dma_start3A_439 = arith.constant 4 : i32
          %dma_start3A_440 = arith.constant 0 : i32
          %dma_start3A_441 = tpu.memref_slice %arg7[%dma_start3A_439, %dma_start3A_440] : memref<8x6272xf32, #tpu.memory_space<vmem>> -> memref<1x6272xf32, #tpu.memory_space<vmem>>
          %dma_start3A_442 = tpu.memref_squeeze %dma_start3A_441 : memref<1x6272xf32, #tpu.memory_space<vmem>> -> memref<6272xf32, #tpu.memory_space<vmem>>
          %dma_start3A_443 = tpu.memref_slice %arg6[%add3A_438] : memref<800768xf32, #tpu.memory_space<vmem_shared>> -> memref<6272xf32, #tpu.memory_space<vmem_shared>>
          %dma_start3A_444 = tpu.memref_slice %arg6[%add3A_438] : memref<800768xf32, #tpu.memory_space<vmem_shared>> -> memref<6272xf32, #tpu.memory_space<vmem_shared>>
          %dma_start3A_445 = arith.constant 0 : i32
          %dma_start3A_446 = tpu.memref_slice %arg7[%dma_start3A_439, %dma_start3A_445] : memref<8x6272xf32, #tpu.memory_space<vmem>> -> memref<1x6272xf32, #tpu.memory_space<vmem>>
          %dma_start3A_447 = tpu.memref_squeeze %dma_start3A_446 : memref<1x6272xf32, #tpu.memory_space<vmem>> -> memref<6272xf32, #tpu.memory_space<vmem>>
          tpu.enqueue_dma source(%dma_start3A_447 : memref<6272xf32, #tpu.memory_space<vmem>>) target(%dma_start3A_444 : memref<6272xf32, #tpu.memory_space<vmem_shared>>) target_semaphore(%arg15 : memref<!tpu.dma_semaphore, #tpu.memory_space<semaphore_mem>>)
          %mul3A_448 = arith.constant 6272 : i32
          %mul3A_449 = arith.muli %arg1, %mul3A_448 : i32
          %add3A_450 = arith.constant 500480 : i32
          %add3A_451 = arith.addi %add3A_450, %mul3A_449 : i32
          %dma_start3A_452 = arith.constant 5 : i32
          %dma_start3A_453 = arith.constant 0 : i32
          %dma_start3A_454 = tpu.memref_slice %arg7[%dma_start3A_452, %dma_start3A_453] : memref<8x6272xf32, #tpu.memory_space<vmem>> -> memref<1x6272xf32, #tpu.memory_space<vmem>>
          %dma_start3A_455 = tpu.memref_squeeze %dma_start3A_454 : memref<1x6272xf32, #tpu.memory_space<vmem>> -> memref<6272xf32, #tpu.memory_space<vmem>>
          %dma_start3A_456 = tpu.memref_slice %arg6[%add3A_451] : memref<800768xf32, #tpu.memory_space<vmem_shared>> -> memref<6272xf32, #tpu.memory_space<vmem_shared>>
          %dma_start3A_457 = tpu.memref_slice %arg6[%add3A_451] : memref<800768xf32, #tpu.memory_space<vmem_shared>> -> memref<6272xf32, #tpu.memory_space<vmem_shared>>
          %dma_start3A_458 = arith.constant 0 : i32
          %dma_start3A_459 = tpu.memref_slice %arg7[%dma_start3A_452, %dma_start3A_458] : memref<8x6272xf32, #tpu.memory_space<vmem>> -> memref<1x6272xf32, #tpu.memory_space<vmem>>
          %dma_start3A_460 = tpu.memref_squeeze %dma_start3A_459 : memref<1x6272xf32, #tpu.memory_space<vmem>> -> memref<6272xf32, #tpu.memory_space<vmem>>
          tpu.enqueue_dma source(%dma_start3A_460 : memref<6272xf32, #tpu.memory_space<vmem>>) target(%dma_start3A_457 : memref<6272xf32, #tpu.memory_space<vmem_shared>>) target_semaphore(%arg15 : memref<!tpu.dma_semaphore, #tpu.memory_space<semaphore_mem>>)
          %mul3A_461 = arith.constant 6272 : i32
          %mul3A_462 = arith.muli %arg1, %mul3A_461 : i32
          %add3A_463 = arith.constant 600576 : i32
          %add3A_464 = arith.addi %add3A_463, %mul3A_462 : i32
          %dma_start3A_465 = arith.constant 6 : i32
          %dma_start3A_466 = arith.constant 0 : i32
          %dma_start3A_467 = tpu.memref_slice %arg7[%dma_start3A_465, %dma_start3A_466] : memref<8x6272xf32, #tpu.memory_space<vmem>> -> memref<1x6272xf32, #tpu.memory_space<vmem>>
          %dma_start3A_468 = tpu.memref_squeeze %dma_start3A_467 : memref<1x6272xf32, #tpu.memory_space<vmem>> -> memref<6272xf32, #tpu.memory_space<vmem>>
          %dma_start3A_469 = tpu.memref_slice %arg6[%add3A_464] : memref<800768xf32, #tpu.memory_space<vmem_shared>> -> memref<6272xf32, #tpu.memory_space<vmem_shared>>
          %dma_start3A_470 = tpu.memref_slice %arg6[%add3A_464] : memref<800768xf32, #tpu.memory_space<vmem_shared>> -> memref<6272xf32, #tpu.memory_space<vmem_shared>>
          %dma_start3A_471 = arith.constant 0 : i32
          %dma_start3A_472 = tpu.memref_slice %arg7[%dma_start3A_465, %dma_start3A_471] : memref<8x6272xf32, #tpu.memory_space<vmem>> -> memref<1x6272xf32, #tpu.memory_space<vmem>>
          %dma_start3A_473 = tpu.memref_squeeze %dma_start3A_472 : memref<1x6272xf32, #tpu.memory_space<vmem>> -> memref<6272xf32, #tpu.memory_space<vmem>>
          tpu.enqueue_dma source(%dma_start3A_473 : memref<6272xf32, #tpu.memory_space<vmem>>) target(%dma_start3A_470 : memref<6272xf32, #tpu.memory_space<vmem_shared>>) target_semaphore(%arg15 : memref<!tpu.dma_semaphore, #tpu.memory_space<semaphore_mem>>)
          %mul3A_474 = arith.constant 6272 : i32
          %mul3A_475 = arith.muli %arg1, %mul3A_474 : i32
          %add3A_476 = arith.constant 700672 : i32
          %add3A_477 = arith.addi %add3A_476, %mul3A_475 : i32
          %dma_start3A_478 = arith.constant 7 : i32
          %dma_start3A_479 = arith.constant 0 : i32
          %dma_start3A_480 = tpu.memref_slice %arg7[%dma_start3A_478, %dma_start3A_479] : memref<8x6272xf32, #tpu.memory_space<vmem>> -> memref<1x6272xf32, #tpu.memory_space<vmem>>
          %dma_start3A_481 = tpu.memref_squeeze %dma_start3A_480 : memref<1x6272xf32, #tpu.memory_space<vmem>> -> memref<6272xf32, #tpu.memory_space<vmem>>
          %dma_start3A_482 = tpu.memref_slice %arg6[%add3A_477] : memref<800768xf32, #tpu.memory_space<vmem_shared>> -> memref<6272xf32, #tpu.memory_space<vmem_shared>>
          %dma_start3A_483 = tpu.memref_slice %arg6[%add3A_477] : memref<800768xf32, #tpu.memory_space<vmem_shared>> -> memref<6272xf32, #tpu.memory_space<vmem_shared>>
          %dma_start3A_484 = arith.constant 0 : i32
          %dma_start3A_485 = tpu.memref_slice %arg7[%dma_start3A_478, %dma_start3A_484] : memref<8x6272xf32, #tpu.memory_space<vmem>> -> memref<1x6272xf32, #tpu.memory_space<vmem>>
          %dma_start3A_486 = tpu.memref_squeeze %dma_start3A_485 : memref<1x6272xf32, #tpu.memory_space<vmem>> -> memref<6272xf32, #tpu.memory_space<vmem>>
          tpu.enqueue_dma source(%dma_start3A_486 : memref<6272xf32, #tpu.memory_space<vmem>>) target(%dma_start3A_483 : memref<6272xf32, #tpu.memory_space<vmem_shared>>) target_semaphore(%arg15 : memref<!tpu.dma_semaphore, #tpu.memory_space<semaphore_mem>>)
          %dma_wait3A_487 = arith.constant 0 : i32
          %dma_wait3A_488 = arith.constant 0 : i32
          %dma_wait3A_489 = tpu.memref_slice %arg7[%dma_wait3A_487, %dma_wait3A_488] : memref<8x6272xf32, #tpu.memory_space<vmem>> -> memref<1x6272xf32, #tpu.memory_space<vmem>>
          %dma_wait3A_490 = tpu.memref_squeeze %dma_wait3A_489 : memref<1x6272xf32, #tpu.memory_space<vmem>> -> memref<6272xf32, #tpu.memory_space<vmem>>
          %dma_wait3A_491 = tpu.memref_slice %arg6[%add3A_386] : memref<800768xf32, #tpu.memory_space<vmem_shared>> -> memref<6272xf32, #tpu.memory_space<vmem_shared>>
          %dma_wait3A_492 = tpu.memref_slice %arg6[%add3A_386] : memref<800768xf32, #tpu.memory_space<vmem_shared>> -> memref<6272xf32, #tpu.memory_space<vmem_shared>>
          %dma_wait3A_493 = arith.constant 0 : i32
          %dma_wait3A_494 = tpu.memref_slice %arg7[%dma_wait3A_487, %dma_wait3A_493] : memref<8x6272xf32, #tpu.memory_space<vmem>> -> memref<1x6272xf32, #tpu.memory_space<vmem>>
          %dma_wait3A_495 = tpu.memref_squeeze %dma_wait3A_494 : memref<1x6272xf32, #tpu.memory_space<vmem>> -> memref<6272xf32, #tpu.memory_space<vmem>>
          tpu.wait_dma2 semaphore(%arg15 : memref<!tpu.dma_semaphore, #tpu.memory_space<semaphore_mem>>) src(%dma_wait3A_495 : memref<6272xf32, #tpu.memory_space<vmem>>) dst(%dma_wait3A_492 : memref<6272xf32, #tpu.memory_space<vmem_shared>>)
          %dma_wait3A_496 = arith.constant 1 : i32
          %dma_wait3A_497 = arith.constant 0 : i32
          %dma_wait3A_498 = tpu.memref_slice %arg7[%dma_wait3A_496, %dma_wait3A_497] : memref<8x6272xf32, #tpu.memory_space<vmem>> -> memref<1x6272xf32, #tpu.memory_space<vmem>>
          %dma_wait3A_499 = tpu.memref_squeeze %dma_wait3A_498 : memref<1x6272xf32, #tpu.memory_space<vmem>> -> memref<6272xf32, #tpu.memory_space<vmem>>
          %dma_wait3A_500 = tpu.memref_slice %arg6[%add3A_399] : memref<800768xf32, #tpu.memory_space<vmem_shared>> -> memref<6272xf32, #tpu.memory_space<vmem_shared>>
          %dma_wait3A_501 = tpu.memref_slice %arg6[%add3A_399] : memref<800768xf32, #tpu.memory_space<vmem_shared>> -> memref<6272xf32, #tpu.memory_space<vmem_shared>>
          %dma_wait3A_502 = arith.constant 0 : i32
          %dma_wait3A_503 = tpu.memref_slice %arg7[%dma_wait3A_496, %dma_wait3A_502] : memref<8x6272xf32, #tpu.memory_space<vmem>> -> memref<1x6272xf32, #tpu.memory_space<vmem>>
          %dma_wait3A_504 = tpu.memref_squeeze %dma_wait3A_503 : memref<1x6272xf32, #tpu.memory_space<vmem>> -> memref<6272xf32, #tpu.memory_space<vmem>>
          tpu.wait_dma2 semaphore(%arg15 : memref<!tpu.dma_semaphore, #tpu.memory_space<semaphore_mem>>) src(%dma_wait3A_504 : memref<6272xf32, #tpu.memory_space<vmem>>) dst(%dma_wait3A_501 : memref<6272xf32, #tpu.memory_space<vmem_shared>>)
          %dma_wait3A_505 = arith.constant 2 : i32
          %dma_wait3A_506 = arith.constant 0 : i32
          %dma_wait3A_507 = tpu.memref_slice %arg7[%dma_wait3A_505, %dma_wait3A_506] : memref<8x6272xf32, #tpu.memory_space<vmem>> -> memref<1x6272xf32, #tpu.memory_space<vmem>>
          %dma_wait3A_508 = tpu.memref_squeeze %dma_wait3A_507 : memref<1x6272xf32, #tpu.memory_space<vmem>> -> memref<6272xf32, #tpu.memory_space<vmem>>
          %dma_wait3A_509 = tpu.memref_slice %arg6[%add3A_412] : memref<800768xf32, #tpu.memory_space<vmem_shared>> -> memref<6272xf32, #tpu.memory_space<vmem_shared>>
          %dma_wait3A_510 = tpu.memref_slice %arg6[%add3A_412] : memref<800768xf32, #tpu.memory_space<vmem_shared>> -> memref<6272xf32, #tpu.memory_space<vmem_shared>>
          %dma_wait3A_511 = arith.constant 0 : i32
          %dma_wait3A_512 = tpu.memref_slice %arg7[%dma_wait3A_505, %dma_wait3A_511] : memref<8x6272xf32, #tpu.memory_space<vmem>> -> memref<1x6272xf32, #tpu.memory_space<vmem>>
          %dma_wait3A_513 = tpu.memref_squeeze %dma_wait3A_512 : memref<1x6272xf32, #tpu.memory_space<vmem>> -> memref<6272xf32, #tpu.memory_space<vmem>>
          tpu.wait_dma2 semaphore(%arg15 : memref<!tpu.dma_semaphore, #tpu.memory_space<semaphore_mem>>) src(%dma_wait3A_513 : memref<6272xf32, #tpu.memory_space<vmem>>) dst(%dma_wait3A_510 : memref<6272xf32, #tpu.memory_space<vmem_shared>>)
          %dma_wait3A_514 = arith.constant 3 : i32
          %dma_wait3A_515 = arith.constant 0 : i32
          %dma_wait3A_516 = tpu.memref_slice %arg7[%dma_wait3A_514, %dma_wait3A_515] : memref<8x6272xf32, #tpu.memory_space<vmem>> -> memref<1x6272xf32, #tpu.memory_space<vmem>>
          %dma_wait3A_517 = tpu.memref_squeeze %dma_wait3A_516 : memref<1x6272xf32, #tpu.memory_space<vmem>> -> memref<6272xf32, #tpu.memory_space<vmem>>
          %dma_wait3A_518 = tpu.memref_slice %arg6[%add3A_425] : memref<800768xf32, #tpu.memory_space<vmem_shared>> -> memref<6272xf32, #tpu.memory_space<vmem_shared>>
          %dma_wait3A_519 = tpu.memref_slice %arg6[%add3A_425] : memref<800768xf32, #tpu.memory_space<vmem_shared>> -> memref<6272xf32, #tpu.memory_space<vmem_shared>>
          %dma_wait3A_520 = arith.constant 0 : i32
          %dma_wait3A_521 = tpu.memref_slice %arg7[%dma_wait3A_514, %dma_wait3A_520] : memref<8x6272xf32, #tpu.memory_space<vmem>> -> memref<1x6272xf32, #tpu.memory_space<vmem>>
          %dma_wait3A_522 = tpu.memref_squeeze %dma_wait3A_521 : memref<1x6272xf32, #tpu.memory_space<vmem>> -> memref<6272xf32, #tpu.memory_space<vmem>>
          tpu.wait_dma2 semaphore(%arg15 : memref<!tpu.dma_semaphore, #tpu.memory_space<semaphore_mem>>) src(%dma_wait3A_522 : memref<6272xf32, #tpu.memory_space<vmem>>) dst(%dma_wait3A_519 : memref<6272xf32, #tpu.memory_space<vmem_shared>>)
          %dma_wait3A_523 = arith.constant 4 : i32
          %dma_wait3A_524 = arith.constant 0 : i32
          %dma_wait3A_525 = tpu.memref_slice %arg7[%dma_wait3A_523, %dma_wait3A_524] : memref<8x6272xf32, #tpu.memory_space<vmem>> -> memref<1x6272xf32, #tpu.memory_space<vmem>>
          %dma_wait3A_526 = tpu.memref_squeeze %dma_wait3A_525 : memref<1x6272xf32, #tpu.memory_space<vmem>> -> memref<6272xf32, #tpu.memory_space<vmem>>
          %dma_wait3A_527 = tpu.memref_slice %arg6[%add3A_438] : memref<800768xf32, #tpu.memory_space<vmem_shared>> -> memref<6272xf32, #tpu.memory_space<vmem_shared>>
          %dma_wait3A_528 = tpu.memref_slice %arg6[%add3A_438] : memref<800768xf32, #tpu.memory_space<vmem_shared>> -> memref<6272xf32, #tpu.memory_space<vmem_shared>>
          %dma_wait3A_529 = arith.constant 0 : i32
          %dma_wait3A_530 = tpu.memref_slice %arg7[%dma_wait3A_523, %dma_wait3A_529] : memref<8x6272xf32, #tpu.memory_space<vmem>> -> memref<1x6272xf32, #tpu.memory_space<vmem>>
          %dma_wait3A_531 = tpu.memref_squeeze %dma_wait3A_530 : memref<1x6272xf32, #tpu.memory_space<vmem>> -> memref<6272xf32, #tpu.memory_space<vmem>>
          tpu.wait_dma2 semaphore(%arg15 : memref<!tpu.dma_semaphore, #tpu.memory_space<semaphore_mem>>) src(%dma_wait3A_531 : memref<6272xf32, #tpu.memory_space<vmem>>) dst(%dma_wait3A_528 : memref<6272xf32, #tpu.memory_space<vmem_shared>>)
          %dma_wait3A_532 = arith.constant 5 : i32
          %dma_wait3A_533 = arith.constant 0 : i32
          %dma_wait3A_534 = tpu.memref_slice %arg7[%dma_wait3A_532, %dma_wait3A_533] : memref<8x6272xf32, #tpu.memory_space<vmem>> -> memref<1x6272xf32, #tpu.memory_space<vmem>>
          %dma_wait3A_535 = tpu.memref_squeeze %dma_wait3A_534 : memref<1x6272xf32, #tpu.memory_space<vmem>> -> memref<6272xf32, #tpu.memory_space<vmem>>
          %dma_wait3A_536 = tpu.memref_slice %arg6[%add3A_451] : memref<800768xf32, #tpu.memory_space<vmem_shared>> -> memref<6272xf32, #tpu.memory_space<vmem_shared>>
          %dma_wait3A_537 = tpu.memref_slice %arg6[%add3A_451] : memref<800768xf32, #tpu.memory_space<vmem_shared>> -> memref<6272xf32, #tpu.memory_space<vmem_shared>>
          %dma_wait3A_538 = arith.constant 0 : i32
          %dma_wait3A_539 = tpu.memref_slice %arg7[%dma_wait3A_532, %dma_wait3A_538] : memref<8x6272xf32, #tpu.memory_space<vmem>> -> memref<1x6272xf32, #tpu.memory_space<vmem>>
          %dma_wait3A_540 = tpu.memref_squeeze %dma_wait3A_539 : memref<1x6272xf32, #tpu.memory_space<vmem>> -> memref<6272xf32, #tpu.memory_space<vmem>>
          tpu.wait_dma2 semaphore(%arg15 : memref<!tpu.dma_semaphore, #tpu.memory_space<semaphore_mem>>) src(%dma_wait3A_540 : memref<6272xf32, #tpu.memory_space<vmem>>) dst(%dma_wait3A_537 : memref<6272xf32, #tpu.memory_space<vmem_shared>>)
          %dma_wait3A_541 = arith.constant 6 : i32
          %dma_wait3A_542 = arith.constant 0 : i32
          %dma_wait3A_543 = tpu.memref_slice %arg7[%dma_wait3A_541, %dma_wait3A_542] : memref<8x6272xf32, #tpu.memory_space<vmem>> -> memref<1x6272xf32, #tpu.memory_space<vmem>>
          %dma_wait3A_544 = tpu.memref_squeeze %dma_wait3A_543 : memref<1x6272xf32, #tpu.memory_space<vmem>> -> memref<6272xf32, #tpu.memory_space<vmem>>
          %dma_wait3A_545 = tpu.memref_slice %arg6[%add3A_464] : memref<800768xf32, #tpu.memory_space<vmem_shared>> -> memref<6272xf32, #tpu.memory_space<vmem_shared>>
          %dma_wait3A_546 = tpu.memref_slice %arg6[%add3A_464] : memref<800768xf32, #tpu.memory_space<vmem_shared>> -> memref<6272xf32, #tpu.memory_space<vmem_shared>>
          %dma_wait3A_547 = arith.constant 0 : i32
          %dma_wait3A_548 = tpu.memref_slice %arg7[%dma_wait3A_541, %dma_wait3A_547] : memref<8x6272xf32, #tpu.memory_space<vmem>> -> memref<1x6272xf32, #tpu.memory_space<vmem>>
          %dma_wait3A_549 = tpu.memref_squeeze %dma_wait3A_548 : memref<1x6272xf32, #tpu.memory_space<vmem>> -> memref<6272xf32, #tpu.memory_space<vmem>>
          tpu.wait_dma2 semaphore(%arg15 : memref<!tpu.dma_semaphore, #tpu.memory_space<semaphore_mem>>) src(%dma_wait3A_549 : memref<6272xf32, #tpu.memory_space<vmem>>) dst(%dma_wait3A_546 : memref<6272xf32, #tpu.memory_space<vmem_shared>>)
          %dma_wait3A_550 = arith.constant 7 : i32
          %dma_wait3A_551 = arith.constant 0 : i32
          %dma_wait3A_552 = tpu.memref_slice %arg7[%dma_wait3A_550, %dma_wait3A_551] : memref<8x6272xf32, #tpu.memory_space<vmem>> -> memref<1x6272xf32, #tpu.memory_space<vmem>>
          %dma_wait3A_553 = tpu.memref_squeeze %dma_wait3A_552 : memref<1x6272xf32, #tpu.memory_space<vmem>> -> memref<6272xf32, #tpu.memory_space<vmem>>
          %dma_wait3A_554 = tpu.memref_slice %arg6[%add3A_477] : memref<800768xf32, #tpu.memory_space<vmem_shared>> -> memref<6272xf32, #tpu.memory_space<vmem_shared>>
          %dma_wait3A_555 = tpu.memref_slice %arg6[%add3A_477] : memref<800768xf32, #tpu.memory_space<vmem_shared>> -> memref<6272xf32, #tpu.memory_space<vmem_shared>>
          %dma_wait3A_556 = arith.constant 0 : i32
          %dma_wait3A_557 = tpu.memref_slice %arg7[%dma_wait3A_550, %dma_wait3A_556] : memref<8x6272xf32, #tpu.memory_space<vmem>> -> memref<1x6272xf32, #tpu.memory_space<vmem>>
          %dma_wait3A_558 = tpu.memref_squeeze %dma_wait3A_557 : memref<1x6272xf32, #tpu.memory_space<vmem>> -> memref<6272xf32, #tpu.memory_space<vmem>>
          tpu.wait_dma2 semaphore(%arg15 : memref<!tpu.dma_semaphore, #tpu.memory_space<semaphore_mem>>) src(%dma_wait3A_558 : memref<6272xf32, #tpu.memory_space<vmem>>) dst(%dma_wait3A_555 : memref<6272xf32, #tpu.memory_space<vmem_shared>>)
        } else {
        }
        %eq3A_217 = arith.constant 15 : i32
        %eq3A_218 = arith.cmpi eq, %arg1, %eq3A_217 : i32
        %convert_element_type3A_219 = arith.extui %eq3A_218 : i1 to i32
        %cond3A_220 = arith.constant 0 : i32
        %cond3A_221 = arith.cmpi ne, %convert_element_type3A_219, %cond3A_220 : i32
        scf.if %cond3A_221 {
          "tpu.region"() ({
            %run_scoped3A = tpu.sem_alloc : memref<!tpu.dma_semaphore, #tpu.memory_space<semaphore_mem>>
            %dma_start3A_733 = arith.constant 0 : i32
            %dma_start3A_734 = arith.constant 0 : i32
            %dma_start3A_735 = tpu.memref_slice %arg7[%dma_start3A_733, %dma_start3A_734] : memref<8x6272xf32, #tpu.memory_space<vmem>> -> memref<8x5888xf32, #tpu.memory_space<vmem>>
            %dma_start3A_736 = arith.constant 94080 : i32
            %dma_start3A_737 = tpu.memref_slice %arg3[%add3A_211, %dma_start3A_736] : memref<416x100001xf32, #tpu.memory_space<hbm>> -> memref<8x5888xf32, #tpu.memory_space<hbm>>
            %dma_start3A_738 = arith.constant 0 : i32
            %dma_start3A_739 = arith.constant 0 : i32
            %dma_start3A_740 = tpu.memref_slice %arg7[%dma_start3A_738, %dma_start3A_739] : memref<8x6272xf32, #tpu.memory_space<vmem>> -> memref<8x5888xf32, #tpu.memory_space<vmem>>
            %dma_start3A_741 = arith.constant 94080 : i32
            %dma_start3A_742 = tpu.memref_slice %arg3[%add3A_211, %dma_start3A_741] : memref<416x100001xf32, #tpu.memory_space<hbm>> -> memref<8x5888xf32, #tpu.memory_space<hbm>>
            tpu.enqueue_dma source(%dma_start3A_742 : memref<8x5888xf32, #tpu.memory_space<hbm>>) target(%dma_start3A_740 : memref<8x5888xf32, #tpu.memory_space<vmem>>) target_semaphore(%run_scoped3A : memref<!tpu.dma_semaphore, #tpu.memory_space<semaphore_mem>>)
            %dma_wait3A_743 = arith.constant 0 : i32
            %dma_wait3A_744 = arith.constant 0 : i32
            %dma_wait3A_745 = tpu.memref_slice %arg7[%dma_wait3A_743, %dma_wait3A_744] : memref<8x6272xf32, #tpu.memory_space<vmem>> -> memref<8x5888xf32, #tpu.memory_space<vmem>>
            %dma_wait3A_746 = arith.constant 94080 : i32
            %dma_wait3A_747 = tpu.memref_slice %arg3[%add3A_211, %dma_wait3A_746] : memref<416x100001xf32, #tpu.memory_space<hbm>> -> memref<8x5888xf32, #tpu.memory_space<hbm>>
            %dma_wait3A_748 = arith.constant 0 : i32
            %dma_wait3A_749 = arith.constant 0 : i32
            %dma_wait3A_750 = tpu.memref_slice %arg7[%dma_wait3A_748, %dma_wait3A_749] : memref<8x6272xf32, #tpu.memory_space<vmem>> -> memref<8x5888xf32, #tpu.memory_space<vmem>>
            %dma_wait3A_751 = arith.constant 94080 : i32
            %dma_wait3A_752 = tpu.memref_slice %arg3[%add3A_211, %dma_wait3A_751] : memref<416x100001xf32, #tpu.memory_space<hbm>> -> memref<8x5888xf32, #tpu.memory_space<hbm>>
            tpu.wait_dma2 semaphore(%run_scoped3A : memref<!tpu.dma_semaphore, #tpu.memory_space<semaphore_mem>>) src(%dma_wait3A_752 : memref<8x5888xf32, #tpu.memory_space<hbm>>) dst(%dma_wait3A_750 : memref<8x5888xf32, #tpu.memory_space<vmem>>)
            tpu.yield
          }) : () -> ()
          "tpu.region"() ({
            %run_scoped3A = tpu.sem_alloc : memref<!tpu.dma_semaphore, #tpu.memory_space<semaphore_mem>>
            %dma_start3A_733 = arith.constant 0 : i32
            %dma_start3A_734 = arith.constant 5888 : i32
            %dma_start3A_735 = tpu.memref_slice %arg7[%dma_start3A_733, %dma_start3A_734] : memref<8x6272xf32, #tpu.memory_space<vmem>> -> memref<8x128xf32, #tpu.memory_space<vmem>>
            %dma_start3A_736 = arith.constant 8 : i32
            %dma_start3A_737 = arith.constant 0 : i32
            %dma_start3A_738 = tpu.memref_slice %arg4[%scan3A_9, %dma_start3A_736, %dma_start3A_737] : memref<26x16x128xf32, #tpu.memory_space<hbm>> -> memref<1x8x128xf32, #tpu.memory_space<hbm>>
            %dma_start3A_739 = tpu.memref_squeeze %dma_start3A_738 : memref<1x8x128xf32, #tpu.memory_space<hbm>> -> memref<8x128xf32, #tpu.memory_space<hbm>>
            %dma_start3A_740 = arith.constant 0 : i32
            %dma_start3A_741 = arith.constant 5888 : i32
            %dma_start3A_742 = tpu.memref_slice %arg7[%dma_start3A_740, %dma_start3A_741] : memref<8x6272xf32, #tpu.memory_space<vmem>> -> memref<8x128xf32, #tpu.memory_space<vmem>>
            %dma_start3A_743 = arith.constant 8 : i32
            %dma_start3A_744 = arith.constant 0 : i32
            %dma_start3A_745 = tpu.memref_slice %arg4[%scan3A_9, %dma_start3A_743, %dma_start3A_744] : memref<26x16x128xf32, #tpu.memory_space<hbm>> -> memref<1x8x128xf32, #tpu.memory_space<hbm>>
            %dma_start3A_746 = tpu.memref_squeeze %dma_start3A_745 : memref<1x8x128xf32, #tpu.memory_space<hbm>> -> memref<8x128xf32, #tpu.memory_space<hbm>>
            tpu.enqueue_dma source(%dma_start3A_746 : memref<8x128xf32, #tpu.memory_space<hbm>>) target(%dma_start3A_742 : memref<8x128xf32, #tpu.memory_space<vmem>>) target_semaphore(%run_scoped3A : memref<!tpu.dma_semaphore, #tpu.memory_space<semaphore_mem>>)
            %dma_wait3A_747 = arith.constant 0 : i32
            %dma_wait3A_748 = arith.constant 5888 : i32
            %dma_wait3A_749 = tpu.memref_slice %arg7[%dma_wait3A_747, %dma_wait3A_748] : memref<8x6272xf32, #tpu.memory_space<vmem>> -> memref<8x128xf32, #tpu.memory_space<vmem>>
            %dma_wait3A_750 = arith.constant 8 : i32
            %dma_wait3A_751 = arith.constant 0 : i32
            %dma_wait3A_752 = tpu.memref_slice %arg4[%scan3A_9, %dma_wait3A_750, %dma_wait3A_751] : memref<26x16x128xf32, #tpu.memory_space<hbm>> -> memref<1x8x128xf32, #tpu.memory_space<hbm>>
            %dma_wait3A_753 = tpu.memref_squeeze %dma_wait3A_752 : memref<1x8x128xf32, #tpu.memory_space<hbm>> -> memref<8x128xf32, #tpu.memory_space<hbm>>
            %dma_wait3A_754 = arith.constant 0 : i32
            %dma_wait3A_755 = arith.constant 5888 : i32
            %dma_wait3A_756 = tpu.memref_slice %arg7[%dma_wait3A_754, %dma_wait3A_755] : memref<8x6272xf32, #tpu.memory_space<vmem>> -> memref<8x128xf32, #tpu.memory_space<vmem>>
            %dma_wait3A_757 = arith.constant 8 : i32
            %dma_wait3A_758 = arith.constant 0 : i32
            %dma_wait3A_759 = tpu.memref_slice %arg4[%scan3A_9, %dma_wait3A_757, %dma_wait3A_758] : memref<26x16x128xf32, #tpu.memory_space<hbm>> -> memref<1x8x128xf32, #tpu.memory_space<hbm>>
            %dma_wait3A_760 = tpu.memref_squeeze %dma_wait3A_759 : memref<1x8x128xf32, #tpu.memory_space<hbm>> -> memref<8x128xf32, #tpu.memory_space<hbm>>
            tpu.wait_dma2 semaphore(%run_scoped3A : memref<!tpu.dma_semaphore, #tpu.memory_space<semaphore_mem>>) src(%dma_wait3A_760 : memref<8x128xf32, #tpu.memory_space<hbm>>) dst(%dma_wait3A_756 : memref<8x128xf32, #tpu.memory_space<vmem>>)
            tpu.yield
          }) : () -> ()
          %dma_start3A_381 = arith.constant 0 : i32
          %dma_start3A_382 = arith.constant 0 : i32
          %dma_start3A_383 = tpu.memref_slice %arg7[%dma_start3A_381, %dma_start3A_382] : memref<8x6272xf32, #tpu.memory_space<vmem>> -> memref<1x5888xf32, #tpu.memory_space<vmem>>
          %dma_start3A_384 = tpu.memref_squeeze %dma_start3A_383 : memref<1x5888xf32, #tpu.memory_space<vmem>> -> memref<5888xf32, #tpu.memory_space<vmem>>
          %dma_start3A_385 = arith.constant 94080 : i32
          %dma_start3A_386 = tpu.memref_slice %arg6[%dma_start3A_385] : memref<800768xf32, #tpu.memory_space<vmem_shared>> -> memref<5888xf32, #tpu.memory_space<vmem_shared>>
          %dma_start3A_387 = arith.constant 94080 : i32
          %dma_start3A_388 = tpu.memref_slice %arg6[%dma_start3A_387] : memref<800768xf32, #tpu.memory_space<vmem_shared>> -> memref<5888xf32, #tpu.memory_space<vmem_shared>>
          %dma_start3A_389 = arith.constant 0 : i32
          %dma_start3A_390 = tpu.memref_slice %arg7[%dma_start3A_381, %dma_start3A_389] : memref<8x6272xf32, #tpu.memory_space<vmem>> -> memref<1x5888xf32, #tpu.memory_space<vmem>>
          %dma_start3A_391 = tpu.memref_squeeze %dma_start3A_390 : memref<1x5888xf32, #tpu.memory_space<vmem>> -> memref<5888xf32, #tpu.memory_space<vmem>>
          tpu.enqueue_dma source(%dma_start3A_391 : memref<5888xf32, #tpu.memory_space<vmem>>) target(%dma_start3A_388 : memref<5888xf32, #tpu.memory_space<vmem_shared>>) target_semaphore(%arg15 : memref<!tpu.dma_semaphore, #tpu.memory_space<semaphore_mem>>)
          %dma_start3A_392 = arith.constant 1 : i32
          %dma_start3A_393 = arith.constant 0 : i32
          %dma_start3A_394 = tpu.memref_slice %arg7[%dma_start3A_392, %dma_start3A_393] : memref<8x6272xf32, #tpu.memory_space<vmem>> -> memref<1x5888xf32, #tpu.memory_space<vmem>>
          %dma_start3A_395 = tpu.memref_squeeze %dma_start3A_394 : memref<1x5888xf32, #tpu.memory_space<vmem>> -> memref<5888xf32, #tpu.memory_space<vmem>>
          %dma_start3A_396 = arith.constant 194176 : i32
          %dma_start3A_397 = tpu.memref_slice %arg6[%dma_start3A_396] : memref<800768xf32, #tpu.memory_space<vmem_shared>> -> memref<5888xf32, #tpu.memory_space<vmem_shared>>
          %dma_start3A_398 = arith.constant 194176 : i32
          %dma_start3A_399 = tpu.memref_slice %arg6[%dma_start3A_398] : memref<800768xf32, #tpu.memory_space<vmem_shared>> -> memref<5888xf32, #tpu.memory_space<vmem_shared>>
          %dma_start3A_400 = arith.constant 0 : i32
          %dma_start3A_401 = tpu.memref_slice %arg7[%dma_start3A_392, %dma_start3A_400] : memref<8x6272xf32, #tpu.memory_space<vmem>> -> memref<1x5888xf32, #tpu.memory_space<vmem>>
          %dma_start3A_402 = tpu.memref_squeeze %dma_start3A_401 : memref<1x5888xf32, #tpu.memory_space<vmem>> -> memref<5888xf32, #tpu.memory_space<vmem>>
          tpu.enqueue_dma source(%dma_start3A_402 : memref<5888xf32, #tpu.memory_space<vmem>>) target(%dma_start3A_399 : memref<5888xf32, #tpu.memory_space<vmem_shared>>) target_semaphore(%arg15 : memref<!tpu.dma_semaphore, #tpu.memory_space<semaphore_mem>>)
          %dma_start3A_403 = arith.constant 2 : i32
          %dma_start3A_404 = arith.constant 0 : i32
          %dma_start3A_405 = tpu.memref_slice %arg7[%dma_start3A_403, %dma_start3A_404] : memref<8x6272xf32, #tpu.memory_space<vmem>> -> memref<1x5888xf32, #tpu.memory_space<vmem>>
          %dma_start3A_406 = tpu.memref_squeeze %dma_start3A_405 : memref<1x5888xf32, #tpu.memory_space<vmem>> -> memref<5888xf32, #tpu.memory_space<vmem>>
          %dma_start3A_407 = arith.constant 294272 : i32
          %dma_start3A_408 = tpu.memref_slice %arg6[%dma_start3A_407] : memref<800768xf32, #tpu.memory_space<vmem_shared>> -> memref<5888xf32, #tpu.memory_space<vmem_shared>>
          %dma_start3A_409 = arith.constant 294272 : i32
          %dma_start3A_410 = tpu.memref_slice %arg6[%dma_start3A_409] : memref<800768xf32, #tpu.memory_space<vmem_shared>> -> memref<5888xf32, #tpu.memory_space<vmem_shared>>
          %dma_start3A_411 = arith.constant 0 : i32
          %dma_start3A_412 = tpu.memref_slice %arg7[%dma_start3A_403, %dma_start3A_411] : memref<8x6272xf32, #tpu.memory_space<vmem>> -> memref<1x5888xf32, #tpu.memory_space<vmem>>
          %dma_start3A_413 = tpu.memref_squeeze %dma_start3A_412 : memref<1x5888xf32, #tpu.memory_space<vmem>> -> memref<5888xf32, #tpu.memory_space<vmem>>
          tpu.enqueue_dma source(%dma_start3A_413 : memref<5888xf32, #tpu.memory_space<vmem>>) target(%dma_start3A_410 : memref<5888xf32, #tpu.memory_space<vmem_shared>>) target_semaphore(%arg15 : memref<!tpu.dma_semaphore, #tpu.memory_space<semaphore_mem>>)
          %dma_start3A_414 = arith.constant 3 : i32
          %dma_start3A_415 = arith.constant 0 : i32
          %dma_start3A_416 = tpu.memref_slice %arg7[%dma_start3A_414, %dma_start3A_415] : memref<8x6272xf32, #tpu.memory_space<vmem>> -> memref<1x5888xf32, #tpu.memory_space<vmem>>
          %dma_start3A_417 = tpu.memref_squeeze %dma_start3A_416 : memref<1x5888xf32, #tpu.memory_space<vmem>> -> memref<5888xf32, #tpu.memory_space<vmem>>
          %dma_start3A_418 = arith.constant 394368 : i32
          %dma_start3A_419 = tpu.memref_slice %arg6[%dma_start3A_418] : memref<800768xf32, #tpu.memory_space<vmem_shared>> -> memref<5888xf32, #tpu.memory_space<vmem_shared>>
          %dma_start3A_420 = arith.constant 394368 : i32
          %dma_start3A_421 = tpu.memref_slice %arg6[%dma_start3A_420] : memref<800768xf32, #tpu.memory_space<vmem_shared>> -> memref<5888xf32, #tpu.memory_space<vmem_shared>>
          %dma_start3A_422 = arith.constant 0 : i32
          %dma_start3A_423 = tpu.memref_slice %arg7[%dma_start3A_414, %dma_start3A_422] : memref<8x6272xf32, #tpu.memory_space<vmem>> -> memref<1x5888xf32, #tpu.memory_space<vmem>>
          %dma_start3A_424 = tpu.memref_squeeze %dma_start3A_423 : memref<1x5888xf32, #tpu.memory_space<vmem>> -> memref<5888xf32, #tpu.memory_space<vmem>>
          tpu.enqueue_dma source(%dma_start3A_424 : memref<5888xf32, #tpu.memory_space<vmem>>) target(%dma_start3A_421 : memref<5888xf32, #tpu.memory_space<vmem_shared>>) target_semaphore(%arg15 : memref<!tpu.dma_semaphore, #tpu.memory_space<semaphore_mem>>)
          %dma_start3A_425 = arith.constant 4 : i32
          %dma_start3A_426 = arith.constant 0 : i32
          %dma_start3A_427 = tpu.memref_slice %arg7[%dma_start3A_425, %dma_start3A_426] : memref<8x6272xf32, #tpu.memory_space<vmem>> -> memref<1x5888xf32, #tpu.memory_space<vmem>>
          %dma_start3A_428 = tpu.memref_squeeze %dma_start3A_427 : memref<1x5888xf32, #tpu.memory_space<vmem>> -> memref<5888xf32, #tpu.memory_space<vmem>>
          %dma_start3A_429 = arith.constant 494464 : i32
          %dma_start3A_430 = tpu.memref_slice %arg6[%dma_start3A_429] : memref<800768xf32, #tpu.memory_space<vmem_shared>> -> memref<5888xf32, #tpu.memory_space<vmem_shared>>
          %dma_start3A_431 = arith.constant 494464 : i32
          %dma_start3A_432 = tpu.memref_slice %arg6[%dma_start3A_431] : memref<800768xf32, #tpu.memory_space<vmem_shared>> -> memref<5888xf32, #tpu.memory_space<vmem_shared>>
          %dma_start3A_433 = arith.constant 0 : i32
          %dma_start3A_434 = tpu.memref_slice %arg7[%dma_start3A_425, %dma_start3A_433] : memref<8x6272xf32, #tpu.memory_space<vmem>> -> memref<1x5888xf32, #tpu.memory_space<vmem>>
          %dma_start3A_435 = tpu.memref_squeeze %dma_start3A_434 : memref<1x5888xf32, #tpu.memory_space<vmem>> -> memref<5888xf32, #tpu.memory_space<vmem>>
          tpu.enqueue_dma source(%dma_start3A_435 : memref<5888xf32, #tpu.memory_space<vmem>>) target(%dma_start3A_432 : memref<5888xf32, #tpu.memory_space<vmem_shared>>) target_semaphore(%arg15 : memref<!tpu.dma_semaphore, #tpu.memory_space<semaphore_mem>>)
          %dma_start3A_436 = arith.constant 5 : i32
          %dma_start3A_437 = arith.constant 0 : i32
          %dma_start3A_438 = tpu.memref_slice %arg7[%dma_start3A_436, %dma_start3A_437] : memref<8x6272xf32, #tpu.memory_space<vmem>> -> memref<1x5888xf32, #tpu.memory_space<vmem>>
          %dma_start3A_439 = tpu.memref_squeeze %dma_start3A_438 : memref<1x5888xf32, #tpu.memory_space<vmem>> -> memref<5888xf32, #tpu.memory_space<vmem>>
          %dma_start3A_440 = arith.constant 594560 : i32
          %dma_start3A_441 = tpu.memref_slice %arg6[%dma_start3A_440] : memref<800768xf32, #tpu.memory_space<vmem_shared>> -> memref<5888xf32, #tpu.memory_space<vmem_shared>>
          %dma_start3A_442 = arith.constant 594560 : i32
          %dma_start3A_443 = tpu.memref_slice %arg6[%dma_start3A_442] : memref<800768xf32, #tpu.memory_space<vmem_shared>> -> memref<5888xf32, #tpu.memory_space<vmem_shared>>
          %dma_start3A_444 = arith.constant 0 : i32
          %dma_start3A_445 = tpu.memref_slice %arg7[%dma_start3A_436, %dma_start3A_444] : memref<8x6272xf32, #tpu.memory_space<vmem>> -> memref<1x5888xf32, #tpu.memory_space<vmem>>
          %dma_start3A_446 = tpu.memref_squeeze %dma_start3A_445 : memref<1x5888xf32, #tpu.memory_space<vmem>> -> memref<5888xf32, #tpu.memory_space<vmem>>
          tpu.enqueue_dma source(%dma_start3A_446 : memref<5888xf32, #tpu.memory_space<vmem>>) target(%dma_start3A_443 : memref<5888xf32, #tpu.memory_space<vmem_shared>>) target_semaphore(%arg15 : memref<!tpu.dma_semaphore, #tpu.memory_space<semaphore_mem>>)
          %dma_start3A_447 = arith.constant 6 : i32
          %dma_start3A_448 = arith.constant 0 : i32
          %dma_start3A_449 = tpu.memref_slice %arg7[%dma_start3A_447, %dma_start3A_448] : memref<8x6272xf32, #tpu.memory_space<vmem>> -> memref<1x5888xf32, #tpu.memory_space<vmem>>
          %dma_start3A_450 = tpu.memref_squeeze %dma_start3A_449 : memref<1x5888xf32, #tpu.memory_space<vmem>> -> memref<5888xf32, #tpu.memory_space<vmem>>
          %dma_start3A_451 = arith.constant 694656 : i32
          %dma_start3A_452 = tpu.memref_slice %arg6[%dma_start3A_451] : memref<800768xf32, #tpu.memory_space<vmem_shared>> -> memref<5888xf32, #tpu.memory_space<vmem_shared>>
          %dma_start3A_453 = arith.constant 694656 : i32
          %dma_start3A_454 = tpu.memref_slice %arg6[%dma_start3A_453] : memref<800768xf32, #tpu.memory_space<vmem_shared>> -> memref<5888xf32, #tpu.memory_space<vmem_shared>>
          %dma_start3A_455 = arith.constant 0 : i32
          %dma_start3A_456 = tpu.memref_slice %arg7[%dma_start3A_447, %dma_start3A_455] : memref<8x6272xf32, #tpu.memory_space<vmem>> -> memref<1x5888xf32, #tpu.memory_space<vmem>>
          %dma_start3A_457 = tpu.memref_squeeze %dma_start3A_456 : memref<1x5888xf32, #tpu.memory_space<vmem>> -> memref<5888xf32, #tpu.memory_space<vmem>>
          tpu.enqueue_dma source(%dma_start3A_457 : memref<5888xf32, #tpu.memory_space<vmem>>) target(%dma_start3A_454 : memref<5888xf32, #tpu.memory_space<vmem_shared>>) target_semaphore(%arg15 : memref<!tpu.dma_semaphore, #tpu.memory_space<semaphore_mem>>)
          %dma_start3A_458 = arith.constant 7 : i32
          %dma_start3A_459 = arith.constant 0 : i32
          %dma_start3A_460 = tpu.memref_slice %arg7[%dma_start3A_458, %dma_start3A_459] : memref<8x6272xf32, #tpu.memory_space<vmem>> -> memref<1x5888xf32, #tpu.memory_space<vmem>>
          %dma_start3A_461 = tpu.memref_squeeze %dma_start3A_460 : memref<1x5888xf32, #tpu.memory_space<vmem>> -> memref<5888xf32, #tpu.memory_space<vmem>>
          %dma_start3A_462 = arith.constant 794752 : i32
          %dma_start3A_463 = tpu.memref_slice %arg6[%dma_start3A_462] : memref<800768xf32, #tpu.memory_space<vmem_shared>> -> memref<5888xf32, #tpu.memory_space<vmem_shared>>
          %dma_start3A_464 = arith.constant 794752 : i32
          %dma_start3A_465 = tpu.memref_slice %arg6[%dma_start3A_464] : memref<800768xf32, #tpu.memory_space<vmem_shared>> -> memref<5888xf32, #tpu.memory_space<vmem_shared>>
          %dma_start3A_466 = arith.constant 0 : i32
          %dma_start3A_467 = tpu.memref_slice %arg7[%dma_start3A_458, %dma_start3A_466] : memref<8x6272xf32, #tpu.memory_space<vmem>> -> memref<1x5888xf32, #tpu.memory_space<vmem>>
          %dma_start3A_468 = tpu.memref_squeeze %dma_start3A_467 : memref<1x5888xf32, #tpu.memory_space<vmem>> -> memref<5888xf32, #tpu.memory_space<vmem>>
          tpu.enqueue_dma source(%dma_start3A_468 : memref<5888xf32, #tpu.memory_space<vmem>>) target(%dma_start3A_465 : memref<5888xf32, #tpu.memory_space<vmem_shared>>) target_semaphore(%arg15 : memref<!tpu.dma_semaphore, #tpu.memory_space<semaphore_mem>>)
          %dma_start3A_469 = arith.constant 0 : i32
          %dma_start3A_470 = arith.constant 5888 : i32
          %dma_start3A_471 = tpu.memref_slice %arg7[%dma_start3A_469, %dma_start3A_470] : memref<8x6272xf32, #tpu.memory_space<vmem>> -> memref<1x128xf32, #tpu.memory_space<vmem>>
          %dma_start3A_472 = tpu.memref_squeeze %dma_start3A_471 : memref<1x128xf32, #tpu.memory_space<vmem>> -> memref<128xf32, #tpu.memory_space<vmem>>
          %dma_start3A_473 = arith.constant 99968 : i32
          %dma_start3A_474 = tpu.memref_slice %arg6[%dma_start3A_473] : memref<800768xf32, #tpu.memory_space<vmem_shared>> -> memref<128xf32, #tpu.memory_space<vmem_shared>>
          %dma_start3A_475 = arith.constant 99968 : i32
          %dma_start3A_476 = tpu.memref_slice %arg6[%dma_start3A_475] : memref<800768xf32, #tpu.memory_space<vmem_shared>> -> memref<128xf32, #tpu.memory_space<vmem_shared>>
          %dma_start3A_477 = arith.constant 5888 : i32
          %dma_start3A_478 = tpu.memref_slice %arg7[%dma_start3A_469, %dma_start3A_477] : memref<8x6272xf32, #tpu.memory_space<vmem>> -> memref<1x128xf32, #tpu.memory_space<vmem>>
          %dma_start3A_479 = tpu.memref_squeeze %dma_start3A_478 : memref<1x128xf32, #tpu.memory_space<vmem>> -> memref<128xf32, #tpu.memory_space<vmem>>
          tpu.enqueue_dma source(%dma_start3A_479 : memref<128xf32, #tpu.memory_space<vmem>>) target(%dma_start3A_476 : memref<128xf32, #tpu.memory_space<vmem_shared>>) target_semaphore(%arg15 : memref<!tpu.dma_semaphore, #tpu.memory_space<semaphore_mem>>)
          %dma_start3A_480 = arith.constant 1 : i32
          %dma_start3A_481 = arith.constant 5888 : i32
          %dma_start3A_482 = tpu.memref_slice %arg7[%dma_start3A_480, %dma_start3A_481] : memref<8x6272xf32, #tpu.memory_space<vmem>> -> memref<1x128xf32, #tpu.memory_space<vmem>>
          %dma_start3A_483 = tpu.memref_squeeze %dma_start3A_482 : memref<1x128xf32, #tpu.memory_space<vmem>> -> memref<128xf32, #tpu.memory_space<vmem>>
          %dma_start3A_484 = arith.constant 200064 : i32
          %dma_start3A_485 = tpu.memref_slice %arg6[%dma_start3A_484] : memref<800768xf32, #tpu.memory_space<vmem_shared>> -> memref<128xf32, #tpu.memory_space<vmem_shared>>
          %dma_start3A_486 = arith.constant 200064 : i32
          %dma_start3A_487 = tpu.memref_slice %arg6[%dma_start3A_486] : memref<800768xf32, #tpu.memory_space<vmem_shared>> -> memref<128xf32, #tpu.memory_space<vmem_shared>>
          %dma_start3A_488 = arith.constant 5888 : i32
          %dma_start3A_489 = tpu.memref_slice %arg7[%dma_start3A_480, %dma_start3A_488] : memref<8x6272xf32, #tpu.memory_space<vmem>> -> memref<1x128xf32, #tpu.memory_space<vmem>>
          %dma_start3A_490 = tpu.memref_squeeze %dma_start3A_489 : memref<1x128xf32, #tpu.memory_space<vmem>> -> memref<128xf32, #tpu.memory_space<vmem>>
          tpu.enqueue_dma source(%dma_start3A_490 : memref<128xf32, #tpu.memory_space<vmem>>) target(%dma_start3A_487 : memref<128xf32, #tpu.memory_space<vmem_shared>>) target_semaphore(%arg15 : memref<!tpu.dma_semaphore, #tpu.memory_space<semaphore_mem>>)
          %dma_start3A_491 = arith.constant 2 : i32
          %dma_start3A_492 = arith.constant 5888 : i32
          %dma_start3A_493 = tpu.memref_slice %arg7[%dma_start3A_491, %dma_start3A_492] : memref<8x6272xf32, #tpu.memory_space<vmem>> -> memref<1x128xf32, #tpu.memory_space<vmem>>
          %dma_start3A_494 = tpu.memref_squeeze %dma_start3A_493 : memref<1x128xf32, #tpu.memory_space<vmem>> -> memref<128xf32, #tpu.memory_space<vmem>>
          %dma_start3A_495 = arith.constant 300160 : i32
          %dma_start3A_496 = tpu.memref_slice %arg6[%dma_start3A_495] : memref<800768xf32, #tpu.memory_space<vmem_shared>> -> memref<128xf32, #tpu.memory_space<vmem_shared>>
          %dma_start3A_497 = arith.constant 300160 : i32
          %dma_start3A_498 = tpu.memref_slice %arg6[%dma_start3A_497] : memref<800768xf32, #tpu.memory_space<vmem_shared>> -> memref<128xf32, #tpu.memory_space<vmem_shared>>
          %dma_start3A_499 = arith.constant 5888 : i32
          %dma_start3A_500 = tpu.memref_slice %arg7[%dma_start3A_491, %dma_start3A_499] : memref<8x6272xf32, #tpu.memory_space<vmem>> -> memref<1x128xf32, #tpu.memory_space<vmem>>
          %dma_start3A_501 = tpu.memref_squeeze %dma_start3A_500 : memref<1x128xf32, #tpu.memory_space<vmem>> -> memref<128xf32, #tpu.memory_space<vmem>>
          tpu.enqueue_dma source(%dma_start3A_501 : memref<128xf32, #tpu.memory_space<vmem>>) target(%dma_start3A_498 : memref<128xf32, #tpu.memory_space<vmem_shared>>) target_semaphore(%arg15 : memref<!tpu.dma_semaphore, #tpu.memory_space<semaphore_mem>>)
          %dma_start3A_502 = arith.constant 3 : i32
          %dma_start3A_503 = arith.constant 5888 : i32
          %dma_start3A_504 = tpu.memref_slice %arg7[%dma_start3A_502, %dma_start3A_503] : memref<8x6272xf32, #tpu.memory_space<vmem>> -> memref<1x128xf32, #tpu.memory_space<vmem>>
          %dma_start3A_505 = tpu.memref_squeeze %dma_start3A_504 : memref<1x128xf32, #tpu.memory_space<vmem>> -> memref<128xf32, #tpu.memory_space<vmem>>
          %dma_start3A_506 = arith.constant 400256 : i32
          %dma_start3A_507 = tpu.memref_slice %arg6[%dma_start3A_506] : memref<800768xf32, #tpu.memory_space<vmem_shared>> -> memref<128xf32, #tpu.memory_space<vmem_shared>>
          %dma_start3A_508 = arith.constant 400256 : i32
          %dma_start3A_509 = tpu.memref_slice %arg6[%dma_start3A_508] : memref<800768xf32, #tpu.memory_space<vmem_shared>> -> memref<128xf32, #tpu.memory_space<vmem_shared>>
          %dma_start3A_510 = arith.constant 5888 : i32
          %dma_start3A_511 = tpu.memref_slice %arg7[%dma_start3A_502, %dma_start3A_510] : memref<8x6272xf32, #tpu.memory_space<vmem>> -> memref<1x128xf32, #tpu.memory_space<vmem>>
          %dma_start3A_512 = tpu.memref_squeeze %dma_start3A_511 : memref<1x128xf32, #tpu.memory_space<vmem>> -> memref<128xf32, #tpu.memory_space<vmem>>
          tpu.enqueue_dma source(%dma_start3A_512 : memref<128xf32, #tpu.memory_space<vmem>>) target(%dma_start3A_509 : memref<128xf32, #tpu.memory_space<vmem_shared>>) target_semaphore(%arg15 : memref<!tpu.dma_semaphore, #tpu.memory_space<semaphore_mem>>)
          %dma_start3A_513 = arith.constant 4 : i32
          %dma_start3A_514 = arith.constant 5888 : i32
          %dma_start3A_515 = tpu.memref_slice %arg7[%dma_start3A_513, %dma_start3A_514] : memref<8x6272xf32, #tpu.memory_space<vmem>> -> memref<1x128xf32, #tpu.memory_space<vmem>>
          %dma_start3A_516 = tpu.memref_squeeze %dma_start3A_515 : memref<1x128xf32, #tpu.memory_space<vmem>> -> memref<128xf32, #tpu.memory_space<vmem>>
          %dma_start3A_517 = arith.constant 500352 : i32
          %dma_start3A_518 = tpu.memref_slice %arg6[%dma_start3A_517] : memref<800768xf32, #tpu.memory_space<vmem_shared>> -> memref<128xf32, #tpu.memory_space<vmem_shared>>
          %dma_start3A_519 = arith.constant 500352 : i32
          %dma_start3A_520 = tpu.memref_slice %arg6[%dma_start3A_519] : memref<800768xf32, #tpu.memory_space<vmem_shared>> -> memref<128xf32, #tpu.memory_space<vmem_shared>>
          %dma_start3A_521 = arith.constant 5888 : i32
          %dma_start3A_522 = tpu.memref_slice %arg7[%dma_start3A_513, %dma_start3A_521] : memref<8x6272xf32, #tpu.memory_space<vmem>> -> memref<1x128xf32, #tpu.memory_space<vmem>>
          %dma_start3A_523 = tpu.memref_squeeze %dma_start3A_522 : memref<1x128xf32, #tpu.memory_space<vmem>> -> memref<128xf32, #tpu.memory_space<vmem>>
          tpu.enqueue_dma source(%dma_start3A_523 : memref<128xf32, #tpu.memory_space<vmem>>) target(%dma_start3A_520 : memref<128xf32, #tpu.memory_space<vmem_shared>>) target_semaphore(%arg15 : memref<!tpu.dma_semaphore, #tpu.memory_space<semaphore_mem>>)
          %dma_start3A_524 = arith.constant 5 : i32
          %dma_start3A_525 = arith.constant 5888 : i32
          %dma_start3A_526 = tpu.memref_slice %arg7[%dma_start3A_524, %dma_start3A_525] : memref<8x6272xf32, #tpu.memory_space<vmem>> -> memref<1x128xf32, #tpu.memory_space<vmem>>
          %dma_start3A_527 = tpu.memref_squeeze %dma_start3A_526 : memref<1x128xf32, #tpu.memory_space<vmem>> -> memref<128xf32, #tpu.memory_space<vmem>>
          %dma_start3A_528 = arith.constant 600448 : i32
          %dma_start3A_529 = tpu.memref_slice %arg6[%dma_start3A_528] : memref<800768xf32, #tpu.memory_space<vmem_shared>> -> memref<128xf32, #tpu.memory_space<vmem_shared>>
          %dma_start3A_530 = arith.constant 600448 : i32
          %dma_start3A_531 = tpu.memref_slice %arg6[%dma_start3A_530] : memref<800768xf32, #tpu.memory_space<vmem_shared>> -> memref<128xf32, #tpu.memory_space<vmem_shared>>
          %dma_start3A_532 = arith.constant 5888 : i32
          %dma_start3A_533 = tpu.memref_slice %arg7[%dma_start3A_524, %dma_start3A_532] : memref<8x6272xf32, #tpu.memory_space<vmem>> -> memref<1x128xf32, #tpu.memory_space<vmem>>
          %dma_start3A_534 = tpu.memref_squeeze %dma_start3A_533 : memref<1x128xf32, #tpu.memory_space<vmem>> -> memref<128xf32, #tpu.memory_space<vmem>>
          tpu.enqueue_dma source(%dma_start3A_534 : memref<128xf32, #tpu.memory_space<vmem>>) target(%dma_start3A_531 : memref<128xf32, #tpu.memory_space<vmem_shared>>) target_semaphore(%arg15 : memref<!tpu.dma_semaphore, #tpu.memory_space<semaphore_mem>>)
          %dma_start3A_535 = arith.constant 6 : i32
          %dma_start3A_536 = arith.constant 5888 : i32
          %dma_start3A_537 = tpu.memref_slice %arg7[%dma_start3A_535, %dma_start3A_536] : memref<8x6272xf32, #tpu.memory_space<vmem>> -> memref<1x128xf32, #tpu.memory_space<vmem>>
          %dma_start3A_538 = tpu.memref_squeeze %dma_start3A_537 : memref<1x128xf32, #tpu.memory_space<vmem>> -> memref<128xf32, #tpu.memory_space<vmem>>
          %dma_start3A_539 = arith.constant 700544 : i32
          %dma_start3A_540 = tpu.memref_slice %arg6[%dma_start3A_539] : memref<800768xf32, #tpu.memory_space<vmem_shared>> -> memref<128xf32, #tpu.memory_space<vmem_shared>>
          %dma_start3A_541 = arith.constant 700544 : i32
          %dma_start3A_542 = tpu.memref_slice %arg6[%dma_start3A_541] : memref<800768xf32, #tpu.memory_space<vmem_shared>> -> memref<128xf32, #tpu.memory_space<vmem_shared>>
          %dma_start3A_543 = arith.constant 5888 : i32
          %dma_start3A_544 = tpu.memref_slice %arg7[%dma_start3A_535, %dma_start3A_543] : memref<8x6272xf32, #tpu.memory_space<vmem>> -> memref<1x128xf32, #tpu.memory_space<vmem>>
          %dma_start3A_545 = tpu.memref_squeeze %dma_start3A_544 : memref<1x128xf32, #tpu.memory_space<vmem>> -> memref<128xf32, #tpu.memory_space<vmem>>
          tpu.enqueue_dma source(%dma_start3A_545 : memref<128xf32, #tpu.memory_space<vmem>>) target(%dma_start3A_542 : memref<128xf32, #tpu.memory_space<vmem_shared>>) target_semaphore(%arg15 : memref<!tpu.dma_semaphore, #tpu.memory_space<semaphore_mem>>)
          %dma_start3A_546 = arith.constant 7 : i32
          %dma_start3A_547 = arith.constant 5888 : i32
          %dma_start3A_548 = tpu.memref_slice %arg7[%dma_start3A_546, %dma_start3A_547] : memref<8x6272xf32, #tpu.memory_space<vmem>> -> memref<1x128xf32, #tpu.memory_space<vmem>>
          %dma_start3A_549 = tpu.memref_squeeze %dma_start3A_548 : memref<1x128xf32, #tpu.memory_space<vmem>> -> memref<128xf32, #tpu.memory_space<vmem>>
          %dma_start3A_550 = arith.constant 800640 : i32
          %dma_start3A_551 = tpu.memref_slice %arg6[%dma_start3A_550] : memref<800768xf32, #tpu.memory_space<vmem_shared>> -> memref<128xf32, #tpu.memory_space<vmem_shared>>
          %dma_start3A_552 = arith.constant 800640 : i32
          %dma_start3A_553 = tpu.memref_slice %arg6[%dma_start3A_552] : memref<800768xf32, #tpu.memory_space<vmem_shared>> -> memref<128xf32, #tpu.memory_space<vmem_shared>>
          %dma_start3A_554 = arith.constant 5888 : i32
          %dma_start3A_555 = tpu.memref_slice %arg7[%dma_start3A_546, %dma_start3A_554] : memref<8x6272xf32, #tpu.memory_space<vmem>> -> memref<1x128xf32, #tpu.memory_space<vmem>>
          %dma_start3A_556 = tpu.memref_squeeze %dma_start3A_555 : memref<1x128xf32, #tpu.memory_space<vmem>> -> memref<128xf32, #tpu.memory_space<vmem>>
          tpu.enqueue_dma source(%dma_start3A_556 : memref<128xf32, #tpu.memory_space<vmem>>) target(%dma_start3A_553 : memref<128xf32, #tpu.memory_space<vmem_shared>>) target_semaphore(%arg15 : memref<!tpu.dma_semaphore, #tpu.memory_space<semaphore_mem>>)
          %dma_wait3A_557 = arith.constant 0 : i32
          %dma_wait3A_558 = arith.constant 0 : i32
          %dma_wait3A_559 = tpu.memref_slice %arg7[%dma_wait3A_557, %dma_wait3A_558] : memref<8x6272xf32, #tpu.memory_space<vmem>> -> memref<1x5888xf32, #tpu.memory_space<vmem>>
          %dma_wait3A_560 = tpu.memref_squeeze %dma_wait3A_559 : memref<1x5888xf32, #tpu.memory_space<vmem>> -> memref<5888xf32, #tpu.memory_space<vmem>>
          %dma_wait3A_561 = arith.constant 94080 : i32
          %dma_wait3A_562 = tpu.memref_slice %arg6[%dma_wait3A_561] : memref<800768xf32, #tpu.memory_space<vmem_shared>> -> memref<5888xf32, #tpu.memory_space<vmem_shared>>
          %dma_wait3A_563 = arith.constant 94080 : i32
          %dma_wait3A_564 = tpu.memref_slice %arg6[%dma_wait3A_563] : memref<800768xf32, #tpu.memory_space<vmem_shared>> -> memref<5888xf32, #tpu.memory_space<vmem_shared>>
          %dma_wait3A_565 = arith.constant 0 : i32
          %dma_wait3A_566 = tpu.memref_slice %arg7[%dma_wait3A_557, %dma_wait3A_565] : memref<8x6272xf32, #tpu.memory_space<vmem>> -> memref<1x5888xf32, #tpu.memory_space<vmem>>
          %dma_wait3A_567 = tpu.memref_squeeze %dma_wait3A_566 : memref<1x5888xf32, #tpu.memory_space<vmem>> -> memref<5888xf32, #tpu.memory_space<vmem>>
          tpu.wait_dma2 semaphore(%arg15 : memref<!tpu.dma_semaphore, #tpu.memory_space<semaphore_mem>>) src(%dma_wait3A_567 : memref<5888xf32, #tpu.memory_space<vmem>>) dst(%dma_wait3A_564 : memref<5888xf32, #tpu.memory_space<vmem_shared>>)
          %dma_wait3A_568 = arith.constant 1 : i32
          %dma_wait3A_569 = arith.constant 0 : i32
          %dma_wait3A_570 = tpu.memref_slice %arg7[%dma_wait3A_568, %dma_wait3A_569] : memref<8x6272xf32, #tpu.memory_space<vmem>> -> memref<1x5888xf32, #tpu.memory_space<vmem>>
          %dma_wait3A_571 = tpu.memref_squeeze %dma_wait3A_570 : memref<1x5888xf32, #tpu.memory_space<vmem>> -> memref<5888xf32, #tpu.memory_space<vmem>>
          %dma_wait3A_572 = arith.constant 194176 : i32
          %dma_wait3A_573 = tpu.memref_slice %arg6[%dma_wait3A_572] : memref<800768xf32, #tpu.memory_space<vmem_shared>> -> memref<5888xf32, #tpu.memory_space<vmem_shared>>
          %dma_wait3A_574 = arith.constant 194176 : i32
          %dma_wait3A_575 = tpu.memref_slice %arg6[%dma_wait3A_574] : memref<800768xf32, #tpu.memory_space<vmem_shared>> -> memref<5888xf32, #tpu.memory_space<vmem_shared>>
          %dma_wait3A_576 = arith.constant 0 : i32
          %dma_wait3A_577 = tpu.memref_slice %arg7[%dma_wait3A_568, %dma_wait3A_576] : memref<8x6272xf32, #tpu.memory_space<vmem>> -> memref<1x5888xf32, #tpu.memory_space<vmem>>
          %dma_wait3A_578 = tpu.memref_squeeze %dma_wait3A_577 : memref<1x5888xf32, #tpu.memory_space<vmem>> -> memref<5888xf32, #tpu.memory_space<vmem>>
          tpu.wait_dma2 semaphore(%arg15 : memref<!tpu.dma_semaphore, #tpu.memory_space<semaphore_mem>>) src(%dma_wait3A_578 : memref<5888xf32, #tpu.memory_space<vmem>>) dst(%dma_wait3A_575 : memref<5888xf32, #tpu.memory_space<vmem_shared>>)
          %dma_wait3A_579 = arith.constant 2 : i32
          %dma_wait3A_580 = arith.constant 0 : i32
          %dma_wait3A_581 = tpu.memref_slice %arg7[%dma_wait3A_579, %dma_wait3A_580] : memref<8x6272xf32, #tpu.memory_space<vmem>> -> memref<1x5888xf32, #tpu.memory_space<vmem>>
          %dma_wait3A_582 = tpu.memref_squeeze %dma_wait3A_581 : memref<1x5888xf32, #tpu.memory_space<vmem>> -> memref<5888xf32, #tpu.memory_space<vmem>>
          %dma_wait3A_583 = arith.constant 294272 : i32
          %dma_wait3A_584 = tpu.memref_slice %arg6[%dma_wait3A_583] : memref<800768xf32, #tpu.memory_space<vmem_shared>> -> memref<5888xf32, #tpu.memory_space<vmem_shared>>
          %dma_wait3A_585 = arith.constant 294272 : i32
          %dma_wait3A_586 = tpu.memref_slice %arg6[%dma_wait3A_585] : memref<800768xf32, #tpu.memory_space<vmem_shared>> -> memref<5888xf32, #tpu.memory_space<vmem_shared>>
          %dma_wait3A_587 = arith.constant 0 : i32
          %dma_wait3A_588 = tpu.memref_slice %arg7[%dma_wait3A_579, %dma_wait3A_587] : memref<8x6272xf32, #tpu.memory_space<vmem>> -> memref<1x5888xf32, #tpu.memory_space<vmem>>
          %dma_wait3A_589 = tpu.memref_squeeze %dma_wait3A_588 : memref<1x5888xf32, #tpu.memory_space<vmem>> -> memref<5888xf32, #tpu.memory_space<vmem>>
          tpu.wait_dma2 semaphore(%arg15 : memref<!tpu.dma_semaphore, #tpu.memory_space<semaphore_mem>>) src(%dma_wait3A_589 : memref<5888xf32, #tpu.memory_space<vmem>>) dst(%dma_wait3A_586 : memref<5888xf32, #tpu.memory_space<vmem_shared>>)
          %dma_wait3A_590 = arith.constant 3 : i32
          %dma_wait3A_591 = arith.constant 0 : i32
          %dma_wait3A_592 = tpu.memref_slice %arg7[%dma_wait3A_590, %dma_wait3A_591] : memref<8x6272xf32, #tpu.memory_space<vmem>> -> memref<1x5888xf32, #tpu.memory_space<vmem>>
          %dma_wait3A_593 = tpu.memref_squeeze %dma_wait3A_592 : memref<1x5888xf32, #tpu.memory_space<vmem>> -> memref<5888xf32, #tpu.memory_space<vmem>>
          %dma_wait3A_594 = arith.constant 394368 : i32
          %dma_wait3A_595 = tpu.memref_slice %arg6[%dma_wait3A_594] : memref<800768xf32, #tpu.memory_space<vmem_shared>> -> memref<5888xf32, #tpu.memory_space<vmem_shared>>
          %dma_wait3A_596 = arith.constant 394368 : i32
          %dma_wait3A_597 = tpu.memref_slice %arg6[%dma_wait3A_596] : memref<800768xf32, #tpu.memory_space<vmem_shared>> -> memref<5888xf32, #tpu.memory_space<vmem_shared>>
          %dma_wait3A_598 = arith.constant 0 : i32
          %dma_wait3A_599 = tpu.memref_slice %arg7[%dma_wait3A_590, %dma_wait3A_598] : memref<8x6272xf32, #tpu.memory_space<vmem>> -> memref<1x5888xf32, #tpu.memory_space<vmem>>
          %dma_wait3A_600 = tpu.memref_squeeze %dma_wait3A_599 : memref<1x5888xf32, #tpu.memory_space<vmem>> -> memref<5888xf32, #tpu.memory_space<vmem>>
          tpu.wait_dma2 semaphore(%arg15 : memref<!tpu.dma_semaphore, #tpu.memory_space<semaphore_mem>>) src(%dma_wait3A_600 : memref<5888xf32, #tpu.memory_space<vmem>>) dst(%dma_wait3A_597 : memref<5888xf32, #tpu.memory_space<vmem_shared>>)
          %dma_wait3A_601 = arith.constant 4 : i32
          %dma_wait3A_602 = arith.constant 0 : i32
          %dma_wait3A_603 = tpu.memref_slice %arg7[%dma_wait3A_601, %dma_wait3A_602] : memref<8x6272xf32, #tpu.memory_space<vmem>> -> memref<1x5888xf32, #tpu.memory_space<vmem>>
          %dma_wait3A_604 = tpu.memref_squeeze %dma_wait3A_603 : memref<1x5888xf32, #tpu.memory_space<vmem>> -> memref<5888xf32, #tpu.memory_space<vmem>>
          %dma_wait3A_605 = arith.constant 494464 : i32
          %dma_wait3A_606 = tpu.memref_slice %arg6[%dma_wait3A_605] : memref<800768xf32, #tpu.memory_space<vmem_shared>> -> memref<5888xf32, #tpu.memory_space<vmem_shared>>
          %dma_wait3A_607 = arith.constant 494464 : i32
          %dma_wait3A_608 = tpu.memref_slice %arg6[%dma_wait3A_607] : memref<800768xf32, #tpu.memory_space<vmem_shared>> -> memref<5888xf32, #tpu.memory_space<vmem_shared>>
          %dma_wait3A_609 = arith.constant 0 : i32
          %dma_wait3A_610 = tpu.memref_slice %arg7[%dma_wait3A_601, %dma_wait3A_609] : memref<8x6272xf32, #tpu.memory_space<vmem>> -> memref<1x5888xf32, #tpu.memory_space<vmem>>
          %dma_wait3A_611 = tpu.memref_squeeze %dma_wait3A_610 : memref<1x5888xf32, #tpu.memory_space<vmem>> -> memref<5888xf32, #tpu.memory_space<vmem>>
          tpu.wait_dma2 semaphore(%arg15 : memref<!tpu.dma_semaphore, #tpu.memory_space<semaphore_mem>>) src(%dma_wait3A_611 : memref<5888xf32, #tpu.memory_space<vmem>>) dst(%dma_wait3A_608 : memref<5888xf32, #tpu.memory_space<vmem_shared>>)
          %dma_wait3A_612 = arith.constant 5 : i32
          %dma_wait3A_613 = arith.constant 0 : i32
          %dma_wait3A_614 = tpu.memref_slice %arg7[%dma_wait3A_612, %dma_wait3A_613] : memref<8x6272xf32, #tpu.memory_space<vmem>> -> memref<1x5888xf32, #tpu.memory_space<vmem>>
          %dma_wait3A_615 = tpu.memref_squeeze %dma_wait3A_614 : memref<1x5888xf32, #tpu.memory_space<vmem>> -> memref<5888xf32, #tpu.memory_space<vmem>>
          %dma_wait3A_616 = arith.constant 594560 : i32
          %dma_wait3A_617 = tpu.memref_slice %arg6[%dma_wait3A_616] : memref<800768xf32, #tpu.memory_space<vmem_shared>> -> memref<5888xf32, #tpu.memory_space<vmem_shared>>
          %dma_wait3A_618 = arith.constant 594560 : i32
          %dma_wait3A_619 = tpu.memref_slice %arg6[%dma_wait3A_618] : memref<800768xf32, #tpu.memory_space<vmem_shared>> -> memref<5888xf32, #tpu.memory_space<vmem_shared>>
          %dma_wait3A_620 = arith.constant 0 : i32
          %dma_wait3A_621 = tpu.memref_slice %arg7[%dma_wait3A_612, %dma_wait3A_620] : memref<8x6272xf32, #tpu.memory_space<vmem>> -> memref<1x5888xf32, #tpu.memory_space<vmem>>
          %dma_wait3A_622 = tpu.memref_squeeze %dma_wait3A_621 : memref<1x5888xf32, #tpu.memory_space<vmem>> -> memref<5888xf32, #tpu.memory_space<vmem>>
          tpu.wait_dma2 semaphore(%arg15 : memref<!tpu.dma_semaphore, #tpu.memory_space<semaphore_mem>>) src(%dma_wait3A_622 : memref<5888xf32, #tpu.memory_space<vmem>>) dst(%dma_wait3A_619 : memref<5888xf32, #tpu.memory_space<vmem_shared>>)
          %dma_wait3A_623 = arith.constant 6 : i32
          %dma_wait3A_624 = arith.constant 0 : i32
          %dma_wait3A_625 = tpu.memref_slice %arg7[%dma_wait3A_623, %dma_wait3A_624] : memref<8x6272xf32, #tpu.memory_space<vmem>> -> memref<1x5888xf32, #tpu.memory_space<vmem>>
          %dma_wait3A_626 = tpu.memref_squeeze %dma_wait3A_625 : memref<1x5888xf32, #tpu.memory_space<vmem>> -> memref<5888xf32, #tpu.memory_space<vmem>>
          %dma_wait3A_627 = arith.constant 694656 : i32
          %dma_wait3A_628 = tpu.memref_slice %arg6[%dma_wait3A_627] : memref<800768xf32, #tpu.memory_space<vmem_shared>> -> memref<5888xf32, #tpu.memory_space<vmem_shared>>
          %dma_wait3A_629 = arith.constant 694656 : i32
          %dma_wait3A_630 = tpu.memref_slice %arg6[%dma_wait3A_629] : memref<800768xf32, #tpu.memory_space<vmem_shared>> -> memref<5888xf32, #tpu.memory_space<vmem_shared>>
          %dma_wait3A_631 = arith.constant 0 : i32
          %dma_wait3A_632 = tpu.memref_slice %arg7[%dma_wait3A_623, %dma_wait3A_631] : memref<8x6272xf32, #tpu.memory_space<vmem>> -> memref<1x5888xf32, #tpu.memory_space<vmem>>
          %dma_wait3A_633 = tpu.memref_squeeze %dma_wait3A_632 : memref<1x5888xf32, #tpu.memory_space<vmem>> -> memref<5888xf32, #tpu.memory_space<vmem>>
          tpu.wait_dma2 semaphore(%arg15 : memref<!tpu.dma_semaphore, #tpu.memory_space<semaphore_mem>>) src(%dma_wait3A_633 : memref<5888xf32, #tpu.memory_space<vmem>>) dst(%dma_wait3A_630 : memref<5888xf32, #tpu.memory_space<vmem_shared>>)
          %dma_wait3A_634 = arith.constant 7 : i32
          %dma_wait3A_635 = arith.constant 0 : i32
          %dma_wait3A_636 = tpu.memref_slice %arg7[%dma_wait3A_634, %dma_wait3A_635] : memref<8x6272xf32, #tpu.memory_space<vmem>> -> memref<1x5888xf32, #tpu.memory_space<vmem>>
          %dma_wait3A_637 = tpu.memref_squeeze %dma_wait3A_636 : memref<1x5888xf32, #tpu.memory_space<vmem>> -> memref<5888xf32, #tpu.memory_space<vmem>>
          %dma_wait3A_638 = arith.constant 794752 : i32
          %dma_wait3A_639 = tpu.memref_slice %arg6[%dma_wait3A_638] : memref<800768xf32, #tpu.memory_space<vmem_shared>> -> memref<5888xf32, #tpu.memory_space<vmem_shared>>
          %dma_wait3A_640 = arith.constant 794752 : i32
          %dma_wait3A_641 = tpu.memref_slice %arg6[%dma_wait3A_640] : memref<800768xf32, #tpu.memory_space<vmem_shared>> -> memref<5888xf32, #tpu.memory_space<vmem_shared>>
          %dma_wait3A_642 = arith.constant 0 : i32
          %dma_wait3A_643 = tpu.memref_slice %arg7[%dma_wait3A_634, %dma_wait3A_642] : memref<8x6272xf32, #tpu.memory_space<vmem>> -> memref<1x5888xf32, #tpu.memory_space<vmem>>
          %dma_wait3A_644 = tpu.memref_squeeze %dma_wait3A_643 : memref<1x5888xf32, #tpu.memory_space<vmem>> -> memref<5888xf32, #tpu.memory_space<vmem>>
          tpu.wait_dma2 semaphore(%arg15 : memref<!tpu.dma_semaphore, #tpu.memory_space<semaphore_mem>>) src(%dma_wait3A_644 : memref<5888xf32, #tpu.memory_space<vmem>>) dst(%dma_wait3A_641 : memref<5888xf32, #tpu.memory_space<vmem_shared>>)
          %dma_wait3A_645 = arith.constant 0 : i32
          %dma_wait3A_646 = arith.constant 5888 : i32
          %dma_wait3A_647 = tpu.memref_slice %arg7[%dma_wait3A_645, %dma_wait3A_646] : memref<8x6272xf32, #tpu.memory_space<vmem>> -> memref<1x128xf32, #tpu.memory_space<vmem>>
          %dma_wait3A_648 = tpu.memref_squeeze %dma_wait3A_647 : memref<1x128xf32, #tpu.memory_space<vmem>> -> memref<128xf32, #tpu.memory_space<vmem>>
          %dma_wait3A_649 = arith.constant 99968 : i32
          %dma_wait3A_650 = tpu.memref_slice %arg6[%dma_wait3A_649] : memref<800768xf32, #tpu.memory_space<vmem_shared>> -> memref<128xf32, #tpu.memory_space<vmem_shared>>
          %dma_wait3A_651 = arith.constant 99968 : i32
          %dma_wait3A_652 = tpu.memref_slice %arg6[%dma_wait3A_651] : memref<800768xf32, #tpu.memory_space<vmem_shared>> -> memref<128xf32, #tpu.memory_space<vmem_shared>>
          %dma_wait3A_653 = arith.constant 5888 : i32
          %dma_wait3A_654 = tpu.memref_slice %arg7[%dma_wait3A_645, %dma_wait3A_653] : memref<8x6272xf32, #tpu.memory_space<vmem>> -> memref<1x128xf32, #tpu.memory_space<vmem>>
          %dma_wait3A_655 = tpu.memref_squeeze %dma_wait3A_654 : memref<1x128xf32, #tpu.memory_space<vmem>> -> memref<128xf32, #tpu.memory_space<vmem>>
          tpu.wait_dma2 semaphore(%arg15 : memref<!tpu.dma_semaphore, #tpu.memory_space<semaphore_mem>>) src(%dma_wait3A_655 : memref<128xf32, #tpu.memory_space<vmem>>) dst(%dma_wait3A_652 : memref<128xf32, #tpu.memory_space<vmem_shared>>)
          %dma_wait3A_656 = arith.constant 1 : i32
          %dma_wait3A_657 = arith.constant 5888 : i32
          %dma_wait3A_658 = tpu.memref_slice %arg7[%dma_wait3A_656, %dma_wait3A_657] : memref<8x6272xf32, #tpu.memory_space<vmem>> -> memref<1x128xf32, #tpu.memory_space<vmem>>
          %dma_wait3A_659 = tpu.memref_squeeze %dma_wait3A_658 : memref<1x128xf32, #tpu.memory_space<vmem>> -> memref<128xf32, #tpu.memory_space<vmem>>
          %dma_wait3A_660 = arith.constant 200064 : i32
          %dma_wait3A_661 = tpu.memref_slice %arg6[%dma_wait3A_660] : memref<800768xf32, #tpu.memory_space<vmem_shared>> -> memref<128xf32, #tpu.memory_space<vmem_shared>>
          %dma_wait3A_662 = arith.constant 200064 : i32
          %dma_wait3A_663 = tpu.memref_slice %arg6[%dma_wait3A_662] : memref<800768xf32, #tpu.memory_space<vmem_shared>> -> memref<128xf32, #tpu.memory_space<vmem_shared>>
          %dma_wait3A_664 = arith.constant 5888 : i32
          %dma_wait3A_665 = tpu.memref_slice %arg7[%dma_wait3A_656, %dma_wait3A_664] : memref<8x6272xf32, #tpu.memory_space<vmem>> -> memref<1x128xf32, #tpu.memory_space<vmem>>
          %dma_wait3A_666 = tpu.memref_squeeze %dma_wait3A_665 : memref<1x128xf32, #tpu.memory_space<vmem>> -> memref<128xf32, #tpu.memory_space<vmem>>
          tpu.wait_dma2 semaphore(%arg15 : memref<!tpu.dma_semaphore, #tpu.memory_space<semaphore_mem>>) src(%dma_wait3A_666 : memref<128xf32, #tpu.memory_space<vmem>>) dst(%dma_wait3A_663 : memref<128xf32, #tpu.memory_space<vmem_shared>>)
          %dma_wait3A_667 = arith.constant 2 : i32
          %dma_wait3A_668 = arith.constant 5888 : i32
          %dma_wait3A_669 = tpu.memref_slice %arg7[%dma_wait3A_667, %dma_wait3A_668] : memref<8x6272xf32, #tpu.memory_space<vmem>> -> memref<1x128xf32, #tpu.memory_space<vmem>>
          %dma_wait3A_670 = tpu.memref_squeeze %dma_wait3A_669 : memref<1x128xf32, #tpu.memory_space<vmem>> -> memref<128xf32, #tpu.memory_space<vmem>>
          %dma_wait3A_671 = arith.constant 300160 : i32
          %dma_wait3A_672 = tpu.memref_slice %arg6[%dma_wait3A_671] : memref<800768xf32, #tpu.memory_space<vmem_shared>> -> memref<128xf32, #tpu.memory_space<vmem_shared>>
          %dma_wait3A_673 = arith.constant 300160 : i32
          %dma_wait3A_674 = tpu.memref_slice %arg6[%dma_wait3A_673] : memref<800768xf32, #tpu.memory_space<vmem_shared>> -> memref<128xf32, #tpu.memory_space<vmem_shared>>
          %dma_wait3A_675 = arith.constant 5888 : i32
          %dma_wait3A_676 = tpu.memref_slice %arg7[%dma_wait3A_667, %dma_wait3A_675] : memref<8x6272xf32, #tpu.memory_space<vmem>> -> memref<1x128xf32, #tpu.memory_space<vmem>>
          %dma_wait3A_677 = tpu.memref_squeeze %dma_wait3A_676 : memref<1x128xf32, #tpu.memory_space<vmem>> -> memref<128xf32, #tpu.memory_space<vmem>>
          tpu.wait_dma2 semaphore(%arg15 : memref<!tpu.dma_semaphore, #tpu.memory_space<semaphore_mem>>) src(%dma_wait3A_677 : memref<128xf32, #tpu.memory_space<vmem>>) dst(%dma_wait3A_674 : memref<128xf32, #tpu.memory_space<vmem_shared>>)
          %dma_wait3A_678 = arith.constant 3 : i32
          %dma_wait3A_679 = arith.constant 5888 : i32
          %dma_wait3A_680 = tpu.memref_slice %arg7[%dma_wait3A_678, %dma_wait3A_679] : memref<8x6272xf32, #tpu.memory_space<vmem>> -> memref<1x128xf32, #tpu.memory_space<vmem>>
          %dma_wait3A_681 = tpu.memref_squeeze %dma_wait3A_680 : memref<1x128xf32, #tpu.memory_space<vmem>> -> memref<128xf32, #tpu.memory_space<vmem>>
          %dma_wait3A_682 = arith.constant 400256 : i32
          %dma_wait3A_683 = tpu.memref_slice %arg6[%dma_wait3A_682] : memref<800768xf32, #tpu.memory_space<vmem_shared>> -> memref<128xf32, #tpu.memory_space<vmem_shared>>
          %dma_wait3A_684 = arith.constant 400256 : i32
          %dma_wait3A_685 = tpu.memref_slice %arg6[%dma_wait3A_684] : memref<800768xf32, #tpu.memory_space<vmem_shared>> -> memref<128xf32, #tpu.memory_space<vmem_shared>>
          %dma_wait3A_686 = arith.constant 5888 : i32
          %dma_wait3A_687 = tpu.memref_slice %arg7[%dma_wait3A_678, %dma_wait3A_686] : memref<8x6272xf32, #tpu.memory_space<vmem>> -> memref<1x128xf32, #tpu.memory_space<vmem>>
          %dma_wait3A_688 = tpu.memref_squeeze %dma_wait3A_687 : memref<1x128xf32, #tpu.memory_space<vmem>> -> memref<128xf32, #tpu.memory_space<vmem>>
          tpu.wait_dma2 semaphore(%arg15 : memref<!tpu.dma_semaphore, #tpu.memory_space<semaphore_mem>>) src(%dma_wait3A_688 : memref<128xf32, #tpu.memory_space<vmem>>) dst(%dma_wait3A_685 : memref<128xf32, #tpu.memory_space<vmem_shared>>)
          %dma_wait3A_689 = arith.constant 4 : i32
          %dma_wait3A_690 = arith.constant 5888 : i32
          %dma_wait3A_691 = tpu.memref_slice %arg7[%dma_wait3A_689, %dma_wait3A_690] : memref<8x6272xf32, #tpu.memory_space<vmem>> -> memref<1x128xf32, #tpu.memory_space<vmem>>
          %dma_wait3A_692 = tpu.memref_squeeze %dma_wait3A_691 : memref<1x128xf32, #tpu.memory_space<vmem>> -> memref<128xf32, #tpu.memory_space<vmem>>
          %dma_wait3A_693 = arith.constant 500352 : i32
          %dma_wait3A_694 = tpu.memref_slice %arg6[%dma_wait3A_693] : memref<800768xf32, #tpu.memory_space<vmem_shared>> -> memref<128xf32, #tpu.memory_space<vmem_shared>>
          %dma_wait3A_695 = arith.constant 500352 : i32
          %dma_wait3A_696 = tpu.memref_slice %arg6[%dma_wait3A_695] : memref<800768xf32, #tpu.memory_space<vmem_shared>> -> memref<128xf32, #tpu.memory_space<vmem_shared>>
          %dma_wait3A_697 = arith.constant 5888 : i32
          %dma_wait3A_698 = tpu.memref_slice %arg7[%dma_wait3A_689, %dma_wait3A_697] : memref<8x6272xf32, #tpu.memory_space<vmem>> -> memref<1x128xf32, #tpu.memory_space<vmem>>
          %dma_wait3A_699 = tpu.memref_squeeze %dma_wait3A_698 : memref<1x128xf32, #tpu.memory_space<vmem>> -> memref<128xf32, #tpu.memory_space<vmem>>
          tpu.wait_dma2 semaphore(%arg15 : memref<!tpu.dma_semaphore, #tpu.memory_space<semaphore_mem>>) src(%dma_wait3A_699 : memref<128xf32, #tpu.memory_space<vmem>>) dst(%dma_wait3A_696 : memref<128xf32, #tpu.memory_space<vmem_shared>>)
          %dma_wait3A_700 = arith.constant 5 : i32
          %dma_wait3A_701 = arith.constant 5888 : i32
          %dma_wait3A_702 = tpu.memref_slice %arg7[%dma_wait3A_700, %dma_wait3A_701] : memref<8x6272xf32, #tpu.memory_space<vmem>> -> memref<1x128xf32, #tpu.memory_space<vmem>>
          %dma_wait3A_703 = tpu.memref_squeeze %dma_wait3A_702 : memref<1x128xf32, #tpu.memory_space<vmem>> -> memref<128xf32, #tpu.memory_space<vmem>>
          %dma_wait3A_704 = arith.constant 600448 : i32
          %dma_wait3A_705 = tpu.memref_slice %arg6[%dma_wait3A_704] : memref<800768xf32, #tpu.memory_space<vmem_shared>> -> memref<128xf32, #tpu.memory_space<vmem_shared>>
          %dma_wait3A_706 = arith.constant 600448 : i32
          %dma_wait3A_707 = tpu.memref_slice %arg6[%dma_wait3A_706] : memref<800768xf32, #tpu.memory_space<vmem_shared>> -> memref<128xf32, #tpu.memory_space<vmem_shared>>
          %dma_wait3A_708 = arith.constant 5888 : i32
          %dma_wait3A_709 = tpu.memref_slice %arg7[%dma_wait3A_700, %dma_wait3A_708] : memref<8x6272xf32, #tpu.memory_space<vmem>> -> memref<1x128xf32, #tpu.memory_space<vmem>>
          %dma_wait3A_710 = tpu.memref_squeeze %dma_wait3A_709 : memref<1x128xf32, #tpu.memory_space<vmem>> -> memref<128xf32, #tpu.memory_space<vmem>>
          tpu.wait_dma2 semaphore(%arg15 : memref<!tpu.dma_semaphore, #tpu.memory_space<semaphore_mem>>) src(%dma_wait3A_710 : memref<128xf32, #tpu.memory_space<vmem>>) dst(%dma_wait3A_707 : memref<128xf32, #tpu.memory_space<vmem_shared>>)
          %dma_wait3A_711 = arith.constant 6 : i32
          %dma_wait3A_712 = arith.constant 5888 : i32
          %dma_wait3A_713 = tpu.memref_slice %arg7[%dma_wait3A_711, %dma_wait3A_712] : memref<8x6272xf32, #tpu.memory_space<vmem>> -> memref<1x128xf32, #tpu.memory_space<vmem>>
          %dma_wait3A_714 = tpu.memref_squeeze %dma_wait3A_713 : memref<1x128xf32, #tpu.memory_space<vmem>> -> memref<128xf32, #tpu.memory_space<vmem>>
          %dma_wait3A_715 = arith.constant 700544 : i32
          %dma_wait3A_716 = tpu.memref_slice %arg6[%dma_wait3A_715] : memref<800768xf32, #tpu.memory_space<vmem_shared>> -> memref<128xf32, #tpu.memory_space<vmem_shared>>
          %dma_wait3A_717 = arith.constant 700544 : i32
          %dma_wait3A_718 = tpu.memref_slice %arg6[%dma_wait3A_717] : memref<800768xf32, #tpu.memory_space<vmem_shared>> -> memref<128xf32, #tpu.memory_space<vmem_shared>>
          %dma_wait3A_719 = arith.constant 5888 : i32
          %dma_wait3A_720 = tpu.memref_slice %arg7[%dma_wait3A_711, %dma_wait3A_719] : memref<8x6272xf32, #tpu.memory_space<vmem>> -> memref<1x128xf32, #tpu.memory_space<vmem>>
          %dma_wait3A_721 = tpu.memref_squeeze %dma_wait3A_720 : memref<1x128xf32, #tpu.memory_space<vmem>> -> memref<128xf32, #tpu.memory_space<vmem>>
          tpu.wait_dma2 semaphore(%arg15 : memref<!tpu.dma_semaphore, #tpu.memory_space<semaphore_mem>>) src(%dma_wait3A_721 : memref<128xf32, #tpu.memory_space<vmem>>) dst(%dma_wait3A_718 : memref<128xf32, #tpu.memory_space<vmem_shared>>)
          %dma_wait3A_722 = arith.constant 7 : i32
          %dma_wait3A_723 = arith.constant 5888 : i32
          %dma_wait3A_724 = tpu.memref_slice %arg7[%dma_wait3A_722, %dma_wait3A_723] : memref<8x6272xf32, #tpu.memory_space<vmem>> -> memref<1x128xf32, #tpu.memory_space<vmem>>
          %dma_wait3A_725 = tpu.memref_squeeze %dma_wait3A_724 : memref<1x128xf32, #tpu.memory_space<vmem>> -> memref<128xf32, #tpu.memory_space<vmem>>
          %dma_wait3A_726 = arith.constant 800640 : i32
          %dma_wait3A_727 = tpu.memref_slice %arg6[%dma_wait3A_726] : memref<800768xf32, #tpu.memory_space<vmem_shared>> -> memref<128xf32, #tpu.memory_space<vmem_shared>>
          %dma_wait3A_728 = arith.constant 800640 : i32
          %dma_wait3A_729 = tpu.memref_slice %arg6[%dma_wait3A_728] : memref<800768xf32, #tpu.memory_space<vmem_shared>> -> memref<128xf32, #tpu.memory_space<vmem_shared>>
          %dma_wait3A_730 = arith.constant 5888 : i32
          %dma_wait3A_731 = tpu.memref_slice %arg7[%dma_wait3A_722, %dma_wait3A_730] : memref<8x6272xf32, #tpu.memory_space<vmem>> -> memref<1x128xf32, #tpu.memory_space<vmem>>
          %dma_wait3A_732 = tpu.memref_squeeze %dma_wait3A_731 : memref<1x128xf32, #tpu.memory_space<vmem>> -> memref<128xf32, #tpu.memory_space<vmem>>
          tpu.wait_dma2 semaphore(%arg15 : memref<!tpu.dma_semaphore, #tpu.memory_space<semaphore_mem>>) src(%dma_wait3A_732 : memref<128xf32, #tpu.memory_space<vmem>>) dst(%dma_wait3A_729 : memref<128xf32, #tpu.memory_space<vmem_shared>>)
        } else {
        }
        %barrier3A_222 = arith.constant 0 : index
        tpu.barrier barrier_id(%barrier3A_222)
        %add3A_223 = arith.constant 1 : i32
        %add3A_224 = arith.addi %scan3A_10, %add3A_223 : i32
        %gt3A_225 = arith.constant 0 : i32
        %gt3A_226 = arith.cmpi sgt, %add3A_224, %gt3A_225 : i32
        %convert_element_type3A_227 = arith.extui %gt3A_226 : i1 to i32
        %cond3A_228 = arith.constant 0 : i32
        %cond3A_229 = arith.cmpi ne, %convert_element_type3A_227, %cond3A_228 : i32
        scf.if %cond3A_229 {
          %dma_wait3A_381 = arith.constant 8 : i32
          %dma_wait3A_382 = tpu.memref_slice %arg5[%scan3A_9, %dma_wait3A_381, %mul3A_0] : memref<26x16x16384xf32, #tpu.memory_space<hbm>> -> memref<1x8x1024xf32, #tpu.memory_space<hbm>>
          %dma_wait3A_383 = tpu.memref_squeeze %dma_wait3A_382 : memref<1x8x1024xf32, #tpu.memory_space<hbm>> -> memref<8x1024xf32, #tpu.memory_space<hbm>>
          %dma_wait3A_384 = arith.constant 8 : i32
          %dma_wait3A_385 = tpu.memref_slice %arg5[%scan3A_9, %dma_wait3A_384, %mul3A_0] : memref<26x16x16384xf32, #tpu.memory_space<hbm>> -> memref<1x8x1024xf32, #tpu.memory_space<hbm>>
          %dma_wait3A_386 = tpu.memref_squeeze %dma_wait3A_385 : memref<1x8x1024xf32, #tpu.memory_space<hbm>> -> memref<8x1024xf32, #tpu.memory_space<hbm>>
          tpu.wait_dma2 semaphore(%arg16 : memref<!tpu.dma_semaphore, #tpu.memory_space<semaphore_mem>>) src(%arg10 : memref<8x1024xf32, #tpu.memory_space<vmem>>) dst(%dma_wait3A_386 : memref<8x1024xf32, #tpu.memory_space<hbm>>)
        } else {
        }
        %scan3A_230 = arith.constant 0 : i32
        %scan3A_231 = arith.constant 0 : i32
        %scan3A_232 = arith.constant 16 : i32
        %scan3A_233 = arith.addi %scan3A_231, %scan3A_232 : i32
        %scan3A_234 = arith.constant 1 : i32
        %scan3A_235 = scf.for %scan3A_381 = %scan3A_231 to %scan3A_233 step %scan3A_234 iter_args(%scan3A_382 = %scan3A_230) -> (i32)  : i32 {
          %mul3A_383 = arith.constant 64 : i32
          %mul3A_384 = arith.muli %scan3A_381, %mul3A_383 : i32
          %add3A_385 = arith.constant 0 : i32
          %add3A_386 = arith.addi %mul3A_384, %add3A_385 : i32
          %get3A = arith.index_cast %add3A_386 : i32 to index
          %get3A_387 = tpu.vector_load %arg9[%get3A] {strides = array<i32>} : memref<1024xi32, #tpu.memory_space<vmem>>, vector<16xi32>,
          %get3A_388 = vector.shape_cast %get3A_387 : vector<16xi32> to vector<16xi32>
          %add3A_389 = arith.constant -700672 : i32
          %add3A_390 = vector.broadcast %add3A_389 : i32 to vector<16xi32>
          %add3A_391 = arith.addi %get3A_388, %add3A_390 : vector<16xi32>
          %swap3A = arith.index_cast %add3A_386 : i32 to index
          %swap3A_392 = tpu.vector_load %arg9[%swap3A] {strides = array<i32>} : memref<1024xi32, #tpu.memory_space<vmem>>, vector<16xi32>,
          %swap3A_393 = vector.shape_cast %swap3A_392 : vector<16xi32> to vector<16xi32>
          %swap3A_394 = vector.shape_cast %add3A_391 : vector<16xi32> to vector<16xi32>
          tpu.vector_store %arg9[%swap3A], %swap3A_394 {strides = array<i32>} : memref<1024xi32, #tpu.memory_space<vmem>>, vector<16xi32>,
          %mul3A_395 = arith.constant 64 : i32
          %mul3A_396 = arith.muli %scan3A_381, %mul3A_395 : i32
          %add3A_397 = arith.constant 16 : i32
          %add3A_398 = arith.addi %mul3A_396, %add3A_397 : i32
          %get3A_399 = arith.index_cast %add3A_398 : i32 to index
          %get3A_400 = tpu.vector_load %arg9[%get3A_399] {strides = array<i32>} : memref<1024xi32, #tpu.memory_space<vmem>>, vector<16xi32>,
          %get3A_401 = vector.shape_cast %get3A_400 : vector<16xi32> to vector<16xi32>
          %add3A_402 = arith.constant -700672 : i32
          %add3A_403 = vector.broadcast %add3A_402 : i32 to vector<16xi32>
          %add3A_404 = arith.addi %get3A_401, %add3A_403 : vector<16xi32>
          %swap3A_405 = arith.index_cast %add3A_398 : i32 to index
          %swap3A_406 = tpu.vector_load %arg9[%swap3A_405] {strides = array<i32>} : memref<1024xi32, #tpu.memory_space<vmem>>, vector<16xi32>,
          %swap3A_407 = vector.shape_cast %swap3A_406 : vector<16xi32> to vector<16xi32>
          %swap3A_408 = vector.shape_cast %add3A_404 : vector<16xi32> to vector<16xi32>
          tpu.vector_store %arg9[%swap3A_405], %swap3A_408 {strides = array<i32>} : memref<1024xi32, #tpu.memory_space<vmem>>, vector<16xi32>,
          %mul3A_409 = arith.constant 64 : i32
          %mul3A_410 = arith.muli %scan3A_381, %mul3A_409 : i32
          %add3A_411 = arith.constant 32 : i32
          %add3A_412 = arith.addi %mul3A_410, %add3A_411 : i32
          %get3A_413 = arith.index_cast %add3A_412 : i32 to index
          %get3A_414 = tpu.vector_load %arg9[%get3A_413] {strides = array<i32>} : memref<1024xi32, #tpu.memory_space<vmem>>, vector<16xi32>,
          %get3A_415 = vector.shape_cast %get3A_414 : vector<16xi32> to vector<16xi32>
          %add3A_416 = arith.constant -700672 : i32
          %add3A_417 = vector.broadcast %add3A_416 : i32 to vector<16xi32>
          %add3A_418 = arith.addi %get3A_415, %add3A_417 : vector<16xi32>
          %swap3A_419 = arith.index_cast %add3A_412 : i32 to index
          %swap3A_420 = tpu.vector_load %arg9[%swap3A_419] {strides = array<i32>} : memref<1024xi32, #tpu.memory_space<vmem>>, vector<16xi32>,
          %swap3A_421 = vector.shape_cast %swap3A_420 : vector<16xi32> to vector<16xi32>
          %swap3A_422 = vector.shape_cast %add3A_418 : vector<16xi32> to vector<16xi32>
          tpu.vector_store %arg9[%swap3A_419], %swap3A_422 {strides = array<i32>} : memref<1024xi32, #tpu.memory_space<vmem>>, vector<16xi32>,
          %mul3A_423 = arith.constant 64 : i32
          %mul3A_424 = arith.muli %scan3A_381, %mul3A_423 : i32
          %add3A_425 = arith.constant 48 : i32
          %add3A_426 = arith.addi %mul3A_424, %add3A_425 : i32
          %get3A_427 = arith.index_cast %add3A_426 : i32 to index
          %get3A_428 = tpu.vector_load %arg9[%get3A_427] {strides = array<i32>} : memref<1024xi32, #tpu.memory_space<vmem>>, vector<16xi32>,
          %get3A_429 = vector.shape_cast %get3A_428 : vector<16xi32> to vector<16xi32>
          %add3A_430 = arith.constant -700672 : i32
          %add3A_431 = vector.broadcast %add3A_430 : i32 to vector<16xi32>
          %add3A_432 = arith.addi %get3A_429, %add3A_431 : vector<16xi32>
          %swap3A_433 = arith.index_cast %add3A_426 : i32 to index
          %swap3A_434 = tpu.vector_load %arg9[%swap3A_433] {strides = array<i32>} : memref<1024xi32, #tpu.memory_space<vmem>>, vector<16xi32>,
          %swap3A_435 = vector.shape_cast %swap3A_434 : vector<16xi32> to vector<16xi32>
          %swap3A_436 = vector.shape_cast %add3A_432 : vector<16xi32> to vector<16xi32>
          tpu.vector_store %arg9[%swap3A_433], %swap3A_436 {strides = array<i32>} : memref<1024xi32, #tpu.memory_space<vmem>>, vector<16xi32>,
          %scan3A_437 = arith.constant 0 : i32
          scf.yield %scan3A_437 : i32
        }
        %scan3A_236 = arith.constant 16 : i32
        %dma_start3A_237 = arith.constant 0 : i32
        %dma_start3A_238 = tpu.memref_slice %arg6[%dma_start3A_237] : memref<800768xf32, #tpu.memory_space<vmem_shared>> -> memref<800768xf32, #tpu.memory_space<vmem_shared>>
        tpu.enqueue_indirect_dma source(%dma_start3A_238 : memref<800768xf32, #tpu.memory_space<vmem_shared>>) target(%arg11 : memref<1024xf32, #tpu.memory_space<vmem>>) offsets(%arg9 : memref<1024xi32, #tpu.memory_space<vmem>>) semaphore(%arg13 : memref<!tpu.dma_semaphore, #tpu.memory_space<semaphore_mem>>)
        %dma_wait3A_239 = arith.constant 0 : i32
        %dma_wait3A_240 = tpu.memref_slice %arg6[%dma_wait3A_239] : memref<800768xf32, #tpu.memory_space<vmem_shared>> -> memref<800768xf32, #tpu.memory_space<vmem_shared>>
        tpu.wait_indirect_dma semaphore(%arg13 : memref<!tpu.dma_semaphore, #tpu.memory_space<semaphore_mem>>) src(%dma_wait3A_240 : memref<800768xf32, #tpu.memory_space<vmem_shared>>) dst(%arg11 : memref<1024xf32, #tpu.memory_space<vmem>>)
        %scan3A_241 = arith.constant 0 : i32
        %scan3A_242 = arith.constant 0 : i32
        %scan3A_243 = arith.constant 16 : i32
        %scan3A_244 = arith.addi %scan3A_242, %scan3A_243 : i32
        %scan3A_245 = arith.constant 1 : i32
        %scan3A_246 = scf.for %scan3A_381 = %scan3A_242 to %scan3A_244 step %scan3A_245 iter_args(%scan3A_382 = %scan3A_241) -> (i32)  : i32 {
          %mul3A_383 = arith.constant 64 : i32
          %mul3A_384 = arith.muli %scan3A_381, %mul3A_383 : i32
          %add3A_385 = arith.constant 0 : i32
          %add3A_386 = arith.addi %mul3A_384, %add3A_385 : i32
          %get3A = arith.index_cast %add3A_386 : i32 to index
          %get3A_387 = tpu.vector_load %arg9[%get3A] {strides = array<i32>} : memref<1024xi32, #tpu.memory_space<vmem>>, vector<16xi32>,
          %get3A_388 = vector.shape_cast %get3A_387 : vector<16xi32> to vector<16xi32>
          %add3A_389 = arith.constant 100096 : i32
          %add3A_390 = vector.broadcast %add3A_389 : i32 to vector<16xi32>
          %add3A_391 = arith.addi %get3A_388, %add3A_390 : vector<16xi32>
          %swap3A = arith.index_cast %add3A_386 : i32 to index
          %swap3A_392 = tpu.vector_load %arg9[%swap3A] {strides = array<i32>} : memref<1024xi32, #tpu.memory_space<vmem>>, vector<16xi32>,
          %swap3A_393 = vector.shape_cast %swap3A_392 : vector<16xi32> to vector<16xi32>
          %swap3A_394 = vector.shape_cast %add3A_391 : vector<16xi32> to vector<16xi32>
          tpu.vector_store %arg9[%swap3A], %swap3A_394 {strides = array<i32>} : memref<1024xi32, #tpu.memory_space<vmem>>, vector<16xi32>,
          %mul3A_395 = arith.constant 64 : i32
          %mul3A_396 = arith.muli %scan3A_381, %mul3A_395 : i32
          %add3A_397 = arith.constant 16 : i32
          %add3A_398 = arith.addi %mul3A_396, %add3A_397 : i32
          %get3A_399 = arith.index_cast %add3A_398 : i32 to index
          %get3A_400 = tpu.vector_load %arg9[%get3A_399] {strides = array<i32>} : memref<1024xi32, #tpu.memory_space<vmem>>, vector<16xi32>,
          %get3A_401 = vector.shape_cast %get3A_400 : vector<16xi32> to vector<16xi32>
          %add3A_402 = arith.constant 100096 : i32
          %add3A_403 = vector.broadcast %add3A_402 : i32 to vector<16xi32>
          %add3A_404 = arith.addi %get3A_401, %add3A_403 : vector<16xi32>
          %swap3A_405 = arith.index_cast %add3A_398 : i32 to index
          %swap3A_406 = tpu.vector_load %arg9[%swap3A_405] {strides = array<i32>} : memref<1024xi32, #tpu.memory_space<vmem>>, vector<16xi32>,
          %swap3A_407 = vector.shape_cast %swap3A_406 : vector<16xi32> to vector<16xi32>
          %swap3A_408 = vector.shape_cast %add3A_404 : vector<16xi32> to vector<16xi32>
          tpu.vector_store %arg9[%swap3A_405], %swap3A_408 {strides = array<i32>} : memref<1024xi32, #tpu.memory_space<vmem>>, vector<16xi32>,
          %mul3A_409 = arith.constant 64 : i32
          %mul3A_410 = arith.muli %scan3A_381, %mul3A_409 : i32
          %add3A_411 = arith.constant 32 : i32
          %add3A_412 = arith.addi %mul3A_410, %add3A_411 : i32
          %get3A_413 = arith.index_cast %add3A_412 : i32 to index
          %get3A_414 = tpu.vector_load %arg9[%get3A_413] {strides = array<i32>} : memref<1024xi32, #tpu.memory_space<vmem>>, vector<16xi32>,
          %get3A_415 = vector.shape_cast %get3A_414 : vector<16xi32> to vector<16xi32>
          %add3A_416 = arith.constant 100096 : i32
          %add3A_417 = vector.broadcast %add3A_416 : i32 to vector<16xi32>
          %add3A_418 = arith.addi %get3A_415, %add3A_417 : vector<16xi32>
          %swap3A_419 = arith.index_cast %add3A_412 : i32 to index
          %swap3A_420 = tpu.vector_load %arg9[%swap3A_419] {strides = array<i32>} : memref<1024xi32, #tpu.memory_space<vmem>>, vector<16xi32>,
          %swap3A_421 = vector.shape_cast %swap3A_420 : vector<16xi32> to vector<16xi32>
          %swap3A_422 = vector.shape_cast %add3A_418 : vector<16xi32> to vector<16xi32>
          tpu.vector_store %arg9[%swap3A_419], %swap3A_422 {strides = array<i32>} : memref<1024xi32, #tpu.memory_space<vmem>>, vector<16xi32>,
          %mul3A_423 = arith.constant 64 : i32
          %mul3A_424 = arith.muli %scan3A_381, %mul3A_423 : i32
          %add3A_425 = arith.constant 48 : i32
          %add3A_426 = arith.addi %mul3A_424, %add3A_425 : i32
          %get3A_427 = arith.index_cast %add3A_426 : i32 to index
          %get3A_428 = tpu.vector_load %arg9[%get3A_427] {strides = array<i32>} : memref<1024xi32, #tpu.memory_space<vmem>>, vector<16xi32>,
          %get3A_429 = vector.shape_cast %get3A_428 : vector<16xi32> to vector<16xi32>
          %add3A_430 = arith.constant 100096 : i32
          %add3A_431 = vector.broadcast %add3A_430 : i32 to vector<16xi32>
          %add3A_432 = arith.addi %get3A_429, %add3A_431 : vector<16xi32>
          %swap3A_433 = arith.index_cast %add3A_426 : i32 to index
          %swap3A_434 = tpu.vector_load %arg9[%swap3A_433] {strides = array<i32>} : memref<1024xi32, #tpu.memory_space<vmem>>, vector<16xi32>,
          %swap3A_435 = vector.shape_cast %swap3A_434 : vector<16xi32> to vector<16xi32>
          %swap3A_436 = vector.shape_cast %add3A_432 : vector<16xi32> to vector<16xi32>
          tpu.vector_store %arg9[%swap3A_433], %swap3A_436 {strides = array<i32>} : memref<1024xi32, #tpu.memory_space<vmem>>, vector<16xi32>,
          %scan3A_437 = arith.constant 0 : i32
          scf.yield %scan3A_437 : i32
        }
        %scan3A_247 = arith.constant 16 : i32
        %dma_start3A_248 = arith.constant 0 : i32
        %dma_start3A_249 = tpu.memref_slice %arg6[%dma_start3A_248] : memref<800768xf32, #tpu.memory_space<vmem_shared>> -> memref<800768xf32, #tpu.memory_space<vmem_shared>>
        tpu.enqueue_indirect_dma source(%dma_start3A_249 : memref<800768xf32, #tpu.memory_space<vmem_shared>>) target(%arg12 : memref<1024xf32, #tpu.memory_space<vmem>>) offsets(%arg9 : memref<1024xi32, #tpu.memory_space<vmem>>) semaphore(%arg14 : memref<!tpu.dma_semaphore, #tpu.memory_space<semaphore_mem>>)
        %scan3A_250 = arith.constant 0 : i32
        %scan3A_251 = arith.constant 0 : i32
        %scan3A_252 = arith.constant 16 : i32
        %scan3A_253 = arith.addi %scan3A_251, %scan3A_252 : i32
        %scan3A_254 = arith.constant 1 : i32
        %scan3A_255 = scf.for %scan3A_381 = %scan3A_251 to %scan3A_253 step %scan3A_254 iter_args(%scan3A_382 = %scan3A_250) -> (i32)  : i32 {
          %mul3A_383 = arith.constant 64 : i32
          %mul3A_384 = arith.muli %scan3A_381, %mul3A_383 : i32
          %add3A_385 = arith.constant 0 : i32
          %add3A_386 = arith.addi %mul3A_384, %add3A_385 : i32
          %get3A = arith.index_cast %add3A_386 : i32 to index
          %get3A_387 = tpu.vector_load %arg11[%get3A] {strides = array<i32>} : memref<1024xf32, #tpu.memory_space<vmem>>, vector<16xf32>,
          %get3A_388 = vector.shape_cast %get3A_387 : vector<16xf32> to vector<16xf32>
          %swap3A = arith.constant 0 : i32
          %swap3A_389 = arith.index_cast %swap3A : i32 to index
          %swap3A_390 = arith.index_cast %add3A_386 : i32 to index
          %swap3A_391 = tpu.vector_load %arg10[%swap3A_389, %swap3A_390] {strides = array<i32>} : memref<8x1024xf32, #tpu.memory_space<vmem>>, vector<1x16xf32>,
          %swap3A_392 = vector.shape_cast %swap3A_391 : vector<1x16xf32> to vector<16xf32>
          %swap3A_393 = vector.shape_cast %get3A_388 : vector<16xf32> to vector<1x16xf32>
          tpu.vector_store %arg10[%swap3A_389, %swap3A_390], %swap3A_393 {strides = array<i32>} : memref<8x1024xf32, #tpu.memory_space<vmem>>, vector<1x16xf32>,
          %mul3A_394 = arith.constant 64 : i32
          %mul3A_395 = arith.muli %scan3A_381, %mul3A_394 : i32
          %add3A_396 = arith.constant 16 : i32
          %add3A_397 = arith.addi %mul3A_395, %add3A_396 : i32
          %get3A_398 = arith.index_cast %add3A_397 : i32 to index
          %get3A_399 = tpu.vector_load %arg11[%get3A_398] {strides = array<i32>} : memref<1024xf32, #tpu.memory_space<vmem>>, vector<16xf32>,
          %get3A_400 = vector.shape_cast %get3A_399 : vector<16xf32> to vector<16xf32>
          %swap3A_401 = arith.constant 0 : i32
          %swap3A_402 = arith.index_cast %swap3A_401 : i32 to index
          %swap3A_403 = arith.index_cast %add3A_397 : i32 to index
          %swap3A_404 = tpu.vector_load %arg10[%swap3A_402, %swap3A_403] {strides = array<i32>} : memref<8x1024xf32, #tpu.memory_space<vmem>>, vector<1x16xf32>,
          %swap3A_405 = vector.shape_cast %swap3A_404 : vector<1x16xf32> to vector<16xf32>
          %swap3A_406 = vector.shape_cast %get3A_400 : vector<16xf32> to vector<1x16xf32>
          tpu.vector_store %arg10[%swap3A_402, %swap3A_403], %swap3A_406 {strides = array<i32>} : memref<8x1024xf32, #tpu.memory_space<vmem>>, vector<1x16xf32>,
          %mul3A_407 = arith.constant 64 : i32
          %mul3A_408 = arith.muli %scan3A_381, %mul3A_407 : i32
          %add3A_409 = arith.constant 32 : i32
          %add3A_410 = arith.addi %mul3A_408, %add3A_409 : i32
          %get3A_411 = arith.index_cast %add3A_410 : i32 to index
          %get3A_412 = tpu.vector_load %arg11[%get3A_411] {strides = array<i32>} : memref<1024xf32, #tpu.memory_space<vmem>>, vector<16xf32>,
          %get3A_413 = vector.shape_cast %get3A_412 : vector<16xf32> to vector<16xf32>
          %swap3A_414 = arith.constant 0 : i32
          %swap3A_415 = arith.index_cast %swap3A_414 : i32 to index
          %swap3A_416 = arith.index_cast %add3A_410 : i32 to index
          %swap3A_417 = tpu.vector_load %arg10[%swap3A_415, %swap3A_416] {strides = array<i32>} : memref<8x1024xf32, #tpu.memory_space<vmem>>, vector<1x16xf32>,
          %swap3A_418 = vector.shape_cast %swap3A_417 : vector<1x16xf32> to vector<16xf32>
          %swap3A_419 = vector.shape_cast %get3A_413 : vector<16xf32> to vector<1x16xf32>
          tpu.vector_store %arg10[%swap3A_415, %swap3A_416], %swap3A_419 {strides = array<i32>} : memref<8x1024xf32, #tpu.memory_space<vmem>>, vector<1x16xf32>,
          %mul3A_420 = arith.constant 64 : i32
          %mul3A_421 = arith.muli %scan3A_381, %mul3A_420 : i32
          %add3A_422 = arith.constant 48 : i32
          %add3A_423 = arith.addi %mul3A_421, %add3A_422 : i32
          %get3A_424 = arith.index_cast %add3A_423 : i32 to index
          %get3A_425 = tpu.vector_load %arg11[%get3A_424] {strides = array<i32>} : memref<1024xf32, #tpu.memory_space<vmem>>, vector<16xf32>,
          %get3A_426 = vector.shape_cast %get3A_425 : vector<16xf32> to vector<16xf32>
          %swap3A_427 = arith.constant 0 : i32
          %swap3A_428 = arith.index_cast %swap3A_427 : i32 to index
          %swap3A_429 = arith.index_cast %add3A_423 : i32 to index
          %swap3A_430 = tpu.vector_load %arg10[%swap3A_428, %swap3A_429] {strides = array<i32>} : memref<8x1024xf32, #tpu.memory_space<vmem>>, vector<1x16xf32>,
          %swap3A_431 = vector.shape_cast %swap3A_430 : vector<1x16xf32> to vector<16xf32>
          %swap3A_432 = vector.shape_cast %get3A_426 : vector<16xf32> to vector<1x16xf32>
          tpu.vector_store %arg10[%swap3A_428, %swap3A_429], %swap3A_432 {strides = array<i32>} : memref<8x1024xf32, #tpu.memory_space<vmem>>, vector<1x16xf32>,
          %scan3A_433 = arith.constant 0 : i32
          scf.yield %scan3A_433 : i32
        }
        %scan3A_256 = arith.constant 16 : i32
        %dma_wait3A_257 = arith.constant 0 : i32
        %dma_wait3A_258 = tpu.memref_slice %arg6[%dma_wait3A_257] : memref<800768xf32, #tpu.memory_space<vmem_shared>> -> memref<800768xf32, #tpu.memory_space<vmem_shared>>
        tpu.wait_indirect_dma semaphore(%arg14 : memref<!tpu.dma_semaphore, #tpu.memory_space<semaphore_mem>>) src(%dma_wait3A_258 : memref<800768xf32, #tpu.memory_space<vmem_shared>>) dst(%arg12 : memref<1024xf32, #tpu.memory_space<vmem>>)
        %scan3A_259 = arith.constant 0 : i32
        %scan3A_260 = arith.constant 0 : i32
        %scan3A_261 = arith.constant 16 : i32
        %scan3A_262 = arith.addi %scan3A_260, %scan3A_261 : i32
        %scan3A_263 = arith.constant 1 : i32
        %scan3A_264 = scf.for %scan3A_381 = %scan3A_260 to %scan3A_262 step %scan3A_263 iter_args(%scan3A_382 = %scan3A_259) -> (i32)  : i32 {
          %mul3A_383 = arith.constant 64 : i32
          %mul3A_384 = arith.muli %scan3A_381, %mul3A_383 : i32
          %add3A_385 = arith.constant 0 : i32
          %add3A_386 = arith.addi %mul3A_384, %add3A_385 : i32
          %get3A = arith.index_cast %add3A_386 : i32 to index
          %get3A_387 = tpu.vector_load %arg9[%get3A] {strides = array<i32>} : memref<1024xi32, #tpu.memory_space<vmem>>, vector<16xi32>,
          %get3A_388 = vector.shape_cast %get3A_387 : vector<16xi32> to vector<16xi32>
          %add3A_389 = arith.constant 100096 : i32
          %add3A_390 = vector.broadcast %add3A_389 : i32 to vector<16xi32>
          %add3A_391 = arith.addi %get3A_388, %add3A_390 : vector<16xi32>
          %swap3A = arith.index_cast %add3A_386 : i32 to index
          %swap3A_392 = tpu.vector_load %arg9[%swap3A] {strides = array<i32>} : memref<1024xi32, #tpu.memory_space<vmem>>, vector<16xi32>,
          %swap3A_393 = vector.shape_cast %swap3A_392 : vector<16xi32> to vector<16xi32>
          %swap3A_394 = vector.shape_cast %add3A_391 : vector<16xi32> to vector<16xi32>
          tpu.vector_store %arg9[%swap3A], %swap3A_394 {strides = array<i32>} : memref<1024xi32, #tpu.memory_space<vmem>>, vector<16xi32>,
          %mul3A_395 = arith.constant 64 : i32
          %mul3A_396 = arith.muli %scan3A_381, %mul3A_395 : i32
          %add3A_397 = arith.constant 16 : i32
          %add3A_398 = arith.addi %mul3A_396, %add3A_397 : i32
          %get3A_399 = arith.index_cast %add3A_398 : i32 to index
          %get3A_400 = tpu.vector_load %arg9[%get3A_399] {strides = array<i32>} : memref<1024xi32, #tpu.memory_space<vmem>>, vector<16xi32>,
          %get3A_401 = vector.shape_cast %get3A_400 : vector<16xi32> to vector<16xi32>
          %add3A_402 = arith.constant 100096 : i32
          %add3A_403 = vector.broadcast %add3A_402 : i32 to vector<16xi32>
          %add3A_404 = arith.addi %get3A_401, %add3A_403 : vector<16xi32>
          %swap3A_405 = arith.index_cast %add3A_398 : i32 to index
          %swap3A_406 = tpu.vector_load %arg9[%swap3A_405] {strides = array<i32>} : memref<1024xi32, #tpu.memory_space<vmem>>, vector<16xi32>,
          %swap3A_407 = vector.shape_cast %swap3A_406 : vector<16xi32> to vector<16xi32>
          %swap3A_408 = vector.shape_cast %add3A_404 : vector<16xi32> to vector<16xi32>
          tpu.vector_store %arg9[%swap3A_405], %swap3A_408 {strides = array<i32>} : memref<1024xi32, #tpu.memory_space<vmem>>, vector<16xi32>,
          %mul3A_409 = arith.constant 64 : i32
          %mul3A_410 = arith.muli %scan3A_381, %mul3A_409 : i32
          %add3A_411 = arith.constant 32 : i32
          %add3A_412 = arith.addi %mul3A_410, %add3A_411 : i32
          %get3A_413 = arith.index_cast %add3A_412 : i32 to index
          %get3A_414 = tpu.vector_load %arg9[%get3A_413] {strides = array<i32>} : memref<1024xi32, #tpu.memory_space<vmem>>, vector<16xi32>,
          %get3A_415 = vector.shape_cast %get3A_414 : vector<16xi32> to vector<16xi32>
          %add3A_416 = arith.constant 100096 : i32
          %add3A_417 = vector.broadcast %add3A_416 : i32 to vector<16xi32>
          %add3A_418 = arith.addi %get3A_415, %add3A_417 : vector<16xi32>
          %swap3A_419 = arith.index_cast %add3A_412 : i32 to index
          %swap3A_420 = tpu.vector_load %arg9[%swap3A_419] {strides = array<i32>} : memref<1024xi32, #tpu.memory_space<vmem>>, vector<16xi32>,
          %swap3A_421 = vector.shape_cast %swap3A_420 : vector<16xi32> to vector<16xi32>
          %swap3A_422 = vector.shape_cast %add3A_418 : vector<16xi32> to vector<16xi32>
          tpu.vector_store %arg9[%swap3A_419], %swap3A_422 {strides = array<i32>} : memref<1024xi32, #tpu.memory_space<vmem>>, vector<16xi32>,
          %mul3A_423 = arith.constant 64 : i32
          %mul3A_424 = arith.muli %scan3A_381, %mul3A_423 : i32
          %add3A_425 = arith.constant 48 : i32
          %add3A_426 = arith.addi %mul3A_424, %add3A_425 : i32
          %get3A_427 = arith.index_cast %add3A_426 : i32 to index
          %get3A_428 = tpu.vector_load %arg9[%get3A_427] {strides = array<i32>} : memref<1024xi32, #tpu.memory_space<vmem>>, vector<16xi32>,
          %get3A_429 = vector.shape_cast %get3A_428 : vector<16xi32> to vector<16xi32>
          %add3A_430 = arith.constant 100096 : i32
          %add3A_431 = vector.broadcast %add3A_430 : i32 to vector<16xi32>
          %add3A_432 = arith.addi %get3A_429, %add3A_431 : vector<16xi32>
          %swap3A_433 = arith.index_cast %add3A_426 : i32 to index
          %swap3A_434 = tpu.vector_load %arg9[%swap3A_433] {strides = array<i32>} : memref<1024xi32, #tpu.memory_space<vmem>>, vector<16xi32>,
          %swap3A_435 = vector.shape_cast %swap3A_434 : vector<16xi32> to vector<16xi32>
          %swap3A_436 = vector.shape_cast %add3A_432 : vector<16xi32> to vector<16xi32>
          tpu.vector_store %arg9[%swap3A_433], %swap3A_436 {strides = array<i32>} : memref<1024xi32, #tpu.memory_space<vmem>>, vector<16xi32>,
          %scan3A_437 = arith.constant 0 : i32
          scf.yield %scan3A_437 : i32
        }
        %scan3A_265 = arith.constant 16 : i32
        %dma_start3A_266 = arith.constant 0 : i32
        %dma_start3A_267 = tpu.memref_slice %arg6[%dma_start3A_266] : memref<800768xf32, #tpu.memory_space<vmem_shared>> -> memref<800768xf32, #tpu.memory_space<vmem_shared>>
        tpu.enqueue_indirect_dma source(%dma_start3A_267 : memref<800768xf32, #tpu.memory_space<vmem_shared>>) target(%arg11 : memref<1024xf32, #tpu.memory_space<vmem>>) offsets(%arg9 : memref<1024xi32, #tpu.memory_space<vmem>>) semaphore(%arg13 : memref<!tpu.dma_semaphore, #tpu.memory_space<semaphore_mem>>)
        %scan3A_268 = arith.constant 0 : i32
        %scan3A_269 = arith.constant 0 : i32
        %scan3A_270 = arith.constant 16 : i32
        %scan3A_271 = arith.addi %scan3A_269, %scan3A_270 : i32
        %scan3A_272 = arith.constant 1 : i32
        %scan3A_273 = scf.for %scan3A_381 = %scan3A_269 to %scan3A_271 step %scan3A_272 iter_args(%scan3A_382 = %scan3A_268) -> (i32)  : i32 {
          %mul3A_383 = arith.constant 64 : i32
          %mul3A_384 = arith.muli %scan3A_381, %mul3A_383 : i32
          %add3A_385 = arith.constant 0 : i32
          %add3A_386 = arith.addi %mul3A_384, %add3A_385 : i32
          %get3A = arith.index_cast %add3A_386 : i32 to index
          %get3A_387 = tpu.vector_load %arg12[%get3A] {strides = array<i32>} : memref<1024xf32, #tpu.memory_space<vmem>>, vector<16xf32>,
          %get3A_388 = vector.shape_cast %get3A_387 : vector<16xf32> to vector<16xf32>
          %swap3A = arith.constant 1 : i32
          %swap3A_389 = arith.index_cast %swap3A : i32 to index
          %swap3A_390 = arith.index_cast %add3A_386 : i32 to index
          %swap3A_391 = tpu.vector_load %arg10[%swap3A_389, %swap3A_390] {strides = array<i32>} : memref<8x1024xf32, #tpu.memory_space<vmem>>, vector<1x16xf32>,
          %swap3A_392 = vector.shape_cast %swap3A_391 : vector<1x16xf32> to vector<16xf32>
          %swap3A_393 = vector.shape_cast %get3A_388 : vector<16xf32> to vector<1x16xf32>
          tpu.vector_store %arg10[%swap3A_389, %swap3A_390], %swap3A_393 {strides = array<i32>} : memref<8x1024xf32, #tpu.memory_space<vmem>>, vector<1x16xf32>,
          %mul3A_394 = arith.constant 64 : i32
          %mul3A_395 = arith.muli %scan3A_381, %mul3A_394 : i32
          %add3A_396 = arith.constant 16 : i32
          %add3A_397 = arith.addi %mul3A_395, %add3A_396 : i32
          %get3A_398 = arith.index_cast %add3A_397 : i32 to index
          %get3A_399 = tpu.vector_load %arg12[%get3A_398] {strides = array<i32>} : memref<1024xf32, #tpu.memory_space<vmem>>, vector<16xf32>,
          %get3A_400 = vector.shape_cast %get3A_399 : vector<16xf32> to vector<16xf32>
          %swap3A_401 = arith.constant 1 : i32
          %swap3A_402 = arith.index_cast %swap3A_401 : i32 to index
          %swap3A_403 = arith.index_cast %add3A_397 : i32 to index
          %swap3A_404 = tpu.vector_load %arg10[%swap3A_402, %swap3A_403] {strides = array<i32>} : memref<8x1024xf32, #tpu.memory_space<vmem>>, vector<1x16xf32>,
          %swap3A_405 = vector.shape_cast %swap3A_404 : vector<1x16xf32> to vector<16xf32>
          %swap3A_406 = vector.shape_cast %get3A_400 : vector<16xf32> to vector<1x16xf32>
          tpu.vector_store %arg10[%swap3A_402, %swap3A_403], %swap3A_406 {strides = array<i32>} : memref<8x1024xf32, #tpu.memory_space<vmem>>, vector<1x16xf32>,
          %mul3A_407 = arith.constant 64 : i32
          %mul3A_408 = arith.muli %scan3A_381, %mul3A_407 : i32
          %add3A_409 = arith.constant 32 : i32
          %add3A_410 = arith.addi %mul3A_408, %add3A_409 : i32
          %get3A_411 = arith.index_cast %add3A_410 : i32 to index
          %get3A_412 = tpu.vector_load %arg12[%get3A_411] {strides = array<i32>} : memref<1024xf32, #tpu.memory_space<vmem>>, vector<16xf32>,
          %get3A_413 = vector.shape_cast %get3A_412 : vector<16xf32> to vector<16xf32>
          %swap3A_414 = arith.constant 1 : i32
          %swap3A_415 = arith.index_cast %swap3A_414 : i32 to index
          %swap3A_416 = arith.index_cast %add3A_410 : i32 to index
          %swap3A_417 = tpu.vector_load %arg10[%swap3A_415, %swap3A_416] {strides = array<i32>} : memref<8x1024xf32, #tpu.memory_space<vmem>>, vector<1x16xf32>,
          %swap3A_418 = vector.shape_cast %swap3A_417 : vector<1x16xf32> to vector<16xf32>
          %swap3A_419 = vector.shape_cast %get3A_413 : vector<16xf32> to vector<1x16xf32>
          tpu.vector_store %arg10[%swap3A_415, %swap3A_416], %swap3A_419 {strides = array<i32>} : memref<8x1024xf32, #tpu.memory_space<vmem>>, vector<1x16xf32>,
          %mul3A_420 = arith.constant 64 : i32
          %mul3A_421 = arith.muli %scan3A_381, %mul3A_420 : i32
          %add3A_422 = arith.constant 48 : i32
          %add3A_423 = arith.addi %mul3A_421, %add3A_422 : i32
          %get3A_424 = arith.index_cast %add3A_423 : i32 to index
          %get3A_425 = tpu.vector_load %arg12[%get3A_424] {strides = array<i32>} : memref<1024xf32, #tpu.memory_space<vmem>>, vector<16xf32>,
          %get3A_426 = vector.shape_cast %get3A_425 : vector<16xf32> to vector<16xf32>
          %swap3A_427 = arith.constant 1 : i32
          %swap3A_428 = arith.index_cast %swap3A_427 : i32 to index
          %swap3A_429 = arith.index_cast %add3A_423 : i32 to index
          %swap3A_430 = tpu.vector_load %arg10[%swap3A_428, %swap3A_429] {strides = array<i32>} : memref<8x1024xf32, #tpu.memory_space<vmem>>, vector<1x16xf32>,
          %swap3A_431 = vector.shape_cast %swap3A_430 : vector<1x16xf32> to vector<16xf32>
          %swap3A_432 = vector.shape_cast %get3A_426 : vector<16xf32> to vector<1x16xf32>
          tpu.vector_store %arg10[%swap3A_428, %swap3A_429], %swap3A_432 {strides = array<i32>} : memref<8x1024xf32, #tpu.memory_space<vmem>>, vector<1x16xf32>,
          %scan3A_433 = arith.constant 0 : i32
          scf.yield %scan3A_433 : i32
        }
        %scan3A_274 = arith.constant 16 : i32
        %dma_wait3A_275 = arith.constant 0 : i32
        %dma_wait3A_276 = tpu.memref_slice %arg6[%dma_wait3A_275] : memref<800768xf32, #tpu.memory_space<vmem_shared>> -> memref<800768xf32, #tpu.memory_space<vmem_shared>>
        tpu.wait_indirect_dma semaphore(%arg13 : memref<!tpu.dma_semaphore, #tpu.memory_space<semaphore_mem>>) src(%dma_wait3A_276 : memref<800768xf32, #tpu.memory_space<vmem_shared>>) dst(%arg11 : memref<1024xf32, #tpu.memory_space<vmem>>)
        %scan3A_277 = arith.constant 0 : i32
        %scan3A_278 = arith.constant 0 : i32
        %scan3A_279 = arith.constant 16 : i32
        %scan3A_280 = arith.addi %scan3A_278, %scan3A_279 : i32
        %scan3A_281 = arith.constant 1 : i32
        %scan3A_282 = scf.for %scan3A_381 = %scan3A_278 to %scan3A_280 step %scan3A_281 iter_args(%scan3A_382 = %scan3A_277) -> (i32)  : i32 {
          %mul3A_383 = arith.constant 64 : i32
          %mul3A_384 = arith.muli %scan3A_381, %mul3A_383 : i32
          %add3A_385 = arith.constant 0 : i32
          %add3A_386 = arith.addi %mul3A_384, %add3A_385 : i32
          %get3A = arith.index_cast %add3A_386 : i32 to index
          %get3A_387 = tpu.vector_load %arg9[%get3A] {strides = array<i32>} : memref<1024xi32, #tpu.memory_space<vmem>>, vector<16xi32>,
          %get3A_388 = vector.shape_cast %get3A_387 : vector<16xi32> to vector<16xi32>
          %add3A_389 = arith.constant 100096 : i32
          %add3A_390 = vector.broadcast %add3A_389 : i32 to vector<16xi32>
          %add3A_391 = arith.addi %get3A_388, %add3A_390 : vector<16xi32>
          %swap3A = arith.index_cast %add3A_386 : i32 to index
          %swap3A_392 = tpu.vector_load %arg9[%swap3A] {strides = array<i32>} : memref<1024xi32, #tpu.memory_space<vmem>>, vector<16xi32>,
          %swap3A_393 = vector.shape_cast %swap3A_392 : vector<16xi32> to vector<16xi32>
          %swap3A_394 = vector.shape_cast %add3A_391 : vector<16xi32> to vector<16xi32>
          tpu.vector_store %arg9[%swap3A], %swap3A_394 {strides = array<i32>} : memref<1024xi32, #tpu.memory_space<vmem>>, vector<16xi32>,
          %mul3A_395 = arith.constant 64 : i32
          %mul3A_396 = arith.muli %scan3A_381, %mul3A_395 : i32
          %add3A_397 = arith.constant 16 : i32
          %add3A_398 = arith.addi %mul3A_396, %add3A_397 : i32
          %get3A_399 = arith.index_cast %add3A_398 : i32 to index
          %get3A_400 = tpu.vector_load %arg9[%get3A_399] {strides = array<i32>} : memref<1024xi32, #tpu.memory_space<vmem>>, vector<16xi32>,
          %get3A_401 = vector.shape_cast %get3A_400 : vector<16xi32> to vector<16xi32>
          %add3A_402 = arith.constant 100096 : i32
          %add3A_403 = vector.broadcast %add3A_402 : i32 to vector<16xi32>
          %add3A_404 = arith.addi %get3A_401, %add3A_403 : vector<16xi32>
          %swap3A_405 = arith.index_cast %add3A_398 : i32 to index
          %swap3A_406 = tpu.vector_load %arg9[%swap3A_405] {strides = array<i32>} : memref<1024xi32, #tpu.memory_space<vmem>>, vector<16xi32>,
          %swap3A_407 = vector.shape_cast %swap3A_406 : vector<16xi32> to vector<16xi32>
          %swap3A_408 = vector.shape_cast %add3A_404 : vector<16xi32> to vector<16xi32>
          tpu.vector_store %arg9[%swap3A_405], %swap3A_408 {strides = array<i32>} : memref<1024xi32, #tpu.memory_space<vmem>>, vector<16xi32>,
          %mul3A_409 = arith.constant 64 : i32
          %mul3A_410 = arith.muli %scan3A_381, %mul3A_409 : i32
          %add3A_411 = arith.constant 32 : i32
          %add3A_412 = arith.addi %mul3A_410, %add3A_411 : i32
          %get3A_413 = arith.index_cast %add3A_412 : i32 to index
          %get3A_414 = tpu.vector_load %arg9[%get3A_413] {strides = array<i32>} : memref<1024xi32, #tpu.memory_space<vmem>>, vector<16xi32>,
          %get3A_415 = vector.shape_cast %get3A_414 : vector<16xi32> to vector<16xi32>
          %add3A_416 = arith.constant 100096 : i32
          %add3A_417 = vector.broadcast %add3A_416 : i32 to vector<16xi32>
          %add3A_418 = arith.addi %get3A_415, %add3A_417 : vector<16xi32>
          %swap3A_419 = arith.index_cast %add3A_412 : i32 to index
          %swap3A_420 = tpu.vector_load %arg9[%swap3A_419] {strides = array<i32>} : memref<1024xi32, #tpu.memory_space<vmem>>, vector<16xi32>,
          %swap3A_421 = vector.shape_cast %swap3A_420 : vector<16xi32> to vector<16xi32>
          %swap3A_422 = vector.shape_cast %add3A_418 : vector<16xi32> to vector<16xi32>
          tpu.vector_store %arg9[%swap3A_419], %swap3A_422 {strides = array<i32>} : memref<1024xi32, #tpu.memory_space<vmem>>, vector<16xi32>,
          %mul3A_423 = arith.constant 64 : i32
          %mul3A_424 = arith.muli %scan3A_381, %mul3A_423 : i32
          %add3A_425 = arith.constant 48 : i32
          %add3A_426 = arith.addi %mul3A_424, %add3A_425 : i32
          %get3A_427 = arith.index_cast %add3A_426 : i32 to index
          %get3A_428 = tpu.vector_load %arg9[%get3A_427] {strides = array<i32>} : memref<1024xi32, #tpu.memory_space<vmem>>, vector<16xi32>,
          %get3A_429 = vector.shape_cast %get3A_428 : vector<16xi32> to vector<16xi32>
          %add3A_430 = arith.constant 100096 : i32
          %add3A_431 = vector.broadcast %add3A_430 : i32 to vector<16xi32>
          %add3A_432 = arith.addi %get3A_429, %add3A_431 : vector<16xi32>
          %swap3A_433 = arith.index_cast %add3A_426 : i32 to index
          %swap3A_434 = tpu.vector_load %arg9[%swap3A_433] {strides = array<i32>} : memref<1024xi32, #tpu.memory_space<vmem>>, vector<16xi32>,
          %swap3A_435 = vector.shape_cast %swap3A_434 : vector<16xi32> to vector<16xi32>
          %swap3A_436 = vector.shape_cast %add3A_432 : vector<16xi32> to vector<16xi32>
          tpu.vector_store %arg9[%swap3A_433], %swap3A_436 {strides = array<i32>} : memref<1024xi32, #tpu.memory_space<vmem>>, vector<16xi32>,
          %scan3A_437 = arith.constant 0 : i32
          scf.yield %scan3A_437 : i32
        }
        %scan3A_283 = arith.constant 16 : i32
        %dma_start3A_284 = arith.constant 0 : i32
        %dma_start3A_285 = tpu.memref_slice %arg6[%dma_start3A_284] : memref<800768xf32, #tpu.memory_space<vmem_shared>> -> memref<800768xf32, #tpu.memory_space<vmem_shared>>
        tpu.enqueue_indirect_dma source(%dma_start3A_285 : memref<800768xf32, #tpu.memory_space<vmem_shared>>) target(%arg12 : memref<1024xf32, #tpu.memory_space<vmem>>) offsets(%arg9 : memref<1024xi32, #tpu.memory_space<vmem>>) semaphore(%arg14 : memref<!tpu.dma_semaphore, #tpu.memory_space<semaphore_mem>>)
        %scan3A_286 = arith.constant 0 : i32
        %scan3A_287 = arith.constant 0 : i32
        %scan3A_288 = arith.constant 16 : i32
        %scan3A_289 = arith.addi %scan3A_287, %scan3A_288 : i32
        %scan3A_290 = arith.constant 1 : i32
        %scan3A_291 = scf.for %scan3A_381 = %scan3A_287 to %scan3A_289 step %scan3A_290 iter_args(%scan3A_382 = %scan3A_286) -> (i32)  : i32 {
          %mul3A_383 = arith.constant 64 : i32
          %mul3A_384 = arith.muli %scan3A_381, %mul3A_383 : i32
          %add3A_385 = arith.constant 0 : i32
          %add3A_386 = arith.addi %mul3A_384, %add3A_385 : i32
          %get3A = arith.index_cast %add3A_386 : i32 to index
          %get3A_387 = tpu.vector_load %arg11[%get3A] {strides = array<i32>} : memref<1024xf32, #tpu.memory_space<vmem>>, vector<16xf32>,
          %get3A_388 = vector.shape_cast %get3A_387 : vector<16xf32> to vector<16xf32>
          %swap3A = arith.constant 2 : i32
          %swap3A_389 = arith.index_cast %swap3A : i32 to index
          %swap3A_390 = arith.index_cast %add3A_386 : i32 to index
          %swap3A_391 = tpu.vector_load %arg10[%swap3A_389, %swap3A_390] {strides = array<i32>} : memref<8x1024xf32, #tpu.memory_space<vmem>>, vector<1x16xf32>,
          %swap3A_392 = vector.shape_cast %swap3A_391 : vector<1x16xf32> to vector<16xf32>
          %swap3A_393 = vector.shape_cast %get3A_388 : vector<16xf32> to vector<1x16xf32>
          tpu.vector_store %arg10[%swap3A_389, %swap3A_390], %swap3A_393 {strides = array<i32>} : memref<8x1024xf32, #tpu.memory_space<vmem>>, vector<1x16xf32>,
          %mul3A_394 = arith.constant 64 : i32
          %mul3A_395 = arith.muli %scan3A_381, %mul3A_394 : i32
          %add3A_396 = arith.constant 16 : i32
          %add3A_397 = arith.addi %mul3A_395, %add3A_396 : i32
          %get3A_398 = arith.index_cast %add3A_397 : i32 to index
          %get3A_399 = tpu.vector_load %arg11[%get3A_398] {strides = array<i32>} : memref<1024xf32, #tpu.memory_space<vmem>>, vector<16xf32>,
          %get3A_400 = vector.shape_cast %get3A_399 : vector<16xf32> to vector<16xf32>
          %swap3A_401 = arith.constant 2 : i32
          %swap3A_402 = arith.index_cast %swap3A_401 : i32 to index
          %swap3A_403 = arith.index_cast %add3A_397 : i32 to index
          %swap3A_404 = tpu.vector_load %arg10[%swap3A_402, %swap3A_403] {strides = array<i32>} : memref<8x1024xf32, #tpu.memory_space<vmem>>, vector<1x16xf32>,
          %swap3A_405 = vector.shape_cast %swap3A_404 : vector<1x16xf32> to vector<16xf32>
          %swap3A_406 = vector.shape_cast %get3A_400 : vector<16xf32> to vector<1x16xf32>
          tpu.vector_store %arg10[%swap3A_402, %swap3A_403], %swap3A_406 {strides = array<i32>} : memref<8x1024xf32, #tpu.memory_space<vmem>>, vector<1x16xf32>,
          %mul3A_407 = arith.constant 64 : i32
          %mul3A_408 = arith.muli %scan3A_381, %mul3A_407 : i32
          %add3A_409 = arith.constant 32 : i32
          %add3A_410 = arith.addi %mul3A_408, %add3A_409 : i32
          %get3A_411 = arith.index_cast %add3A_410 : i32 to index
          %get3A_412 = tpu.vector_load %arg11[%get3A_411] {strides = array<i32>} : memref<1024xf32, #tpu.memory_space<vmem>>, vector<16xf32>,
          %get3A_413 = vector.shape_cast %get3A_412 : vector<16xf32> to vector<16xf32>
          %swap3A_414 = arith.constant 2 : i32
          %swap3A_415 = arith.index_cast %swap3A_414 : i32 to index
          %swap3A_416 = arith.index_cast %add3A_410 : i32 to index
          %swap3A_417 = tpu.vector_load %arg10[%swap3A_415, %swap3A_416] {strides = array<i32>} : memref<8x1024xf32, #tpu.memory_space<vmem>>, vector<1x16xf32>,
          %swap3A_418 = vector.shape_cast %swap3A_417 : vector<1x16xf32> to vector<16xf32>
          %swap3A_419 = vector.shape_cast %get3A_413 : vector<16xf32> to vector<1x16xf32>
          tpu.vector_store %arg10[%swap3A_415, %swap3A_416], %swap3A_419 {strides = array<i32>} : memref<8x1024xf32, #tpu.memory_space<vmem>>, vector<1x16xf32>,
          %mul3A_420 = arith.constant 64 : i32
          %mul3A_421 = arith.muli %scan3A_381, %mul3A_420 : i32
          %add3A_422 = arith.constant 48 : i32
          %add3A_423 = arith.addi %mul3A_421, %add3A_422 : i32
          %get3A_424 = arith.index_cast %add3A_423 : i32 to index
          %get3A_425 = tpu.vector_load %arg11[%get3A_424] {strides = array<i32>} : memref<1024xf32, #tpu.memory_space<vmem>>, vector<16xf32>,
          %get3A_426 = vector.shape_cast %get3A_425 : vector<16xf32> to vector<16xf32>
          %swap3A_427 = arith.constant 2 : i32
          %swap3A_428 = arith.index_cast %swap3A_427 : i32 to index
          %swap3A_429 = arith.index_cast %add3A_423 : i32 to index
          %swap3A_430 = tpu.vector_load %arg10[%swap3A_428, %swap3A_429] {strides = array<i32>} : memref<8x1024xf32, #tpu.memory_space<vmem>>, vector<1x16xf32>,
          %swap3A_431 = vector.shape_cast %swap3A_430 : vector<1x16xf32> to vector<16xf32>
          %swap3A_432 = vector.shape_cast %get3A_426 : vector<16xf32> to vector<1x16xf32>
          tpu.vector_store %arg10[%swap3A_428, %swap3A_429], %swap3A_432 {strides = array<i32>} : memref<8x1024xf32, #tpu.memory_space<vmem>>, vector<1x16xf32>,
          %scan3A_433 = arith.constant 0 : i32
          scf.yield %scan3A_433 : i32
        }
        %scan3A_292 = arith.constant 16 : i32
        %dma_wait3A_293 = arith.constant 0 : i32
        %dma_wait3A_294 = tpu.memref_slice %arg6[%dma_wait3A_293] : memref<800768xf32, #tpu.memory_space<vmem_shared>> -> memref<800768xf32, #tpu.memory_space<vmem_shared>>
        tpu.wait_indirect_dma semaphore(%arg14 : memref<!tpu.dma_semaphore, #tpu.memory_space<semaphore_mem>>) src(%dma_wait3A_294 : memref<800768xf32, #tpu.memory_space<vmem_shared>>) dst(%arg12 : memref<1024xf32, #tpu.memory_space<vmem>>)
        %scan3A_295 = arith.constant 0 : i32
        %scan3A_296 = arith.constant 0 : i32
        %scan3A_297 = arith.constant 16 : i32
        %scan3A_298 = arith.addi %scan3A_296, %scan3A_297 : i32
        %scan3A_299 = arith.constant 1 : i32
        %scan3A_300 = scf.for %scan3A_381 = %scan3A_296 to %scan3A_298 step %scan3A_299 iter_args(%scan3A_382 = %scan3A_295) -> (i32)  : i32 {
          %mul3A_383 = arith.constant 64 : i32
          %mul3A_384 = arith.muli %scan3A_381, %mul3A_383 : i32
          %add3A_385 = arith.constant 0 : i32
          %add3A_386 = arith.addi %mul3A_384, %add3A_385 : i32
          %get3A = arith.index_cast %add3A_386 : i32 to index
          %get3A_387 = tpu.vector_load %arg9[%get3A] {strides = array<i32>} : memref<1024xi32, #tpu.memory_space<vmem>>, vector<16xi32>,
          %get3A_388 = vector.shape_cast %get3A_387 : vector<16xi32> to vector<16xi32>
          %add3A_389 = arith.constant 100096 : i32
          %add3A_390 = vector.broadcast %add3A_389 : i32 to vector<16xi32>
          %add3A_391 = arith.addi %get3A_388, %add3A_390 : vector<16xi32>
          %swap3A = arith.index_cast %add3A_386 : i32 to index
          %swap3A_392 = tpu.vector_load %arg9[%swap3A] {strides = array<i32>} : memref<1024xi32, #tpu.memory_space<vmem>>, vector<16xi32>,
          %swap3A_393 = vector.shape_cast %swap3A_392 : vector<16xi32> to vector<16xi32>
          %swap3A_394 = vector.shape_cast %add3A_391 : vector<16xi32> to vector<16xi32>
          tpu.vector_store %arg9[%swap3A], %swap3A_394 {strides = array<i32>} : memref<1024xi32, #tpu.memory_space<vmem>>, vector<16xi32>,
          %mul3A_395 = arith.constant 64 : i32
          %mul3A_396 = arith.muli %scan3A_381, %mul3A_395 : i32
          %add3A_397 = arith.constant 16 : i32
          %add3A_398 = arith.addi %mul3A_396, %add3A_397 : i32
          %get3A_399 = arith.index_cast %add3A_398 : i32 to index
          %get3A_400 = tpu.vector_load %arg9[%get3A_399] {strides = array<i32>} : memref<1024xi32, #tpu.memory_space<vmem>>, vector<16xi32>,
          %get3A_401 = vector.shape_cast %get3A_400 : vector<16xi32> to vector<16xi32>
          %add3A_402 = arith.constant 100096 : i32
          %add3A_403 = vector.broadcast %add3A_402 : i32 to vector<16xi32>
          %add3A_404 = arith.addi %get3A_401, %add3A_403 : vector<16xi32>
          %swap3A_405 = arith.index_cast %add3A_398 : i32 to index
          %swap3A_406 = tpu.vector_load %arg9[%swap3A_405] {strides = array<i32>} : memref<1024xi32, #tpu.memory_space<vmem>>, vector<16xi32>,
          %swap3A_407 = vector.shape_cast %swap3A_406 : vector<16xi32> to vector<16xi32>
          %swap3A_408 = vector.shape_cast %add3A_404 : vector<16xi32> to vector<16xi32>
          tpu.vector_store %arg9[%swap3A_405], %swap3A_408 {strides = array<i32>} : memref<1024xi32, #tpu.memory_space<vmem>>, vector<16xi32>,
          %mul3A_409 = arith.constant 64 : i32
          %mul3A_410 = arith.muli %scan3A_381, %mul3A_409 : i32
          %add3A_411 = arith.constant 32 : i32
          %add3A_412 = arith.addi %mul3A_410, %add3A_411 : i32
          %get3A_413 = arith.index_cast %add3A_412 : i32 to index
          %get3A_414 = tpu.vector_load %arg9[%get3A_413] {strides = array<i32>} : memref<1024xi32, #tpu.memory_space<vmem>>, vector<16xi32>,
          %get3A_415 = vector.shape_cast %get3A_414 : vector<16xi32> to vector<16xi32>
          %add3A_416 = arith.constant 100096 : i32
          %add3A_417 = vector.broadcast %add3A_416 : i32 to vector<16xi32>
          %add3A_418 = arith.addi %get3A_415, %add3A_417 : vector<16xi32>
          %swap3A_419 = arith.index_cast %add3A_412 : i32 to index
          %swap3A_420 = tpu.vector_load %arg9[%swap3A_419] {strides = array<i32>} : memref<1024xi32, #tpu.memory_space<vmem>>, vector<16xi32>,
          %swap3A_421 = vector.shape_cast %swap3A_420 : vector<16xi32> to vector<16xi32>
          %swap3A_422 = vector.shape_cast %add3A_418 : vector<16xi32> to vector<16xi32>
          tpu.vector_store %arg9[%swap3A_419], %swap3A_422 {strides = array<i32>} : memref<1024xi32, #tpu.memory_space<vmem>>, vector<16xi32>,
          %mul3A_423 = arith.constant 64 : i32
          %mul3A_424 = arith.muli %scan3A_381, %mul3A_423 : i32
          %add3A_425 = arith.constant 48 : i32
          %add3A_426 = arith.addi %mul3A_424, %add3A_425 : i32
          %get3A_427 = arith.index_cast %add3A_426 : i32 to index
          %get3A_428 = tpu.vector_load %arg9[%get3A_427] {strides = array<i32>} : memref<1024xi32, #tpu.memory_space<vmem>>, vector<16xi32>,
          %get3A_429 = vector.shape_cast %get3A_428 : vector<16xi32> to vector<16xi32>
          %add3A_430 = arith.constant 100096 : i32
          %add3A_431 = vector.broadcast %add3A_430 : i32 to vector<16xi32>
          %add3A_432 = arith.addi %get3A_429, %add3A_431 : vector<16xi32>
          %swap3A_433 = arith.index_cast %add3A_426 : i32 to index
          %swap3A_434 = tpu.vector_load %arg9[%swap3A_433] {strides = array<i32>} : memref<1024xi32, #tpu.memory_space<vmem>>, vector<16xi32>,
          %swap3A_435 = vector.shape_cast %swap3A_434 : vector<16xi32> to vector<16xi32>
          %swap3A_436 = vector.shape_cast %add3A_432 : vector<16xi32> to vector<16xi32>
          tpu.vector_store %arg9[%swap3A_433], %swap3A_436 {strides = array<i32>} : memref<1024xi32, #tpu.memory_space<vmem>>, vector<16xi32>,
          %scan3A_437 = arith.constant 0 : i32
          scf.yield %scan3A_437 : i32
        }
        %scan3A_301 = arith.constant 16 : i32
        %dma_start3A_302 = arith.constant 0 : i32
        %dma_start3A_303 = tpu.memref_slice %arg6[%dma_start3A_302] : memref<800768xf32, #tpu.memory_space<vmem_shared>> -> memref<800768xf32, #tpu.memory_space<vmem_shared>>
        tpu.enqueue_indirect_dma source(%dma_start3A_303 : memref<800768xf32, #tpu.memory_space<vmem_shared>>) target(%arg11 : memref<1024xf32, #tpu.memory_space<vmem>>) offsets(%arg9 : memref<1024xi32, #tpu.memory_space<vmem>>) semaphore(%arg13 : memref<!tpu.dma_semaphore, #tpu.memory_space<semaphore_mem>>)
        %scan3A_304 = arith.constant 0 : i32
        %scan3A_305 = arith.constant 0 : i32
        %scan3A_306 = arith.constant 16 : i32
        %scan3A_307 = arith.addi %scan3A_305, %scan3A_306 : i32
        %scan3A_308 = arith.constant 1 : i32
        %scan3A_309 = scf.for %scan3A_381 = %scan3A_305 to %scan3A_307 step %scan3A_308 iter_args(%scan3A_382 = %scan3A_304) -> (i32)  : i32 {
          %mul3A_383 = arith.constant 64 : i32
          %mul3A_384 = arith.muli %scan3A_381, %mul3A_383 : i32
          %add3A_385 = arith.constant 0 : i32
          %add3A_386 = arith.addi %mul3A_384, %add3A_385 : i32
          %get3A = arith.index_cast %add3A_386 : i32 to index
          %get3A_387 = tpu.vector_load %arg12[%get3A] {strides = array<i32>} : memref<1024xf32, #tpu.memory_space<vmem>>, vector<16xf32>,
          %get3A_388 = vector.shape_cast %get3A_387 : vector<16xf32> to vector<16xf32>
          %swap3A = arith.constant 3 : i32
          %swap3A_389 = arith.index_cast %swap3A : i32 to index
          %swap3A_390 = arith.index_cast %add3A_386 : i32 to index
          %swap3A_391 = tpu.vector_load %arg10[%swap3A_389, %swap3A_390] {strides = array<i32>} : memref<8x1024xf32, #tpu.memory_space<vmem>>, vector<1x16xf32>,
          %swap3A_392 = vector.shape_cast %swap3A_391 : vector<1x16xf32> to vector<16xf32>
          %swap3A_393 = vector.shape_cast %get3A_388 : vector<16xf32> to vector<1x16xf32>
          tpu.vector_store %arg10[%swap3A_389, %swap3A_390], %swap3A_393 {strides = array<i32>} : memref<8x1024xf32, #tpu.memory_space<vmem>>, vector<1x16xf32>,
          %mul3A_394 = arith.constant 64 : i32
          %mul3A_395 = arith.muli %scan3A_381, %mul3A_394 : i32
          %add3A_396 = arith.constant 16 : i32
          %add3A_397 = arith.addi %mul3A_395, %add3A_396 : i32
          %get3A_398 = arith.index_cast %add3A_397 : i32 to index
          %get3A_399 = tpu.vector_load %arg12[%get3A_398] {strides = array<i32>} : memref<1024xf32, #tpu.memory_space<vmem>>, vector<16xf32>,
          %get3A_400 = vector.shape_cast %get3A_399 : vector<16xf32> to vector<16xf32>
          %swap3A_401 = arith.constant 3 : i32
          %swap3A_402 = arith.index_cast %swap3A_401 : i32 to index
          %swap3A_403 = arith.index_cast %add3A_397 : i32 to index
          %swap3A_404 = tpu.vector_load %arg10[%swap3A_402, %swap3A_403] {strides = array<i32>} : memref<8x1024xf32, #tpu.memory_space<vmem>>, vector<1x16xf32>,
          %swap3A_405 = vector.shape_cast %swap3A_404 : vector<1x16xf32> to vector<16xf32>
          %swap3A_406 = vector.shape_cast %get3A_400 : vector<16xf32> to vector<1x16xf32>
          tpu.vector_store %arg10[%swap3A_402, %swap3A_403], %swap3A_406 {strides = array<i32>} : memref<8x1024xf32, #tpu.memory_space<vmem>>, vector<1x16xf32>,
          %mul3A_407 = arith.constant 64 : i32
          %mul3A_408 = arith.muli %scan3A_381, %mul3A_407 : i32
          %add3A_409 = arith.constant 32 : i32
          %add3A_410 = arith.addi %mul3A_408, %add3A_409 : i32
          %get3A_411 = arith.index_cast %add3A_410 : i32 to index
          %get3A_412 = tpu.vector_load %arg12[%get3A_411] {strides = array<i32>} : memref<1024xf32, #tpu.memory_space<vmem>>, vector<16xf32>,
          %get3A_413 = vector.shape_cast %get3A_412 : vector<16xf32> to vector<16xf32>
          %swap3A_414 = arith.constant 3 : i32
          %swap3A_415 = arith.index_cast %swap3A_414 : i32 to index
          %swap3A_416 = arith.index_cast %add3A_410 : i32 to index
          %swap3A_417 = tpu.vector_load %arg10[%swap3A_415, %swap3A_416] {strides = array<i32>} : memref<8x1024xf32, #tpu.memory_space<vmem>>, vector<1x16xf32>,
          %swap3A_418 = vector.shape_cast %swap3A_417 : vector<1x16xf32> to vector<16xf32>
          %swap3A_419 = vector.shape_cast %get3A_413 : vector<16xf32> to vector<1x16xf32>
          tpu.vector_store %arg10[%swap3A_415, %swap3A_416], %swap3A_419 {strides = array<i32>} : memref<8x1024xf32, #tpu.memory_space<vmem>>, vector<1x16xf32>,
          %mul3A_420 = arith.constant 64 : i32
          %mul3A_421 = arith.muli %scan3A_381, %mul3A_420 : i32
          %add3A_422 = arith.constant 48 : i32
          %add3A_423 = arith.addi %mul3A_421, %add3A_422 : i32
          %get3A_424 = arith.index_cast %add3A_423 : i32 to index
          %get3A_425 = tpu.vector_load %arg12[%get3A_424] {strides = array<i32>} : memref<1024xf32, #tpu.memory_space<vmem>>, vector<16xf32>,
          %get3A_426 = vector.shape_cast %get3A_425 : vector<16xf32> to vector<16xf32>
          %swap3A_427 = arith.constant 3 : i32
          %swap3A_428 = arith.index_cast %swap3A_427 : i32 to index
          %swap3A_429 = arith.index_cast %add3A_423 : i32 to index
          %swap3A_430 = tpu.vector_load %arg10[%swap3A_428, %swap3A_429] {strides = array<i32>} : memref<8x1024xf32, #tpu.memory_space<vmem>>, vector<1x16xf32>,
          %swap3A_431 = vector.shape_cast %swap3A_430 : vector<1x16xf32> to vector<16xf32>
          %swap3A_432 = vector.shape_cast %get3A_426 : vector<16xf32> to vector<1x16xf32>
          tpu.vector_store %arg10[%swap3A_428, %swap3A_429], %swap3A_432 {strides = array<i32>} : memref<8x1024xf32, #tpu.memory_space<vmem>>, vector<1x16xf32>,
          %scan3A_433 = arith.constant 0 : i32
          scf.yield %scan3A_433 : i32
        }
        %scan3A_310 = arith.constant 16 : i32
        %dma_wait3A_311 = arith.constant 0 : i32
        %dma_wait3A_312 = tpu.memref_slice %arg6[%dma_wait3A_311] : memref<800768xf32, #tpu.memory_space<vmem_shared>> -> memref<800768xf32, #tpu.memory_space<vmem_shared>>
        tpu.wait_indirect_dma semaphore(%arg13 : memref<!tpu.dma_semaphore, #tpu.memory_space<semaphore_mem>>) src(%dma_wait3A_312 : memref<800768xf32, #tpu.memory_space<vmem_shared>>) dst(%arg11 : memref<1024xf32, #tpu.memory_space<vmem>>)
        %scan3A_313 = arith.constant 0 : i32
        %scan3A_314 = arith.constant 0 : i32
        %scan3A_315 = arith.constant 16 : i32
        %scan3A_316 = arith.addi %scan3A_314, %scan3A_315 : i32
        %scan3A_317 = arith.constant 1 : i32
        %scan3A_318 = scf.for %scan3A_381 = %scan3A_314 to %scan3A_316 step %scan3A_317 iter_args(%scan3A_382 = %scan3A_313) -> (i32)  : i32 {
          %mul3A_383 = arith.constant 64 : i32
          %mul3A_384 = arith.muli %scan3A_381, %mul3A_383 : i32
          %add3A_385 = arith.constant 0 : i32
          %add3A_386 = arith.addi %mul3A_384, %add3A_385 : i32
          %get3A = arith.index_cast %add3A_386 : i32 to index
          %get3A_387 = tpu.vector_load %arg9[%get3A] {strides = array<i32>} : memref<1024xi32, #tpu.memory_space<vmem>>, vector<16xi32>,
          %get3A_388 = vector.shape_cast %get3A_387 : vector<16xi32> to vector<16xi32>
          %add3A_389 = arith.constant 100096 : i32
          %add3A_390 = vector.broadcast %add3A_389 : i32 to vector<16xi32>
          %add3A_391 = arith.addi %get3A_388, %add3A_390 : vector<16xi32>
          %swap3A = arith.index_cast %add3A_386 : i32 to index
          %swap3A_392 = tpu.vector_load %arg9[%swap3A] {strides = array<i32>} : memref<1024xi32, #tpu.memory_space<vmem>>, vector<16xi32>,
          %swap3A_393 = vector.shape_cast %swap3A_392 : vector<16xi32> to vector<16xi32>
          %swap3A_394 = vector.shape_cast %add3A_391 : vector<16xi32> to vector<16xi32>
          tpu.vector_store %arg9[%swap3A], %swap3A_394 {strides = array<i32>} : memref<1024xi32, #tpu.memory_space<vmem>>, vector<16xi32>,
          %mul3A_395 = arith.constant 64 : i32
          %mul3A_396 = arith.muli %scan3A_381, %mul3A_395 : i32
          %add3A_397 = arith.constant 16 : i32
          %add3A_398 = arith.addi %mul3A_396, %add3A_397 : i32
          %get3A_399 = arith.index_cast %add3A_398 : i32 to index
          %get3A_400 = tpu.vector_load %arg9[%get3A_399] {strides = array<i32>} : memref<1024xi32, #tpu.memory_space<vmem>>, vector<16xi32>,
          %get3A_401 = vector.shape_cast %get3A_400 : vector<16xi32> to vector<16xi32>
          %add3A_402 = arith.constant 100096 : i32
          %add3A_403 = vector.broadcast %add3A_402 : i32 to vector<16xi32>
          %add3A_404 = arith.addi %get3A_401, %add3A_403 : vector<16xi32>
          %swap3A_405 = arith.index_cast %add3A_398 : i32 to index
          %swap3A_406 = tpu.vector_load %arg9[%swap3A_405] {strides = array<i32>} : memref<1024xi32, #tpu.memory_space<vmem>>, vector<16xi32>,
          %swap3A_407 = vector.shape_cast %swap3A_406 : vector<16xi32> to vector<16xi32>
          %swap3A_408 = vector.shape_cast %add3A_404 : vector<16xi32> to vector<16xi32>
          tpu.vector_store %arg9[%swap3A_405], %swap3A_408 {strides = array<i32>} : memref<1024xi32, #tpu.memory_space<vmem>>, vector<16xi32>,
          %mul3A_409 = arith.constant 64 : i32
          %mul3A_410 = arith.muli %scan3A_381, %mul3A_409 : i32
          %add3A_411 = arith.constant 32 : i32
          %add3A_412 = arith.addi %mul3A_410, %add3A_411 : i32
          %get3A_413 = arith.index_cast %add3A_412 : i32 to index
          %get3A_414 = tpu.vector_load %arg9[%get3A_413] {strides = array<i32>} : memref<1024xi32, #tpu.memory_space<vmem>>, vector<16xi32>,
          %get3A_415 = vector.shape_cast %get3A_414 : vector<16xi32> to vector<16xi32>
          %add3A_416 = arith.constant 100096 : i32
          %add3A_417 = vector.broadcast %add3A_416 : i32 to vector<16xi32>
          %add3A_418 = arith.addi %get3A_415, %add3A_417 : vector<16xi32>
          %swap3A_419 = arith.index_cast %add3A_412 : i32 to index
          %swap3A_420 = tpu.vector_load %arg9[%swap3A_419] {strides = array<i32>} : memref<1024xi32, #tpu.memory_space<vmem>>, vector<16xi32>,
          %swap3A_421 = vector.shape_cast %swap3A_420 : vector<16xi32> to vector<16xi32>
          %swap3A_422 = vector.shape_cast %add3A_418 : vector<16xi32> to vector<16xi32>
          tpu.vector_store %arg9[%swap3A_419], %swap3A_422 {strides = array<i32>} : memref<1024xi32, #tpu.memory_space<vmem>>, vector<16xi32>,
          %mul3A_423 = arith.constant 64 : i32
          %mul3A_424 = arith.muli %scan3A_381, %mul3A_423 : i32
          %add3A_425 = arith.constant 48 : i32
          %add3A_426 = arith.addi %mul3A_424, %add3A_425 : i32
          %get3A_427 = arith.index_cast %add3A_426 : i32 to index
          %get3A_428 = tpu.vector_load %arg9[%get3A_427] {strides = array<i32>} : memref<1024xi32, #tpu.memory_space<vmem>>, vector<16xi32>,
          %get3A_429 = vector.shape_cast %get3A_428 : vector<16xi32> to vector<16xi32>
          %add3A_430 = arith.constant 100096 : i32
          %add3A_431 = vector.broadcast %add3A_430 : i32 to vector<16xi32>
          %add3A_432 = arith.addi %get3A_429, %add3A_431 : vector<16xi32>
          %swap3A_433 = arith.index_cast %add3A_426 : i32 to index
          %swap3A_434 = tpu.vector_load %arg9[%swap3A_433] {strides = array<i32>} : memref<1024xi32, #tpu.memory_space<vmem>>, vector<16xi32>,
          %swap3A_435 = vector.shape_cast %swap3A_434 : vector<16xi32> to vector<16xi32>
          %swap3A_436 = vector.shape_cast %add3A_432 : vector<16xi32> to vector<16xi32>
          tpu.vector_store %arg9[%swap3A_433], %swap3A_436 {strides = array<i32>} : memref<1024xi32, #tpu.memory_space<vmem>>, vector<16xi32>,
          %scan3A_437 = arith.constant 0 : i32
          scf.yield %scan3A_437 : i32
        }
        %scan3A_319 = arith.constant 16 : i32
        %dma_start3A_320 = arith.constant 0 : i32
        %dma_start3A_321 = tpu.memref_slice %arg6[%dma_start3A_320] : memref<800768xf32, #tpu.memory_space<vmem_shared>> -> memref<800768xf32, #tpu.memory_space<vmem_shared>>
        tpu.enqueue_indirect_dma source(%dma_start3A_321 : memref<800768xf32, #tpu.memory_space<vmem_shared>>) target(%arg12 : memref<1024xf32, #tpu.memory_space<vmem>>) offsets(%arg9 : memref<1024xi32, #tpu.memory_space<vmem>>) semaphore(%arg14 : memref<!tpu.dma_semaphore, #tpu.memory_space<semaphore_mem>>)
        %scan3A_322 = arith.constant 0 : i32
        %scan3A_323 = arith.constant 0 : i32
        %scan3A_324 = arith.constant 16 : i32
        %scan3A_325 = arith.addi %scan3A_323, %scan3A_324 : i32
        %scan3A_326 = arith.constant 1 : i32
        %scan3A_327 = scf.for %scan3A_381 = %scan3A_323 to %scan3A_325 step %scan3A_326 iter_args(%scan3A_382 = %scan3A_322) -> (i32)  : i32 {
          %mul3A_383 = arith.constant 64 : i32
          %mul3A_384 = arith.muli %scan3A_381, %mul3A_383 : i32
          %add3A_385 = arith.constant 0 : i32
          %add3A_386 = arith.addi %mul3A_384, %add3A_385 : i32
          %get3A = arith.index_cast %add3A_386 : i32 to index
          %get3A_387 = tpu.vector_load %arg11[%get3A] {strides = array<i32>} : memref<1024xf32, #tpu.memory_space<vmem>>, vector<16xf32>,
          %get3A_388 = vector.shape_cast %get3A_387 : vector<16xf32> to vector<16xf32>
          %swap3A = arith.constant 4 : i32
          %swap3A_389 = arith.index_cast %swap3A : i32 to index
          %swap3A_390 = arith.index_cast %add3A_386 : i32 to index
          %swap3A_391 = tpu.vector_load %arg10[%swap3A_389, %swap3A_390] {strides = array<i32>} : memref<8x1024xf32, #tpu.memory_space<vmem>>, vector<1x16xf32>,
          %swap3A_392 = vector.shape_cast %swap3A_391 : vector<1x16xf32> to vector<16xf32>
          %swap3A_393 = vector.shape_cast %get3A_388 : vector<16xf32> to vector<1x16xf32>
          tpu.vector_store %arg10[%swap3A_389, %swap3A_390], %swap3A_393 {strides = array<i32>} : memref<8x1024xf32, #tpu.memory_space<vmem>>, vector<1x16xf32>,
          %mul3A_394 = arith.constant 64 : i32
          %mul3A_395 = arith.muli %scan3A_381, %mul3A_394 : i32
          %add3A_396 = arith.constant 16 : i32
          %add3A_397 = arith.addi %mul3A_395, %add3A_396 : i32
          %get3A_398 = arith.index_cast %add3A_397 : i32 to index
          %get3A_399 = tpu.vector_load %arg11[%get3A_398] {strides = array<i32>} : memref<1024xf32, #tpu.memory_space<vmem>>, vector<16xf32>,
          %get3A_400 = vector.shape_cast %get3A_399 : vector<16xf32> to vector<16xf32>
          %swap3A_401 = arith.constant 4 : i32
          %swap3A_402 = arith.index_cast %swap3A_401 : i32 to index
          %swap3A_403 = arith.index_cast %add3A_397 : i32 to index
          %swap3A_404 = tpu.vector_load %arg10[%swap3A_402, %swap3A_403] {strides = array<i32>} : memref<8x1024xf32, #tpu.memory_space<vmem>>, vector<1x16xf32>,
          %swap3A_405 = vector.shape_cast %swap3A_404 : vector<1x16xf32> to vector<16xf32>
          %swap3A_406 = vector.shape_cast %get3A_400 : vector<16xf32> to vector<1x16xf32>
          tpu.vector_store %arg10[%swap3A_402, %swap3A_403], %swap3A_406 {strides = array<i32>} : memref<8x1024xf32, #tpu.memory_space<vmem>>, vector<1x16xf32>,
          %mul3A_407 = arith.constant 64 : i32
          %mul3A_408 = arith.muli %scan3A_381, %mul3A_407 : i32
          %add3A_409 = arith.constant 32 : i32
          %add3A_410 = arith.addi %mul3A_408, %add3A_409 : i32
          %get3A_411 = arith.index_cast %add3A_410 : i32 to index
          %get3A_412 = tpu.vector_load %arg11[%get3A_411] {strides = array<i32>} : memref<1024xf32, #tpu.memory_space<vmem>>, vector<16xf32>,
          %get3A_413 = vector.shape_cast %get3A_412 : vector<16xf32> to vector<16xf32>
          %swap3A_414 = arith.constant 4 : i32
          %swap3A_415 = arith.index_cast %swap3A_414 : i32 to index
          %swap3A_416 = arith.index_cast %add3A_410 : i32 to index
          %swap3A_417 = tpu.vector_load %arg10[%swap3A_415, %swap3A_416] {strides = array<i32>} : memref<8x1024xf32, #tpu.memory_space<vmem>>, vector<1x16xf32>,
          %swap3A_418 = vector.shape_cast %swap3A_417 : vector<1x16xf32> to vector<16xf32>
          %swap3A_419 = vector.shape_cast %get3A_413 : vector<16xf32> to vector<1x16xf32>
          tpu.vector_store %arg10[%swap3A_415, %swap3A_416], %swap3A_419 {strides = array<i32>} : memref<8x1024xf32, #tpu.memory_space<vmem>>, vector<1x16xf32>,
          %mul3A_420 = arith.constant 64 : i32
          %mul3A_421 = arith.muli %scan3A_381, %mul3A_420 : i32
          %add3A_422 = arith.constant 48 : i32
          %add3A_423 = arith.addi %mul3A_421, %add3A_422 : i32
          %get3A_424 = arith.index_cast %add3A_423 : i32 to index
          %get3A_425 = tpu.vector_load %arg11[%get3A_424] {strides = array<i32>} : memref<1024xf32, #tpu.memory_space<vmem>>, vector<16xf32>,
          %get3A_426 = vector.shape_cast %get3A_425 : vector<16xf32> to vector<16xf32>
          %swap3A_427 = arith.constant 4 : i32
          %swap3A_428 = arith.index_cast %swap3A_427 : i32 to index
          %swap3A_429 = arith.index_cast %add3A_423 : i32 to index
          %swap3A_430 = tpu.vector_load %arg10[%swap3A_428, %swap3A_429] {strides = array<i32>} : memref<8x1024xf32, #tpu.memory_space<vmem>>, vector<1x16xf32>,
          %swap3A_431 = vector.shape_cast %swap3A_430 : vector<1x16xf32> to vector<16xf32>
          %swap3A_432 = vector.shape_cast %get3A_426 : vector<16xf32> to vector<1x16xf32>
          tpu.vector_store %arg10[%swap3A_428, %swap3A_429], %swap3A_432 {strides = array<i32>} : memref<8x1024xf32, #tpu.memory_space<vmem>>, vector<1x16xf32>,
          %scan3A_433 = arith.constant 0 : i32
          scf.yield %scan3A_433 : i32
        }
        %scan3A_328 = arith.constant 16 : i32
        %dma_wait3A_329 = arith.constant 0 : i32
        %dma_wait3A_330 = tpu.memref_slice %arg6[%dma_wait3A_329] : memref<800768xf32, #tpu.memory_space<vmem_shared>> -> memref<800768xf32, #tpu.memory_space<vmem_shared>>
        tpu.wait_indirect_dma semaphore(%arg14 : memref<!tpu.dma_semaphore, #tpu.memory_space<semaphore_mem>>) src(%dma_wait3A_330 : memref<800768xf32, #tpu.memory_space<vmem_shared>>) dst(%arg12 : memref<1024xf32, #tpu.memory_space<vmem>>)
        %scan3A_331 = arith.constant 0 : i32
        %scan3A_332 = arith.constant 0 : i32
        %scan3A_333 = arith.constant 16 : i32
        %scan3A_334 = arith.addi %scan3A_332, %scan3A_333 : i32
        %scan3A_335 = arith.constant 1 : i32
        %scan3A_336 = scf.for %scan3A_381 = %scan3A_332 to %scan3A_334 step %scan3A_335 iter_args(%scan3A_382 = %scan3A_331) -> (i32)  : i32 {
          %mul3A_383 = arith.constant 64 : i32
          %mul3A_384 = arith.muli %scan3A_381, %mul3A_383 : i32
          %add3A_385 = arith.constant 0 : i32
          %add3A_386 = arith.addi %mul3A_384, %add3A_385 : i32
          %get3A = arith.index_cast %add3A_386 : i32 to index
          %get3A_387 = tpu.vector_load %arg9[%get3A] {strides = array<i32>} : memref<1024xi32, #tpu.memory_space<vmem>>, vector<16xi32>,
          %get3A_388 = vector.shape_cast %get3A_387 : vector<16xi32> to vector<16xi32>
          %add3A_389 = arith.constant 100096 : i32
          %add3A_390 = vector.broadcast %add3A_389 : i32 to vector<16xi32>
          %add3A_391 = arith.addi %get3A_388, %add3A_390 : vector<16xi32>
          %swap3A = arith.index_cast %add3A_386 : i32 to index
          %swap3A_392 = tpu.vector_load %arg9[%swap3A] {strides = array<i32>} : memref<1024xi32, #tpu.memory_space<vmem>>, vector<16xi32>,
          %swap3A_393 = vector.shape_cast %swap3A_392 : vector<16xi32> to vector<16xi32>
          %swap3A_394 = vector.shape_cast %add3A_391 : vector<16xi32> to vector<16xi32>
          tpu.vector_store %arg9[%swap3A], %swap3A_394 {strides = array<i32>} : memref<1024xi32, #tpu.memory_space<vmem>>, vector<16xi32>,
          %mul3A_395 = arith.constant 64 : i32
          %mul3A_396 = arith.muli %scan3A_381, %mul3A_395 : i32
          %add3A_397 = arith.constant 16 : i32
          %add3A_398 = arith.addi %mul3A_396, %add3A_397 : i32
          %get3A_399 = arith.index_cast %add3A_398 : i32 to index
          %get3A_400 = tpu.vector_load %arg9[%get3A_399] {strides = array<i32>} : memref<1024xi32, #tpu.memory_space<vmem>>, vector<16xi32>,
          %get3A_401 = vector.shape_cast %get3A_400 : vector<16xi32> to vector<16xi32>
          %add3A_402 = arith.constant 100096 : i32
          %add3A_403 = vector.broadcast %add3A_402 : i32 to vector<16xi32>
          %add3A_404 = arith.addi %get3A_401, %add3A_403 : vector<16xi32>
          %swap3A_405 = arith.index_cast %add3A_398 : i32 to index
          %swap3A_406 = tpu.vector_load %arg9[%swap3A_405] {strides = array<i32>} : memref<1024xi32, #tpu.memory_space<vmem>>, vector<16xi32>,
          %swap3A_407 = vector.shape_cast %swap3A_406 : vector<16xi32> to vector<16xi32>
          %swap3A_408 = vector.shape_cast %add3A_404 : vector<16xi32> to vector<16xi32>
          tpu.vector_store %arg9[%swap3A_405], %swap3A_408 {strides = array<i32>} : memref<1024xi32, #tpu.memory_space<vmem>>, vector<16xi32>,
          %mul3A_409 = arith.constant 64 : i32
          %mul3A_410 = arith.muli %scan3A_381, %mul3A_409 : i32
          %add3A_411 = arith.constant 32 : i32
          %add3A_412 = arith.addi %mul3A_410, %add3A_411 : i32
          %get3A_413 = arith.index_cast %add3A_412 : i32 to index
          %get3A_414 = tpu.vector_load %arg9[%get3A_413] {strides = array<i32>} : memref<1024xi32, #tpu.memory_space<vmem>>, vector<16xi32>,
          %get3A_415 = vector.shape_cast %get3A_414 : vector<16xi32> to vector<16xi32>
          %add3A_416 = arith.constant 100096 : i32
          %add3A_417 = vector.broadcast %add3A_416 : i32 to vector<16xi32>
          %add3A_418 = arith.addi %get3A_415, %add3A_417 : vector<16xi32>
          %swap3A_419 = arith.index_cast %add3A_412 : i32 to index
          %swap3A_420 = tpu.vector_load %arg9[%swap3A_419] {strides = array<i32>} : memref<1024xi32, #tpu.memory_space<vmem>>, vector<16xi32>,
          %swap3A_421 = vector.shape_cast %swap3A_420 : vector<16xi32> to vector<16xi32>
          %swap3A_422 = vector.shape_cast %add3A_418 : vector<16xi32> to vector<16xi32>
          tpu.vector_store %arg9[%swap3A_419], %swap3A_422 {strides = array<i32>} : memref<1024xi32, #tpu.memory_space<vmem>>, vector<16xi32>,
          %mul3A_423 = arith.constant 64 : i32
          %mul3A_424 = arith.muli %scan3A_381, %mul3A_423 : i32
          %add3A_425 = arith.constant 48 : i32
          %add3A_426 = arith.addi %mul3A_424, %add3A_425 : i32
          %get3A_427 = arith.index_cast %add3A_426 : i32 to index
          %get3A_428 = tpu.vector_load %arg9[%get3A_427] {strides = array<i32>} : memref<1024xi32, #tpu.memory_space<vmem>>, vector<16xi32>,
          %get3A_429 = vector.shape_cast %get3A_428 : vector<16xi32> to vector<16xi32>
          %add3A_430 = arith.constant 100096 : i32
          %add3A_431 = vector.broadcast %add3A_430 : i32 to vector<16xi32>
          %add3A_432 = arith.addi %get3A_429, %add3A_431 : vector<16xi32>
          %swap3A_433 = arith.index_cast %add3A_426 : i32 to index
          %swap3A_434 = tpu.vector_load %arg9[%swap3A_433] {strides = array<i32>} : memref<1024xi32, #tpu.memory_space<vmem>>, vector<16xi32>,
          %swap3A_435 = vector.shape_cast %swap3A_434 : vector<16xi32> to vector<16xi32>
          %swap3A_436 = vector.shape_cast %add3A_432 : vector<16xi32> to vector<16xi32>
          tpu.vector_store %arg9[%swap3A_433], %swap3A_436 {strides = array<i32>} : memref<1024xi32, #tpu.memory_space<vmem>>, vector<16xi32>,
          %scan3A_437 = arith.constant 0 : i32
          scf.yield %scan3A_437 : i32
        }
        %scan3A_337 = arith.constant 16 : i32
        %dma_start3A_338 = arith.constant 0 : i32
        %dma_start3A_339 = tpu.memref_slice %arg6[%dma_start3A_338] : memref<800768xf32, #tpu.memory_space<vmem_shared>> -> memref<800768xf32, #tpu.memory_space<vmem_shared>>
        tpu.enqueue_indirect_dma source(%dma_start3A_339 : memref<800768xf32, #tpu.memory_space<vmem_shared>>) target(%arg11 : memref<1024xf32, #tpu.memory_space<vmem>>) offsets(%arg9 : memref<1024xi32, #tpu.memory_space<vmem>>) semaphore(%arg13 : memref<!tpu.dma_semaphore, #tpu.memory_space<semaphore_mem>>)
        %scan3A_340 = arith.constant 0 : i32
        %scan3A_341 = arith.constant 0 : i32
        %scan3A_342 = arith.constant 16 : i32
        %scan3A_343 = arith.addi %scan3A_341, %scan3A_342 : i32
        %scan3A_344 = arith.constant 1 : i32
        %scan3A_345 = scf.for %scan3A_381 = %scan3A_341 to %scan3A_343 step %scan3A_344 iter_args(%scan3A_382 = %scan3A_340) -> (i32)  : i32 {
          %mul3A_383 = arith.constant 64 : i32
          %mul3A_384 = arith.muli %scan3A_381, %mul3A_383 : i32
          %add3A_385 = arith.constant 0 : i32
          %add3A_386 = arith.addi %mul3A_384, %add3A_385 : i32
          %get3A = arith.index_cast %add3A_386 : i32 to index
          %get3A_387 = tpu.vector_load %arg12[%get3A] {strides = array<i32>} : memref<1024xf32, #tpu.memory_space<vmem>>, vector<16xf32>,
          %get3A_388 = vector.shape_cast %get3A_387 : vector<16xf32> to vector<16xf32>
          %swap3A = arith.constant 5 : i32
          %swap3A_389 = arith.index_cast %swap3A : i32 to index
          %swap3A_390 = arith.index_cast %add3A_386 : i32 to index
          %swap3A_391 = tpu.vector_load %arg10[%swap3A_389, %swap3A_390] {strides = array<i32>} : memref<8x1024xf32, #tpu.memory_space<vmem>>, vector<1x16xf32>,
          %swap3A_392 = vector.shape_cast %swap3A_391 : vector<1x16xf32> to vector<16xf32>
          %swap3A_393 = vector.shape_cast %get3A_388 : vector<16xf32> to vector<1x16xf32>
          tpu.vector_store %arg10[%swap3A_389, %swap3A_390], %swap3A_393 {strides = array<i32>} : memref<8x1024xf32, #tpu.memory_space<vmem>>, vector<1x16xf32>,
          %mul3A_394 = arith.constant 64 : i32
          %mul3A_395 = arith.muli %scan3A_381, %mul3A_394 : i32
          %add3A_396 = arith.constant 16 : i32
          %add3A_397 = arith.addi %mul3A_395, %add3A_396 : i32
          %get3A_398 = arith.index_cast %add3A_397 : i32 to index
          %get3A_399 = tpu.vector_load %arg12[%get3A_398] {strides = array<i32>} : memref<1024xf32, #tpu.memory_space<vmem>>, vector<16xf32>,
          %get3A_400 = vector.shape_cast %get3A_399 : vector<16xf32> to vector<16xf32>
          %swap3A_401 = arith.constant 5 : i32
          %swap3A_402 = arith.index_cast %swap3A_401 : i32 to index
          %swap3A_403 = arith.index_cast %add3A_397 : i32 to index
          %swap3A_404 = tpu.vector_load %arg10[%swap3A_402, %swap3A_403] {strides = array<i32>} : memref<8x1024xf32, #tpu.memory_space<vmem>>, vector<1x16xf32>,
          %swap3A_405 = vector.shape_cast %swap3A_404 : vector<1x16xf32> to vector<16xf32>
          %swap3A_406 = vector.shape_cast %get3A_400 : vector<16xf32> to vector<1x16xf32>
          tpu.vector_store %arg10[%swap3A_402, %swap3A_403], %swap3A_406 {strides = array<i32>} : memref<8x1024xf32, #tpu.memory_space<vmem>>, vector<1x16xf32>,
          %mul3A_407 = arith.constant 64 : i32
          %mul3A_408 = arith.muli %scan3A_381, %mul3A_407 : i32
          %add3A_409 = arith.constant 32 : i32
          %add3A_410 = arith.addi %mul3A_408, %add3A_409 : i32
          %get3A_411 = arith.index_cast %add3A_410 : i32 to index
          %get3A_412 = tpu.vector_load %arg12[%get3A_411] {strides = array<i32>} : memref<1024xf32, #tpu.memory_space<vmem>>, vector<16xf32>,
          %get3A_413 = vector.shape_cast %get3A_412 : vector<16xf32> to vector<16xf32>
          %swap3A_414 = arith.constant 5 : i32
          %swap3A_415 = arith.index_cast %swap3A_414 : i32 to index
          %swap3A_416 = arith.index_cast %add3A_410 : i32 to index
          %swap3A_417 = tpu.vector_load %arg10[%swap3A_415, %swap3A_416] {strides = array<i32>} : memref<8x1024xf32, #tpu.memory_space<vmem>>, vector<1x16xf32>,
          %swap3A_418 = vector.shape_cast %swap3A_417 : vector<1x16xf32> to vector<16xf32>
          %swap3A_419 = vector.shape_cast %get3A_413 : vector<16xf32> to vector<1x16xf32>
          tpu.vector_store %arg10[%swap3A_415, %swap3A_416], %swap3A_419 {strides = array<i32>} : memref<8x1024xf32, #tpu.memory_space<vmem>>, vector<1x16xf32>,
          %mul3A_420 = arith.constant 64 : i32
          %mul3A_421 = arith.muli %scan3A_381, %mul3A_420 : i32
          %add3A_422 = arith.constant 48 : i32
          %add3A_423 = arith.addi %mul3A_421, %add3A_422 : i32
          %get3A_424 = arith.index_cast %add3A_423 : i32 to index
          %get3A_425 = tpu.vector_load %arg12[%get3A_424] {strides = array<i32>} : memref<1024xf32, #tpu.memory_space<vmem>>, vector<16xf32>,
          %get3A_426 = vector.shape_cast %get3A_425 : vector<16xf32> to vector<16xf32>
          %swap3A_427 = arith.constant 5 : i32
          %swap3A_428 = arith.index_cast %swap3A_427 : i32 to index
          %swap3A_429 = arith.index_cast %add3A_423 : i32 to index
          %swap3A_430 = tpu.vector_load %arg10[%swap3A_428, %swap3A_429] {strides = array<i32>} : memref<8x1024xf32, #tpu.memory_space<vmem>>, vector<1x16xf32>,
          %swap3A_431 = vector.shape_cast %swap3A_430 : vector<1x16xf32> to vector<16xf32>
          %swap3A_432 = vector.shape_cast %get3A_426 : vector<16xf32> to vector<1x16xf32>
          tpu.vector_store %arg10[%swap3A_428, %swap3A_429], %swap3A_432 {strides = array<i32>} : memref<8x1024xf32, #tpu.memory_space<vmem>>, vector<1x16xf32>,
          %scan3A_433 = arith.constant 0 : i32
          scf.yield %scan3A_433 : i32
        }
        %scan3A_346 = arith.constant 16 : i32
        %dma_wait3A_347 = arith.constant 0 : i32
        %dma_wait3A_348 = tpu.memref_slice %arg6[%dma_wait3A_347] : memref<800768xf32, #tpu.memory_space<vmem_shared>> -> memref<800768xf32, #tpu.memory_space<vmem_shared>>
        tpu.wait_indirect_dma semaphore(%arg13 : memref<!tpu.dma_semaphore, #tpu.memory_space<semaphore_mem>>) src(%dma_wait3A_348 : memref<800768xf32, #tpu.memory_space<vmem_shared>>) dst(%arg11 : memref<1024xf32, #tpu.memory_space<vmem>>)
        %scan3A_349 = arith.constant 0 : i32
        %scan3A_350 = arith.constant 0 : i32
        %scan3A_351 = arith.constant 16 : i32
        %scan3A_352 = arith.addi %scan3A_350, %scan3A_351 : i32
        %scan3A_353 = arith.constant 1 : i32
        %scan3A_354 = scf.for %scan3A_381 = %scan3A_350 to %scan3A_352 step %scan3A_353 iter_args(%scan3A_382 = %scan3A_349) -> (i32)  : i32 {
          %mul3A_383 = arith.constant 64 : i32
          %mul3A_384 = arith.muli %scan3A_381, %mul3A_383 : i32
          %add3A_385 = arith.constant 0 : i32
          %add3A_386 = arith.addi %mul3A_384, %add3A_385 : i32
          %get3A = arith.index_cast %add3A_386 : i32 to index
          %get3A_387 = tpu.vector_load %arg9[%get3A] {strides = array<i32>} : memref<1024xi32, #tpu.memory_space<vmem>>, vector<16xi32>,
          %get3A_388 = vector.shape_cast %get3A_387 : vector<16xi32> to vector<16xi32>
          %add3A_389 = arith.constant 100096 : i32
          %add3A_390 = vector.broadcast %add3A_389 : i32 to vector<16xi32>
          %add3A_391 = arith.addi %get3A_388, %add3A_390 : vector<16xi32>
          %swap3A = arith.index_cast %add3A_386 : i32 to index
          %swap3A_392 = tpu.vector_load %arg9[%swap3A] {strides = array<i32>} : memref<1024xi32, #tpu.memory_space<vmem>>, vector<16xi32>,
          %swap3A_393 = vector.shape_cast %swap3A_392 : vector<16xi32> to vector<16xi32>
          %swap3A_394 = vector.shape_cast %add3A_391 : vector<16xi32> to vector<16xi32>
          tpu.vector_store %arg9[%swap3A], %swap3A_394 {strides = array<i32>} : memref<1024xi32, #tpu.memory_space<vmem>>, vector<16xi32>,
          %mul3A_395 = arith.constant 64 : i32
          %mul3A_396 = arith.muli %scan3A_381, %mul3A_395 : i32
          %add3A_397 = arith.constant 16 : i32
          %add3A_398 = arith.addi %mul3A_396, %add3A_397 : i32
          %get3A_399 = arith.index_cast %add3A_398 : i32 to index
          %get3A_400 = tpu.vector_load %arg9[%get3A_399] {strides = array<i32>} : memref<1024xi32, #tpu.memory_space<vmem>>, vector<16xi32>,
          %get3A_401 = vector.shape_cast %get3A_400 : vector<16xi32> to vector<16xi32>
          %add3A_402 = arith.constant 100096 : i32
          %add3A_403 = vector.broadcast %add3A_402 : i32 to vector<16xi32>
          %add3A_404 = arith.addi %get3A_401, %add3A_403 : vector<16xi32>
          %swap3A_405 = arith.index_cast %add3A_398 : i32 to index
          %swap3A_406 = tpu.vector_load %arg9[%swap3A_405] {strides = array<i32>} : memref<1024xi32, #tpu.memory_space<vmem>>, vector<16xi32>,
          %swap3A_407 = vector.shape_cast %swap3A_406 : vector<16xi32> to vector<16xi32>
          %swap3A_408 = vector.shape_cast %add3A_404 : vector<16xi32> to vector<16xi32>
          tpu.vector_store %arg9[%swap3A_405], %swap3A_408 {strides = array<i32>} : memref<1024xi32, #tpu.memory_space<vmem>>, vector<16xi32>,
          %mul3A_409 = arith.constant 64 : i32
          %mul3A_410 = arith.muli %scan3A_381, %mul3A_409 : i32
          %add3A_411 = arith.constant 32 : i32
          %add3A_412 = arith.addi %mul3A_410, %add3A_411 : i32
          %get3A_413 = arith.index_cast %add3A_412 : i32 to index
          %get3A_414 = tpu.vector_load %arg9[%get3A_413] {strides = array<i32>} : memref<1024xi32, #tpu.memory_space<vmem>>, vector<16xi32>,
          %get3A_415 = vector.shape_cast %get3A_414 : vector<16xi32> to vector<16xi32>
          %add3A_416 = arith.constant 100096 : i32
          %add3A_417 = vector.broadcast %add3A_416 : i32 to vector<16xi32>
          %add3A_418 = arith.addi %get3A_415, %add3A_417 : vector<16xi32>
          %swap3A_419 = arith.index_cast %add3A_412 : i32 to index
          %swap3A_420 = tpu.vector_load %arg9[%swap3A_419] {strides = array<i32>} : memref<1024xi32, #tpu.memory_space<vmem>>, vector<16xi32>,
          %swap3A_421 = vector.shape_cast %swap3A_420 : vector<16xi32> to vector<16xi32>
          %swap3A_422 = vector.shape_cast %add3A_418 : vector<16xi32> to vector<16xi32>
          tpu.vector_store %arg9[%swap3A_419], %swap3A_422 {strides = array<i32>} : memref<1024xi32, #tpu.memory_space<vmem>>, vector<16xi32>,
          %mul3A_423 = arith.constant 64 : i32
          %mul3A_424 = arith.muli %scan3A_381, %mul3A_423 : i32
          %add3A_425 = arith.constant 48 : i32
          %add3A_426 = arith.addi %mul3A_424, %add3A_425 : i32
          %get3A_427 = arith.index_cast %add3A_426 : i32 to index
          %get3A_428 = tpu.vector_load %arg9[%get3A_427] {strides = array<i32>} : memref<1024xi32, #tpu.memory_space<vmem>>, vector<16xi32>,
          %get3A_429 = vector.shape_cast %get3A_428 : vector<16xi32> to vector<16xi32>
          %add3A_430 = arith.constant 100096 : i32
          %add3A_431 = vector.broadcast %add3A_430 : i32 to vector<16xi32>
          %add3A_432 = arith.addi %get3A_429, %add3A_431 : vector<16xi32>
          %swap3A_433 = arith.index_cast %add3A_426 : i32 to index
          %swap3A_434 = tpu.vector_load %arg9[%swap3A_433] {strides = array<i32>} : memref<1024xi32, #tpu.memory_space<vmem>>, vector<16xi32>,
          %swap3A_435 = vector.shape_cast %swap3A_434 : vector<16xi32> to vector<16xi32>
          %swap3A_436 = vector.shape_cast %add3A_432 : vector<16xi32> to vector<16xi32>
          tpu.vector_store %arg9[%swap3A_433], %swap3A_436 {strides = array<i32>} : memref<1024xi32, #tpu.memory_space<vmem>>, vector<16xi32>,
          %scan3A_437 = arith.constant 0 : i32
          scf.yield %scan3A_437 : i32
        }
        %scan3A_355 = arith.constant 16 : i32
        %dma_start3A_356 = arith.constant 0 : i32
        %dma_start3A_357 = tpu.memref_slice %arg6[%dma_start3A_356] : memref<800768xf32, #tpu.memory_space<vmem_shared>> -> memref<800768xf32, #tpu.memory_space<vmem_shared>>
        tpu.enqueue_indirect_dma source(%dma_start3A_357 : memref<800768xf32, #tpu.memory_space<vmem_shared>>) target(%arg12 : memref<1024xf32, #tpu.memory_space<vmem>>) offsets(%arg9 : memref<1024xi32, #tpu.memory_space<vmem>>) semaphore(%arg14 : memref<!tpu.dma_semaphore, #tpu.memory_space<semaphore_mem>>)
        %scan3A_358 = arith.constant 0 : i32
        %scan3A_359 = arith.constant 0 : i32
        %scan3A_360 = arith.constant 16 : i32
        %scan3A_361 = arith.addi %scan3A_359, %scan3A_360 : i32
        %scan3A_362 = arith.constant 1 : i32
        %scan3A_363 = scf.for %scan3A_381 = %scan3A_359 to %scan3A_361 step %scan3A_362 iter_args(%scan3A_382 = %scan3A_358) -> (i32)  : i32 {
          %mul3A_383 = arith.constant 64 : i32
          %mul3A_384 = arith.muli %scan3A_381, %mul3A_383 : i32
          %add3A_385 = arith.constant 0 : i32
          %add3A_386 = arith.addi %mul3A_384, %add3A_385 : i32
          %get3A = arith.index_cast %add3A_386 : i32 to index
          %get3A_387 = tpu.vector_load %arg11[%get3A] {strides = array<i32>} : memref<1024xf32, #tpu.memory_space<vmem>>, vector<16xf32>,
          %get3A_388 = vector.shape_cast %get3A_387 : vector<16xf32> to vector<16xf32>
          %swap3A = arith.constant 6 : i32
          %swap3A_389 = arith.index_cast %swap3A : i32 to index
          %swap3A_390 = arith.index_cast %add3A_386 : i32 to index
          %swap3A_391 = tpu.vector_load %arg10[%swap3A_389, %swap3A_390] {strides = array<i32>} : memref<8x1024xf32, #tpu.memory_space<vmem>>, vector<1x16xf32>,
          %swap3A_392 = vector.shape_cast %swap3A_391 : vector<1x16xf32> to vector<16xf32>
          %swap3A_393 = vector.shape_cast %get3A_388 : vector<16xf32> to vector<1x16xf32>
          tpu.vector_store %arg10[%swap3A_389, %swap3A_390], %swap3A_393 {strides = array<i32>} : memref<8x1024xf32, #tpu.memory_space<vmem>>, vector<1x16xf32>,
          %mul3A_394 = arith.constant 64 : i32
          %mul3A_395 = arith.muli %scan3A_381, %mul3A_394 : i32
          %add3A_396 = arith.constant 16 : i32
          %add3A_397 = arith.addi %mul3A_395, %add3A_396 : i32
          %get3A_398 = arith.index_cast %add3A_397 : i32 to index
          %get3A_399 = tpu.vector_load %arg11[%get3A_398] {strides = array<i32>} : memref<1024xf32, #tpu.memory_space<vmem>>, vector<16xf32>,
          %get3A_400 = vector.shape_cast %get3A_399 : vector<16xf32> to vector<16xf32>
          %swap3A_401 = arith.constant 6 : i32
          %swap3A_402 = arith.index_cast %swap3A_401 : i32 to index
          %swap3A_403 = arith.index_cast %add3A_397 : i32 to index
          %swap3A_404 = tpu.vector_load %arg10[%swap3A_402, %swap3A_403] {strides = array<i32>} : memref<8x1024xf32, #tpu.memory_space<vmem>>, vector<1x16xf32>,
          %swap3A_405 = vector.shape_cast %swap3A_404 : vector<1x16xf32> to vector<16xf32>
          %swap3A_406 = vector.shape_cast %get3A_400 : vector<16xf32> to vector<1x16xf32>
          tpu.vector_store %arg10[%swap3A_402, %swap3A_403], %swap3A_406 {strides = array<i32>} : memref<8x1024xf32, #tpu.memory_space<vmem>>, vector<1x16xf32>,
          %mul3A_407 = arith.constant 64 : i32
          %mul3A_408 = arith.muli %scan3A_381, %mul3A_407 : i32
          %add3A_409 = arith.constant 32 : i32
          %add3A_410 = arith.addi %mul3A_408, %add3A_409 : i32
          %get3A_411 = arith.index_cast %add3A_410 : i32 to index
          %get3A_412 = tpu.vector_load %arg11[%get3A_411] {strides = array<i32>} : memref<1024xf32, #tpu.memory_space<vmem>>, vector<16xf32>,
          %get3A_413 = vector.shape_cast %get3A_412 : vector<16xf32> to vector<16xf32>
          %swap3A_414 = arith.constant 6 : i32
          %swap3A_415 = arith.index_cast %swap3A_414 : i32 to index
          %swap3A_416 = arith.index_cast %add3A_410 : i32 to index
          %swap3A_417 = tpu.vector_load %arg10[%swap3A_415, %swap3A_416] {strides = array<i32>} : memref<8x1024xf32, #tpu.memory_space<vmem>>, vector<1x16xf32>,
          %swap3A_418 = vector.shape_cast %swap3A_417 : vector<1x16xf32> to vector<16xf32>
          %swap3A_419 = vector.shape_cast %get3A_413 : vector<16xf32> to vector<1x16xf32>
          tpu.vector_store %arg10[%swap3A_415, %swap3A_416], %swap3A_419 {strides = array<i32>} : memref<8x1024xf32, #tpu.memory_space<vmem>>, vector<1x16xf32>,
          %mul3A_420 = arith.constant 64 : i32
          %mul3A_421 = arith.muli %scan3A_381, %mul3A_420 : i32
          %add3A_422 = arith.constant 48 : i32
          %add3A_423 = arith.addi %mul3A_421, %add3A_422 : i32
          %get3A_424 = arith.index_cast %add3A_423 : i32 to index
          %get3A_425 = tpu.vector_load %arg11[%get3A_424] {strides = array<i32>} : memref<1024xf32, #tpu.memory_space<vmem>>, vector<16xf32>,
          %get3A_426 = vector.shape_cast %get3A_425 : vector<16xf32> to vector<16xf32>
          %swap3A_427 = arith.constant 6 : i32
          %swap3A_428 = arith.index_cast %swap3A_427 : i32 to index
          %swap3A_429 = arith.index_cast %add3A_423 : i32 to index
          %swap3A_430 = tpu.vector_load %arg10[%swap3A_428, %swap3A_429] {strides = array<i32>} : memref<8x1024xf32, #tpu.memory_space<vmem>>, vector<1x16xf32>,
          %swap3A_431 = vector.shape_cast %swap3A_430 : vector<1x16xf32> to vector<16xf32>
          %swap3A_432 = vector.shape_cast %get3A_426 : vector<16xf32> to vector<1x16xf32>
          tpu.vector_store %arg10[%swap3A_428, %swap3A_429], %swap3A_432 {strides = array<i32>} : memref<8x1024xf32, #tpu.memory_space<vmem>>, vector<1x16xf32>,
          %scan3A_433 = arith.constant 0 : i32
          scf.yield %scan3A_433 : i32
        }
        %scan3A_364 = arith.constant 16 : i32
        %dma_wait3A_365 = arith.constant 0 : i32
        %dma_wait3A_366 = tpu.memref_slice %arg6[%dma_wait3A_365] : memref<800768xf32, #tpu.memory_space<vmem_shared>> -> memref<800768xf32, #tpu.memory_space<vmem_shared>>
        tpu.wait_indirect_dma semaphore(%arg14 : memref<!tpu.dma_semaphore, #tpu.memory_space<semaphore_mem>>) src(%dma_wait3A_366 : memref<800768xf32, #tpu.memory_space<vmem_shared>>) dst(%arg12 : memref<1024xf32, #tpu.memory_space<vmem>>)
        %scan3A_367 = arith.constant 0 : i32
        %scan3A_368 = arith.constant 0 : i32
        %scan3A_369 = arith.constant 16 : i32
        %scan3A_370 = arith.addi %scan3A_368, %scan3A_369 : i32
        %scan3A_371 = arith.constant 1 : i32
        %scan3A_372 = scf.for %scan3A_381 = %scan3A_368 to %scan3A_370 step %scan3A_371 iter_args(%scan3A_382 = %scan3A_367) -> (i32)  : i32 {
          %mul3A_383 = arith.constant 64 : i32
          %mul3A_384 = arith.muli %scan3A_381, %mul3A_383 : i32
          %add3A_385 = arith.constant 0 : i32
          %add3A_386 = arith.addi %mul3A_384, %add3A_385 : i32
          %get3A = arith.index_cast %add3A_386 : i32 to index
          %get3A_387 = tpu.vector_load %arg12[%get3A] {strides = array<i32>} : memref<1024xf32, #tpu.memory_space<vmem>>, vector<16xf32>,
          %get3A_388 = vector.shape_cast %get3A_387 : vector<16xf32> to vector<16xf32>
          %swap3A = arith.constant 7 : i32
          %swap3A_389 = arith.index_cast %swap3A : i32 to index
          %swap3A_390 = arith.index_cast %add3A_386 : i32 to index
          %swap3A_391 = tpu.vector_load %arg10[%swap3A_389, %swap3A_390] {strides = array<i32>} : memref<8x1024xf32, #tpu.memory_space<vmem>>, vector<1x16xf32>,
          %swap3A_392 = vector.shape_cast %swap3A_391 : vector<1x16xf32> to vector<16xf32>
          %swap3A_393 = vector.shape_cast %get3A_388 : vector<16xf32> to vector<1x16xf32>
          tpu.vector_store %arg10[%swap3A_389, %swap3A_390], %swap3A_393 {strides = array<i32>} : memref<8x1024xf32, #tpu.memory_space<vmem>>, vector<1x16xf32>,
          %mul3A_394 = arith.constant 64 : i32
          %mul3A_395 = arith.muli %scan3A_381, %mul3A_394 : i32
          %add3A_396 = arith.constant 16 : i32
          %add3A_397 = arith.addi %mul3A_395, %add3A_396 : i32
          %get3A_398 = arith.index_cast %add3A_397 : i32 to index
          %get3A_399 = tpu.vector_load %arg12[%get3A_398] {strides = array<i32>} : memref<1024xf32, #tpu.memory_space<vmem>>, vector<16xf32>,
          %get3A_400 = vector.shape_cast %get3A_399 : vector<16xf32> to vector<16xf32>
          %swap3A_401 = arith.constant 7 : i32
          %swap3A_402 = arith.index_cast %swap3A_401 : i32 to index
          %swap3A_403 = arith.index_cast %add3A_397 : i32 to index
          %swap3A_404 = tpu.vector_load %arg10[%swap3A_402, %swap3A_403] {strides = array<i32>} : memref<8x1024xf32, #tpu.memory_space<vmem>>, vector<1x16xf32>,
          %swap3A_405 = vector.shape_cast %swap3A_404 : vector<1x16xf32> to vector<16xf32>
          %swap3A_406 = vector.shape_cast %get3A_400 : vector<16xf32> to vector<1x16xf32>
          tpu.vector_store %arg10[%swap3A_402, %swap3A_403], %swap3A_406 {strides = array<i32>} : memref<8x1024xf32, #tpu.memory_space<vmem>>, vector<1x16xf32>,
          %mul3A_407 = arith.constant 64 : i32
          %mul3A_408 = arith.muli %scan3A_381, %mul3A_407 : i32
          %add3A_409 = arith.constant 32 : i32
          %add3A_410 = arith.addi %mul3A_408, %add3A_409 : i32
          %get3A_411 = arith.index_cast %add3A_410 : i32 to index
          %get3A_412 = tpu.vector_load %arg12[%get3A_411] {strides = array<i32>} : memref<1024xf32, #tpu.memory_space<vmem>>, vector<16xf32>,
          %get3A_413 = vector.shape_cast %get3A_412 : vector<16xf32> to vector<16xf32>
          %swap3A_414 = arith.constant 7 : i32
          %swap3A_415 = arith.index_cast %swap3A_414 : i32 to index
          %swap3A_416 = arith.index_cast %add3A_410 : i32 to index
          %swap3A_417 = tpu.vector_load %arg10[%swap3A_415, %swap3A_416] {strides = array<i32>} : memref<8x1024xf32, #tpu.memory_space<vmem>>, vector<1x16xf32>,
          %swap3A_418 = vector.shape_cast %swap3A_417 : vector<1x16xf32> to vector<16xf32>
          %swap3A_419 = vector.shape_cast %get3A_413 : vector<16xf32> to vector<1x16xf32>
          tpu.vector_store %arg10[%swap3A_415, %swap3A_416], %swap3A_419 {strides = array<i32>} : memref<8x1024xf32, #tpu.memory_space<vmem>>, vector<1x16xf32>,
          %mul3A_420 = arith.constant 64 : i32
          %mul3A_421 = arith.muli %scan3A_381, %mul3A_420 : i32
          %add3A_422 = arith.constant 48 : i32
          %add3A_423 = arith.addi %mul3A_421, %add3A_422 : i32
          %get3A_424 = arith.index_cast %add3A_423 : i32 to index
          %get3A_425 = tpu.vector_load %arg12[%get3A_424] {strides = array<i32>} : memref<1024xf32, #tpu.memory_space<vmem>>, vector<16xf32>,
          %get3A_426 = vector.shape_cast %get3A_425 : vector<16xf32> to vector<16xf32>
          %swap3A_427 = arith.constant 7 : i32
          %swap3A_428 = arith.index_cast %swap3A_427 : i32 to index
          %swap3A_429 = arith.index_cast %add3A_423 : i32 to index
          %swap3A_430 = tpu.vector_load %arg10[%swap3A_428, %swap3A_429] {strides = array<i32>} : memref<8x1024xf32, #tpu.memory_space<vmem>>, vector<1x16xf32>,
          %swap3A_431 = vector.shape_cast %swap3A_430 : vector<1x16xf32> to vector<16xf32>
          %swap3A_432 = vector.shape_cast %get3A_426 : vector<16xf32> to vector<1x16xf32>
          tpu.vector_store %arg10[%swap3A_428, %swap3A_429], %swap3A_432 {strides = array<i32>} : memref<8x1024xf32, #tpu.memory_space<vmem>>, vector<1x16xf32>,
          %scan3A_433 = arith.constant 0 : i32
          scf.yield %scan3A_433 : i32
        }
        %scan3A_373 = arith.constant 16 : i32
        %dma_start3A_374 = arith.constant 8 : i32
        %dma_start3A_375 = tpu.memref_slice %arg5[%scan3A_9, %dma_start3A_374, %mul3A_0] : memref<26x16x16384xf32, #tpu.memory_space<hbm>> -> memref<1x8x1024xf32, #tpu.memory_space<hbm>>
        %dma_start3A_376 = tpu.memref_squeeze %dma_start3A_375 : memref<1x8x1024xf32, #tpu.memory_space<hbm>> -> memref<8x1024xf32, #tpu.memory_space<hbm>>
        %dma_start3A_377 = arith.constant 8 : i32
        %dma_start3A_378 = tpu.memref_slice %arg5[%scan3A_9, %dma_start3A_377, %mul3A_0] : memref<26x16x16384xf32, #tpu.memory_space<hbm>> -> memref<1x8x1024xf32, #tpu.memory_space<hbm>>
        %dma_start3A_379 = tpu.memref_squeeze %dma_start3A_378 : memref<1x8x1024xf32, #tpu.memory_space<hbm>> -> memref<8x1024xf32, #tpu.memory_space<hbm>>
        tpu.enqueue_dma source(%arg10 : memref<8x1024xf32, #tpu.memory_space<vmem>>) target(%dma_start3A_379 : memref<8x1024xf32, #tpu.memory_space<hbm>>) target_semaphore(%arg16 : memref<!tpu.dma_semaphore, #tpu.memory_space<semaphore_mem>>)
        %barrier3A_380 = arith.constant 0 : index
        tpu.barrier barrier_id(%barrier3A_380)
      } else {
      }
      %convert_element_type3A_15 = arith.extui %eq3A : i1 to i32
      %mul3A_16 = arith.constant 2 : i32
      %mul3A_17 = arith.muli %mul3A_16, %convert_element_type3A_15 : i32
      %add3A = arith.addi %scan3A_10, %mul3A_17 : i32
      scf.yield %add3A : i32
    }
    %scan3A_6 = arith.constant 26 : i32
    %gt3A = arith.constant 0 : i32
    %gt3A_7 = arith.cmpi sgt, %scan3A_5, %gt3A : i32
    %convert_element_type3A = arith.extui %gt3A_7 : i1 to i32
    %cond3A = arith.constant 0 : i32
    %cond3A_8 = arith.cmpi ne, %convert_element_type3A, %cond3A : i32
    scf.if %cond3A_8 {
      %dma_wait3A = arith.constant 0 : i32
      %dma_wait3A_9 = arith.constant 0 : i32
      %dma_wait3A_10 = tpu.memref_slice %arg5[%dma_wait3A, %dma_wait3A_9, %mul3A_0] : memref<26x16x16384xf32, #tpu.memory_space<hbm>> -> memref<1x8x1024xf32, #tpu.memory_space<hbm>>
      %dma_wait3A_11 = tpu.memref_squeeze %dma_wait3A_10 : memref<1x8x1024xf32, #tpu.memory_space<hbm>> -> memref<8x1024xf32, #tpu.memory_space<hbm>>
      %dma_wait3A_12 = arith.constant 0 : i32
      %dma_wait3A_13 = tpu.memref_slice %arg5[%dma_wait3A, %dma_wait3A_12, %mul3A_0] : memref<26x16x16384xf32, #tpu.memory_space<hbm>> -> memref<1x8x1024xf32, #tpu.memory_space<hbm>>
      %dma_wait3A_14 = tpu.memref_squeeze %dma_wait3A_13 : memref<1x8x1024xf32, #tpu.memory_space<hbm>> -> memref<8x1024xf32, #tpu.memory_space<hbm>>
      tpu.wait_dma2 semaphore(%arg16 : memref<!tpu.dma_semaphore, #tpu.memory_space<semaphore_mem>>) src(%arg10 : memref<8x1024xf32, #tpu.memory_space<vmem>>) dst(%dma_wait3A_14 : memref<8x1024xf32, #tpu.memory_space<hbm>>)
    } else {
    }
    return
  }
}

</mosaic_0001>

<sc_bundles>
// kernel: kernel.3.cloned.1.call-start
scs
__scs_entry_jumppad:
0x0: {  	(pc) =	sbr.rel $0x88, $3  }
0x1: {  	(tag) =	ssettag $0x0;
	lr =	simm.s32 $0x1  }
0x2: {  	[smem:$0x3F9F] =	sst lr;
	_ =	strace $0xD0000000  }
0x3: {  	_ = 	snop  }
0x4: {  	_ = 	snop  }
0x5: {  	_ = 	snop  }
0x6: {  	_ = 	snop  }
0x7: {  	_ = 	snop  }
__scs_overlays_trampoline_lowered:
0x8: {  	[smem:$0x3FAE] =	sst s0  }
0x9: {  	[smem:$0x3FAF] =	sst s1  }
0xa: {  	[smem:$0x3FB0] =	sst s2  }
0xb: {  	[smem:$0x3FB1] =	sst s3  }
0xc: {  	[smem:$0x3FB2] =	sst s4  }
0xd: {  	[smem:$0x3FB3] =	sst s5  }
0xe: {  	[smem:$0x3FB4] =	sst s6  }
0xf: {  	[smem:$0x3FB5] =	sst s7  }
0x10: {  	[smem:$0x3FB6] =	sst s8  }
0x11: {  	[smem:$0x3FB7] =	sst s9;
	s0 =	simm.s32 @!p0 $0x0  }
0x12: {  	s1 =	sld [smem:$0x3F9D];
	s0 =	simm.s32 @p0 $0x1  }
0x13: {  	[smem:$0x3FB8] =	sst s0;
	s0 =	simm.s32 @!p1 $0x0  }
0x14: {  	s2 =	sld [smem:$0x3F9C];
	s0 =	simm.s32 @p1 $0x1  }
0x15: {  	[smem:$0x3FB9] =	sst s0;
	s0 =	simm.s32 @!p2 $0x0  }
0x16: {  	s3 =	sld [smem:$0x3FDB];
	s0 =	simm.s32 @p2 $0x1  }
0x17: {  	s4 =	simm.s32 $0x1BF5;
	[smem:$0x3FBB] =	sst s0  }
0x18: {  	s0 =	sld [smem:$0x3F9E];
	_ =	swait.ge [sflag:s4], $0x0  }
0x19: {  	s7 =	sld [smem:$0x3F9F]  }
0x1a: {  	s8 =	sadd.s32 $0xFFFFE003, lr  }
0x1b: {  	s9 =	sadd.s32 $0xFFFFFEF7, lr;
	s5 =	simm.s32 $0xFFFFFFFF;
	p2 =	slt.u32 s8, $0xFFFFF086  }
0x1c: {  	p1 =	slt.u32 s9, $0xF7A;
	s5 =	simm.s32 @!p2 $0x0  }
0x1d: {  	s5 =	simm.s32 @p1 $0x1;
	p0 =	seq.s32 s7, s2  }
0x1e: {  	s7 =	smul.u32 @!p0 $0xF7A, s2;
	p2 =	seq.s32 @!p0 s5, $0x0  }
0x1f: {  	s9 =	smul.u32 $0xF7A, s1;
	s8 =	simm.s32 @!p0 $0x1BF5;
	p2 =	por !p2, p0  }
0x20: {  	[sflag:s8] =	ssyncset.s32 @!p0 $0xFFFFF086;
	s6 =	sadd.s32 @!p0 s3, s7;
	s7 =	simm.s32 @!p0 $0x108  }
0x21: {  	s3 =	sadd.s32 s3, s9;
	s6 =	sadd.s32 @!p0 $0x88, s6;
	s7 =	simm.s32 @p2 $0x1082  }
0x22: {  	[simem:s7], [sflag:s8] =	dma.local @!p0 [hbm:s6], $0xF7A  }
0x23: {  	s9 =	sor.u32 $0xD0000000, s2;
	s6 =	simm.s32 $0x108;
	_ =	swait.ge @!p0 [sflag:s8], $0x0  }
0x24: {  	s3 =	sadd.s32 $0x88, s3;
	s6 =	simm.s32 @!p1 $0x1082;
	[sflag:s4] =	ssyncset.s32 $0xFFFFF086  }
0x25: {  	[simem:s6], [sflag:s4] =	dma.local [hbm:s3], $0xF7A  }
0x26: {  	[smem:$0x3F9F] =	sst s1;
	(tag) =	ssettag s2;
	_ =	strace s9  }
0x27: {  	s1 =	sld [smem:$0x3FAF]  }
0x28: {  	s2 =	sld [smem:$0x3FB0]  }
0x29: {  	s4 =	sld [smem:$0x3FB2]  }
0x2a: {  	p0 =	seq.s32 s5, $0x0;
	s5 =	sld [smem:$0x3FB3]  }
0x2b: {  	s6 =	sld [smem:$0x3FB4]  }
0x2c: {  	s7 =	sld [smem:$0x3FB5]  }
0x2d: {  	s3 =	simm.s32 $0x108;
	s8 =	sld [smem:$0x3FB6]  }
0x2e: {  	s3 =	simm.s32 @!p0 $0x1082;
	s9 =	sld [smem:$0x3FB7]  }
0x2f: {  	lr =	sadd.s32 s0, s3;
	s0 =	sld [smem:$0x3FAE]  }
0x30: {  	s3 =	sld [smem:$0x3FB1]  }
0x31: {  	[smem:$0x3FBA] =	sst s10  }
0x32: {  	s10 =	sld [smem:$0x3FB8];
	_ =	sdelay $0x3  }
0x33: {  	p0 =	seq.s32 s10, $0x1;
	s10 =	sld [smem:$0x3FBA];
	_ =	sdelay $0x3  }
0x34: {  	[smem:$0x3FBA] =	sst s10  }
0x35: {  	s10 =	sld [smem:$0x3FB9];
	_ =	sdelay $0x3  }
0x36: {  	p1 =	seq.s32 s10, $0x1;
	s10 =	sld [smem:$0x3FBA];
	_ =	sdelay $0x3  }
0x37: {  	[smem:$0x3FBA] =	sst s10  }
0x38: {  	s10 =	sld [smem:$0x3FBB]  }
0x39: {  	_ = 	snop;
	(pc) =	sbr.ind lr, $3  }
0x3a: {  	_ = 	snop  }
0x3b: {  	_ = 	snop  }
0x3c: {  	p2 =	seq.s32 s10, $0x1;
	s10 =	sld [smem:$0x3FBA]  }
0x3d: {  	_ =	shalt  }
0x3e: {  	_ =	shalt  }
0x3f: {  	_ =	shalt  }
0x40: {  	_ =	shalt  }
0x41: {  	_ =	shalt  }
0x42: {  	_ =	shalt  }
0x43: {  	_ =	shalt  }
0x44: {  	_ =	shalt  }
0x45: {  	_ =	shalt  }
0x46: {  	_ =	shalt  }
0x47: {  	_ =	shalt  }
0x48: {  	_ =	shalt  }
0x49: {  	_ =	shalt  }
0x4a: {  	_ =	shalt  }
0x4b: {  	_ =	shalt  }
0x4c: {  	_ =	shalt  }
0x4d: {  	_ =	shalt  }
0x4e: {  	_ =	shalt  }
0x4f: {  	_ =	shalt  }
0x50: {  	_ =	shalt  }
0x51: {  	_ =	shalt  }
0x52: {  	_ =	shalt  }
0x53: {  	_ =	shalt  }
0x54: {  	_ =	shalt  }
0x55: {  	_ =	shalt  }
0x56: {  	_ =	shalt  }
0x57: {  	_ =	shalt  }
0x58: {  	_ =	shalt  }
0x59: {  	_ =	shalt  }
0x5a: {  	_ =	shalt  }
0x5b: {  	_ =	shalt  }
0x5c: {  	_ =	shalt  }
0x5d: {  	_ =	shalt  }
0x5e: {  	_ =	shalt  }
0x5f: {  	_ =	shalt  }
0x60: {  	_ =	shalt  }
0x61: {  	_ =	shalt  }
0x62: {  	_ =	shalt  }
0x63: {  	_ =	shalt  }
0x64: {  	_ =	shalt  }
0x65: {  	_ =	shalt  }
0x66: {  	_ =	shalt  }
0x67: {  	_ =	shalt  }
0x68: {  	_ =	shalt  }
0x69: {  	_ =	shalt  }
0x6a: {  	_ =	shalt  }
0x6b: {  	_ =	shalt  }
0x6c: {  	_ =	shalt  }
0x6d: {  	_ =	shalt  }
0x6e: {  	_ =	shalt  }
0x6f: {  	_ =	shalt  }
0x70: {  	_ =	shalt  }
0x71: {  	_ =	shalt  }
0x72: {  	_ =	shalt  }
0x73: {  	_ =	shalt  }
0x74: {  	_ =	shalt  }
0x75: {  	_ =	shalt  }
0x76: {  	_ =	shalt  }
0x77: {  	_ =	shalt  }
0x78: {  	_ =	shalt  }
0x79: {  	_ =	shalt  }
0x7a: {  	_ =	shalt  }
0x7b: {  	_ =	shalt  }
0x7c: {  	_ =	shalt  }
0x7d: {  	_ =	shalt  }
0x7e: {  	_ =	shalt  }
0x7f: {  	_ =	shalt  }
0x80: {  	_ =	shalt  }
0x81: {  	_ =	shalt  }
0x82: {  	_ =	shalt  }
0x83: {  	_ =	shalt  }
0x84: {  	_ =	shalt  }
0x85: {  	_ =	shalt  }
0x86: {  	_ =	shalt  }
0x87: {  	_ =	shalt  }
.Lfunc_end0:
.L_simem_size_0:
called_computation_lowered:
.L_overlay_start_0:
0x88: {  	s2 =	sld [smem:$0x3FD9]  }
0x89: {  	s3 =	sld [smem:$0x3FFE];
	_ =	sdelay $0x1  }
0x8a: {  	s1 =	srdreg.scid  }
0x8b: {  	s0 =	sand.u32 $0x1, s1  }
0x8c: {  	s17 =	sshll.u32 s0, $0xA;
	s2 =	sadd.s32 s3, s2  }
0x8d: {  	s2 =	sadd.s32 s2, s17  }
0x8e: {  	[smem:$0x3FC6] =	sst s2  }
0x8f: {  	_ = 	snop  }
0x90: {  	s2 =	sld [smem:$0x3FC9]  }
0x91: {  	s18 =	sld [smem:$0x3FC8]  }
0x92: {  	s4 =	sld [smem:$0x3FD0];
	(tm) =	ssettm $0x1  }
0x93: {  	s5 =	sld [smem:$0x3FFB];
	_ =	sdelay $0x3  }
0x94: {  	_ =	strace s5  }
0x95: {  	s5 =	sld [smem:$0x3FFC];
	_ =	sdelay $0x3  }
0x96: {  	_ =	strace s5  }
0x97: {  	s5 =	sld [smem:$0x3FFD];
	_ =	sdelay $0x3  }
0x98: {  	_ =	strace s5  }
0x99: {  	_ =	strace $0x8FFFFFFF  }
0x9a: {  	s19 =	sld [smem:$0x3FDB];
	_ =	sdelay $0x1  }
0x9b: {  	s6 =	simm.s32 $_scs_section_size  }
0x9c: {  	s7 =	simm.s32 $_size__tile_overlayer_lowered;
	s8 =	simm.s32 $_tile_overlayer_lowered  }
0x9d: {  	s22 =	simm.s32 $0x1BFF;
	s21 =	sshll.u32 s8, $0x1;
	s5 =	sadd.s32 s6, s19  }
0x9e: {  	s9 =	simm.s32 $0x0;
	s20 =	sshll.u32 s7, $0x1;
	s7 =	sadd.s32 s21, s5  }
0x9f: {  	[timem:s9], [sflag:s22] =	dma.local [hbm:s7], s20  }
0xa0: {  	_ =	swait.ge [sflag:s22], s20  }
0xa1: {  	s6 =	ssub.s32 $0x0, s20;
	[sflag:s22] =	ssyncset.done $0x0  }
0xa2: {  	[sflag:s22] =	ssyncadd.s32 s6;
	_ =	sdelay $0x1  }
0xa3: {  	s23 =	simm.s32 $0x1B8B  }
0xa4: {  	_ =	swait.ge [sflag:s23], $0x1  }
0xa5: {  	[sflag:s23] =	ssyncset.done $0x0  }
0xa6: {  	s25 =	simm.s32 $0x1B8E;
	s24 =	sld [smem:$0x3FFE];
	[sflag:s23] =	ssyncadd.s32 $0xFFFFFFFF  }
0xa7: {  	s26 =	simm.s32 $execute0_lowered;
	[smem:$0x3FD2] =	sst s25  }
0xa8: {  	s7 =	sshll.u32 s26, $0x1;
	_ =	strace $0x80000046;
	[dreg:$0x1] =	wrdreg $0xFFFFFFFF  }
0xa9: {  	s28 =	simm.s32 $_size_execute0_lowered;
	s5 =	sadd.s32 s5, s7;
	[dreg:$0x0] =	wrdreg $0x0  }
0xaa: {  	s7 =	sshll.u32 s28, $0x1;
	[dreg:$0x2] =	wrdreg s5  }
0xab: {  	[dreg:$0x3] =	wrdreg s7  }
0xac: {  	[dreg:$0x4] =	wrdreg $0xC0  }
0xad: {  	_ =	task [dreg:s9], $0x5FFFF  }
0xae: {  	[dreg:$0x1] =	wrdreg $0xFFFFFFFF  }
0xaf: {  	[dreg:$0x0] =	wrdreg $0x60  }
0xb0: {  	[dreg:$0x2] =	wrdreg s2  }
0xb1: {  	[dreg:$0x3] =	wrdreg s18  }
0xb2: {  	[dreg:$0x4] =	wrdreg s24  }
0xb3: {  	[dreg:$0x5] =	wrdreg s4  }
0xb4: {  	[dreg:$0x6] =	wrdreg $0x0  }
0xb5: {  	[dreg:$0x7] =	wrdreg $0x9  }
0xb6: {  	_ =	task.clear_ibuf [dreg:s9], $0x8FFFF;
	_ =	strace $0x90000046  }
0xb7: {  	s29 =	simm.s32 $0x9;
	_ =	strace $0x80000048  }
0xb8: {  	_ =	swait.ge [sflag:s29], $0x1  }
0xb9: {  	[sflag:s29] =	ssyncadd.s32 $0xFFFFFFFF  }
0xba: {  	_ =	strace $0x90000048  }
0xbb: {  	_ =	sfence  }
0xbc: {  	s30 =	sld [smem:$0x0];
	_ =	sdelay $0x2  }
0xbd: {  	s31 =	sshll.u32 s1, $0xD;
	s1 =	sshrl.u32 s1, $0x2  }
0xbe: {  	s3 =	sand.u32 $0x4000, s31;
	s1 =	sadd.s32 s1, s30  }
0xbf: {  	s0 =	sor.u32 s3, s0;
	s1 =	sshll.u32 s1, $0x11  }
0xc0: {  	s0 =	sor.u32 s1, s0  }
0xc1: {  	s0 =	sadd.s32 $0x8F2B, s0  }
0xc2: {  	[sflag:s0] =	ssyncadd.remote.s32 $0x1  }
0xc3: {  	_ =	sfence.sel $0xFFFF  }
0xc4: {  	[dreg:$0x0] =	wrdreg $0xFFFFFFFF;
	(pc) =	sbr.abs _section_cstart, $3  }
0xc5: {  	[dreg:$0x1] =	wrdreg $0xFFFFFFFF  }
0xc6: {  	_ =	task.clear_ibuf [dreg:s9], $0x2FFFF;
	_ =	strace $0x9FFFFFFF  }
0xc7: {  	(tm) =	ssettm $0x7FFFFFFF  }
tec
execute0_lowered:
.L_overlay_start_1:
0x0: {  	(tag) =	ssettag $0x1  }
0x1: {  	s0 =	rddreg [dreg:$0x2]  }
0x2: {  	s4 =	rddreg [dreg:$0x3]  }
0x3: {  	s6 =	rddreg [dreg:$0x4];
	s2 =	simm.s32 $0x0;
	s1 =	srdreg.scid  }
0x4: {  	s5 =	stileid.u32;
	[smem:$0x7FF] =	sst s2  }
0x5: {  	s7 =	sand.u32 $0x1, s1;
	s24 =	smul.u32 $0x6200, s5;
	s3 =	sadd.s32 $0x400, s0  }
0x6: {  	s30 =	sshll.u32 s5, $0xD;
	s19 =	sadd.s32 $0x16F80, s6;
	s20 =	sadd.s32 $0x2F680, s6  }
0x7: {  	s21 =	sadd.s32 $0x47D80, s6;
	_ =	strace $0x80000047;
	[dreg:$0x7] =	wrdreg s3  }
0x8: {  	s22 =	sadd.s32 $0x60480, s6;
	s0 =	sadd.s32 $0x480, s0;
	[dreg:$0x8] =	wrdreg s30  }
0x9: {  	s23 =	sadd.s32 $0x78B80, s6;
	s8 =	sadd.s32 $0x61B80, s6;
	[dreg:$0xa] =	wrdreg s0  }
0xa: {  	p0 =	seq.s32 s5, $0xF;
	s9 =	sadd.s32 $0x7A280, s6;
	[dreg:$0xf] =	wrdreg s8  }
0xb: {  	s28 =	sadd.s32 $0xA9980, s6;
	s11 =	sadd.s32 $0x92980, s6;
	[dreg:$0x10] =	wrdreg s9  }
0xc: {  	s29 =	sadd.s32 $0xC2080, s6;
	s25 =	ssub.s32 $0x2, s7;
	[dreg:$0x11] =	wrdreg s11  }
0xd: {  	s3 =	sadd.s32 $0x30D80, s6;
	s30 =	sadd.s32 $0x4000, s4;
	[dreg:$0x6] =	wrdreg s7  }
0xe: {  	s4 =	simm.s32 $0x1;
	s26 =	sshrl.u32 s25, $0x1;
	[dreg:$0xd] =	wrdreg s3  }
0xf: {  	s1 =	sshrl.u32 s24, $0x2;
	s24 =	sadd.s32 $0xAB080, s6;
	[dreg:$0x14] =	wrdreg s30  }
0x10: {  	s3 =	simm.s32 $0x0;
	s2 =	ssub.s32 s25, s26;
	s10 =	sadd.s32 s1, s6  }
0x11: {  	s1 =	smul.u32 $0xC400, s5;
	s26 =	sadd.s32 $0x91280, s6;
	s5 =	sadd.s32 $0x49480, s6  }
0x12: {  	[dreg:$0x12] =	wrdreg s24;
	s25 =	sadd.s32 $0xC3780, s6;
	s12 =	sadd.s32 $0x18700, s10  }
0x13: {  	s13 =	sadd.s32 $0x30E00, s10;
	s14 =	sadd.s32 $0x49500, s10;
	[dreg:$0xe] =	wrdreg s5  }
.Ltmp0:
0x14: {  	s31 =	smax.u32 s2, $0x1;
	[dreg:$0x13] =	wrdreg s25;
	(pc) =	sbr.rel .LBB2_1-.Ltmp0, $4  }
0x15: {  	s15 =	sadd.s32 $0x61C00, s10;
	s2 =	sadd.s32 $0x18680, s6;
	[dreg:$0xb] =	wrdreg s31  }
0x16: {  	s16 =	sadd.s32 $0x7A300, s10;
	s17 =	sadd.s32 $0x92A00, s10;
	[dreg:$0xc] =	wrdreg s2  }
0x17: {  	s18 =	sadd.s32 $0xAB100, s10;
	[dreg:$0x9] =	wrdreg s1;
	s31 =	sadd.s32 $0xC3800, s1  }
0x18: {  	s6 =	simm.s32 $0x3;
	s1 =	simm.s32 $0x2;
	[dreg:$0x15] =	wrdreg s31  }
.LBB2_139:
0x19: {  	p1 =	slt.s32 s8, $0x1  }
0x1a: {  	s0 =	simm.s32 @!p1 $0x4  }
0x1b: {  	_ =	swait.ge @!p1 [sflag:s0], $0x2000  }
0x1c: {  	s3 =	rddreg [dreg:$0x16]  }
0x1d: {  	s2 =	rddreg [dreg:$0xb];
	s3 =	sadd.s32 $0x1, s3  }
0x1e: {  	p2 =	sne.s32 s3, s2  }
.Ltmp1:
0x1f: {  	_ = 	snop;
	(pc) =	sbr.rel @!p2 .LBB2_140-.Ltmp1, $3  }
0x20: {  	_ =	sdelay $0x1  }
0x21: {  	[sflag:s0] =	ssyncset.done @!p1 $0x0  }
0x22: {  	[sflag:s0] =	ssyncadd.s32 @!p1 $0xFFFFE000  }
.LBB2_1:
.Ltmp2:
0x23: {  	(pc) =	sbr.rel .LBB2_2-.Ltmp2, $2  }
0x24: {  	_ =	sdelay $0x2  }
0x25: {  	[dreg:$0x16] =	wrdreg s3;
	s8 =	simm.s32 $0x0;
	s11 =	simm.s32 $0x0  }
.LBB2_138:
0x26: {  	s11 =	sadd.s32 $0x1, s11  }
0x27: {  	p1 =	sne.s32 s11, $0x1A  }
.Ltmp3:
0x28: {  	_ = 	snop;
	(pc) =	sbr.rel @!p1 .LBB2_139-.Ltmp3, $2  }
0x29: {  	_ =	sdelay $0x2  }
0x2a: {  	s8 =	sadd.s32 s8, s0  }
.LBB2_2:
0x2b: {  	s0 =	sand.u32 $0x1, s11  }
0x2c: {  	p1 =	sne.s32 s0, s7  }
.Ltmp4:
0x2d: {  	_ = 	snop;
	(pc) =	sbr.rel @p1 .LBB2_138-.Ltmp4, $2  }
0x2e: {  	_ =	sdelay $0x2  }
0x2f: {  	s0 =	simm.s32 $0x0  }
0x30: {  	s0 =	sshll.u32 s11, $0xE  }
0x31: {  	s2 =	rddreg [dreg:$0x8];
	s0 =	sand.u32 $0x60000, s0  }
0x32: {  	s0 =	sor.u32 s2, s0  }
0x33: {  	s7 =	rddreg [dreg:$0x0];
	s5 =	simm.s32 $0x0;
	s0 =	sshrl.u32 s0, $0x3  }
0x34: {  	s9 =	simm.s32 $0x18780;
	s24 =	sshll.u32 s11, $0x7;
	s0 =	sadd.s32 s7, s0  }
0x35: {  	[tilespmem:s9], [sflag:$0x5] =	stream.linear.gather [hbm4b:s0+s5], $0x2000, $0x38;
	[tilespmem:$0x1D380] =	vst v63  }
0x36: {  	s3 =	sand.u32 $0x7000, s5;
	s0 =	sand.u32 $0x380, s24;
	s9 =	simm.s32 $0x5  }
0x37: {  	s25 =	sshrl.u32 s3, $0x2;
	_ =	swait.ge [sflag:s9], $0x2000;
	s2 =	sadd.s32 $0x18780, s0  }
0x38: {  	s7 =	sand.u32 $0x40, s5;
	[sflag:s9] =	ssyncset.done $0x0;
	s0 =	sadd.s32 s25, s2  }
0x39: {  	[sflag:s9] =	ssyncadd.s32 $0xFFFFE000;
	s30 =	sadd.s32 s7, s0  }
0x3a: {  	v0 =	vld [tilespmem:s30+$0x0];
	_ =	sdelay $0x3  }
0x3b: {  	s3 =	simm.s32 $0x1A780;
	s31 =	sor.u32 $0x10, s7  }
0x3c: {  	s24 =	sadd.s32 s31, s0;
	[tilespmem:s3+$0x0] =	vst v0  }
0x3d: {  	v0 =	vld [tilespmem:s24+$0x0];
	_ =	sdelay $0x1  }
0x3e: {  	s5 =	sand.u32 $0x380, s5  }
0x3f: {  	s25 =	sadd.s32 $0x1A780, s5  }
0x40: {  	s5 =	sor.u32 s31, s25;
	s24 =	sor.u32 $0x20, s7  }
0x41: {  	s30 =	sadd.s32 s24, s0;
	[tilespmem:s5+$0x0] =	vst v0  }
0x42: {  	v0 =	vld [tilespmem:s30+$0x0];
	_ =	sdelay $0x3  }
0x43: {  	s31 =	sor.u32 s24, s25;
	s24 =	sor.u32 $0x30, s7  }
0x44: {  	s0 =	sadd.s32 s24, s0;
	[tilespmem:s31+$0x0] =	vst v0  }
0x45: {  	v0 =	vld [tilespmem:s0+$0x0]  }
0x46: {  	s9 =	simm.s32 $0x800  }
0x47: {  	s7 =	simm.s32 $0x40;
	s5 =	sand.u32 $0x7000, s9;
	s0 =	simm.s32 $0x80  }
.LBB2_4:
0x48: {  	p1 =	sne.s32 s0, $0x3C0;
	s5 =	sshrl.u32 s5, $0x2  }
0x49: {  	s30 =	sand.u32 $0x40, s7;
	s24 =	sor.u32 s24, s25;
	s5 =	sadd.s32 s5, s2  }
0x4a: {  	s25 =	sadd.s32 s30, s5;
	[tilespmem:s24+$0x0] =	vst v0  }
0x4b: {  	v0 =	vld [tilespmem:s25+$0x0];
	_ =	sdelay $0x3  }
0x4c: {  	s3 =	sadd.s32 $0x40, s3;
	s24 =	sor.u32 $0x10, s30  }
0x4d: {  	s25 =	sadd.s32 s24, s5;
	[tilespmem:s3+$0x0] =	vst v0  }
0x4e: {  	v0 =	vld [tilespmem:s25+$0x0];
	_ =	sdelay $0x1  }
0x4f: {  	s25 =	sand.u32 $0x380, s7;
	s7 =	smov.u32 s0  }
0x50: {  	s25 =	sadd.s32 $0x1A780, s25  }
0x51: {  	s31 =	sor.u32 $0x20, s30;
	s24 =	sor.u32 s24, s25  }
0x52: {  	[tilespmem:s24+$0x0] =	vst v0;
	s24 =	sadd.s32 s31, s5  }
0x53: {  	v0 =	vld [tilespmem:s24+$0x0];
	_ =	sdelay $0x3  }
.Ltmp5:
0x54: {  	s31 =	sor.u32 s31, s25;
	s24 =	sor.u32 $0x30, s30;
	(pc) =	sbr.rel @p1 .LBB2_4-.Ltmp5, $4  }
0x55: {  	s5 =	sadd.s32 s24, s5;
	[tilespmem:s31+$0x0] =	vst v0  }
0x56: {  	v0 =	vld [tilespmem:s5+$0x0]  }
0x57: {  	s9 =	sadd.s32 $0x800, s9  }
0x58: {  	s0 =	sadd.s32 $0x40, s0;
	s5 =	sand.u32 $0x7000, s9  }
0x59: {  	s0 =	sshrl.u32 s5, $0x2  }
0x5a: {  	s5 =	sand.u32 $0x40, s7;
	s25 =	sor.u32 s24, s25;
	s0 =	sadd.s32 s0, s2  }
0x5b: {  	s9 =	sadd.s32 s5, s0;
	[tilespmem:s25+$0x0] =	vst v0  }
0x5c: {  	v0 =	vld [tilespmem:s9+$0x0];
	_ =	sdelay $0x3  }
0x5d: {  	s3 =	sadd.s32 $0x40, s3;
	s30 =	sor.u32 $0x10, s5  }
0x5e: {  	s31 =	sadd.s32 s30, s0;
	[tilespmem:s3+$0x0] =	vst v0  }
0x5f: {  	v0 =	vld [tilespmem:s31+$0x0];
	_ =	sdelay $0x1  }
0x60: {  	s7 =	sand.u32 $0x380, s7  }
0x61: {  	s7 =	sadd.s32 $0x1A780, s7  }
0x62: {  	s2 =	sor.u32 s30, s7;
	s9 =	sor.u32 $0x20, s5  }
0x63: {  	s24 =	sadd.s32 s9, s0;
	[tilespmem:s2+$0x0] =	vst v0  }
0x64: {  	v0 =	vld [tilespmem:s24+$0x0];
	_ =	sdelay $0x3  }
0x65: {  	s5 =	sor.u32 $0x30, s5;
	s25 =	sor.u32 s9, s7  }
0x66: {  	s0 =	sadd.s32 s5, s0;
	[tilespmem:s25+$0x0] =	vst v0  }
0x67: {  	s3 =	smul.u32 $0x187000, s11;
	v0 =	vld [tilespmem:s0+$0x0]  }
.Ltmp6:
0x68: {  	_ = 	snop;
	(pc) =	sbr.rel @!p0 .LBB2_6-.Ltmp6, $4  }
0x69: {  	_ = 	snop  }
0x6a: {  	s31 =	sshrl.u32 s3, $0x3;
	s0 =	rddreg [dreg:$0x1]  }
0x6b: {  	s30 =	sor.u32 s5, s7;
	s5 =	sadd.s32 s0, s31  }
0x6c: {  	[dreg:$0x17] =	wrdreg s5;
	[tilespmem:s30+$0x0] =	vst v0  }
0x6d: {  	s5 =	sadd.s32 $0x16F80, s5  }
0x6e: {  	s0 =	simm.s32 $0x0;
	s2 =	simm.s32 $0xC380;
	s9 =	simm.s32 $0x5  }
0x6f: {  	[tilespmem:s2], [sflag:$0x5] =	stream.linear.gather [hbm4b:s5+s0], $0xB800, $0x38;
	[tilespmem:$0x1D380] =	vst v63  }
0x70: {  	_ =	swait.ge [sflag:s9], $0xB800  }
0x71: {  	s30 =	sshll.u32 s11, $0x8;
	[sflag:s9] =	ssyncset.done $0x0;
	s7 =	rddreg [dreg:$0x7]  }
0x72: {  	s31 =	simm.s32 $0x17B80;
	[sflag:s9] =	ssyncadd.s32 $0xFFFF4800;
	s5 =	sadd.s32 s7, s30  }
0x73: {  	[tilespmem:s31], [sflag:$0x5] =	stream.linear.gather [hbm4b:s5+s0], $0x400, $0x38;
	[tilespmem:$0x1D380] =	vst v63  }
0x74: {  	_ =	swait.ge [sflag:s9], $0x400  }
0x75: {  	[sflag:s9] =	ssyncset.done $0x0  }
0x76: {  	s5 =	simm.s32 $0x0;
	[sflag:s9] =	ssyncadd.s32 $0xFFFFFC00  }
.LBB2_24:
0x77: {  	p1 =	sne.s32 s5, $0x5A00  }
.Ltmp7:
0x78: {  	_ = 	snop;
	(pc) =	sbr.rel @p1 .LBB2_24-.Ltmp7, $4  }
0x79: {  	s9 =	sshra.s32 s5, $0x2  }
0x7a: {  	s9 =	sadd.s32 s9, s19  }
0x7b: {  	[spmem:s9] =	stream.linear.scatter [tilespmem:s2], [sflag:$0x3], $0x80, $0x38;
	[tilespmem:$0x1D380] =	vst v63  }
0x7c: {  	s5 =	sadd.s32 $0x200, s5;
	s2 =	sadd.s32 $0x400, s2  }
0x7d: {  	s2 =	simm.s32 $0xC400  }
.LBB2_26:
0x7e: {  	p1 =	sne.s32 s0, $0x5A00  }
.Ltmp8:
0x7f: {  	_ = 	snop;
	(pc) =	sbr.rel @p1 .LBB2_26-.Ltmp8, $4  }
0x80: {  	s5 =	sshra.s32 s0, $0x2  }
0x81: {  	s5 =	sadd.s32 s5, s20  }
0x82: {  	[spmem:s5] =	stream.linear.scatter [tilespmem:s2], [sflag:$0x3], $0x80, $0x38;
	[tilespmem:$0x1D380] =	vst v63  }
0x83: {  	s0 =	sadd.s32 $0x200, s0;
	s2 =	sadd.s32 $0x400, s2  }
0x84: {  	s0 =	simm.s32 $0x0;
	s2 =	simm.s32 $0xC480;
	s5 =	simm.s32 $0x0  }
.LBB2_28:
0x85: {  	p1 =	sne.s32 s5, $0x5A00  }
.Ltmp9:
0x86: {  	_ = 	snop;
	(pc) =	sbr.rel @p1 .LBB2_28-.Ltmp9, $4  }
0x87: {  	s9 =	sshra.s32 s5, $0x2  }
0x88: {  	s9 =	sadd.s32 s9, s21  }
0x89: {  	[spmem:s9] =	stream.linear.scatter [tilespmem:s2], [sflag:$0x3], $0x80, $0x38;
	[tilespmem:$0x1D380] =	vst v63  }
0x8a: {  	s5 =	sadd.s32 $0x200, s5;
	s2 =	sadd.s32 $0x400, s2  }
0x8b: {  	s2 =	simm.s32 $0xC500  }
.LBB2_30:
0x8c: {  	p1 =	sne.s32 s0, $0x5A00  }
.Ltmp10:
0x8d: {  	_ = 	snop;
	(pc) =	sbr.rel @p1 .LBB2_30-.Ltmp10, $4  }
0x8e: {  	s5 =	sshra.s32 s0, $0x2  }
0x8f: {  	s5 =	sadd.s32 s5, s22  }
0x90: {  	[spmem:s5] =	stream.linear.scatter [tilespmem:s2], [sflag:$0x3], $0x80, $0x38;
	[tilespmem:$0x1D380] =	vst v63  }
0x91: {  	s0 =	sadd.s32 $0x200, s0;
	s2 =	sadd.s32 $0x400, s2  }
0x92: {  	s0 =	simm.s32 $0x0;
	s2 =	simm.s32 $0xC580;
	s5 =	simm.s32 $0x0  }
.LBB2_32:
0x93: {  	p1 =	sne.s32 s5, $0x5A00  }
.Ltmp11:
0x94: {  	_ = 	snop;
	(pc) =	sbr.rel @p1 .LBB2_32-.Ltmp11, $4  }
0x95: {  	s9 =	sshra.s32 s5, $0x2  }
0x96: {  	s9 =	sadd.s32 s9, s23  }
0x97: {  	[spmem:s9] =	stream.linear.scatter [tilespmem:s2], [sflag:$0x3], $0x80, $0x38;
	[tilespmem:$0x1D380] =	vst v63  }
0x98: {  	s5 =	sadd.s32 $0x200, s5;
	s2 =	sadd.s32 $0x400, s2  }
0x99: {  	s2 =	simm.s32 $0xC600  }
.LBB2_34:
0x9a: {  	p1 =	sne.s32 s0, $0x5A00  }
.Ltmp12:
0x9b: {  	_ = 	snop;
	(pc) =	sbr.rel @p1 .LBB2_34-.Ltmp12, $4  }
0x9c: {  	s5 =	sshra.s32 s0, $0x2  }
0x9d: {  	s5 =	sadd.s32 s5, s26  }
0x9e: {  	[spmem:s5] =	stream.linear.scatter [tilespmem:s2], [sflag:$0x3], $0x80, $0x38;
	[tilespmem:$0x1D380] =	vst v63  }
0x9f: {  	s0 =	sadd.s32 $0x200, s0;
	s2 =	sadd.s32 $0x400, s2  }
0xa0: {  	s0 =	simm.s32 $0x0;
	s2 =	simm.s32 $0xC680  }
.LBB2_36:
0xa1: {  	p1 =	sne.s32 s0, $0x5A00  }
.Ltmp13:
0xa2: {  	_ = 	snop;
	(pc) =	sbr.rel @p1 .LBB2_36-.Ltmp13, $4  }
0xa3: {  	s5 =	sshra.s32 s0, $0x2  }
0xa4: {  	s5 =	sadd.s32 s5, s28  }
0xa5: {  	[spmem:s5] =	stream.linear.scatter [tilespmem:s2], [sflag:$0x3], $0x80, $0x38;
	[tilespmem:$0x1D380] =	vst v63  }
0xa6: {  	s0 =	sadd.s32 $0x200, s0;
	s2 =	sadd.s32 $0x400, s2  }
0xa7: {  	s0 =	simm.s32 $0xC700;
	s2 =	sadd.s32 $0x0, s29  }
0xa8: {  	[spmem:s2] =	stream.linear.scatter [tilespmem:s0], [sflag:$0x3], $0x80, $0x38;
	[tilespmem:$0x1D380] =	vst v63  }
0xa9: {  	s2 =	simm.s32 $0x200  }
.LBB2_38:
0xaa: {  	p1 =	sne.s32 s2, $0x5A00  }
.Ltmp14:
0xab: {  	_ = 	snop;
	(pc) =	sbr.rel @p1 .LBB2_38-.Ltmp14, $4  }
0xac: {  	_ = 	snop  }
0xad: {  	s5 =	sshra.s32 s2, $0x2;
	s2 =	sadd.s32 $0x200, s2  }
0xae: {  	s0 =	sadd.s32 $0x400, s0;
	s5 =	sadd.s32 s5, s29  }
0xaf: {  	[spmem:s5] =	stream.linear.scatter [tilespmem:s0], [sflag:$0x3], $0x80, $0x38;
	[tilespmem:$0x1D380] =	vst v63  }
0xb0: {  	s0 =	rddreg [dreg:$0xc];
	s2 =	simm.s32 $0x17B80  }
0xb1: {  	[spmem:s0] =	stream.linear.scatter [tilespmem:s2], [sflag:$0x3], $0x80, $0x38;
	[tilespmem:$0x1D380] =	vst v63  }
0xb2: {  	s7 =	rddreg [dreg:$0xd];
	s9 =	simm.s32 $0x17C00  }
0xb3: {  	[spmem:s7] =	stream.linear.scatter [tilespmem:s9], [sflag:$0x3], $0x80, $0x38;
	[tilespmem:$0x1D380] =	vst v63  }
0xb4: {  	s24 =	rddreg [dreg:$0xe];
	s25 =	simm.s32 $0x17C80  }
0xb5: {  	[spmem:s24] =	stream.linear.scatter [tilespmem:s25], [sflag:$0x3], $0x80, $0x38;
	[tilespmem:$0x1D380] =	vst v63  }
0xb6: {  	s30 =	rddreg [dreg:$0xf];
	s31 =	simm.s32 $0x17D00  }
0xb7: {  	[spmem:s30] =	stream.linear.scatter [tilespmem:s31], [sflag:$0x3], $0x80, $0x38;
	[tilespmem:$0x1D380] =	vst v63  }
0xb8: {  	s5 =	simm.s32 $0x17D80;
	s2 =	rddreg [dreg:$0x10]  }
0xb9: {  	[spmem:s2] =	stream.linear.scatter [tilespmem:s5], [sflag:$0x3], $0x80, $0x38;
	[tilespmem:$0x1D380] =	vst v63  }
0xba: {  	s7 =	rddreg [dreg:$0x11];
	s9 =	simm.s32 $0x17E00  }
0xbb: {  	[spmem:s7] =	stream.linear.scatter [tilespmem:s9], [sflag:$0x3], $0x80, $0x38;
	[tilespmem:$0x1D380] =	vst v63  }
0xbc: {  	s24 =	rddreg [dreg:$0x12];
	s25 =	simm.s32 $0x17E80  }
0xbd: {  	[spmem:s24] =	stream.linear.scatter [tilespmem:s25], [sflag:$0x3], $0x80, $0x38;
	[tilespmem:$0x1D380] =	vst v63  }
0xbe: {  	s30 =	rddreg [dreg:$0x13];
	s31 =	simm.s32 $0x17F00  }
0xbf: {  	[spmem:s30] =	stream.linear.scatter [tilespmem:s31], [sflag:$0x3], $0x80, $0x38;
	[tilespmem:$0x1D380] =	vst v63  }
0xc0: {  	_ =	swait.ge [sflag:s6], $0x1700  }
0xc1: {  	[sflag:s6] =	ssyncset.done $0x0  }
0xc2: {  	[sflag:s6] =	ssyncadd.s32 $0xFFFFE900  }
0xc3: {  	_ =	swait.ge [sflag:s6], $0x1700  }
0xc4: {  	[sflag:s6] =	ssyncset.done $0x0  }
0xc5: {  	[sflag:s6] =	ssyncadd.s32 $0xFFFFE900  }
0xc6: {  	_ =	swait.ge [sflag:s6], $0x1700  }
0xc7: {  	[sflag:s6] =	ssyncset.done $0x0  }
0xc8: {  	[sflag:s6] =	ssyncadd.s32 $0xFFFFE900  }
0xc9: {  	_ =	swait.ge [sflag:s6], $0x1700  }
0xca: {  	[sflag:s6] =	ssyncset.done $0x0  }
0xcb: {  	[sflag:s6] =	ssyncadd.s32 $0xFFFFE900  }
0xcc: {  	_ =	swait.ge [sflag:s6], $0x1700  }
0xcd: {  	[sflag:s6] =	ssyncset.done $0x0  }
0xce: {  	[sflag:s6] =	ssyncadd.s32 $0xFFFFE900  }
0xcf: {  	_ =	swait.ge [sflag:s6], $0x1700  }
0xd0: {  	[sflag:s6] =	ssyncset.done $0x0  }
0xd1: {  	[sflag:s6] =	ssyncadd.s32 $0xFFFFE900  }
0xd2: {  	_ =	swait.ge [sflag:s6], $0x1700  }
0xd3: {  	[sflag:s6] =	ssyncset.done $0x0  }
0xd4: {  	[sflag:s6] =	ssyncadd.s32 $0xFFFFE900  }
0xd5: {  	_ =	swait.ge [sflag:s6], $0x1700  }
0xd6: {  	[sflag:s6] =	ssyncset.done $0x0  }
0xd7: {  	[sflag:s6] =	ssyncadd.s32 $0xFFFFE900  }
0xd8: {  	_ =	swait.ge [sflag:s6], $0x80  }
0xd9: {  	[sflag:s6] =	ssyncset.done $0x0  }
0xda: {  	[sflag:s6] =	ssyncadd.s32 $0xFFFFFF80  }
0xdb: {  	_ =	swait.ge [sflag:s6], $0x80  }
0xdc: {  	[sflag:s6] =	ssyncset.done $0x0  }
0xdd: {  	[sflag:s6] =	ssyncadd.s32 $0xFFFFFF80  }
0xde: {  	_ =	swait.ge [sflag:s6], $0x80  }
0xdf: {  	[sflag:s6] =	ssyncset.done $0x0  }
0xe0: {  	[sflag:s6] =	ssyncadd.s32 $0xFFFFFF80  }
0xe1: {  	_ =	swait.ge [sflag:s6], $0x80  }
0xe2: {  	[sflag:s6] =	ssyncset.done $0x0  }
0xe3: {  	[sflag:s6] =	ssyncadd.s32 $0xFFFFFF80  }
0xe4: {  	_ =	swait.ge [sflag:s6], $0x80  }
0xe5: {  	[sflag:s6] =	ssyncset.done $0x0  }
0xe6: {  	[sflag:s6] =	ssyncadd.s32 $0xFFFFFF80  }
0xe7: {  	_ =	swait.ge [sflag:s6], $0x80  }
0xe8: {  	[sflag:s6] =	ssyncset.done $0x0  }
0xe9: {  	[sflag:s6] =	ssyncadd.s32 $0xFFFFFF80  }
0xea: {  	_ =	swait.ge [sflag:s6], $0x80  }
.Ltmp15:
0xeb: {  	[sflag:s6] =	ssyncset.done $0x0;
	(pc) =	sbr.rel .LBB2_40-.Ltmp15, $4  }
0xec: {  	[sflag:s6] =	ssyncadd.s32 $0xFFFFFF80  }
0xed: {  	_ =	swait.ge [sflag:s6], $0x80  }
0xee: {  	[sflag:s6] =	ssyncset.done $0x0  }
0xef: {  	[sflag:s6] =	ssyncadd.s32 $0xFFFFFF80  }
.LBB2_6:
0xf0: {  	s30 =	rddreg [dreg:$0x9]  }
0xf1: {  	s2 =	smov.u32 s0;
	s0 =	sadd.s32 s30, s3  }
0xf2: {  	s31 =	simm.s32 $0x5;
	s0 =	sshrl.u32 s0, $0x3  }
0xf3: {  	s5 =	sadd.s32 s2, s0;
	s0 =	simm.s32 $0x0;
	s2 =	simm.s32 $0xC380  }
0xf4: {  	[tilespmem:s2], [sflag:$0x5] =	stream.linear.gather [hbm4b:s5+s0], $0xC400, $0x38;
	[tilespmem:$0x1D380] =	vst v63  }
0xf5: {  	_ =	swait.ge [sflag:s31], $0xC400  }
0xf6: {  	[sflag:s31] =	ssyncset.done $0x0  }
0xf7: {  	s5 =	simm.s32 $0x0;
	[sflag:s31] =	ssyncadd.s32 $0xFFFF3C00  }
.LBB2_7:
0xf8: {  	p1 =	sne.s32 s5, $0x6000  }
.Ltmp16:
0xf9: {  	_ = 	snop;
	(pc) =	sbr.rel @p1 .LBB2_7-.Ltmp16, $4  }
0xfa: {  	s9 =	sshra.s32 s5, $0x2  }
0xfb: {  	s9 =	sadd.s32 s9, s10  }
0xfc: {  	[spmem:s9] =	stream.linear.scatter [tilespmem:s2], [sflag:$0x3], $0x80, $0x38;
	[tilespmem:$0x1D380] =	vst v63  }
0xfd: {  	s5 =	sadd.s32 $0x200, s5;
	s2 =	sadd.s32 $0x400, s2  }
0xfe: {  	s2 =	simm.s32 $0xC400  }
.LBB2_9:
0xff: {  	p1 =	sne.s32 s0, $0x6000  }
.Ltmp17:
0x100: {  	_ = 	snop;
	(pc) =	sbr.rel @p1 .LBB2_9-.Ltmp17, $4  }
0x101: {  	s5 =	sshra.s32 s0, $0x2  }
0x102: {  	s5 =	sadd.s32 s5, s12  }
0x103: {  	[spmem:s5] =	stream.linear.scatter [tilespmem:s2], [sflag:$0x3], $0x80, $0x38;
	[tilespmem:$0x1D380] =	vst v63  }
0x104: {  	s0 =	sadd.s32 $0x200, s0;
	s2 =	sadd.s32 $0x400, s2  }
0x105: {  	s0 =	simm.s32 $0x0;
	s2 =	simm.s32 $0xC480;
	s5 =	simm.s32 $0x0  }
.LBB2_11:
0x106: {  	p1 =	sne.s32 s5, $0x6000  }
.Ltmp18:
0x107: {  	_ = 	snop;
	(pc) =	sbr.rel @p1 .LBB2_11-.Ltmp18, $4  }
0x108: {  	s9 =	sshra.s32 s5, $0x2  }
0x109: {  	s9 =	sadd.s32 s9, s13  }
0x10a: {  	[spmem:s9] =	stream.linear.scatter [tilespmem:s2], [sflag:$0x3], $0x80, $0x38;
	[tilespmem:$0x1D380] =	vst v63  }
0x10b: {  	s5 =	sadd.s32 $0x200, s5;
	s2 =	sadd.s32 $0x400, s2  }
0x10c: {  	s2 =	simm.s32 $0xC500  }
.LBB2_13:
0x10d: {  	p1 =	sne.s32 s0, $0x6000  }
.Ltmp19:
0x10e: {  	_ = 	snop;
	(pc) =	sbr.rel @p1 .LBB2_13-.Ltmp19, $4  }
0x10f: {  	s5 =	sshra.s32 s0, $0x2  }
0x110: {  	s5 =	sadd.s32 s5, s14  }
0x111: {  	[spmem:s5] =	stream.linear.scatter [tilespmem:s2], [sflag:$0x3], $0x80, $0x38;
	[tilespmem:$0x1D380] =	vst v63  }
0x112: {  	s0 =	sadd.s32 $0x200, s0;
	s2 =	sadd.s32 $0x400, s2  }
0x113: {  	s0 =	simm.s32 $0x0;
	s2 =	simm.s32 $0xC580;
	s5 =	simm.s32 $0x0  }
.LBB2_15:
0x114: {  	p1 =	sne.s32 s5, $0x6000  }
.Ltmp20:
0x115: {  	_ = 	snop;
	(pc) =	sbr.rel @p1 .LBB2_15-.Ltmp20, $4  }
0x116: {  	s9 =	sshra.s32 s5, $0x2  }
0x117: {  	s9 =	sadd.s32 s9, s15  }
0x118: {  	[spmem:s9] =	stream.linear.scatter [tilespmem:s2], [sflag:$0x3], $0x80, $0x38;
	[tilespmem:$0x1D380] =	vst v63  }
0x119: {  	s5 =	sadd.s32 $0x200, s5;
	s2 =	sadd.s32 $0x400, s2  }
0x11a: {  	s2 =	simm.s32 $0xC600  }
.LBB2_17:
0x11b: {  	p1 =	sne.s32 s0, $0x6000  }
.Ltmp21:
0x11c: {  	_ = 	snop;
	(pc) =	sbr.rel @p1 .LBB2_17-.Ltmp21, $4  }
0x11d: {  	s5 =	sshra.s32 s0, $0x2  }
0x11e: {  	s5 =	sadd.s32 s5, s16  }
0x11f: {  	[spmem:s5] =	stream.linear.scatter [tilespmem:s2], [sflag:$0x3], $0x80, $0x38;
	[tilespmem:$0x1D380] =	vst v63  }
0x120: {  	s0 =	sadd.s32 $0x200, s0;
	s2 =	sadd.s32 $0x400, s2  }
0x121: {  	s0 =	simm.s32 $0x0;
	s2 =	simm.s32 $0xC680  }
.LBB2_19:
0x122: {  	p1 =	sne.s32 s0, $0x6000  }
.Ltmp22:
0x123: {  	_ = 	snop;
	(pc) =	sbr.rel @p1 .LBB2_19-.Ltmp22, $4  }
0x124: {  	s5 =	sshra.s32 s0, $0x2  }
0x125: {  	s5 =	sadd.s32 s5, s17  }
0x126: {  	[spmem:s5] =	stream.linear.scatter [tilespmem:s2], [sflag:$0x3], $0x80, $0x38;
	[tilespmem:$0x1D380] =	vst v63  }
0x127: {  	s0 =	sadd.s32 $0x200, s0;
	s2 =	sadd.s32 $0x400, s2  }
0x128: {  	s0 =	simm.s32 $0xC700;
	s2 =	sadd.s32 $0x0, s18  }
0x129: {  	[spmem:s2] =	stream.linear.scatter [tilespmem:s0], [sflag:$0x3], $0x80, $0x38;
	[tilespmem:$0x1D380] =	vst v63  }
0x12a: {  	s2 =	simm.s32 $0x200  }
.LBB2_21:
0x12b: {  	p1 =	sne.s32 s2, $0x6000  }
.Ltmp23:
0x12c: {  	_ = 	snop;
	(pc) =	sbr.rel @p1 .LBB2_21-.Ltmp23, $4  }
0x12d: {  	_ = 	snop  }
0x12e: {  	s5 =	sshra.s32 s2, $0x2;
	s2 =	sadd.s32 $0x200, s2  }
0x12f: {  	s0 =	sadd.s32 $0x400, s0;
	s5 =	sadd.s32 s5, s18  }
0x130: {  	[spmem:s5] =	stream.linear.scatter [tilespmem:s0], [sflag:$0x3], $0x80, $0x38;
	[tilespmem:$0x1D380] =	vst v63  }
0x131: {  	_ =	swait.ge [sflag:s6], $0x1880  }
0x132: {  	[sflag:s6] =	ssyncset.done $0x0  }
0x133: {  	[sflag:s6] =	ssyncadd.s32 $0xFFFFE780  }
0x134: {  	_ =	swait.ge [sflag:s6], $0x1880  }
0x135: {  	[sflag:s6] =	ssyncset.done $0x0  }
0x136: {  	[sflag:s6] =	ssyncadd.s32 $0xFFFFE780  }
0x137: {  	_ =	swait.ge [sflag:s6], $0x1880  }
0x138: {  	[sflag:s6] =	ssyncset.done $0x0  }
0x139: {  	[sflag:s6] =	ssyncadd.s32 $0xFFFFE780  }
0x13a: {  	_ =	swait.ge [sflag:s6], $0x1880  }
0x13b: {  	[sflag:s6] =	ssyncset.done $0x0  }
0x13c: {  	[sflag:s6] =	ssyncadd.s32 $0xFFFFE780  }
0x13d: {  	_ =	swait.ge [sflag:s6], $0x1880  }
0x13e: {  	[sflag:s6] =	ssyncset.done $0x0  }
0x13f: {  	[sflag:s6] =	ssyncadd.s32 $0xFFFFE780  }
0x140: {  	_ =	swait.ge [sflag:s6], $0x1880  }
0x141: {  	[sflag:s6] =	ssyncset.done $0x0  }
0x142: {  	[sflag:s6] =	ssyncadd.s32 $0xFFFFE780  }
0x143: {  	_ =	swait.ge [sflag:s6], $0x1880  }
0x144: {  	[sflag:s6] =	ssyncset.done $0x0  }
0x145: {  	[sflag:s6] =	ssyncadd.s32 $0xFFFFE780  }
0x146: {  	_ =	swait.ge [sflag:s6], $0x1880  }
0x147: {  	[sflag:s6] =	ssyncset.done $0x0  }
0x148: {  	[sflag:s6] =	ssyncadd.s32 $0xFFFFE780  }
.LBB2_40:
0x149: {  	p1 =	slt.s32 s8, $0x1  }
0x14a: {  	[bflag:$0x0] =	sbarrier.arrive $0xFFFF;
	s0 =	simm.s32 @!p1 $0x4  }
0x14b: {  	_ =	swait.ge @!p1 [sflag:s0], $0x2000  }
0x14c: {  	[sflag:s0] =	ssyncset.done @!p1 $0x0  }
0x14d: {  	s2 =	simm.s32 $0x400;
	[sflag:s0] =	ssyncadd.s32 @!p1 $0xFFFFE000  }
0x14e: {  	s5 =	simm.s32 $0x1A780;
	s7 =	simm.s32 $0x1CB80;
	s0 =	rddreg [dreg:$0x4]  }
0x14f: {  	[tilespmem:s7], [sflag:$0x1] =	stream.indirect.gather [spmem:s0], $0x1, s5, s2, $0xb8;
	[tilespmem:$0x1D380] =	vst v63  }
0x150: {  	_ =	swait.ge [sflag:s4], $0x400  }
0x151: {  	[sflag:s4] =	ssyncset.done $0x0  }
0x152: {  	s0 =	simm.s32 $0x0;
	[sflag:s4] =	ssyncadd.s32 $0xFFFFFC00  }
0x153: {  	v2 =	vld [tilespmem:s0+$0x1A780]  }
0x154: {  	v1 =	vld [tilespmem:s0+$0x1A790]  }
0x155: {  	s2 =	simm.s32 $0x100;
	v0 =	vld [tilespmem:s0+$0x1A7A0]  }
.LBB2_41:
0x156: {  	p1 =	sne.s32 s2, $0xF00;
	v3 =	vld [tilespmem:s0+$0x1A7B0];
	_ =	sdelay $0x1  }
.Ltmp24:
0x157: {  	v2 =	vadd.s32 $0x18700, v2;
	(pc) =	sbr.rel @p1 .LBB2_41-.Ltmp24, $4  }
0x158: {  	s5 =	sshra.s32 s2, $0x2;
	[tilespmem:s0+$0x1A780] =	vst v2;
	v1 =	vadd.s32 $0x18700, v1  }
0x159: {  	v2 =	vld [tilespmem:s5+$0x1A780];
	[tilespmem:s0+$0x1A790] =	vst v1;
	v0 =	vadd.s32 $0x18700, v0  }
0x15a: {  	v1 =	vld [tilespmem:s5+$0x1A790];
	[tilespmem:s0+$0x1A7A0] =	vst v0;
	v3 =	vadd.s32 $0x18700, v3  }
0x15b: {  	s2 =	sadd.s32 $0x100, s2;
	v0 =	vld [tilespmem:s5+$0x1A7A0];
	[tilespmem:s0+$0x1A7B0] =	vst v3;
	s0 =	smov.u32 s5  }
0x15c: {  	v3 =	vld [tilespmem:s0+$0x1A7B0];
	_ =	sdelay $0x1  }
0x15d: {  	v2 =	vadd.s32 $0x18700, v2  }
0x15e: {  	[tilespmem:s0+$0x1A780] =	vst v2;
	v1 =	vadd.s32 $0x18700, v1  }
0x15f: {  	[tilespmem:s0+$0x1A790] =	vst v1;
	v0 =	vadd.s32 $0x18700, v0  }
0x160: {  	s9 =	rddreg [dreg:$0x4];
	s2 =	simm.s32 $0x400;
	[tilespmem:s0+$0x1A7A0] =	vst v0;
	v0 =	vadd.s32 $0x18700, v3  }
0x161: {  	s5 =	simm.s32 $0x1A780;
	s7 =	simm.s32 $0x1CF80;
	s24 =	simm.s32 $0x1CB80;
	[tilespmem:s0+$0x1A7B0] =	vst v0  }
0x162: {  	[tilespmem:s7], [sflag:$0x2] =	stream.indirect.gather [spmem:s9], $0x1, s5, s2, $0xb8;
	[tilespmem:$0x1D380] =	vst v63  }
0x163: {  	v0 =	vld [tilespmem:s24+$0x0]  }
0x164: {  	s2 =	simm.s32 $0x0  }
0x165: {  	s25 =	sand.u32 $0x1C00, s2  }
0x166: {  	s5 =	sand.u32 $0x40, s2;
	s9 =	sand.u32 $0x380, s2;
	s0 =	sadd.s32 $0x1AB80, s25  }
0x167: {  	s25 =	sor.u32 $0x10, s5;
	s9 =	sadd.s32 $0x1CB80, s9;
	s24 =	sor.u32 s5, s0  }
0x168: {  	s30 =	sor.u32 s25, s9;
	[tilespmem:s24+$0x0] =	vst v0  }
0x169: {  	v0 =	vld [tilespmem:s30+$0x0];
	_ =	sdelay $0x3  }
0x16a: {  	s7 =	sor.u32 $0x20, s5;
	s31 =	sor.u32 s25, s0  }
0x16b: {  	s30 =	sor.u32 s7, s9;
	[tilespmem:s31+$0x0] =	vst v0  }
0x16c: {  	v0 =	vld [tilespmem:s30+$0x0];
	_ =	sdelay $0x3  }
0x16d: {  	s5 =	sor.u32 $0x30, s5;
	s31 =	sor.u32 s7, s0  }
0x16e: {  	s9 =	sor.u32 s5, s9;
	[tilespmem:s31+$0x0] =	vst v0  }
0x16f: {  	v0 =	vld [tilespmem:s9+$0x0];
	_ =	sdelay $0x3  }
0x170: {  	s0 =	sor.u32 s5, s0  }
0x171: {  	s9 =	simm.s32 $0x1CBC0;
	[tilespmem:s0+$0x0] =	vst v0  }
0x172: {  	s25 =	simm.s32 $0x40;
	s0 =	simm.s32 $0x80;
	v0 =	vld [tilespmem:s9+$0x0]  }
.LBB2_43:
0x173: {  	p1 =	sne.s32 s0, $0x3C0;
	s2 =	sadd.s32 $0x200, s2  }
0x174: {  	s5 =	sand.u32 $0x1C00, s2  }
0x175: {  	s24 =	sand.u32 $0x40, s25;
	s25 =	sand.u32 $0x380, s25;
	s5 =	sadd.s32 $0x1AB80, s5  }
0x176: {  	s31 =	sor.u32 $0x10, s24;
	s7 =	sadd.s32 $0x1CB80, s25;
	s30 =	sor.u32 s24, s5  }
0x177: {  	s25 =	smov.u32 s0;
	[tilespmem:s30+$0x0] =	vst v0;
	s30 =	sor.u32 s31, s7  }
0x178: {  	v0 =	vld [tilespmem:s30+$0x0];
	_ =	sdelay $0x3  }
0x179: {  	s30 =	sor.u32 s31, s5;
	s31 =	sor.u32 $0x20, s24  }
0x17a: {  	[tilespmem:s30+$0x0] =	vst v0;
	s30 =	sor.u32 s31, s7  }
0x17b: {  	v0 =	vld [tilespmem:s30+$0x0];
	_ =	sdelay $0x3  }
0x17c: {  	s24 =	sor.u32 $0x30, s24;
	s30 =	sor.u32 s31, s5  }
0x17d: {  	s7 =	sor.u32 s24, s7;
	[tilespmem:s30+$0x0] =	vst v0  }
0x17e: {  	v0 =	vld [tilespmem:s7+$0x0];
	_ =	sdelay $0x1  }
.Ltmp25:
0x17f: {  	(pc) =	sbr.rel @p1 .LBB2_43-.Ltmp25, $4  }
0x180: {  	_ = 	snop  }
0x181: {  	s5 =	sor.u32 s24, s5  }
0x182: {  	s9 =	sadd.s32 $0x40, s9;
	[tilespmem:s5+$0x0] =	vst v0  }
0x183: {  	s0 =	sadd.s32 $0x40, s0;
	v0 =	vld [tilespmem:s9+$0x0]  }
0x184: {  	s0 =	sadd.s32 $0x200, s2  }
0x185: {  	s0 =	sand.u32 $0x1C00, s0  }
0x186: {  	s2 =	sand.u32 $0x40, s25;
	s5 =	sand.u32 $0x380, s25;
	s0 =	sadd.s32 $0x1AB80, s0  }
0x187: {  	s9 =	sor.u32 $0x10, s2;
	s5 =	sadd.s32 $0x1CB80, s5;
	s7 =	sor.u32 s2, s0  }
0x188: {  	s31 =	sor.u32 s9, s5;
	[tilespmem:s7+$0x0] =	vst v0  }
0x189: {  	v0 =	vld [tilespmem:s31+$0x0];
	_ =	sdelay $0x3  }
0x18a: {  	s25 =	sor.u32 $0x20, s2;
	s24 =	sor.u32 s9, s0  }
0x18b: {  	s30 =	sor.u32 s25, s5;
	[tilespmem:s24+$0x0] =	vst v0  }
0x18c: {  	v0 =	vld [tilespmem:s30+$0x0];
	_ =	sdelay $0x3  }
0x18d: {  	s2 =	sor.u32 $0x30, s2;
	s31 =	sor.u32 s25, s0  }
0x18e: {  	s5 =	sor.u32 s2, s5;
	[tilespmem:s31+$0x0] =	vst v0  }
0x18f: {  	v0 =	vld [tilespmem:s5+$0x0];
	_ =	sdelay $0x3  }
0x190: {  	s0 =	sor.u32 s2, s0  }
0x191: {  	[tilespmem:s0+$0x0] =	vst v0  }
0x192: {  	_ =	swait.ge [sflag:s1], $0x400  }
0x193: {  	[sflag:s1] =	ssyncset.done $0x0  }
0x194: {  	s0 =	simm.s32 $0x0;
	[sflag:s1] =	ssyncadd.s32 $0xFFFFFC00  }
0x195: {  	v2 =	vld [tilespmem:s0+$0x1A780]  }
0x196: {  	v1 =	vld [tilespmem:s0+$0x1A790]  }
0x197: {  	s2 =	simm.s32 $0x100;
	v0 =	vld [tilespmem:s0+$0x1A7A0]  }
.LBB2_45:
0x198: {  	p1 =	sne.s32 s2, $0xF00;
	v3 =	vld [tilespmem:s0+$0x1A7B0];
	_ =	sdelay $0x1  }
.Ltmp26:
0x199: {  	v2 =	vadd.s32 $0x18700, v2;
	(pc) =	sbr.rel @p1 .LBB2_45-.Ltmp26, $4  }
0x19a: {  	s5 =	sshra.s32 s2, $0x2;
	[tilespmem:s0+$0x1A780] =	vst v2;
	v1 =	vadd.s32 $0x18700, v1  }
0x19b: {  	v2 =	vld [tilespmem:s5+$0x1A780];
	[tilespmem:s0+$0x1A790] =	vst v1;
	v0 =	vadd.s32 $0x18700, v0  }
0x19c: {  	v1 =	vld [tilespmem:s5+$0x1A790];
	[tilespmem:s0+$0x1A7A0] =	vst v0;
	v3 =	vadd.s32 $0x18700, v3  }
0x19d: {  	s2 =	sadd.s32 $0x100, s2;
	v0 =	vld [tilespmem:s5+$0x1A7A0];
	[tilespmem:s0+$0x1A7B0] =	vst v3;
	s0 =	smov.u32 s5  }
0x19e: {  	v3 =	vld [tilespmem:s0+$0x1A7B0];
	_ =	sdelay $0x1  }
0x19f: {  	v2 =	vadd.s32 $0x18700, v2  }
0x1a0: {  	[tilespmem:s0+$0x1A780] =	vst v2;
	v1 =	vadd.s32 $0x18700, v1  }
0x1a1: {  	[tilespmem:s0+$0x1A790] =	vst v1;
	v0 =	vadd.s32 $0x18700, v0  }
0x1a2: {  	s9 =	rddreg [dreg:$0x4];
	s2 =	simm.s32 $0x400;
	[tilespmem:s0+$0x1A7A0] =	vst v0;
	v0 =	vadd.s32 $0x18700, v3  }
0x1a3: {  	s5 =	simm.s32 $0x1A780;
	s7 =	simm.s32 $0x1CB80;
	s24 =	simm.s32 $0x1CF80;
	[tilespmem:s0+$0x1A7B0] =	vst v0  }
0x1a4: {  	[tilespmem:s7], [sflag:$0x1] =	stream.indirect.gather [spmem:s9], $0x1, s5, s2, $0xb8;
	[tilespmem:$0x1D380] =	vst v63  }
0x1a5: {  	v0 =	vld [tilespmem:s24+$0x0]  }
0x1a6: {  	s2 =	simm.s32 $0x0  }
0x1a7: {  	s25 =	sand.u32 $0x1C00, s2  }
0x1a8: {  	s5 =	sand.u32 $0x40, s2;
	s30 =	sand.u32 $0x380, s2;
	s0 =	sadd.s32 $0x1AB80, s25  }
0x1a9: {  	s24 =	sor.u32 $0x10, s5;
	s7 =	sadd.s32 $0x1CF80, s30;
	s9 =	sor.u32 s5, s0  }
0x1aa: {  	s31 =	sor.u32 s24, s7;
	[tilespmem:s9+$0x80] =	vst v0  }
0x1ab: {  	v0 =	vld [tilespmem:s31+$0x0];
	_ =	sdelay $0x3  }
0x1ac: {  	s25 =	sor.u32 $0x20, s5;
	s24 =	sor.u32 s24, s0  }
0x1ad: {  	s30 =	sor.u32 s25, s7;
	[tilespmem:s24+$0x80] =	vst v0  }
0x1ae: {  	v0 =	vld [tilespmem:s30+$0x0];
	_ =	sdelay $0x3  }
0x1af: {  	s5 =	sor.u32 $0x30, s5;
	s31 =	sor.u32 s25, s0  }
0x1b0: {  	s7 =	sor.u32 s5, s7;
	[tilespmem:s31+$0x80] =	vst v0  }
0x1b1: {  	v0 =	vld [tilespmem:s7+$0x0];
	_ =	sdelay $0x3  }
0x1b2: {  	s0 =	sor.u32 s5, s0  }
0x1b3: {  	s9 =	simm.s32 $0x1CFC0;
	[tilespmem:s0+$0x80] =	vst v0  }
0x1b4: {  	s25 =	simm.s32 $0x40;
	s0 =	simm.s32 $0x80;
	v0 =	vld [tilespmem:s9+$0x0]  }
.LBB2_47:
0x1b5: {  	p1 =	sne.s32 s0, $0x3C0;
	s2 =	sadd.s32 $0x200, s2  }
0x1b6: {  	s5 =	sand.u32 $0x1C00, s2  }
0x1b7: {  	s7 =	sand.u32 $0x40, s25;
	s24 =	sand.u32 $0x380, s25;
	s5 =	sadd.s32 $0x1AB80, s5  }
0x1b8: {  	s30 =	sor.u32 $0x10, s7;
	s24 =	sadd.s32 $0x1CF80, s24;
	s25 =	sor.u32 s7, s5  }
0x1b9: {  	s31 =	sor.u32 s30, s24;
	[tilespmem:s25+$0x80] =	vst v0;
	s25 =	smov.u32 s0  }
0x1ba: {  	v0 =	vld [tilespmem:s31+$0x0];
	_ =	sdelay $0x3  }
0x1bb: {  	s30 =	sor.u32 s30, s5;
	s31 =	sor.u32 $0x20, s7  }
0x1bc: {  	[tilespmem:s30+$0x80] =	vst v0;
	s30 =	sor.u32 s31, s24  }
0x1bd: {  	v0 =	vld [tilespmem:s30+$0x0];
	_ =	sdelay $0x3  }
0x1be: {  	s7 =	sor.u32 $0x30, s7;
	s30 =	sor.u32 s31, s5  }
0x1bf: {  	s24 =	sor.u32 s7, s24;
	[tilespmem:s30+$0x80] =	vst v0  }
0x1c0: {  	v0 =	vld [tilespmem:s24+$0x0];
	_ =	sdelay $0x1  }
.Ltmp27:
0x1c1: {  	(pc) =	sbr.rel @p1 .LBB2_47-.Ltmp27, $4  }
0x1c2: {  	_ = 	snop  }
0x1c3: {  	s5 =	sor.u32 s7, s5  }
0x1c4: {  	s9 =	sadd.s32 $0x40, s9;
	[tilespmem:s5+$0x80] =	vst v0  }
0x1c5: {  	s0 =	sadd.s32 $0x40, s0;
	v0 =	vld [tilespmem:s9+$0x0]  }
0x1c6: {  	s0 =	sadd.s32 $0x200, s2  }
0x1c7: {  	s0 =	sand.u32 $0x1C00, s0  }
0x1c8: {  	s2 =	sand.u32 $0x40, s25;
	s5 =	sand.u32 $0x380, s25;
	s0 =	sadd.s32 $0x1AB80, s0  }
0x1c9: {  	s9 =	sor.u32 $0x10, s2;
	s5 =	sadd.s32 $0x1CF80, s5;
	s7 =	sor.u32 s2, s0  }
0x1ca: {  	s31 =	sor.u32 s9, s5;
	[tilespmem:s7+$0x80] =	vst v0  }
0x1cb: {  	v0 =	vld [tilespmem:s31+$0x0];
	_ =	sdelay $0x3  }
0x1cc: {  	s25 =	sor.u32 $0x20, s2;
	s24 =	sor.u32 s9, s0  }
0x1cd: {  	s30 =	sor.u32 s25, s5;
	[tilespmem:s24+$0x80] =	vst v0  }
0x1ce: {  	v0 =	vld [tilespmem:s30+$0x0];
	_ =	sdelay $0x3  }
0x1cf: {  	s2 =	sor.u32 $0x30, s2;
	s31 =	sor.u32 s25, s0  }
0x1d0: {  	s5 =	sor.u32 s2, s5;
	[tilespmem:s31+$0x80] =	vst v0  }
0x1d1: {  	v0 =	vld [tilespmem:s5+$0x0];
	_ =	sdelay $0x3  }
0x1d2: {  	s0 =	sor.u32 s2, s0  }
0x1d3: {  	[tilespmem:s0+$0x80] =	vst v0  }
0x1d4: {  	_ =	swait.ge [sflag:s4], $0x400  }
0x1d5: {  	[sflag:s4] =	ssyncset.done $0x0  }
0x1d6: {  	s0 =	simm.s32 $0x0;
	[sflag:s4] =	ssyncadd.s32 $0xFFFFFC00  }
0x1d7: {  	v2 =	vld [tilespmem:s0+$0x1A780]  }
0x1d8: {  	v1 =	vld [tilespmem:s0+$0x1A790]  }
0x1d9: {  	s2 =	simm.s32 $0x100;
	v0 =	vld [tilespmem:s0+$0x1A7A0]  }
.LBB2_49:
0x1da: {  	p1 =	sne.s32 s2, $0xF00;
	v3 =	vld [tilespmem:s0+$0x1A7B0];
	_ =	sdelay $0x1  }
.Ltmp28:
0x1db: {  	v2 =	vadd.s32 $0x18700, v2;
	(pc) =	sbr.rel @p1 .LBB2_49-.Ltmp28, $4  }
0x1dc: {  	s5 =	sshra.s32 s2, $0x2;
	[tilespmem:s0+$0x1A780] =	vst v2;
	v1 =	vadd.s32 $0x18700, v1  }
0x1dd: {  	v2 =	vld [tilespmem:s5+$0x1A780];
	[tilespmem:s0+$0x1A790] =	vst v1;
	v0 =	vadd.s32 $0x18700, v0  }
0x1de: {  	v1 =	vld [tilespmem:s5+$0x1A790];
	[tilespmem:s0+$0x1A7A0] =	vst v0;
	v3 =	vadd.s32 $0x18700, v3  }
0x1df: {  	s2 =	sadd.s32 $0x100, s2;
	v0 =	vld [tilespmem:s5+$0x1A7A0];
	[tilespmem:s0+$0x1A7B0] =	vst v3;
	s0 =	smov.u32 s5  }
0x1e0: {  	v3 =	vld [tilespmem:s0+$0x1A7B0];
	_ =	sdelay $0x1  }
0x1e1: {  	v2 =	vadd.s32 $0x18700, v2  }
0x1e2: {  	[tilespmem:s0+$0x1A780] =	vst v2;
	v1 =	vadd.s32 $0x18700, v1  }
0x1e3: {  	[tilespmem:s0+$0x1A790] =	vst v1;
	v0 =	vadd.s32 $0x18700, v0  }
0x1e4: {  	s9 =	rddreg [dreg:$0x4];
	s2 =	simm.s32 $0x400;
	[tilespmem:s0+$0x1A7A0] =	vst v0;
	v0 =	vadd.s32 $0x18700, v3  }
0x1e5: {  	s5 =	simm.s32 $0x1A780;
	s7 =	simm.s32 $0x1CF80;
	s24 =	simm.s32 $0x1CB80;
	[tilespmem:s0+$0x1A7B0] =	vst v0  }
0x1e6: {  	[tilespmem:s7], [sflag:$0x2] =	stream.indirect.gather [spmem:s9], $0x1, s5, s2, $0xb8;
	[tilespmem:$0x1D380] =	vst v63  }
0x1e7: {  	v0 =	vld [tilespmem:s24+$0x0]  }
0x1e8: {  	s2 =	simm.s32 $0x0  }
0x1e9: {  	s25 =	sand.u32 $0x1C00, s2  }
0x1ea: {  	s5 =	sand.u32 $0x40, s2;
	s30 =	sand.u32 $0x380, s2;
	s0 =	sadd.s32 $0x1AB80, s25  }
0x1eb: {  	s24 =	sor.u32 $0x10, s5;
	s7 =	sadd.s32 $0x1CB80, s30;
	s9 =	sor.u32 s5, s0  }
0x1ec: {  	s31 =	sor.u32 s24, s7;
	[tilespmem:s9+$0x100] =	vst v0  }
0x1ed: {  	v0 =	vld [tilespmem:s31+$0x0];
	_ =	sdelay $0x3  }
0x1ee: {  	s25 =	sor.u32 $0x20, s5;
	s24 =	sor.u32 s24, s0  }
0x1ef: {  	s30 =	sor.u32 s25, s7;
	[tilespmem:s24+$0x100] =	vst v0  }
0x1f0: {  	v0 =	vld [tilespmem:s30+$0x0];
	_ =	sdelay $0x3  }
0x1f1: {  	s5 =	sor.u32 $0x30, s5;
	s31 =	sor.u32 s25, s0  }
0x1f2: {  	s7 =	sor.u32 s5, s7;
	[tilespmem:s31+$0x100] =	vst v0  }
0x1f3: {  	v0 =	vld [tilespmem:s7+$0x0];
	_ =	sdelay $0x3  }
0x1f4: {  	s0 =	sor.u32 s5, s0  }
0x1f5: {  	s9 =	simm.s32 $0x1CBC0;
	[tilespmem:s0+$0x100] =	vst v0  }
0x1f6: {  	s25 =	simm.s32 $0x40;
	s0 =	simm.s32 $0x80;
	v0 =	vld [tilespmem:s9+$0x0]  }
.LBB2_51:
0x1f7: {  	p1 =	sne.s32 s0, $0x3C0;
	s2 =	sadd.s32 $0x200, s2  }
0x1f8: {  	s5 =	sand.u32 $0x1C00, s2  }
0x1f9: {  	s7 =	sand.u32 $0x40, s25;
	s24 =	sand.u32 $0x380, s25;
	s5 =	sadd.s32 $0x1AB80, s5  }
0x1fa: {  	s30 =	sor.u32 $0x10, s7;
	s24 =	sadd.s32 $0x1CB80, s24;
	s25 =	sor.u32 s7, s5  }
0x1fb: {  	s31 =	sor.u32 s30, s24;
	[tilespmem:s25+$0x100] =	vst v0;
	s25 =	smov.u32 s0  }
0x1fc: {  	v0 =	vld [tilespmem:s31+$0x0];
	_ =	sdelay $0x3  }
0x1fd: {  	s30 =	sor.u32 s30, s5;
	s31 =	sor.u32 $0x20, s7  }
0x1fe: {  	[tilespmem:s30+$0x100] =	vst v0;
	s30 =	sor.u32 s31, s24  }
0x1ff: {  	v0 =	vld [tilespmem:s30+$0x0];
	_ =	sdelay $0x3  }
0x200: {  	s7 =	sor.u32 $0x30, s7;
	s30 =	sor.u32 s31, s5  }
0x201: {  	s24 =	sor.u32 s7, s24;
	[tilespmem:s30+$0x100] =	vst v0  }
0x202: {  	v0 =	vld [tilespmem:s24+$0x0];
	_ =	sdelay $0x1  }
.Ltmp29:
0x203: {  	(pc) =	sbr.rel @p1 .LBB2_51-.Ltmp29, $4  }
0x204: {  	_ = 	snop  }
0x205: {  	s5 =	sor.u32 s7, s5  }
0x206: {  	s9 =	sadd.s32 $0x40, s9;
	[tilespmem:s5+$0x100] =	vst v0  }
0x207: {  	s0 =	sadd.s32 $0x40, s0;
	v0 =	vld [tilespmem:s9+$0x0]  }
0x208: {  	s0 =	sadd.s32 $0x200, s2  }
0x209: {  	s0 =	sand.u32 $0x1C00, s0  }
0x20a: {  	s2 =	sand.u32 $0x40, s25;
	s5 =	sand.u32 $0x380, s25;
	s0 =	sadd.s32 $0x1AB80, s0  }
0x20b: {  	s9 =	sor.u32 $0x10, s2;
	s5 =	sadd.s32 $0x1CB80, s5;
	s7 =	sor.u32 s2, s0  }
0x20c: {  	s31 =	sor.u32 s9, s5;
	[tilespmem:s7+$0x100] =	vst v0  }
0x20d: {  	v0 =	vld [tilespmem:s31+$0x0];
	_ =	sdelay $0x3  }
0x20e: {  	s25 =	sor.u32 $0x20, s2;
	s24 =	sor.u32 s9, s0  }
0x20f: {  	s30 =	sor.u32 s25, s5;
	[tilespmem:s24+$0x100] =	vst v0  }
0x210: {  	v0 =	vld [tilespmem:s30+$0x0];
	_ =	sdelay $0x3  }
0x211: {  	s2 =	sor.u32 $0x30, s2;
	s31 =	sor.u32 s25, s0  }
0x212: {  	s5 =	sor.u32 s2, s5;
	[tilespmem:s31+$0x100] =	vst v0  }
0x213: {  	v0 =	vld [tilespmem:s5+$0x0];
	_ =	sdelay $0x3  }
0x214: {  	s0 =	sor.u32 s2, s0  }
0x215: {  	[tilespmem:s0+$0x100] =	vst v0  }
0x216: {  	_ =	swait.ge [sflag:s1], $0x400  }
0x217: {  	[sflag:s1] =	ssyncset.done $0x0  }
0x218: {  	s0 =	simm.s32 $0x0;
	[sflag:s1] =	ssyncadd.s32 $0xFFFFFC00  }
0x219: {  	v2 =	vld [tilespmem:s0+$0x1A780]  }
0x21a: {  	v1 =	vld [tilespmem:s0+$0x1A790]  }
0x21b: {  	s2 =	simm.s32 $0x100;
	v0 =	vld [tilespmem:s0+$0x1A7A0]  }
.LBB2_53:
0x21c: {  	p1 =	sne.s32 s2, $0xF00;
	v3 =	vld [tilespmem:s0+$0x1A7B0];
	_ =	sdelay $0x1  }
.Ltmp30:
0x21d: {  	v2 =	vadd.s32 $0x18700, v2;
	(pc) =	sbr.rel @p1 .LBB2_53-.Ltmp30, $4  }
0x21e: {  	s5 =	sshra.s32 s2, $0x2;
	[tilespmem:s0+$0x1A780] =	vst v2;
	v1 =	vadd.s32 $0x18700, v1  }
0x21f: {  	v2 =	vld [tilespmem:s5+$0x1A780];
	[tilespmem:s0+$0x1A790] =	vst v1;
	v0 =	vadd.s32 $0x18700, v0  }
0x220: {  	v1 =	vld [tilespmem:s5+$0x1A790];
	[tilespmem:s0+$0x1A7A0] =	vst v0;
	v3 =	vadd.s32 $0x18700, v3  }
0x221: {  	s2 =	sadd.s32 $0x100, s2;
	v0 =	vld [tilespmem:s5+$0x1A7A0];
	[tilespmem:s0+$0x1A7B0] =	vst v3;
	s0 =	smov.u32 s5  }
0x222: {  	v3 =	vld [tilespmem:s0+$0x1A7B0];
	_ =	sdelay $0x1  }
0x223: {  	v2 =	vadd.s32 $0x18700, v2  }
0x224: {  	[tilespmem:s0+$0x1A780] =	vst v2;
	v1 =	vadd.s32 $0x18700, v1  }
0x225: {  	[tilespmem:s0+$0x1A790] =	vst v1;
	v0 =	vadd.s32 $0x18700, v0  }
0x226: {  	s9 =	rddreg [dreg:$0x4];
	s2 =	simm.s32 $0x400;
	[tilespmem:s0+$0x1A7A0] =	vst v0;
	v0 =	vadd.s32 $0x18700, v3  }
0x227: {  	s5 =	simm.s32 $0x1A780;
	s7 =	simm.s32 $0x1CB80;
	s24 =	simm.s32 $0x1CF80;
	[tilespmem:s0+$0x1A7B0] =	vst v0  }
0x228: {  	[tilespmem:s7], [sflag:$0x1] =	stream.indirect.gather [spmem:s9], $0x1, s5, s2, $0xb8;
	[tilespmem:$0x1D380] =	vst v63  }
0x229: {  	v0 =	vld [tilespmem:s24+$0x0]  }
0x22a: {  	s2 =	simm.s32 $0x0  }
0x22b: {  	s25 =	sand.u32 $0x1C00, s2  }
0x22c: {  	s5 =	sand.u32 $0x40, s2;
	s30 =	sand.u32 $0x380, s2;
	s0 =	sadd.s32 $0x1AB80, s25  }
0x22d: {  	s24 =	sor.u32 $0x10, s5;
	s7 =	sadd.s32 $0x1CF80, s30;
	s9 =	sor.u32 s5, s0  }
0x22e: {  	s31 =	sor.u32 s24, s7;
	[tilespmem:s9+$0x180] =	vst v0  }
0x22f: {  	v0 =	vld [tilespmem:s31+$0x0];
	_ =	sdelay $0x3  }
0x230: {  	s25 =	sor.u32 $0x20, s5;
	s24 =	sor.u32 s24, s0  }
0x231: {  	s30 =	sor.u32 s25, s7;
	[tilespmem:s24+$0x180] =	vst v0  }
0x232: {  	v0 =	vld [tilespmem:s30+$0x0];
	_ =	sdelay $0x3  }
0x233: {  	s5 =	sor.u32 $0x30, s5;
	s31 =	sor.u32 s25, s0  }
0x234: {  	s7 =	sor.u32 s5, s7;
	[tilespmem:s31+$0x180] =	vst v0  }
0x235: {  	v0 =	vld [tilespmem:s7+$0x0];
	_ =	sdelay $0x3  }
0x236: {  	s0 =	sor.u32 s5, s0  }
0x237: {  	s9 =	simm.s32 $0x1CFC0;
	[tilespmem:s0+$0x180] =	vst v0  }
0x238: {  	s25 =	simm.s32 $0x40;
	s0 =	simm.s32 $0x80;
	v0 =	vld [tilespmem:s9+$0x0]  }
.LBB2_55:
0x239: {  	p1 =	sne.s32 s0, $0x3C0;
	s2 =	sadd.s32 $0x200, s2  }
0x23a: {  	s5 =	sand.u32 $0x1C00, s2  }
0x23b: {  	s7 =	sand.u32 $0x40, s25;
	s24 =	sand.u32 $0x380, s25;
	s5 =	sadd.s32 $0x1AB80, s5  }
0x23c: {  	s30 =	sor.u32 $0x10, s7;
	s24 =	sadd.s32 $0x1CF80, s24;
	s25 =	sor.u32 s7, s5  }
0x23d: {  	s31 =	sor.u32 s30, s24;
	[tilespmem:s25+$0x180] =	vst v0;
	s25 =	smov.u32 s0  }
0x23e: {  	v0 =	vld [tilespmem:s31+$0x0];
	_ =	sdelay $0x3  }
0x23f: {  	s30 =	sor.u32 s30, s5;
	s31 =	sor.u32 $0x20, s7  }
0x240: {  	[tilespmem:s30+$0x180] =	vst v0;
	s30 =	sor.u32 s31, s24  }
0x241: {  	v0 =	vld [tilespmem:s30+$0x0];
	_ =	sdelay $0x3  }
0x242: {  	s7 =	sor.u32 $0x30, s7;
	s30 =	sor.u32 s31, s5  }
0x243: {  	s24 =	sor.u32 s7, s24;
	[tilespmem:s30+$0x180] =	vst v0  }
0x244: {  	v0 =	vld [tilespmem:s24+$0x0];
	_ =	sdelay $0x1  }
.Ltmp31:
0x245: {  	(pc) =	sbr.rel @p1 .LBB2_55-.Ltmp31, $4  }
0x246: {  	_ = 	snop  }
0x247: {  	s5 =	sor.u32 s7, s5  }
0x248: {  	s9 =	sadd.s32 $0x40, s9;
	[tilespmem:s5+$0x180] =	vst v0  }
0x249: {  	s0 =	sadd.s32 $0x40, s0;
	v0 =	vld [tilespmem:s9+$0x0]  }
0x24a: {  	s0 =	sadd.s32 $0x200, s2  }
0x24b: {  	s0 =	sand.u32 $0x1C00, s0  }
0x24c: {  	s2 =	sand.u32 $0x40, s25;
	s5 =	sand.u32 $0x380, s25;
	s0 =	sadd.s32 $0x1AB80, s0  }
0x24d: {  	s9 =	sor.u32 $0x10, s2;
	s5 =	sadd.s32 $0x1CF80, s5;
	s7 =	sor.u32 s2, s0  }
0x24e: {  	s31 =	sor.u32 s9, s5;
	[tilespmem:s7+$0x180] =	vst v0  }
0x24f: {  	v0 =	vld [tilespmem:s31+$0x0];
	_ =	sdelay $0x3  }
0x250: {  	s25 =	sor.u32 $0x20, s2;
	s24 =	sor.u32 s9, s0  }
0x251: {  	s30 =	sor.u32 s25, s5;
	[tilespmem:s24+$0x180] =	vst v0  }
0x252: {  	v0 =	vld [tilespmem:s30+$0x0];
	_ =	sdelay $0x3  }
0x253: {  	s2 =	sor.u32 $0x30, s2;
	s31 =	sor.u32 s25, s0  }
0x254: {  	s5 =	sor.u32 s2, s5;
	[tilespmem:s31+$0x180] =	vst v0  }
0x255: {  	v0 =	vld [tilespmem:s5+$0x0];
	_ =	sdelay $0x3  }
0x256: {  	s0 =	sor.u32 s2, s0  }
0x257: {  	[tilespmem:s0+$0x180] =	vst v0  }
0x258: {  	_ =	swait.ge [sflag:s4], $0x400  }
0x259: {  	[sflag:s4] =	ssyncset.done $0x0  }
0x25a: {  	s0 =	simm.s32 $0x0;
	[sflag:s4] =	ssyncadd.s32 $0xFFFFFC00  }
0x25b: {  	v2 =	vld [tilespmem:s0+$0x1A780]  }
0x25c: {  	v1 =	vld [tilespmem:s0+$0x1A790]  }
0x25d: {  	s2 =	simm.s32 $0x100;
	v0 =	vld [tilespmem:s0+$0x1A7A0]  }
.LBB2_57:
0x25e: {  	p1 =	sne.s32 s2, $0xF00;
	v3 =	vld [tilespmem:s0+$0x1A7B0];
	_ =	sdelay $0x1  }
.Ltmp32:
0x25f: {  	v2 =	vadd.s32 $0x18700, v2;
	(pc) =	sbr.rel @p1 .LBB2_57-.Ltmp32, $4  }
0x260: {  	s5 =	sshra.s32 s2, $0x2;
	[tilespmem:s0+$0x1A780] =	vst v2;
	v1 =	vadd.s32 $0x18700, v1  }
0x261: {  	v2 =	vld [tilespmem:s5+$0x1A780];
	[tilespmem:s0+$0x1A790] =	vst v1;
	v0 =	vadd.s32 $0x18700, v0  }
0x262: {  	v1 =	vld [tilespmem:s5+$0x1A790];
	[tilespmem:s0+$0x1A7A0] =	vst v0;
	v3 =	vadd.s32 $0x18700, v3  }
0x263: {  	s2 =	sadd.s32 $0x100, s2;
	v0 =	vld [tilespmem:s5+$0x1A7A0];
	[tilespmem:s0+$0x1A7B0] =	vst v3;
	s0 =	smov.u32 s5  }
0x264: {  	v3 =	vld [tilespmem:s0+$0x1A7B0];
	_ =	sdelay $0x1  }
0x265: {  	v2 =	vadd.s32 $0x18700, v2  }
0x266: {  	[tilespmem:s0+$0x1A780] =	vst v2;
	v1 =	vadd.s32 $0x18700, v1  }
0x267: {  	[tilespmem:s0+$0x1A790] =	vst v1;
	v0 =	vadd.s32 $0x18700, v0  }
0x268: {  	s31 =	rddreg [dreg:$0x4];
	[tilespmem:s0+$0x1A7A0] =	vst v0;
	v0 =	vadd.s32 $0x18700, v3  }
0x269: {  	s2 =	simm.s32 $0x400;
	s5 =	simm.s32 $0x1A780;
	s7 =	simm.s32 $0x1CF80;
	[tilespmem:s0+$0x1A7B0] =	vst v0  }
0x26a: {  	[tilespmem:s7], [sflag:$0x2] =	stream.indirect.gather [spmem:s31], $0x1, s5, s2, $0xb8;
	[tilespmem:$0x1D380] =	vst v63  }
0x26b: {  	s7 =	simm.s32 $0x1CB80  }
0x26c: {  	p1 =	por $0x0, $0x0;
	s0 =	simm.s32 $0x1;
	v0 =	vld [tilespmem:s7+$0x0]  }
0x26d: {  	s0 =	simm.s32 @!p1 $0x0  }
0x26e: {  	s0 =	sshll.u32 s0, $0x6  }
0x26f: {  	s2 =	simm.s32 $0x0;
	s0 =	sadd.s32 $0x0, s0  }
0x270: {  	s24 =	sand.u32 $0x3C0, s2;
	s9 =	sor.u32 $0x200, s0  }
0x271: {  	s25 =	sadd.s32 $0x1CB80, s24;
	[tilespmem:s9+$0x1AB80] =	vst v0  }
0x272: {  	v0 =	vld [tilespmem:s25+$0x10];
	_ =	sdelay $0x2  }
0x273: {  	s30 =	sadd.s32 $0x10, s0  }
0x274: {  	s7 =	sor.u32 $0x200, s30  }
0x275: {  	[tilespmem:s7+$0x1AB80] =	vst v0  }
0x276: {  	v0 =	vld [tilespmem:s25+$0x20];
	_ =	sdelay $0x2  }
0x277: {  	s31 =	sadd.s32 $0x20, s0  }
0x278: {  	s7 =	sor.u32 $0x200, s31  }
0x279: {  	[tilespmem:s7+$0x1AB80] =	vst v0  }
0x27a: {  	v0 =	vld [tilespmem:s25+$0x30];
	_ =	sdelay $0x2  }
0x27b: {  	s0 =	sadd.s32 $0x30, s0  }
0x27c: {  	s0 =	sor.u32 $0x200, s0  }
0x27d: {  	[tilespmem:s0+$0x1AB80] =	vst v0;
	s0 =	simm.s32 $0x1CBC0  }
0x27e: {  	p1 =	por !p1, !p1;
	s9 =	simm.s32 $0x200;
	s25 =	simm.s32 $0x400;
	v0 =	vld [tilespmem:s0+$0x0]  }
.LBB2_59:
0x27f: {  	s5 =	simm.s32 $0x1  }
0x280: {  	p2 =	sne.s32 s25, $0x1E00;
	s5 =	simm.s32 @!p1 $0x0  }
0x281: {  	s5 =	sshll.u32 s5, $0x6  }
0x282: {  	s2 =	sadd.s32 $0x40, s2;
	s5 =	sadd.s32 s5, s9;
	s9 =	smov.u32 s25  }
0x283: {  	s24 =	sand.u32 $0x3C0, s2;
	s7 =	sor.u32 $0x200, s5  }
0x284: {  	[tilespmem:s7+$0x1AB80] =	vst v0;
	s7 =	sadd.s32 $0x1CB80, s24  }
0x285: {  	v0 =	vld [tilespmem:s7+$0x10];
	_ =	sdelay $0x2  }
0x286: {  	s24 =	sadd.s32 $0x10, s5  }
0x287: {  	s24 =	sor.u32 $0x200, s24  }
0x288: {  	[tilespmem:s24+$0x1AB80] =	vst v0  }
0x289: {  	v0 =	vld [tilespmem:s7+$0x20];
	_ =	sdelay $0x2  }
0x28a: {  	s24 =	sadd.s32 $0x20, s5  }
0x28b: {  	s24 =	sor.u32 $0x200, s24  }
0x28c: {  	[tilespmem:s24+$0x1AB80] =	vst v0  }
0x28d: {  	v0 =	vld [tilespmem:s7+$0x30];
	_ =	sdelay $0x1  }
.Ltmp33:
0x28e: {  	(pc) =	sbr.rel @p2 .LBB2_59-.Ltmp33, $4  }
0x28f: {  	s5 =	sadd.s32 $0x30, s5  }
0x290: {  	s5 =	sor.u32 $0x200, s5  }
0x291: {  	s0 =	sadd.s32 $0x40, s0;
	[tilespmem:s5+$0x1AB80] =	vst v0  }
0x292: {  	p1 =	por !p1, !p1;
	s25 =	sadd.s32 $0x200, s25;
	v0 =	vld [tilespmem:s0+$0x0]  }
0x293: {  	s0 =	simm.s32 $0x1  }
0x294: {  	s0 =	simm.s32 @!p1 $0x0  }
0x295: {  	s0 =	sshll.u32 s0, $0x6  }
0x296: {  	s2 =	sadd.s32 $0x40, s2;
	s0 =	sadd.s32 s0, s9  }
0x297: {  	s2 =	sand.u32 $0x3C0, s2;
	s5 =	sor.u32 $0x200, s0  }
0x298: {  	s2 =	sadd.s32 $0x1CB80, s2;
	[tilespmem:s5+$0x1AB80] =	vst v0  }
0x299: {  	v0 =	vld [tilespmem:s2+$0x10];
	_ =	sdelay $0x2  }
0x29a: {  	s30 =	sadd.s32 $0x10, s0  }
0x29b: {  	s5 =	sor.u32 $0x200, s30  }
0x29c: {  	[tilespmem:s5+$0x1AB80] =	vst v0  }
0x29d: {  	v0 =	vld [tilespmem:s2+$0x20];
	_ =	sdelay $0x2  }
0x29e: {  	s31 =	sadd.s32 $0x20, s0  }
0x29f: {  	s5 =	sor.u32 $0x200, s31  }
0x2a0: {  	[tilespmem:s5+$0x1AB80] =	vst v0  }
0x2a1: {  	v0 =	vld [tilespmem:s2+$0x30];
	_ =	sdelay $0x2  }
0x2a2: {  	s0 =	sadd.s32 $0x30, s0  }
0x2a3: {  	s0 =	sor.u32 $0x200, s0  }
0x2a4: {  	[tilespmem:s0+$0x1AB80] =	vst v0  }
0x2a5: {  	_ =	swait.ge [sflag:s1], $0x400  }
0x2a6: {  	[sflag:s1] =	ssyncset.done $0x0  }
0x2a7: {  	s0 =	simm.s32 $0x0;
	[sflag:s1] =	ssyncadd.s32 $0xFFFFFC00  }
0x2a8: {  	v2 =	vld [tilespmem:s0+$0x1A780]  }
0x2a9: {  	v1 =	vld [tilespmem:s0+$0x1A790]  }
0x2aa: {  	s2 =	simm.s32 $0x100;
	v0 =	vld [tilespmem:s0+$0x1A7A0]  }
.LBB2_61:
0x2ab: {  	p1 =	sne.s32 s2, $0xF00;
	v3 =	vld [tilespmem:s0+$0x1A7B0];
	_ =	sdelay $0x1  }
.Ltmp34:
0x2ac: {  	v2 =	vadd.s32 $0x18700, v2;
	(pc) =	sbr.rel @p1 .LBB2_61-.Ltmp34, $4  }
0x2ad: {  	s5 =	sshra.s32 s2, $0x2;
	[tilespmem:s0+$0x1A780] =	vst v2;
	v1 =	vadd.s32 $0x18700, v1  }
0x2ae: {  	v2 =	vld [tilespmem:s5+$0x1A780];
	[tilespmem:s0+$0x1A790] =	vst v1;
	v0 =	vadd.s32 $0x18700, v0  }
0x2af: {  	v1 =	vld [tilespmem:s5+$0x1A790];
	[tilespmem:s0+$0x1A7A0] =	vst v0;
	v3 =	vadd.s32 $0x18700, v3  }
0x2b0: {  	s2 =	sadd.s32 $0x100, s2;
	v0 =	vld [tilespmem:s5+$0x1A7A0];
	[tilespmem:s0+$0x1A7B0] =	vst v3;
	s0 =	smov.u32 s5  }
0x2b1: {  	v3 =	vld [tilespmem:s0+$0x1A7B0];
	_ =	sdelay $0x1  }
0x2b2: {  	v2 =	vadd.s32 $0x18700, v2  }
0x2b3: {  	[tilespmem:s0+$0x1A780] =	vst v2;
	v1 =	vadd.s32 $0x18700, v1  }
0x2b4: {  	[tilespmem:s0+$0x1A790] =	vst v1;
	v0 =	vadd.s32 $0x18700, v0  }
0x2b5: {  	s31 =	rddreg [dreg:$0x4];
	[tilespmem:s0+$0x1A7A0] =	vst v0;
	v0 =	vadd.s32 $0x18700, v3  }
0x2b6: {  	s2 =	simm.s32 $0x400;
	s5 =	simm.s32 $0x1A780;
	s7 =	simm.s32 $0x1CB80;
	[tilespmem:s0+$0x1A7B0] =	vst v0  }
0x2b7: {  	[tilespmem:s7], [sflag:$0x1] =	stream.indirect.gather [spmem:s31], $0x1, s5, s2, $0xb8;
	[tilespmem:$0x1D380] =	vst v63  }
0x2b8: {  	s7 =	simm.s32 $0x1CF80  }
0x2b9: {  	p1 =	por $0x0, $0x0;
	s0 =	simm.s32 $0x1;
	v0 =	vld [tilespmem:s7+$0x0]  }
0x2ba: {  	s0 =	simm.s32 @!p1 $0x0  }
0x2bb: {  	s0 =	sshll.u32 s0, $0x6  }
0x2bc: {  	s2 =	simm.s32 $0x0;
	s0 =	sadd.s32 $0x0, s0  }
0x2bd: {  	s24 =	sand.u32 $0x3C0, s2;
	s9 =	sor.u32 $0x280, s0  }
0x2be: {  	s25 =	sadd.s32 $0x1CF80, s24;
	[tilespmem:s9+$0x1AB80] =	vst v0  }
0x2bf: {  	v0 =	vld [tilespmem:s25+$0x10];
	_ =	sdelay $0x2  }
0x2c0: {  	s30 =	sadd.s32 $0x10, s0  }
0x2c1: {  	s7 =	sor.u32 $0x280, s30  }
0x2c2: {  	[tilespmem:s7+$0x1AB80] =	vst v0  }
0x2c3: {  	v0 =	vld [tilespmem:s25+$0x20];
	_ =	sdelay $0x2  }
0x2c4: {  	s31 =	sadd.s32 $0x20, s0  }
0x2c5: {  	s7 =	sor.u32 $0x280, s31  }
0x2c6: {  	[tilespmem:s7+$0x1AB80] =	vst v0  }
0x2c7: {  	v0 =	vld [tilespmem:s25+$0x30];
	_ =	sdelay $0x2  }
0x2c8: {  	s0 =	sadd.s32 $0x30, s0  }
0x2c9: {  	s0 =	sor.u32 $0x280, s0  }
0x2ca: {  	[tilespmem:s0+$0x1AB80] =	vst v0;
	s0 =	simm.s32 $0x1CFC0  }
0x2cb: {  	p1 =	por !p1, !p1;
	s9 =	simm.s32 $0x200;
	s25 =	simm.s32 $0x400;
	v0 =	vld [tilespmem:s0+$0x0]  }
.LBB2_63:
0x2cc: {  	s5 =	simm.s32 $0x1  }
0x2cd: {  	p2 =	sne.s32 s25, $0x1E00;
	s5 =	simm.s32 @!p1 $0x0  }
0x2ce: {  	s5 =	sshll.u32 s5, $0x6  }
0x2cf: {  	s2 =	sadd.s32 $0x40, s2;
	s5 =	sadd.s32 s5, s9;
	s9 =	smov.u32 s25  }
0x2d0: {  	s24 =	sand.u32 $0x3C0, s2;
	s7 =	sor.u32 $0x280, s5  }
0x2d1: {  	[tilespmem:s7+$0x1AB80] =	vst v0;
	s7 =	sadd.s32 $0x1CF80, s24  }
0x2d2: {  	v0 =	vld [tilespmem:s7+$0x10];
	_ =	sdelay $0x2  }
0x2d3: {  	s24 =	sadd.s32 $0x10, s5  }
0x2d4: {  	s24 =	sor.u32 $0x280, s24  }
0x2d5: {  	[tilespmem:s24+$0x1AB80] =	vst v0  }
0x2d6: {  	v0 =	vld [tilespmem:s7+$0x20];
	_ =	sdelay $0x2  }
0x2d7: {  	s24 =	sadd.s32 $0x20, s5  }
0x2d8: {  	s24 =	sor.u32 $0x280, s24  }
0x2d9: {  	[tilespmem:s24+$0x1AB80] =	vst v0  }
0x2da: {  	v0 =	vld [tilespmem:s7+$0x30];
	_ =	sdelay $0x1  }
.Ltmp35:
0x2db: {  	(pc) =	sbr.rel @p2 .LBB2_63-.Ltmp35, $4  }
0x2dc: {  	s5 =	sadd.s32 $0x30, s5  }
0x2dd: {  	s5 =	sor.u32 $0x280, s5  }
0x2de: {  	s0 =	sadd.s32 $0x40, s0;
	[tilespmem:s5+$0x1AB80] =	vst v0  }
0x2df: {  	p1 =	por !p1, !p1;
	s25 =	sadd.s32 $0x200, s25;
	v0 =	vld [tilespmem:s0+$0x0]  }
0x2e0: {  	s0 =	simm.s32 $0x1  }
0x2e1: {  	s0 =	simm.s32 @!p1 $0x0  }
0x2e2: {  	s0 =	sshll.u32 s0, $0x6  }
0x2e3: {  	s2 =	sadd.s32 $0x40, s2;
	s0 =	sadd.s32 s0, s9  }
0x2e4: {  	s2 =	sand.u32 $0x3C0, s2;
	s5 =	sor.u32 $0x280, s0  }
0x2e5: {  	s2 =	sadd.s32 $0x1CF80, s2;
	[tilespmem:s5+$0x1AB80] =	vst v0  }
0x2e6: {  	v0 =	vld [tilespmem:s2+$0x10];
	_ =	sdelay $0x2  }
0x2e7: {  	s30 =	sadd.s32 $0x10, s0  }
0x2e8: {  	s5 =	sor.u32 $0x280, s30  }
0x2e9: {  	[tilespmem:s5+$0x1AB80] =	vst v0  }
0x2ea: {  	v0 =	vld [tilespmem:s2+$0x20];
	_ =	sdelay $0x2  }
0x2eb: {  	s31 =	sadd.s32 $0x20, s0  }
0x2ec: {  	s5 =	sor.u32 $0x280, s31  }
0x2ed: {  	[tilespmem:s5+$0x1AB80] =	vst v0  }
0x2ee: {  	v0 =	vld [tilespmem:s2+$0x30];
	_ =	sdelay $0x2  }
0x2ef: {  	s0 =	sadd.s32 $0x30, s0  }
0x2f0: {  	s0 =	sor.u32 $0x280, s0  }
0x2f1: {  	[tilespmem:s0+$0x1AB80] =	vst v0  }
0x2f2: {  	_ =	swait.ge [sflag:s4], $0x400  }
0x2f3: {  	[sflag:s4] =	ssyncset.done $0x0  }
0x2f4: {  	s0 =	simm.s32 $0x0;
	[sflag:s4] =	ssyncadd.s32 $0xFFFFFC00  }
0x2f5: {  	v2 =	vld [tilespmem:s0+$0x1A780]  }
0x2f6: {  	v1 =	vld [tilespmem:s0+$0x1A790]  }
0x2f7: {  	s2 =	simm.s32 $0x100;
	v0 =	vld [tilespmem:s0+$0x1A7A0]  }
.LBB2_65:
0x2f8: {  	p1 =	sne.s32 s2, $0xF00;
	v3 =	vld [tilespmem:s0+$0x1A7B0];
	_ =	sdelay $0x1  }
.Ltmp36:
0x2f9: {  	v2 =	vadd.s32 $0x18700, v2;
	(pc) =	sbr.rel @p1 .LBB2_65-.Ltmp36, $4  }
0x2fa: {  	s5 =	sshra.s32 s2, $0x2;
	[tilespmem:s0+$0x1A780] =	vst v2;
	v1 =	vadd.s32 $0x18700, v1  }
0x2fb: {  	v2 =	vld [tilespmem:s5+$0x1A780];
	[tilespmem:s0+$0x1A790] =	vst v1;
	v0 =	vadd.s32 $0x18700, v0  }
0x2fc: {  	v1 =	vld [tilespmem:s5+$0x1A790];
	[tilespmem:s0+$0x1A7A0] =	vst v0;
	v3 =	vadd.s32 $0x18700, v3  }
0x2fd: {  	s2 =	sadd.s32 $0x100, s2;
	v0 =	vld [tilespmem:s5+$0x1A7A0];
	[tilespmem:s0+$0x1A7B0] =	vst v3;
	s0 =	smov.u32 s5  }
0x2fe: {  	v3 =	vld [tilespmem:s0+$0x1A7B0];
	_ =	sdelay $0x1  }
0x2ff: {  	v2 =	vadd.s32 $0x18700, v2  }
0x300: {  	[tilespmem:s0+$0x1A780] =	vst v2;
	v1 =	vadd.s32 $0x18700, v1  }
0x301: {  	[tilespmem:s0+$0x1A790] =	vst v1;
	v0 =	vadd.s32 $0x18700, v0  }
0x302: {  	s31 =	rddreg [dreg:$0x4];
	[tilespmem:s0+$0x1A7A0] =	vst v0;
	v0 =	vadd.s32 $0x18700, v3  }
0x303: {  	s2 =	simm.s32 $0x400;
	s5 =	simm.s32 $0x1A780;
	s7 =	simm.s32 $0x1CF80;
	[tilespmem:s0+$0x1A7B0] =	vst v0  }
0x304: {  	[tilespmem:s7], [sflag:$0x2] =	stream.indirect.gather [spmem:s31], $0x1, s5, s2, $0xb8;
	[tilespmem:$0x1D380] =	vst v63  }
0x305: {  	s7 =	simm.s32 $0x1CB80  }
0x306: {  	p1 =	por $0x0, $0x0;
	s0 =	simm.s32 $0x1;
	v0 =	vld [tilespmem:s7+$0x0]  }
0x307: {  	s0 =	simm.s32 @!p1 $0x0  }
0x308: {  	s0 =	sshll.u32 s0, $0x6  }
0x309: {  	s2 =	simm.s32 $0x0;
	s0 =	sadd.s32 $0x0, s0  }
0x30a: {  	s24 =	sand.u32 $0x3C0, s2;
	s9 =	sor.u32 $0x300, s0  }
0x30b: {  	s25 =	sadd.s32 $0x1CB80, s24;
	[tilespmem:s9+$0x1AB80] =	vst v0  }
0x30c: {  	v0 =	vld [tilespmem:s25+$0x10];
	_ =	sdelay $0x2  }
0x30d: {  	s30 =	sadd.s32 $0x10, s0  }
0x30e: {  	s7 =	sor.u32 $0x300, s30  }
0x30f: {  	[tilespmem:s7+$0x1AB80] =	vst v0  }
0x310: {  	v0 =	vld [tilespmem:s25+$0x20];
	_ =	sdelay $0x2  }
0x311: {  	s31 =	sadd.s32 $0x20, s0  }
0x312: {  	s7 =	sor.u32 $0x300, s31  }
0x313: {  	[tilespmem:s7+$0x1AB80] =	vst v0  }
0x314: {  	v0 =	vld [tilespmem:s25+$0x30];
	_ =	sdelay $0x2  }
0x315: {  	s0 =	sadd.s32 $0x30, s0  }
0x316: {  	s0 =	sor.u32 $0x300, s0  }
0x317: {  	[tilespmem:s0+$0x1AB80] =	vst v0;
	s0 =	simm.s32 $0x1CBC0  }
0x318: {  	p1 =	por !p1, !p1;
	s9 =	simm.s32 $0x200;
	s25 =	simm.s32 $0x400;
	v0 =	vld [tilespmem:s0+$0x0]  }
.LBB2_67:
0x319: {  	s5 =	simm.s32 $0x1  }
0x31a: {  	p2 =	sne.s32 s25, $0x1E00;
	s5 =	simm.s32 @!p1 $0x0  }
0x31b: {  	s5 =	sshll.u32 s5, $0x6  }
0x31c: {  	s2 =	sadd.s32 $0x40, s2;
	s5 =	sadd.s32 s5, s9;
	s9 =	smov.u32 s25  }
0x31d: {  	s24 =	sand.u32 $0x3C0, s2;
	s7 =	sor.u32 $0x300, s5  }
0x31e: {  	[tilespmem:s7+$0x1AB80] =	vst v0;
	s7 =	sadd.s32 $0x1CB80, s24  }
0x31f: {  	v0 =	vld [tilespmem:s7+$0x10];
	_ =	sdelay $0x2  }
0x320: {  	s24 =	sadd.s32 $0x10, s5  }
0x321: {  	s24 =	sor.u32 $0x300, s24  }
0x322: {  	[tilespmem:s24+$0x1AB80] =	vst v0  }
0x323: {  	v0 =	vld [tilespmem:s7+$0x20];
	_ =	sdelay $0x2  }
0x324: {  	s24 =	sadd.s32 $0x20, s5  }
0x325: {  	s24 =	sor.u32 $0x300, s24  }
0x326: {  	[tilespmem:s24+$0x1AB80] =	vst v0  }
0x327: {  	v0 =	vld [tilespmem:s7+$0x30];
	_ =	sdelay $0x1  }
.Ltmp37:
0x328: {  	(pc) =	sbr.rel @p2 .LBB2_67-.Ltmp37, $4  }
0x329: {  	s5 =	sadd.s32 $0x30, s5  }
0x32a: {  	s5 =	sor.u32 $0x300, s5  }
0x32b: {  	s0 =	sadd.s32 $0x40, s0;
	[tilespmem:s5+$0x1AB80] =	vst v0  }
0x32c: {  	p1 =	por !p1, !p1;
	s25 =	sadd.s32 $0x200, s25;
	v0 =	vld [tilespmem:s0+$0x0]  }
0x32d: {  	s0 =	simm.s32 $0x1  }
0x32e: {  	s0 =	simm.s32 @!p1 $0x0  }
0x32f: {  	s0 =	sshll.u32 s0, $0x6  }
0x330: {  	s2 =	sadd.s32 $0x40, s2;
	s0 =	sadd.s32 s0, s9  }
0x331: {  	s2 =	sand.u32 $0x3C0, s2;
	s5 =	sor.u32 $0x300, s0  }
0x332: {  	s2 =	sadd.s32 $0x1CB80, s2;
	[tilespmem:s5+$0x1AB80] =	vst v0  }
0x333: {  	v0 =	vld [tilespmem:s2+$0x10];
	_ =	sdelay $0x2  }
0x334: {  	s30 =	sadd.s32 $0x10, s0  }
0x335: {  	s5 =	sor.u32 $0x300, s30  }
0x336: {  	[tilespmem:s5+$0x1AB80] =	vst v0  }
0x337: {  	v0 =	vld [tilespmem:s2+$0x20];
	_ =	sdelay $0x2  }
0x338: {  	s31 =	sadd.s32 $0x20, s0  }
0x339: {  	s5 =	sor.u32 $0x300, s31  }
0x33a: {  	[tilespmem:s5+$0x1AB80] =	vst v0  }
0x33b: {  	v0 =	vld [tilespmem:s2+$0x30];
	_ =	sdelay $0x2  }
0x33c: {  	s0 =	sadd.s32 $0x30, s0  }
0x33d: {  	s0 =	sor.u32 $0x300, s0  }
0x33e: {  	[tilespmem:s0+$0x1AB80] =	vst v0  }
0x33f: {  	_ =	swait.ge [sflag:s1], $0x400  }
0x340: {  	[sflag:s1] =	ssyncset.done $0x0  }
0x341: {  	s7 =	simm.s32 $0x1CF80;
	[sflag:s1] =	ssyncadd.s32 $0xFFFFFC00  }
0x342: {  	v0 =	vld [tilespmem:s7+$0x0];
	_ =	sdelay $0x1  }
0x343: {  	s2 =	simm.s32 $0x0  }
0x344: {  	s9 =	sor.u32 s2, s2  }
0x345: {  	s24 =	sand.u32 $0x3C0, s2;
	s0 =	sor.u32 $0x380, s9  }
0x346: {  	p1 =	por $0x0, $0x0;
	s5 =	simm.s32 $0x1;
	s25 =	sadd.s32 $0x1CF80, s24;
	[tilespmem:s0+$0x1AB80] =	vst v0  }
0x347: {  	s5 =	simm.s32 @!p1 $0x0;
	v0 =	vld [tilespmem:s25+$0x10]  }
0x348: {  	s5 =	sshll.u32 s5, $0x6  }
0x349: {  	s5 =	sadd.s32 $0x0, s5  }
0x34a: {  	s7 =	sadd.s32 $0x10, s5  }
0x34b: {  	s7 =	sor.u32 $0x380, s7  }
0x34c: {  	[tilespmem:s7+$0x1AB80] =	vst v0  }
0x34d: {  	v0 =	vld [tilespmem:s25+$0x20];
	_ =	sdelay $0x2  }
0x34e: {  	s30 =	sadd.s32 $0x20, s5  }
0x34f: {  	s7 =	sor.u32 $0x380, s30  }
0x350: {  	[tilespmem:s7+$0x1AB80] =	vst v0  }
0x351: {  	v0 =	vld [tilespmem:s25+$0x30];
	_ =	sdelay $0x2  }
0x352: {  	s31 =	sadd.s32 $0x30, s5  }
0x353: {  	s0 =	sor.u32 $0x380, s31  }
0x354: {  	[tilespmem:s0+$0x1AB80] =	vst v0;
	s0 =	simm.s32 $0x1CFC0  }
0x355: {  	s9 =	simm.s32 $0x40;
	s25 =	simm.s32 $0x80;
	v0 =	vld [tilespmem:s0+$0x0]  }
.LBB2_69:
0x356: {  	p2 =	sne.s32 s25, $0x3C0  }
0x357: {  	s2 =	sadd.s32 $0x200, s2  }
0x358: {  	s5 =	sor.u32 s9, s2  }
0x359: {  	s7 =	sand.u32 $0x3C0, s9;
	s9 =	smov.u32 s25;
	s5 =	sor.u32 $0x380, s5  }
0x35a: {  	p1 =	por !p1, !p1;
	[tilespmem:s5+$0x1AB80] =	vst v0;
	s5 =	sadd.s32 $0x1CF80, s7;
	s7 =	simm.s32 $0x1  }
0x35b: {  	s7 =	simm.s32 @!p1 $0x0;
	v0 =	vld [tilespmem:s5+$0x10]  }
0x35c: {  	s7 =	sshll.u32 s7, $0x6  }
0x35d: {  	s7 =	sadd.s32 s7, s2  }
0x35e: {  	s24 =	sadd.s32 $0x10, s7  }
0x35f: {  	s24 =	sor.u32 $0x380, s24  }
0x360: {  	[tilespmem:s24+$0x1AB80] =	vst v0  }
0x361: {  	v0 =	vld [tilespmem:s5+$0x20];
	_ =	sdelay $0x2  }
0x362: {  	s24 =	sadd.s32 $0x20, s7  }
0x363: {  	s24 =	sor.u32 $0x380, s24  }
0x364: {  	[tilespmem:s24+$0x1AB80] =	vst v0  }
0x365: {  	v0 =	vld [tilespmem:s5+$0x30];
	_ =	sdelay $0x1  }
.Ltmp38:
0x366: {  	(pc) =	sbr.rel @p2 .LBB2_69-.Ltmp38, $4  }
0x367: {  	s5 =	sadd.s32 $0x30, s7  }
0x368: {  	s5 =	sor.u32 $0x380, s5  }
0x369: {  	s0 =	sadd.s32 $0x40, s0;
	[tilespmem:s5+$0x1AB80] =	vst v0  }
0x36a: {  	s25 =	sadd.s32 $0x40, s25;
	v0 =	vld [tilespmem:s0+$0x0]  }
0x36b: {  	_ = 	snop  }
0x36c: {  	s0 =	sadd.s32 $0x200, s2  }
0x36d: {  	s2 =	sor.u32 s9, s0  }
0x36e: {  	s5 =	sand.u32 $0x3C0, s9;
	s2 =	sor.u32 $0x380, s2  }
0x36f: {  	p1 =	por !p1, !p1;
	s7 =	sadd.s32 $0x1CF80, s5;
	s5 =	simm.s32 $0x1;
	[tilespmem:s2+$0x1AB80] =	vst v0  }
0x370: {  	s5 =	simm.s32 @!p1 $0x0;
	v0 =	vld [tilespmem:s7+$0x10]  }
0x371: {  	s5 =	sshll.u32 s5, $0x6  }
0x372: {  	s0 =	sadd.s32 s5, s0  }
0x373: {  	s5 =	sadd.s32 $0x10, s0  }
0x374: {  	s5 =	sor.u32 $0x380, s5  }
0x375: {  	[tilespmem:s5+$0x1AB80] =	vst v0  }
0x376: {  	v0 =	vld [tilespmem:s7+$0x20];
	_ =	sdelay $0x2  }
0x377: {  	s9 =	sadd.s32 $0x20, s0  }
0x378: {  	s5 =	sor.u32 $0x380, s9  }
0x379: {  	[tilespmem:s5+$0x1AB80] =	vst v0  }
0x37a: {  	v0 =	vld [tilespmem:s7+$0x30];
	_ =	sdelay $0x1  }
0x37b: {  	s24 =	sshll.u32 s11, $0x12;
	s25 =	rddreg [dreg:$0x8]  }
0x37c: {  	s30 =	rddreg [dreg:$0x3];
	s2 =	sor.u32 s25, s24;
	s0 =	sadd.s32 $0x30, s0  }
.Ltmp39:
0x37d: {  	s2 =	sshrl.u32 s2, $0x3;
	s0 =	sor.u32 $0x380, s0;
	(pc) =	sbr.rel @!p0 .LBB2_71-.Ltmp39, $3  }
0x37e: {  	s31 =	simm.s32 $0x0;
	s7 =	simm.s32 $0x1AB80;
	[tilespmem:s0+$0x1AB80] =	vst v0;
	s0 =	sadd.s32 s30, s2  }
0x37f: {  	[hbm4b:s0+s31] =	stream.linear.scatter [tilespmem:s7], [sflag:$0x4], $0x2000, $0x38;
	[tilespmem:$0x1D380] =	vst v63  }
0x380: {  	[bflag:$0x0] =	sbarrier.arrive $0xFFFF;
	_ =	sdelay $0x1  }
0x381: {  	s0 =	rddreg [dreg:$0x17];
	s3 =	simm.s32 $0xC380  }
0x382: {  	s9 =	simm.s32 $0x5;
	s5 =	sadd.s32 $0x2F680, s0;
	s0 =	simm.s32 $0x0  }
0x383: {  	[tilespmem:s3], [sflag:$0x5] =	stream.linear.gather [hbm4b:s5+s0], $0xB800, $0x38;
	[tilespmem:$0x1D380] =	vst v63  }
0x384: {  	_ =	swait.ge [sflag:s9], $0xB800  }
0x385: {  	s30 =	sshll.u32 s11, $0x8;
	[sflag:s9] =	ssyncset.done $0x0;
	s7 =	rddreg [dreg:$0xa]  }
0x386: {  	s31 =	simm.s32 $0x17B80;
	[sflag:s9] =	ssyncadd.s32 $0xFFFF4800;
	s5 =	sadd.s32 s30, s7  }
0x387: {  	[tilespmem:s31], [sflag:$0x5] =	stream.linear.gather [hbm4b:s5+s0], $0x400, $0x38;
	[tilespmem:$0x1D380] =	vst v63  }
0x388: {  	_ =	swait.ge [sflag:s9], $0x400  }
0x389: {  	[sflag:s9] =	ssyncset.done $0x0  }
0x38a: {  	s5 =	simm.s32 $0x0;
	[sflag:s9] =	ssyncadd.s32 $0xFFFFFC00  }
.LBB2_89:
0x38b: {  	p1 =	sne.s32 s5, $0x5A00  }
.Ltmp40:
0x38c: {  	_ = 	snop;
	(pc) =	sbr.rel @p1 .LBB2_89-.Ltmp40, $4  }
0x38d: {  	s7 =	sshra.s32 s5, $0x2  }
0x38e: {  	s7 =	sadd.s32 s7, s19  }
0x38f: {  	[spmem:s7] =	stream.linear.scatter [tilespmem:s3], [sflag:$0x3], $0x80, $0x38;
	[tilespmem:$0x1D380] =	vst v63  }
0x390: {  	s5 =	sadd.s32 $0x200, s5;
	s3 =	sadd.s32 $0x400, s3  }
0x391: {  	s3 =	simm.s32 $0xC400  }
.LBB2_91:
0x392: {  	p1 =	sne.s32 s0, $0x5A00  }
.Ltmp41:
0x393: {  	_ = 	snop;
	(pc) =	sbr.rel @p1 .LBB2_91-.Ltmp41, $4  }
0x394: {  	s5 =	sshra.s32 s0, $0x2  }
0x395: {  	s5 =	sadd.s32 s5, s20  }
0x396: {  	[spmem:s5] =	stream.linear.scatter [tilespmem:s3], [sflag:$0x3], $0x80, $0x38;
	[tilespmem:$0x1D380] =	vst v63  }
0x397: {  	s0 =	sadd.s32 $0x200, s0;
	s3 =	sadd.s32 $0x400, s3  }
0x398: {  	s0 =	simm.s32 $0x0;
	s3 =	simm.s32 $0xC480;
	s5 =	simm.s32 $0x0  }
.LBB2_93:
0x399: {  	p1 =	sne.s32 s5, $0x5A00  }
.Ltmp42:
0x39a: {  	_ = 	snop;
	(pc) =	sbr.rel @p1 .LBB2_93-.Ltmp42, $4  }
0x39b: {  	s7 =	sshra.s32 s5, $0x2  }
0x39c: {  	s7 =	sadd.s32 s7, s21  }
0x39d: {  	[spmem:s7] =	stream.linear.scatter [tilespmem:s3], [sflag:$0x3], $0x80, $0x38;
	[tilespmem:$0x1D380] =	vst v63  }
0x39e: {  	s5 =	sadd.s32 $0x200, s5;
	s3 =	sadd.s32 $0x400, s3  }
0x39f: {  	s3 =	simm.s32 $0xC500  }
.LBB2_95:
0x3a0: {  	p1 =	sne.s32 s0, $0x5A00  }
.Ltmp43:
0x3a1: {  	_ = 	snop;
	(pc) =	sbr.rel @p1 .LBB2_95-.Ltmp43, $4  }
0x3a2: {  	s5 =	sshra.s32 s0, $0x2  }
0x3a3: {  	s5 =	sadd.s32 s5, s22  }
0x3a4: {  	[spmem:s5] =	stream.linear.scatter [tilespmem:s3], [sflag:$0x3], $0x80, $0x38;
	[tilespmem:$0x1D380] =	vst v63  }
0x3a5: {  	s0 =	sadd.s32 $0x200, s0;
	s3 =	sadd.s32 $0x400, s3  }
0x3a6: {  	s0 =	simm.s32 $0x0;
	s3 =	simm.s32 $0xC580;
	s5 =	simm.s32 $0x0  }
.LBB2_97:
0x3a7: {  	p1 =	sne.s32 s5, $0x5A00  }
.Ltmp44:
0x3a8: {  	_ = 	snop;
	(pc) =	sbr.rel @p1 .LBB2_97-.Ltmp44, $4  }
0x3a9: {  	s7 =	sshra.s32 s5, $0x2  }
0x3aa: {  	s7 =	sadd.s32 s7, s23  }
0x3ab: {  	[spmem:s7] =	stream.linear.scatter [tilespmem:s3], [sflag:$0x3], $0x80, $0x38;
	[tilespmem:$0x1D380] =	vst v63  }
0x3ac: {  	s5 =	sadd.s32 $0x200, s5;
	s3 =	sadd.s32 $0x400, s3  }
0x3ad: {  	s3 =	simm.s32 $0xC600  }
.LBB2_99:
0x3ae: {  	p1 =	sne.s32 s0, $0x5A00  }
.Ltmp45:
0x3af: {  	_ = 	snop;
	(pc) =	sbr.rel @p1 .LBB2_99-.Ltmp45, $4  }
0x3b0: {  	s5 =	sshra.s32 s0, $0x2  }
0x3b1: {  	s5 =	sadd.s32 s5, s26  }
0x3b2: {  	[spmem:s5] =	stream.linear.scatter [tilespmem:s3], [sflag:$0x3], $0x80, $0x38;
	[tilespmem:$0x1D380] =	vst v63  }
0x3b3: {  	s0 =	sadd.s32 $0x200, s0;
	s3 =	sadd.s32 $0x400, s3  }
0x3b4: {  	s0 =	simm.s32 $0x0;
	s3 =	simm.s32 $0xC680  }
.LBB2_101:
0x3b5: {  	p1 =	sne.s32 s0, $0x5A00  }
.Ltmp46:
0x3b6: {  	_ = 	snop;
	(pc) =	sbr.rel @p1 .LBB2_101-.Ltmp46, $4  }
0x3b7: {  	s5 =	sshra.s32 s0, $0x2  }
0x3b8: {  	s5 =	sadd.s32 s5, s28  }
0x3b9: {  	[spmem:s5] =	stream.linear.scatter [tilespmem:s3], [sflag:$0x3], $0x80, $0x38;
	[tilespmem:$0x1D380] =	vst v63  }
0x3ba: {  	s0 =	sadd.s32 $0x200, s0;
	s3 =	sadd.s32 $0x400, s3  }
0x3bb: {  	s0 =	simm.s32 $0xC700;
	s3 =	sadd.s32 $0x0, s29  }
0x3bc: {  	[spmem:s3] =	stream.linear.scatter [tilespmem:s0], [sflag:$0x3], $0x80, $0x38;
	[tilespmem:$0x1D380] =	vst v63  }
0x3bd: {  	s3 =	simm.s32 $0x200  }
.LBB2_103:
0x3be: {  	p1 =	sne.s32 s3, $0x5A00  }
.Ltmp47:
0x3bf: {  	_ = 	snop;
	(pc) =	sbr.rel @p1 .LBB2_103-.Ltmp47, $4  }
0x3c0: {  	_ = 	snop  }
0x3c1: {  	s5 =	sshra.s32 s3, $0x2;
	s3 =	sadd.s32 $0x200, s3  }
0x3c2: {  	s0 =	sadd.s32 $0x400, s0;
	s5 =	sadd.s32 s5, s29  }
0x3c3: {  	[spmem:s5] =	stream.linear.scatter [tilespmem:s0], [sflag:$0x3], $0x80, $0x38;
	[tilespmem:$0x1D380] =	vst v63  }
0x3c4: {  	s0 =	rddreg [dreg:$0xc];
	s3 =	simm.s32 $0x17B80  }
0x3c5: {  	[spmem:s0] =	stream.linear.scatter [tilespmem:s3], [sflag:$0x3], $0x80, $0x38;
	[tilespmem:$0x1D380] =	vst v63  }
0x3c6: {  	s7 =	rddreg [dreg:$0xd];
	s9 =	simm.s32 $0x17C00  }
0x3c7: {  	[spmem:s7] =	stream.linear.scatter [tilespmem:s9], [sflag:$0x3], $0x80, $0x38;
	[tilespmem:$0x1D380] =	vst v63  }
0x3c8: {  	s24 =	rddreg [dreg:$0xe];
	s25 =	simm.s32 $0x17C80  }
0x3c9: {  	[spmem:s24] =	stream.linear.scatter [tilespmem:s25], [sflag:$0x3], $0x80, $0x38;
	[tilespmem:$0x1D380] =	vst v63  }
0x3ca: {  	s30 =	rddreg [dreg:$0xf];
	s31 =	simm.s32 $0x17D00  }
0x3cb: {  	[spmem:s30] =	stream.linear.scatter [tilespmem:s31], [sflag:$0x3], $0x80, $0x38;
	[tilespmem:$0x1D380] =	vst v63  }
0x3cc: {  	s5 =	simm.s32 $0x17D80;
	s3 =	rddreg [dreg:$0x10]  }
0x3cd: {  	[spmem:s3] =	stream.linear.scatter [tilespmem:s5], [sflag:$0x3], $0x80, $0x38;
	[tilespmem:$0x1D380] =	vst v63  }
0x3ce: {  	s7 =	rddreg [dreg:$0x11];
	s9 =	simm.s32 $0x17E00  }
0x3cf: {  	[spmem:s7] =	stream.linear.scatter [tilespmem:s9], [sflag:$0x3], $0x80, $0x38;
	[tilespmem:$0x1D380] =	vst v63  }
0x3d0: {  	s24 =	rddreg [dreg:$0x12];
	s25 =	simm.s32 $0x17E80  }
0x3d1: {  	[spmem:s24] =	stream.linear.scatter [tilespmem:s25], [sflag:$0x3], $0x80, $0x38;
	[tilespmem:$0x1D380] =	vst v63  }
0x3d2: {  	s30 =	rddreg [dreg:$0x13];
	s31 =	simm.s32 $0x17F00  }
0x3d3: {  	[spmem:s30] =	stream.linear.scatter [tilespmem:s31], [sflag:$0x3], $0x80, $0x38;
	[tilespmem:$0x1D380] =	vst v63  }
0x3d4: {  	_ =	swait.ge [sflag:s6], $0x1700  }
0x3d5: {  	[sflag:s6] =	ssyncset.done $0x0  }
0x3d6: {  	[sflag:s6] =	ssyncadd.s32 $0xFFFFE900  }
0x3d7: {  	_ =	swait.ge [sflag:s6], $0x1700  }
0x3d8: {  	[sflag:s6] =	ssyncset.done $0x0  }
0x3d9: {  	[sflag:s6] =	ssyncadd.s32 $0xFFFFE900  }
0x3da: {  	_ =	swait.ge [sflag:s6], $0x1700  }
0x3db: {  	[sflag:s6] =	ssyncset.done $0x0  }
0x3dc: {  	[sflag:s6] =	ssyncadd.s32 $0xFFFFE900  }
0x3dd: {  	_ =	swait.ge [sflag:s6], $0x1700  }
0x3de: {  	[sflag:s6] =	ssyncset.done $0x0  }
0x3df: {  	[sflag:s6] =	ssyncadd.s32 $0xFFFFE900  }
0x3e0: {  	_ =	swait.ge [sflag:s6], $0x1700  }
0x3e1: {  	[sflag:s6] =	ssyncset.done $0x0  }
0x3e2: {  	[sflag:s6] =	ssyncadd.s32 $0xFFFFE900  }
0x3e3: {  	_ =	swait.ge [sflag:s6], $0x1700  }
0x3e4: {  	[sflag:s6] =	ssyncset.done $0x0  }
0x3e5: {  	[sflag:s6] =	ssyncadd.s32 $0xFFFFE900  }
0x3e6: {  	_ =	swait.ge [sflag:s6], $0x1700  }
0x3e7: {  	[sflag:s6] =	ssyncset.done $0x0  }
0x3e8: {  	[sflag:s6] =	ssyncadd.s32 $0xFFFFE900  }
0x3e9: {  	_ =	swait.ge [sflag:s6], $0x1700  }
0x3ea: {  	[sflag:s6] =	ssyncset.done $0x0  }
0x3eb: {  	[sflag:s6] =	ssyncadd.s32 $0xFFFFE900  }
0x3ec: {  	_ =	swait.ge [sflag:s6], $0x80  }
0x3ed: {  	[sflag:s6] =	ssyncset.done $0x0  }
0x3ee: {  	[sflag:s6] =	ssyncadd.s32 $0xFFFFFF80  }
0x3ef: {  	_ =	swait.ge [sflag:s6], $0x80  }
0x3f0: {  	[sflag:s6] =	ssyncset.done $0x0  }
0x3f1: {  	[sflag:s6] =	ssyncadd.s32 $0xFFFFFF80  }
0x3f2: {  	_ =	swait.ge [sflag:s6], $0x80  }
0x3f3: {  	[sflag:s6] =	ssyncset.done $0x0  }
0x3f4: {  	[sflag:s6] =	ssyncadd.s32 $0xFFFFFF80  }
0x3f5: {  	_ =	swait.ge [sflag:s6], $0x80  }
0x3f6: {  	[sflag:s6] =	ssyncset.done $0x0  }
0x3f7: {  	[sflag:s6] =	ssyncadd.s32 $0xFFFFFF80  }
0x3f8: {  	_ =	swait.ge [sflag:s6], $0x80  }
0x3f9: {  	[sflag:s6] =	ssyncset.done $0x0  }
0x3fa: {  	[sflag:s6] =	ssyncadd.s32 $0xFFFFFF80  }
0x3fb: {  	_ =	swait.ge [sflag:s6], $0x80  }
0x3fc: {  	[sflag:s6] =	ssyncset.done $0x0  }
0x3fd: {  	[sflag:s6] =	ssyncadd.s32 $0xFFFFFF80  }
0x3fe: {  	_ =	swait.ge [sflag:s6], $0x80  }
.Ltmp48:
0x3ff: {  	[sflag:s6] =	ssyncset.done $0x0;
	(pc) =	sbr.rel .LBB2_105-.Ltmp48, $4  }
0x400: {  	[sflag:s6] =	ssyncadd.s32 $0xFFFFFF80  }
0x401: {  	_ =	swait.ge [sflag:s6], $0x80  }
0x402: {  	[sflag:s6] =	ssyncset.done $0x0  }
0x403: {  	[sflag:s6] =	ssyncadd.s32 $0xFFFFFF80  }
.LBB2_71:
0x404: {  	s0 =	rddreg [dreg:$0x15]  }
0x405: {  	s0 =	sadd.s32 s0, s3  }
0x406: {  	s30 =	rddreg [dreg:$0x1];
	s31 =	simm.s32 $0x5;
	s0 =	sshrl.u32 s0, $0x3  }
0x407: {  	s3 =	simm.s32 $0xC380;
	s5 =	sadd.s32 s30, s0;
	s0 =	simm.s32 $0x0  }
0x408: {  	[tilespmem:s3], [sflag:$0x5] =	stream.linear.gather [hbm4b:s5+s0], $0xC400, $0x38;
	[tilespmem:$0x1D380] =	vst v63  }
0x409: {  	_ =	swait.ge [sflag:s31], $0xC400  }
0x40a: {  	[sflag:s31] =	ssyncset.done $0x0  }
0x40b: {  	s5 =	simm.s32 $0x0;
	[sflag:s31] =	ssyncadd.s32 $0xFFFF3C00  }
.LBB2_72:
0x40c: {  	p1 =	sne.s32 s5, $0x6000  }
.Ltmp49:
0x40d: {  	_ = 	snop;
	(pc) =	sbr.rel @p1 .LBB2_72-.Ltmp49, $4  }
0x40e: {  	s7 =	sshra.s32 s5, $0x2  }
0x40f: {  	s7 =	sadd.s32 s7, s10  }
0x410: {  	[spmem:s7] =	stream.linear.scatter [tilespmem:s3], [sflag:$0x3], $0x80, $0x38;
	[tilespmem:$0x1D380] =	vst v63  }
0x411: {  	s5 =	sadd.s32 $0x200, s5;
	s3 =	sadd.s32 $0x400, s3  }
0x412: {  	s3 =	simm.s32 $0xC400  }
.LBB2_74:
0x413: {  	p1 =	sne.s32 s0, $0x6000  }
.Ltmp50:
0x414: {  	_ = 	snop;
	(pc) =	sbr.rel @p1 .LBB2_74-.Ltmp50, $4  }
0x415: {  	s5 =	sshra.s32 s0, $0x2  }
0x416: {  	s5 =	sadd.s32 s5, s12  }
0x417: {  	[spmem:s5] =	stream.linear.scatter [tilespmem:s3], [sflag:$0x3], $0x80, $0x38;
	[tilespmem:$0x1D380] =	vst v63  }
0x418: {  	s0 =	sadd.s32 $0x200, s0;
	s3 =	sadd.s32 $0x400, s3  }
0x419: {  	s0 =	simm.s32 $0x0;
	s3 =	simm.s32 $0xC480;
	s5 =	simm.s32 $0x0  }
.LBB2_76:
0x41a: {  	p1 =	sne.s32 s5, $0x6000  }
.Ltmp51:
0x41b: {  	_ = 	snop;
	(pc) =	sbr.rel @p1 .LBB2_76-.Ltmp51, $4  }
0x41c: {  	s7 =	sshra.s32 s5, $0x2  }
0x41d: {  	s7 =	sadd.s32 s7, s13  }
0x41e: {  	[spmem:s7] =	stream.linear.scatter [tilespmem:s3], [sflag:$0x3], $0x80, $0x38;
	[tilespmem:$0x1D380] =	vst v63  }
0x41f: {  	s5 =	sadd.s32 $0x200, s5;
	s3 =	sadd.s32 $0x400, s3  }
0x420: {  	s3 =	simm.s32 $0xC500  }
.LBB2_78:
0x421: {  	p1 =	sne.s32 s0, $0x6000  }
.Ltmp52:
0x422: {  	_ = 	snop;
	(pc) =	sbr.rel @p1 .LBB2_78-.Ltmp52, $4  }
0x423: {  	s5 =	sshra.s32 s0, $0x2  }
0x424: {  	s5 =	sadd.s32 s5, s14  }
0x425: {  	[spmem:s5] =	stream.linear.scatter [tilespmem:s3], [sflag:$0x3], $0x80, $0x38;
	[tilespmem:$0x1D380] =	vst v63  }
0x426: {  	s0 =	sadd.s32 $0x200, s0;
	s3 =	sadd.s32 $0x400, s3  }
0x427: {  	s0 =	simm.s32 $0x0;
	s3 =	simm.s32 $0xC580;
	s5 =	simm.s32 $0x0  }
.LBB2_80:
0x428: {  	p1 =	sne.s32 s5, $0x6000  }
.Ltmp53:
0x429: {  	_ = 	snop;
	(pc) =	sbr.rel @p1 .LBB2_80-.Ltmp53, $4  }
0x42a: {  	s7 =	sshra.s32 s5, $0x2  }
0x42b: {  	s7 =	sadd.s32 s7, s15  }
0x42c: {  	[spmem:s7] =	stream.linear.scatter [tilespmem:s3], [sflag:$0x3], $0x80, $0x38;
	[tilespmem:$0x1D380] =	vst v63  }
0x42d: {  	s5 =	sadd.s32 $0x200, s5;
	s3 =	sadd.s32 $0x400, s3  }
0x42e: {  	s3 =	simm.s32 $0xC600  }
.LBB2_82:
0x42f: {  	p1 =	sne.s32 s0, $0x6000  }
.Ltmp54:
0x430: {  	_ = 	snop;
	(pc) =	sbr.rel @p1 .LBB2_82-.Ltmp54, $4  }
0x431: {  	s5 =	sshra.s32 s0, $0x2  }
0x432: {  	s5 =	sadd.s32 s5, s16  }
0x433: {  	[spmem:s5] =	stream.linear.scatter [tilespmem:s3], [sflag:$0x3], $0x80, $0x38;
	[tilespmem:$0x1D380] =	vst v63  }
0x434: {  	s0 =	sadd.s32 $0x200, s0;
	s3 =	sadd.s32 $0x400, s3  }
0x435: {  	s0 =	simm.s32 $0x0;
	s3 =	simm.s32 $0xC680  }
.LBB2_84:
0x436: {  	p1 =	sne.s32 s0, $0x6000  }
.Ltmp55:
0x437: {  	_ = 	snop;
	(pc) =	sbr.rel @p1 .LBB2_84-.Ltmp55, $4  }
0x438: {  	s5 =	sshra.s32 s0, $0x2  }
0x439: {  	s5 =	sadd.s32 s5, s17  }
0x43a: {  	[spmem:s5] =	stream.linear.scatter [tilespmem:s3], [sflag:$0x3], $0x80, $0x38;
	[tilespmem:$0x1D380] =	vst v63  }
0x43b: {  	s0 =	sadd.s32 $0x200, s0;
	s3 =	sadd.s32 $0x400, s3  }
0x43c: {  	s0 =	simm.s32 $0xC700;
	s3 =	sadd.s32 $0x0, s18  }
0x43d: {  	[spmem:s3] =	stream.linear.scatter [tilespmem:s0], [sflag:$0x3], $0x80, $0x38;
	[tilespmem:$0x1D380] =	vst v63  }
0x43e: {  	s3 =	simm.s32 $0x200  }
.LBB2_86:
0x43f: {  	p1 =	sne.s32 s3, $0x6000  }
.Ltmp56:
0x440: {  	_ = 	snop;
	(pc) =	sbr.rel @p1 .LBB2_86-.Ltmp56, $4  }
0x441: {  	_ = 	snop  }
0x442: {  	s5 =	sshra.s32 s3, $0x2;
	s3 =	sadd.s32 $0x200, s3  }
0x443: {  	s0 =	sadd.s32 $0x400, s0;
	s5 =	sadd.s32 s5, s18  }
0x444: {  	[spmem:s5] =	stream.linear.scatter [tilespmem:s0], [sflag:$0x3], $0x80, $0x38;
	[tilespmem:$0x1D380] =	vst v63  }
0x445: {  	_ =	swait.ge [sflag:s6], $0x1880  }
0x446: {  	[sflag:s6] =	ssyncset.done $0x0  }
0x447: {  	[sflag:s6] =	ssyncadd.s32 $0xFFFFE780  }
0x448: {  	_ =	swait.ge [sflag:s6], $0x1880  }
0x449: {  	[sflag:s6] =	ssyncset.done $0x0  }
0x44a: {  	[sflag:s6] =	ssyncadd.s32 $0xFFFFE780  }
0x44b: {  	_ =	swait.ge [sflag:s6], $0x1880  }
0x44c: {  	[sflag:s6] =	ssyncset.done $0x0  }
0x44d: {  	[sflag:s6] =	ssyncadd.s32 $0xFFFFE780  }
0x44e: {  	_ =	swait.ge [sflag:s6], $0x1880  }
0x44f: {  	[sflag:s6] =	ssyncset.done $0x0  }
0x450: {  	[sflag:s6] =	ssyncadd.s32 $0xFFFFE780  }
0x451: {  	_ =	swait.ge [sflag:s6], $0x1880  }
0x452: {  	[sflag:s6] =	ssyncset.done $0x0  }
0x453: {  	[sflag:s6] =	ssyncadd.s32 $0xFFFFE780  }
0x454: {  	_ =	swait.ge [sflag:s6], $0x1880  }
0x455: {  	[sflag:s6] =	ssyncset.done $0x0  }
0x456: {  	[sflag:s6] =	ssyncadd.s32 $0xFFFFE780  }
0x457: {  	_ =	swait.ge [sflag:s6], $0x1880  }
0x458: {  	[sflag:s6] =	ssyncset.done $0x0  }
0x459: {  	[sflag:s6] =	ssyncadd.s32 $0xFFFFE780  }
0x45a: {  	_ =	swait.ge [sflag:s6], $0x1880  }
0x45b: {  	[sflag:s6] =	ssyncset.done $0x0  }
0x45c: {  	[sflag:s6] =	ssyncadd.s32 $0xFFFFE780  }
.LBB2_105:
0x45d: {  	p1 =	slt.s32 s8, $0x0  }
0x45e: {  	[bflag:$0x0] =	sbarrier.arrive $0xFFFF;
	s0 =	simm.s32 @!p1 $0x4  }
0x45f: {  	_ =	swait.ge @!p1 [sflag:s0], $0x2000  }
0x460: {  	[sflag:s0] =	ssyncset.done @!p1 $0x0  }
0x461: {  	[sflag:s0] =	ssyncadd.s32 @!p1 $0xFFFFE000;
	s0 =	simm.s32 $0x0  }
0x462: {  	v2 =	vld [tilespmem:s0+$0x1A780]  }
0x463: {  	v1 =	vld [tilespmem:s0+$0x1A790]  }
0x464: {  	s3 =	simm.s32 $0x100;
	v0 =	vld [tilespmem:s0+$0x1A7A0]  }
.LBB2_106:
0x465: {  	p1 =	sne.s32 s3, $0xF00;
	v3 =	vld [tilespmem:s0+$0x1A7B0];
	_ =	sdelay $0x1  }
.Ltmp57:
0x466: {  	v2 =	vadd.s32 $0xFFF54F00, v2;
	(pc) =	sbr.rel @p1 .LBB2_106-.Ltmp57, $4  }
0x467: {  	s5 =	sshra.s32 s3, $0x2;
	[tilespmem:s0+$0x1A780] =	vst v2;
	v1 =	vadd.s32 $0xFFF54F00, v1  }
0x468: {  	v2 =	vld [tilespmem:s5+$0x1A780];
	[tilespmem:s0+$0x1A790] =	vst v1;
	v0 =	vadd.s32 $0xFFF54F00, v0  }
0x469: {  	v1 =	vld [tilespmem:s5+$0x1A790];
	[tilespmem:s0+$0x1A7A0] =	vst v0;
	v3 =	vadd.s32 $0xFFF54F00, v3  }
0x46a: {  	s3 =	sadd.s32 $0x100, s3;
	v0 =	vld [tilespmem:s5+$0x1A7A0];
	[tilespmem:s0+$0x1A7B0] =	vst v3;
	s0 =	smov.u32 s5  }
0x46b: {  	v3 =	vld [tilespmem:s0+$0x1A7B0];
	_ =	sdelay $0x1  }
0x46c: {  	v2 =	vadd.s32 $0xFFF54F00, v2  }
0x46d: {  	[tilespmem:s0+$0x1A780] =	vst v2;
	v1 =	vadd.s32 $0xFFF54F00, v1  }
0x46e: {  	[tilespmem:s0+$0x1A790] =	vst v1;
	v0 =	vadd.s32 $0xFFF54F00, v0  }
0x46f: {  	s31 =	rddreg [dreg:$0x4];
	[tilespmem:s0+$0x1A7A0] =	vst v0;
	v0 =	vadd.s32 $0xFFF54F00, v3  }
0x470: {  	s3 =	simm.s32 $0x400;
	s5 =	simm.s32 $0x1A780;
	s7 =	simm.s32 $0x1CB80;
	[tilespmem:s0+$0x1A7B0] =	vst v0  }
0x471: {  	[tilespmem:s7], [sflag:$0x1] =	stream.indirect.gather [spmem:s31], $0x1, s5, s3, $0xb8;
	[tilespmem:$0x1D380] =	vst v63  }
0x472: {  	_ =	swait.ge [sflag:s4], $0x400  }
0x473: {  	[sflag:s4] =	ssyncset.done $0x0  }
0x474: {  	s0 =	simm.s32 $0x0;
	[sflag:s4] =	ssyncadd.s32 $0xFFFFFC00  }
0x475: {  	v2 =	vld [tilespmem:s0+$0x1A780]  }
0x476: {  	v1 =	vld [tilespmem:s0+$0x1A790]  }
0x477: {  	s3 =	simm.s32 $0x100;
	v0 =	vld [tilespmem:s0+$0x1A7A0]  }
.LBB2_108:
0x478: {  	p1 =	sne.s32 s3, $0xF00;
	v3 =	vld [tilespmem:s0+$0x1A7B0];
	_ =	sdelay $0x1  }
.Ltmp58:
0x479: {  	v2 =	vadd.s32 $0x18700, v2;
	(pc) =	sbr.rel @p1 .LBB2_108-.Ltmp58, $4  }
0x47a: {  	s5 =	sshra.s32 s3, $0x2;
	[tilespmem:s0+$0x1A780] =	vst v2;
	v1 =	vadd.s32 $0x18700, v1  }
0x47b: {  	v2 =	vld [tilespmem:s5+$0x1A780];
	[tilespmem:s0+$0x1A790] =	vst v1;
	v0 =	vadd.s32 $0x18700, v0  }
0x47c: {  	v1 =	vld [tilespmem:s5+$0x1A790];
	[tilespmem:s0+$0x1A7A0] =	vst v0;
	v3 =	vadd.s32 $0x18700, v3  }
0x47d: {  	s3 =	sadd.s32 $0x100, s3;
	v0 =	vld [tilespmem:s5+$0x1A7A0];
	[tilespmem:s0+$0x1A7B0] =	vst v3;
	s0 =	smov.u32 s5  }
0x47e: {  	v3 =	vld [tilespmem:s0+$0x1A7B0];
	_ =	sdelay $0x1  }
0x47f: {  	v2 =	vadd.s32 $0x18700, v2  }
0x480: {  	[tilespmem:s0+$0x1A780] =	vst v2;
	v1 =	vadd.s32 $0x18700, v1  }
0x481: {  	[tilespmem:s0+$0x1A790] =	vst v1;
	v0 =	vadd.s32 $0x18700, v0  }
0x482: {  	s9 =	rddreg [dreg:$0x4];
	s3 =	simm.s32 $0x400;
	[tilespmem:s0+$0x1A7A0] =	vst v0;
	v0 =	vadd.s32 $0x18700, v3  }
0x483: {  	s5 =	simm.s32 $0x1A780;
	s7 =	simm.s32 $0x1CF80;
	s24 =	simm.s32 $0x1CB80;
	[tilespmem:s0+$0x1A7B0] =	vst v0  }
0x484: {  	[tilespmem:s7], [sflag:$0x2] =	stream.indirect.gather [spmem:s9], $0x1, s5, s3, $0xb8;
	[tilespmem:$0x1D380] =	vst v63  }
0x485: {  	v0 =	vld [tilespmem:s24+$0x0]  }
0x486: {  	s3 =	simm.s32 $0x0  }
0x487: {  	s25 =	sand.u32 $0x1C00, s3  }
0x488: {  	s5 =	sand.u32 $0x40, s3;
	s30 =	sand.u32 $0x380, s3;
	s0 =	sadd.s32 $0x1AB80, s25  }
0x489: {  	s24 =	sor.u32 $0x10, s5;
	s7 =	sadd.s32 $0x1CB80, s30;
	s9 =	sor.u32 s5, s0  }
0x48a: {  	s31 =	sor.u32 s24, s7;
	[tilespmem:s9+$0x0] =	vst v0  }
0x48b: {  	v0 =	vld [tilespmem:s31+$0x0];
	_ =	sdelay $0x3  }
0x48c: {  	s25 =	sor.u32 $0x20, s5;
	s24 =	sor.u32 s24, s0  }
0x48d: {  	s30 =	sor.u32 s25, s7;
	[tilespmem:s24+$0x0] =	vst v0  }
0x48e: {  	v0 =	vld [tilespmem:s30+$0x0];
	_ =	sdelay $0x3  }
0x48f: {  	s5 =	sor.u32 $0x30, s5;
	s31 =	sor.u32 s25, s0  }
0x490: {  	s7 =	sor.u32 s5, s7;
	[tilespmem:s31+$0x0] =	vst v0  }
0x491: {  	v0 =	vld [tilespmem:s7+$0x0];
	_ =	sdelay $0x3  }
0x492: {  	s0 =	sor.u32 s5, s0  }
0x493: {  	[tilespmem:s0+$0x0] =	vst v0;
	s0 =	simm.s32 $0x1CBC0  }
0x494: {  	s9 =	simm.s32 $0x40;
	s7 =	simm.s32 $0x80;
	v0 =	vld [tilespmem:s0+$0x0]  }
.LBB2_110:
0x495: {  	p1 =	sne.s32 s7, $0x3C0;
	s3 =	sadd.s32 $0x200, s3  }
0x496: {  	s5 =	sand.u32 $0x1C00, s3  }
0x497: {  	s24 =	sand.u32 $0x40, s9;
	s9 =	sand.u32 $0x380, s9;
	s5 =	sadd.s32 $0x1AB80, s5  }
0x498: {  	s30 =	sor.u32 $0x10, s24;
	s31 =	sadd.s32 $0x1CB80, s9;
	s25 =	sor.u32 s24, s5  }
0x499: {  	s9 =	smov.u32 s7;
	[tilespmem:s25+$0x0] =	vst v0;
	s25 =	sor.u32 s30, s31  }
0x49a: {  	v0 =	vld [tilespmem:s25+$0x0];
	_ =	sdelay $0x3  }
0x49b: {  	s25 =	sor.u32 s30, s5;
	s30 =	sor.u32 $0x20, s24  }
0x49c: {  	[tilespmem:s25+$0x0] =	vst v0;
	s25 =	sor.u32 s30, s31  }
0x49d: {  	v0 =	vld [tilespmem:s25+$0x0];
	_ =	sdelay $0x3  }
0x49e: {  	s24 =	sor.u32 $0x30, s24;
	s25 =	sor.u32 s30, s5  }
0x49f: {  	[tilespmem:s25+$0x0] =	vst v0;
	s25 =	sor.u32 s24, s31  }
0x4a0: {  	v0 =	vld [tilespmem:s25+$0x0];
	_ =	sdelay $0x1  }
.Ltmp59:
0x4a1: {  	(pc) =	sbr.rel @p1 .LBB2_110-.Ltmp59, $4  }
0x4a2: {  	_ = 	snop  }
0x4a3: {  	s5 =	sor.u32 s24, s5  }
0x4a4: {  	s0 =	sadd.s32 $0x40, s0;
	[tilespmem:s5+$0x0] =	vst v0  }
0x4a5: {  	s7 =	sadd.s32 $0x40, s7;
	v0 =	vld [tilespmem:s0+$0x0]  }
0x4a6: {  	s0 =	sadd.s32 $0x200, s3  }
0x4a7: {  	s0 =	sand.u32 $0x1C00, s0  }
0x4a8: {  	s3 =	sand.u32 $0x40, s9;
	s5 =	sand.u32 $0x380, s9;
	s0 =	sadd.s32 $0x1AB80, s0  }
0x4a9: {  	s30 =	sor.u32 $0x10, s3;
	s5 =	sadd.s32 $0x1CB80, s5;
	s7 =	sor.u32 s3, s0  }
0x4aa: {  	s31 =	sor.u32 s30, s5;
	[tilespmem:s7+$0x0] =	vst v0  }
0x4ab: {  	v0 =	vld [tilespmem:s31+$0x0];
	_ =	sdelay $0x3  }
0x4ac: {  	s25 =	sor.u32 $0x20, s3;
	s24 =	sor.u32 s30, s0  }
0x4ad: {  	s30 =	sor.u32 s25, s5;
	[tilespmem:s24+$0x0] =	vst v0  }
0x4ae: {  	v0 =	vld [tilespmem:s30+$0x0];
	_ =	sdelay $0x3  }
0x4af: {  	s3 =	sor.u32 $0x30, s3;
	s31 =	sor.u32 s25, s0  }
0x4b0: {  	s5 =	sor.u32 s3, s5;
	[tilespmem:s31+$0x0] =	vst v0  }
0x4b1: {  	v0 =	vld [tilespmem:s5+$0x0];
	_ =	sdelay $0x3  }
0x4b2: {  	s0 =	sor.u32 s3, s0  }
0x4b3: {  	[tilespmem:s0+$0x0] =	vst v0  }
0x4b4: {  	_ =	swait.ge [sflag:s1], $0x400  }
0x4b5: {  	[sflag:s1] =	ssyncset.done $0x0  }
0x4b6: {  	s0 =	simm.s32 $0x0;
	[sflag:s1] =	ssyncadd.s32 $0xFFFFFC00  }
0x4b7: {  	v2 =	vld [tilespmem:s0+$0x1A780]  }
0x4b8: {  	v1 =	vld [tilespmem:s0+$0x1A790]  }
0x4b9: {  	s3 =	simm.s32 $0x100;
	v0 =	vld [tilespmem:s0+$0x1A7A0]  }
.LBB2_112:
0x4ba: {  	p1 =	sne.s32 s3, $0xF00;
	v3 =	vld [tilespmem:s0+$0x1A7B0];
	_ =	sdelay $0x1  }
.Ltmp60:
0x4bb: {  	v2 =	vadd.s32 $0x18700, v2;
	(pc) =	sbr.rel @p1 .LBB2_112-.Ltmp60, $4  }
0x4bc: {  	s5 =	sshra.s32 s3, $0x2;
	[tilespmem:s0+$0x1A780] =	vst v2;
	v1 =	vadd.s32 $0x18700, v1  }
0x4bd: {  	v2 =	vld [tilespmem:s5+$0x1A780];
	[tilespmem:s0+$0x1A790] =	vst v1;
	v0 =	vadd.s32 $0x18700, v0  }
0x4be: {  	v1 =	vld [tilespmem:s5+$0x1A790];
	[tilespmem:s0+$0x1A7A0] =	vst v0;
	v3 =	vadd.s32 $0x18700, v3  }
0x4bf: {  	s3 =	sadd.s32 $0x100, s3;
	v0 =	vld [tilespmem:s5+$0x1A7A0];
	[tilespmem:s0+$0x1A7B0] =	vst v3;
	s0 =	smov.u32 s5  }
0x4c0: {  	v3 =	vld [tilespmem:s0+$0x1A7B0];
	_ =	sdelay $0x1  }
0x4c1: {  	v2 =	vadd.s32 $0x18700, v2  }
0x4c2: {  	[tilespmem:s0+$0x1A780] =	vst v2;
	v1 =	vadd.s32 $0x18700, v1  }
0x4c3: {  	[tilespmem:s0+$0x1A790] =	vst v1;
	v0 =	vadd.s32 $0x18700, v0  }
0x4c4: {  	s9 =	rddreg [dreg:$0x4];
	s3 =	simm.s32 $0x400;
	[tilespmem:s0+$0x1A7A0] =	vst v0;
	v0 =	vadd.s32 $0x18700, v3  }
0x4c5: {  	s5 =	simm.s32 $0x1A780;
	s7 =	simm.s32 $0x1CB80;
	s24 =	simm.s32 $0x1CF80;
	[tilespmem:s0+$0x1A7B0] =	vst v0  }
0x4c6: {  	[tilespmem:s7], [sflag:$0x1] =	stream.indirect.gather [spmem:s9], $0x1, s5, s3, $0xb8;
	[tilespmem:$0x1D380] =	vst v63  }
0x4c7: {  	v0 =	vld [tilespmem:s24+$0x0]  }
0x4c8: {  	s3 =	simm.s32 $0x0  }
0x4c9: {  	s25 =	sand.u32 $0x1C00, s3  }
0x4ca: {  	s5 =	sand.u32 $0x40, s3;
	s30 =	sand.u32 $0x380, s3;
	s0 =	sadd.s32 $0x1AB80, s25  }
0x4cb: {  	s24 =	sor.u32 $0x10, s5;
	s7 =	sadd.s32 $0x1CF80, s30;
	s9 =	sor.u32 s5, s0  }
0x4cc: {  	s31 =	sor.u32 s24, s7;
	[tilespmem:s9+$0x80] =	vst v0  }
0x4cd: {  	v0 =	vld [tilespmem:s31+$0x0];
	_ =	sdelay $0x3  }
0x4ce: {  	s25 =	sor.u32 $0x20, s5;
	s24 =	sor.u32 s24, s0  }
0x4cf: {  	s30 =	sor.u32 s25, s7;
	[tilespmem:s24+$0x80] =	vst v0  }
0x4d0: {  	v0 =	vld [tilespmem:s30+$0x0];
	_ =	sdelay $0x3  }
0x4d1: {  	s5 =	sor.u32 $0x30, s5;
	s31 =	sor.u32 s25, s0  }
0x4d2: {  	s7 =	sor.u32 s5, s7;
	[tilespmem:s31+$0x80] =	vst v0  }
0x4d3: {  	v0 =	vld [tilespmem:s7+$0x0];
	_ =	sdelay $0x3  }
0x4d4: {  	s0 =	sor.u32 s5, s0  }
0x4d5: {  	[tilespmem:s0+$0x80] =	vst v0;
	s0 =	simm.s32 $0x1CFC0  }
0x4d6: {  	s9 =	simm.s32 $0x40;
	s7 =	simm.s32 $0x80;
	v0 =	vld [tilespmem:s0+$0x0]  }
.LBB2_114:
0x4d7: {  	p1 =	sne.s32 s7, $0x3C0;
	s3 =	sadd.s32 $0x200, s3  }
0x4d8: {  	s5 =	sand.u32 $0x1C00, s3  }
0x4d9: {  	s24 =	sand.u32 $0x40, s9;
	s9 =	sand.u32 $0x380, s9;
	s5 =	sadd.s32 $0x1AB80, s5  }
0x4da: {  	s30 =	sor.u32 $0x10, s24;
	s31 =	sadd.s32 $0x1CF80, s9;
	s25 =	sor.u32 s24, s5  }
0x4db: {  	s9 =	smov.u32 s7;
	[tilespmem:s25+$0x80] =	vst v0;
	s25 =	sor.u32 s30, s31  }
0x4dc: {  	v0 =	vld [tilespmem:s25+$0x0];
	_ =	sdelay $0x3  }
0x4dd: {  	s25 =	sor.u32 s30, s5;
	s30 =	sor.u32 $0x20, s24  }
0x4de: {  	[tilespmem:s25+$0x80] =	vst v0;
	s25 =	sor.u32 s30, s31  }
0x4df: {  	v0 =	vld [tilespmem:s25+$0x0];
	_ =	sdelay $0x3  }
0x4e0: {  	s24 =	sor.u32 $0x30, s24;
	s25 =	sor.u32 s30, s5  }
0x4e1: {  	[tilespmem:s25+$0x80] =	vst v0;
	s25 =	sor.u32 s24, s31  }
0x4e2: {  	v0 =	vld [tilespmem:s25+$0x0];
	_ =	sdelay $0x1  }
.Ltmp61:
0x4e3: {  	(pc) =	sbr.rel @p1 .LBB2_114-.Ltmp61, $4  }
0x4e4: {  	_ = 	snop  }
0x4e5: {  	s5 =	sor.u32 s24, s5  }
0x4e6: {  	s0 =	sadd.s32 $0x40, s0;
	[tilespmem:s5+$0x80] =	vst v0  }
0x4e7: {  	s7 =	sadd.s32 $0x40, s7;
	v0 =	vld [tilespmem:s0+$0x0]  }
0x4e8: {  	s0 =	sadd.s32 $0x200, s3  }
0x4e9: {  	s0 =	sand.u32 $0x1C00, s0  }
0x4ea: {  	s3 =	sand.u32 $0x40, s9;
	s5 =	sand.u32 $0x380, s9;
	s0 =	sadd.s32 $0x1AB80, s0  }
0x4eb: {  	s30 =	sor.u32 $0x10, s3;
	s5 =	sadd.s32 $0x1CF80, s5;
	s7 =	sor.u32 s3, s0  }
0x4ec: {  	s31 =	sor.u32 s30, s5;
	[tilespmem:s7+$0x80] =	vst v0  }
0x4ed: {  	v0 =	vld [tilespmem:s31+$0x0];
	_ =	sdelay $0x3  }
0x4ee: {  	s25 =	sor.u32 $0x20, s3;
	s24 =	sor.u32 s30, s0  }
0x4ef: {  	s30 =	sor.u32 s25, s5;
	[tilespmem:s24+$0x80] =	vst v0  }
0x4f0: {  	v0 =	vld [tilespmem:s30+$0x0];
	_ =	sdelay $0x3  }
0x4f1: {  	s3 =	sor.u32 $0x30, s3;
	s31 =	sor.u32 s25, s0  }
0x4f2: {  	s5 =	sor.u32 s3, s5;
	[tilespmem:s31+$0x80] =	vst v0  }
0x4f3: {  	v0 =	vld [tilespmem:s5+$0x0];
	_ =	sdelay $0x3  }
0x4f4: {  	s0 =	sor.u32 s3, s0  }
0x4f5: {  	[tilespmem:s0+$0x80] =	vst v0  }
0x4f6: {  	_ =	swait.ge [sflag:s4], $0x400  }
0x4f7: {  	[sflag:s4] =	ssyncset.done $0x0  }
0x4f8: {  	s0 =	simm.s32 $0x0;
	[sflag:s4] =	ssyncadd.s32 $0xFFFFFC00  }
0x4f9: {  	v2 =	vld [tilespmem:s0+$0x1A780]  }
0x4fa: {  	v1 =	vld [tilespmem:s0+$0x1A790]  }
0x4fb: {  	s3 =	simm.s32 $0x100;
	v0 =	vld [tilespmem:s0+$0x1A7A0]  }
.LBB2_116:
0x4fc: {  	p1 =	sne.s32 s3, $0xF00;
	v3 =	vld [tilespmem:s0+$0x1A7B0];
	_ =	sdelay $0x1  }
.Ltmp62:
0x4fd: {  	v2 =	vadd.s32 $0x18700, v2;
	(pc) =	sbr.rel @p1 .LBB2_116-.Ltmp62, $4  }
0x4fe: {  	s5 =	sshra.s32 s3, $0x2;
	[tilespmem:s0+$0x1A780] =	vst v2;
	v1 =	vadd.s32 $0x18700, v1  }
0x4ff: {  	v2 =	vld [tilespmem:s5+$0x1A780];
	[tilespmem:s0+$0x1A790] =	vst v1;
	v0 =	vadd.s32 $0x18700, v0  }
0x500: {  	v1 =	vld [tilespmem:s5+$0x1A790];
	[tilespmem:s0+$0x1A7A0] =	vst v0;
	v3 =	vadd.s32 $0x18700, v3  }
0x501: {  	s3 =	sadd.s32 $0x100, s3;
	v0 =	vld [tilespmem:s5+$0x1A7A0];
	[tilespmem:s0+$0x1A7B0] =	vst v3;
	s0 =	smov.u32 s5  }
0x502: {  	v3 =	vld [tilespmem:s0+$0x1A7B0];
	_ =	sdelay $0x1  }
0x503: {  	v2 =	vadd.s32 $0x18700, v2  }
0x504: {  	[tilespmem:s0+$0x1A780] =	vst v2;
	v1 =	vadd.s32 $0x18700, v1  }
0x505: {  	[tilespmem:s0+$0x1A790] =	vst v1;
	v0 =	vadd.s32 $0x18700, v0  }
0x506: {  	s9 =	rddreg [dreg:$0x4];
	s3 =	simm.s32 $0x400;
	[tilespmem:s0+$0x1A7A0] =	vst v0;
	v0 =	vadd.s32 $0x18700, v3  }
0x507: {  	s5 =	simm.s32 $0x1A780;
	s7 =	simm.s32 $0x1CF80;
	s24 =	simm.s32 $0x1CB80;
	[tilespmem:s0+$0x1A7B0] =	vst v0  }
0x508: {  	[tilespmem:s7], [sflag:$0x2] =	stream.indirect.gather [spmem:s9], $0x1, s5, s3, $0xb8;
	[tilespmem:$0x1D380] =	vst v63  }
0x509: {  	v0 =	vld [tilespmem:s24+$0x0]  }
0x50a: {  	s3 =	simm.s32 $0x0  }
0x50b: {  	s25 =	sand.u32 $0x1C00, s3  }
0x50c: {  	s5 =	sand.u32 $0x40, s3;
	s30 =	sand.u32 $0x380, s3;
	s0 =	sadd.s32 $0x1AB80, s25  }
0x50d: {  	s24 =	sor.u32 $0x10, s5;
	s7 =	sadd.s32 $0x1CB80, s30;
	s9 =	sor.u32 s5, s0  }
0x50e: {  	s31 =	sor.u32 s24, s7;
	[tilespmem:s9+$0x100] =	vst v0  }
0x50f: {  	v0 =	vld [tilespmem:s31+$0x0];
	_ =	sdelay $0x3  }
0x510: {  	s25 =	sor.u32 $0x20, s5;
	s24 =	sor.u32 s24, s0  }
0x511: {  	s30 =	sor.u32 s25, s7;
	[tilespmem:s24+$0x100] =	vst v0  }
0x512: {  	v0 =	vld [tilespmem:s30+$0x0];
	_ =	sdelay $0x3  }
0x513: {  	s5 =	sor.u32 $0x30, s5;
	s31 =	sor.u32 s25, s0  }
0x514: {  	s7 =	sor.u32 s5, s7;
	[tilespmem:s31+$0x100] =	vst v0  }
0x515: {  	v0 =	vld [tilespmem:s7+$0x0];
	_ =	sdelay $0x3  }
0x516: {  	s0 =	sor.u32 s5, s0  }
0x517: {  	[tilespmem:s0+$0x100] =	vst v0;
	s0 =	simm.s32 $0x1CBC0  }
0x518: {  	s9 =	simm.s32 $0x40;
	s7 =	simm.s32 $0x80;
	v0 =	vld [tilespmem:s0+$0x0]  }
.LBB2_118:
0x519: {  	p1 =	sne.s32 s7, $0x3C0;
	s3 =	sadd.s32 $0x200, s3  }
0x51a: {  	s5 =	sand.u32 $0x1C00, s3  }
0x51b: {  	s24 =	sand.u32 $0x40, s9;
	s9 =	sand.u32 $0x380, s9;
	s5 =	sadd.s32 $0x1AB80, s5  }
0x51c: {  	s30 =	sor.u32 $0x10, s24;
	s31 =	sadd.s32 $0x1CB80, s9;
	s25 =	sor.u32 s24, s5  }
0x51d: {  	s9 =	smov.u32 s7;
	[tilespmem:s25+$0x100] =	vst v0;
	s25 =	sor.u32 s30, s31  }
0x51e: {  	v0 =	vld [tilespmem:s25+$0x0];
	_ =	sdelay $0x3  }
0x51f: {  	s25 =	sor.u32 s30, s5;
	s30 =	sor.u32 $0x20, s24  }
0x520: {  	[tilespmem:s25+$0x100] =	vst v0;
	s25 =	sor.u32 s30, s31  }
0x521: {  	v0 =	vld [tilespmem:s25+$0x0];
	_ =	sdelay $0x3  }
0x522: {  	s24 =	sor.u32 $0x30, s24;
	s25 =	sor.u32 s30, s5  }
0x523: {  	[tilespmem:s25+$0x100] =	vst v0;
	s25 =	sor.u32 s24, s31  }
0x524: {  	v0 =	vld [tilespmem:s25+$0x0];
	_ =	sdelay $0x1  }
.Ltmp63:
0x525: {  	(pc) =	sbr.rel @p1 .LBB2_118-.Ltmp63, $4  }
0x526: {  	_ = 	snop  }
0x527: {  	s5 =	sor.u32 s24, s5  }
0x528: {  	s0 =	sadd.s32 $0x40, s0;
	[tilespmem:s5+$0x100] =	vst v0  }
0x529: {  	s7 =	sadd.s32 $0x40, s7;
	v0 =	vld [tilespmem:s0+$0x0]  }
0x52a: {  	s0 =	sadd.s32 $0x200, s3  }
0x52b: {  	s0 =	sand.u32 $0x1C00, s0  }
0x52c: {  	s3 =	sand.u32 $0x40, s9;
	s5 =	sand.u32 $0x380, s9;
	s0 =	sadd.s32 $0x1AB80, s0  }
0x52d: {  	s30 =	sor.u32 $0x10, s3;
	s5 =	sadd.s32 $0x1CB80, s5;
	s7 =	sor.u32 s3, s0  }
0x52e: {  	s31 =	sor.u32 s30, s5;
	[tilespmem:s7+$0x100] =	vst v0  }
0x52f: {  	v0 =	vld [tilespmem:s31+$0x0];
	_ =	sdelay $0x3  }
0x530: {  	s25 =	sor.u32 $0x20, s3;
	s24 =	sor.u32 s30, s0  }
0x531: {  	s30 =	sor.u32 s25, s5;
	[tilespmem:s24+$0x100] =	vst v0  }
0x532: {  	v0 =	vld [tilespmem:s30+$0x0];
	_ =	sdelay $0x3  }
0x533: {  	s3 =	sor.u32 $0x30, s3;
	s31 =	sor.u32 s25, s0  }
0x534: {  	s5 =	sor.u32 s3, s5;
	[tilespmem:s31+$0x100] =	vst v0  }
0x535: {  	v0 =	vld [tilespmem:s5+$0x0];
	_ =	sdelay $0x3  }
0x536: {  	s0 =	sor.u32 s3, s0  }
0x537: {  	[tilespmem:s0+$0x100] =	vst v0  }
0x538: {  	_ =	swait.ge [sflag:s1], $0x400  }
0x539: {  	[sflag:s1] =	ssyncset.done $0x0  }
0x53a: {  	s0 =	simm.s32 $0x0;
	[sflag:s1] =	ssyncadd.s32 $0xFFFFFC00  }
0x53b: {  	v2 =	vld [tilespmem:s0+$0x1A780]  }
0x53c: {  	v1 =	vld [tilespmem:s0+$0x1A790]  }
0x53d: {  	s3 =	simm.s32 $0x100;
	v0 =	vld [tilespmem:s0+$0x1A7A0]  }
.LBB2_120:
0x53e: {  	p1 =	sne.s32 s3, $0xF00;
	v3 =	vld [tilespmem:s0+$0x1A7B0];
	_ =	sdelay $0x1  }
.Ltmp64:
0x53f: {  	v2 =	vadd.s32 $0x18700, v2;
	(pc) =	sbr.rel @p1 .LBB2_120-.Ltmp64, $4  }
0x540: {  	s5 =	sshra.s32 s3, $0x2;
	[tilespmem:s0+$0x1A780] =	vst v2;
	v1 =	vadd.s32 $0x18700, v1  }
0x541: {  	v2 =	vld [tilespmem:s5+$0x1A780];
	[tilespmem:s0+$0x1A790] =	vst v1;
	v0 =	vadd.s32 $0x18700, v0  }
0x542: {  	v1 =	vld [tilespmem:s5+$0x1A790];
	[tilespmem:s0+$0x1A7A0] =	vst v0;
	v3 =	vadd.s32 $0x18700, v3  }
0x543: {  	s3 =	sadd.s32 $0x100, s3;
	v0 =	vld [tilespmem:s5+$0x1A7A0];
	[tilespmem:s0+$0x1A7B0] =	vst v3;
	s0 =	smov.u32 s5  }
0x544: {  	v3 =	vld [tilespmem:s0+$0x1A7B0];
	_ =	sdelay $0x1  }
0x545: {  	v2 =	vadd.s32 $0x18700, v2  }
0x546: {  	[tilespmem:s0+$0x1A780] =	vst v2;
	v1 =	vadd.s32 $0x18700, v1  }
0x547: {  	[tilespmem:s0+$0x1A790] =	vst v1;
	v0 =	vadd.s32 $0x18700, v0  }
0x548: {  	s9 =	rddreg [dreg:$0x4];
	s3 =	simm.s32 $0x400;
	[tilespmem:s0+$0x1A7A0] =	vst v0;
	v0 =	vadd.s32 $0x18700, v3  }
0x549: {  	s5 =	simm.s32 $0x1A780;
	s7 =	simm.s32 $0x1CB80;
	s24 =	simm.s32 $0x1CF80;
	[tilespmem:s0+$0x1A7B0] =	vst v0  }
0x54a: {  	[tilespmem:s7], [sflag:$0x1] =	stream.indirect.gather [spmem:s9], $0x1, s5, s3, $0xb8;
	[tilespmem:$0x1D380] =	vst v63  }
0x54b: {  	v0 =	vld [tilespmem:s24+$0x0]  }
0x54c: {  	s3 =	simm.s32 $0x0  }
0x54d: {  	s25 =	sand.u32 $0x1C00, s3  }
0x54e: {  	s5 =	sand.u32 $0x40, s3;
	s30 =	sand.u32 $0x380, s3;
	s0 =	sadd.s32 $0x1AB80, s25  }
0x54f: {  	s24 =	sor.u32 $0x10, s5;
	s7 =	sadd.s32 $0x1CF80, s30;
	s9 =	sor.u32 s5, s0  }
0x550: {  	s31 =	sor.u32 s24, s7;
	[tilespmem:s9+$0x180] =	vst v0  }
0x551: {  	v0 =	vld [tilespmem:s31+$0x0];
	_ =	sdelay $0x3  }
0x552: {  	s25 =	sor.u32 $0x20, s5;
	s24 =	sor.u32 s24, s0  }
0x553: {  	s30 =	sor.u32 s25, s7;
	[tilespmem:s24+$0x180] =	vst v0  }
0x554: {  	v0 =	vld [tilespmem:s30+$0x0];
	_ =	sdelay $0x3  }
0x555: {  	s5 =	sor.u32 $0x30, s5;
	s31 =	sor.u32 s25, s0  }
0x556: {  	s7 =	sor.u32 s5, s7;
	[tilespmem:s31+$0x180] =	vst v0  }
0x557: {  	v0 =	vld [tilespmem:s7+$0x0];
	_ =	sdelay $0x3  }
0x558: {  	s0 =	sor.u32 s5, s0  }
0x559: {  	[tilespmem:s0+$0x180] =	vst v0;
	s0 =	simm.s32 $0x1CFC0  }
0x55a: {  	s9 =	simm.s32 $0x40;
	s7 =	simm.s32 $0x80;
	v0 =	vld [tilespmem:s0+$0x0]  }
.LBB2_122:
0x55b: {  	p1 =	sne.s32 s7, $0x3C0;
	s3 =	sadd.s32 $0x200, s3  }
0x55c: {  	s5 =	sand.u32 $0x1C00, s3  }
0x55d: {  	s24 =	sand.u32 $0x40, s9;
	s9 =	sand.u32 $0x380, s9;
	s5 =	sadd.s32 $0x1AB80, s5  }
0x55e: {  	s30 =	sor.u32 $0x10, s24;
	s31 =	sadd.s32 $0x1CF80, s9;
	s25 =	sor.u32 s24, s5  }
0x55f: {  	s9 =	smov.u32 s7;
	[tilespmem:s25+$0x180] =	vst v0;
	s25 =	sor.u32 s30, s31  }
0x560: {  	v0 =	vld [tilespmem:s25+$0x0];
	_ =	sdelay $0x3  }
0x561: {  	s25 =	sor.u32 s30, s5;
	s30 =	sor.u32 $0x20, s24  }
0x562: {  	[tilespmem:s25+$0x180] =	vst v0;
	s25 =	sor.u32 s30, s31  }
0x563: {  	v0 =	vld [tilespmem:s25+$0x0];
	_ =	sdelay $0x3  }
0x564: {  	s24 =	sor.u32 $0x30, s24;
	s25 =	sor.u32 s30, s5  }
0x565: {  	[tilespmem:s25+$0x180] =	vst v0;
	s25 =	sor.u32 s24, s31  }
0x566: {  	v0 =	vld [tilespmem:s25+$0x0];
	_ =	sdelay $0x1  }
.Ltmp65:
0x567: {  	(pc) =	sbr.rel @p1 .LBB2_122-.Ltmp65, $4  }
0x568: {  	_ = 	snop  }
0x569: {  	s5 =	sor.u32 s24, s5  }
0x56a: {  	s0 =	sadd.s32 $0x40, s0;
	[tilespmem:s5+$0x180] =	vst v0  }
0x56b: {  	s7 =	sadd.s32 $0x40, s7;
	v0 =	vld [tilespmem:s0+$0x0]  }
0x56c: {  	s0 =	sadd.s32 $0x200, s3  }
0x56d: {  	s0 =	sand.u32 $0x1C00, s0  }
0x56e: {  	s3 =	sand.u32 $0x40, s9;
	s5 =	sand.u32 $0x380, s9;
	s0 =	sadd.s32 $0x1AB80, s0  }
0x56f: {  	s30 =	sor.u32 $0x10, s3;
	s5 =	sadd.s32 $0x1CF80, s5;
	s7 =	sor.u32 s3, s0  }
0x570: {  	s31 =	sor.u32 s30, s5;
	[tilespmem:s7+$0x180] =	vst v0  }
0x571: {  	v0 =	vld [tilespmem:s31+$0x0];
	_ =	sdelay $0x3  }
0x572: {  	s25 =	sor.u32 $0x20, s3;
	s24 =	sor.u32 s30, s0  }
0x573: {  	s30 =	sor.u32 s25, s5;
	[tilespmem:s24+$0x180] =	vst v0  }
0x574: {  	v0 =	vld [tilespmem:s30+$0x0];
	_ =	sdelay $0x3  }
0x575: {  	s3 =	sor.u32 $0x30, s3;
	s31 =	sor.u32 s25, s0  }
0x576: {  	s5 =	sor.u32 s3, s5;
	[tilespmem:s31+$0x180] =	vst v0  }
0x577: {  	v0 =	vld [tilespmem:s5+$0x0];
	_ =	sdelay $0x3  }
0x578: {  	s0 =	sor.u32 s3, s0  }
0x579: {  	[tilespmem:s0+$0x180] =	vst v0  }
0x57a: {  	_ =	swait.ge [sflag:s4], $0x400  }
0x57b: {  	[sflag:s4] =	ssyncset.done $0x0  }
0x57c: {  	s0 =	simm.s32 $0x0;
	[sflag:s4] =	ssyncadd.s32 $0xFFFFFC00  }
0x57d: {  	v2 =	vld [tilespmem:s0+$0x1A780]  }
0x57e: {  	v1 =	vld [tilespmem:s0+$0x1A790]  }
0x57f: {  	s3 =	simm.s32 $0x100;
	v0 =	vld [tilespmem:s0+$0x1A7A0]  }
.LBB2_124:
0x580: {  	p1 =	sne.s32 s3, $0xF00;
	v3 =	vld [tilespmem:s0+$0x1A7B0];
	_ =	sdelay $0x1  }
.Ltmp66:
0x581: {  	v2 =	vadd.s32 $0x18700, v2;
	(pc) =	sbr.rel @p1 .LBB2_124-.Ltmp66, $4  }
0x582: {  	s5 =	sshra.s32 s3, $0x2;
	[tilespmem:s0+$0x1A780] =	vst v2;
	v1 =	vadd.s32 $0x18700, v1  }
0x583: {  	v2 =	vld [tilespmem:s5+$0x1A780];
	[tilespmem:s0+$0x1A790] =	vst v1;
	v0 =	vadd.s32 $0x18700, v0  }
0x584: {  	v1 =	vld [tilespmem:s5+$0x1A790];
	[tilespmem:s0+$0x1A7A0] =	vst v0;
	v3 =	vadd.s32 $0x18700, v3  }
0x585: {  	s3 =	sadd.s32 $0x100, s3;
	v0 =	vld [tilespmem:s5+$0x1A7A0];
	[tilespmem:s0+$0x1A7B0] =	vst v3;
	s0 =	smov.u32 s5  }
0x586: {  	v3 =	vld [tilespmem:s0+$0x1A7B0];
	_ =	sdelay $0x1  }
0x587: {  	v2 =	vadd.s32 $0x18700, v2  }
0x588: {  	[tilespmem:s0+$0x1A780] =	vst v2;
	v1 =	vadd.s32 $0x18700, v1  }
0x589: {  	[tilespmem:s0+$0x1A790] =	vst v1;
	v0 =	vadd.s32 $0x18700, v0  }
0x58a: {  	s31 =	rddreg [dreg:$0x4];
	[tilespmem:s0+$0x1A7A0] =	vst v0;
	v0 =	vadd.s32 $0x18700, v3  }
0x58b: {  	s3 =	simm.s32 $0x400;
	s5 =	simm.s32 $0x1A780;
	s7 =	simm.s32 $0x1CF80;
	[tilespmem:s0+$0x1A7B0] =	vst v0  }
0x58c: {  	[tilespmem:s7], [sflag:$0x2] =	stream.indirect.gather [spmem:s31], $0x1, s5, s3, $0xb8;
	[tilespmem:$0x1D380] =	vst v63  }
0x58d: {  	s7 =	simm.s32 $0x1CB80  }
0x58e: {  	p1 =	por $0x0, $0x0;
	s0 =	simm.s32 $0x1;
	v0 =	vld [tilespmem:s7+$0x0]  }
0x58f: {  	s0 =	simm.s32 @!p1 $0x0  }
0x590: {  	s0 =	sshll.u32 s0, $0x6  }
0x591: {  	s3 =	simm.s32 $0x0;
	s0 =	sadd.s32 $0x0, s0  }
0x592: {  	s24 =	sand.u32 $0x3C0, s3;
	s9 =	sor.u32 $0x200, s0  }
0x593: {  	s25 =	sadd.s32 $0x1CB80, s24;
	[tilespmem:s9+$0x1AB80] =	vst v0  }
0x594: {  	v0 =	vld [tilespmem:s25+$0x10];
	_ =	sdelay $0x2  }
0x595: {  	s30 =	sadd.s32 $0x10, s0  }
0x596: {  	s7 =	sor.u32 $0x200, s30  }
0x597: {  	[tilespmem:s7+$0x1AB80] =	vst v0  }
0x598: {  	v0 =	vld [tilespmem:s25+$0x20];
	_ =	sdelay $0x2  }
0x599: {  	s31 =	sadd.s32 $0x20, s0  }
0x59a: {  	s7 =	sor.u32 $0x200, s31  }
0x59b: {  	[tilespmem:s7+$0x1AB80] =	vst v0  }
0x59c: {  	v0 =	vld [tilespmem:s25+$0x30];
	_ =	sdelay $0x2  }
0x59d: {  	s0 =	sadd.s32 $0x30, s0  }
0x59e: {  	s0 =	sor.u32 $0x200, s0  }
0x59f: {  	[tilespmem:s0+$0x1AB80] =	vst v0;
	s0 =	simm.s32 $0x1CBC0  }
0x5a0: {  	p1 =	por !p1, !p1;
	s9 =	simm.s32 $0x400;
	s7 =	simm.s32 $0x200;
	v0 =	vld [tilespmem:s0+$0x0]  }
.LBB2_126:
0x5a1: {  	s5 =	simm.s32 $0x1  }
0x5a2: {  	p2 =	sne.s32 s9, $0x1E00;
	s5 =	simm.s32 @!p1 $0x0  }
0x5a3: {  	s5 =	sshll.u32 s5, $0x6  }
0x5a4: {  	s3 =	sadd.s32 $0x40, s3;
	s5 =	sadd.s32 s5, s7;
	s7 =	smov.u32 s9  }
0x5a5: {  	s25 =	sand.u32 $0x3C0, s3;
	s24 =	sor.u32 $0x200, s5  }
0x5a6: {  	[tilespmem:s24+$0x1AB80] =	vst v0;
	s24 =	sadd.s32 $0x1CB80, s25  }
0x5a7: {  	v0 =	vld [tilespmem:s24+$0x10];
	_ =	sdelay $0x2  }
0x5a8: {  	s25 =	sadd.s32 $0x10, s5  }
0x5a9: {  	s25 =	sor.u32 $0x200, s25  }
0x5aa: {  	[tilespmem:s25+$0x1AB80] =	vst v0  }
0x5ab: {  	v0 =	vld [tilespmem:s24+$0x20];
	_ =	sdelay $0x2  }
0x5ac: {  	s25 =	sadd.s32 $0x20, s5  }
0x5ad: {  	s25 =	sor.u32 $0x200, s25  }
0x5ae: {  	[tilespmem:s25+$0x1AB80] =	vst v0  }
0x5af: {  	v0 =	vld [tilespmem:s24+$0x30];
	_ =	sdelay $0x1  }
.Ltmp67:
0x5b0: {  	(pc) =	sbr.rel @p2 .LBB2_126-.Ltmp67, $4  }
0x5b1: {  	s5 =	sadd.s32 $0x30, s5  }
0x5b2: {  	s5 =	sor.u32 $0x200, s5  }
0x5b3: {  	s0 =	sadd.s32 $0x40, s0;
	[tilespmem:s5+$0x1AB80] =	vst v0  }
0x5b4: {  	p1 =	por !p1, !p1;
	s9 =	sadd.s32 $0x200, s9;
	v0 =	vld [tilespmem:s0+$0x0]  }
0x5b5: {  	s0 =	simm.s32 $0x1  }
0x5b6: {  	s0 =	simm.s32 @!p1 $0x0  }
0x5b7: {  	s0 =	sshll.u32 s0, $0x6  }
0x5b8: {  	s3 =	sadd.s32 $0x40, s3;
	s0 =	sadd.s32 s0, s7  }
0x5b9: {  	s3 =	sand.u32 $0x3C0, s3;
	s5 =	sor.u32 $0x200, s0  }
0x5ba: {  	s3 =	sadd.s32 $0x1CB80, s3;
	[tilespmem:s5+$0x1AB80] =	vst v0  }
0x5bb: {  	v0 =	vld [tilespmem:s3+$0x10];
	_ =	sdelay $0x2  }
0x5bc: {  	s30 =	sadd.s32 $0x10, s0  }
0x5bd: {  	s5 =	sor.u32 $0x200, s30  }
0x5be: {  	[tilespmem:s5+$0x1AB80] =	vst v0  }
0x5bf: {  	v0 =	vld [tilespmem:s3+$0x20];
	_ =	sdelay $0x2  }
0x5c0: {  	s31 =	sadd.s32 $0x20, s0  }
0x5c1: {  	s5 =	sor.u32 $0x200, s31  }
0x5c2: {  	[tilespmem:s5+$0x1AB80] =	vst v0  }
0x5c3: {  	v0 =	vld [tilespmem:s3+$0x30];
	_ =	sdelay $0x2  }
0x5c4: {  	s0 =	sadd.s32 $0x30, s0  }
0x5c5: {  	s0 =	sor.u32 $0x200, s0  }
0x5c6: {  	[tilespmem:s0+$0x1AB80] =	vst v0  }
0x5c7: {  	_ =	swait.ge [sflag:s1], $0x400  }
0x5c8: {  	[sflag:s1] =	ssyncset.done $0x0  }
0x5c9: {  	s0 =	simm.s32 $0x0;
	[sflag:s1] =	ssyncadd.s32 $0xFFFFFC00  }
0x5ca: {  	v2 =	vld [tilespmem:s0+$0x1A780]  }
0x5cb: {  	v1 =	vld [tilespmem:s0+$0x1A790]  }
0x5cc: {  	s3 =	simm.s32 $0x100;
	v0 =	vld [tilespmem:s0+$0x1A7A0]  }
.LBB2_128:
0x5cd: {  	p1 =	sne.s32 s3, $0xF00;
	v3 =	vld [tilespmem:s0+$0x1A7B0];
	_ =	sdelay $0x1  }
.Ltmp68:
0x5ce: {  	v2 =	vadd.s32 $0x18700, v2;
	(pc) =	sbr.rel @p1 .LBB2_128-.Ltmp68, $4  }
0x5cf: {  	s5 =	sshra.s32 s3, $0x2;
	[tilespmem:s0+$0x1A780] =	vst v2;
	v1 =	vadd.s32 $0x18700, v1  }
0x5d0: {  	v2 =	vld [tilespmem:s5+$0x1A780];
	[tilespmem:s0+$0x1A790] =	vst v1;
	v0 =	vadd.s32 $0x18700, v0  }
0x5d1: {  	v1 =	vld [tilespmem:s5+$0x1A790];
	[tilespmem:s0+$0x1A7A0] =	vst v0;
	v3 =	vadd.s32 $0x18700, v3  }
0x5d2: {  	s3 =	sadd.s32 $0x100, s3;
	v0 =	vld [tilespmem:s5+$0x1A7A0];
	[tilespmem:s0+$0x1A7B0] =	vst v3;
	s0 =	smov.u32 s5  }
0x5d3: {  	v3 =	vld [tilespmem:s0+$0x1A7B0];
	_ =	sdelay $0x1  }
0x5d4: {  	v2 =	vadd.s32 $0x18700, v2  }
0x5d5: {  	[tilespmem:s0+$0x1A780] =	vst v2;
	v1 =	vadd.s32 $0x18700, v1  }
0x5d6: {  	[tilespmem:s0+$0x1A790] =	vst v1;
	v0 =	vadd.s32 $0x18700, v0  }
0x5d7: {  	s31 =	rddreg [dreg:$0x4];
	[tilespmem:s0+$0x1A7A0] =	vst v0;
	v0 =	vadd.s32 $0x18700, v3  }
0x5d8: {  	s3 =	simm.s32 $0x400;
	s5 =	simm.s32 $0x1A780;
	s7 =	simm.s32 $0x1CB80;
	[tilespmem:s0+$0x1A7B0] =	vst v0  }
0x5d9: {  	[tilespmem:s7], [sflag:$0x1] =	stream.indirect.gather [spmem:s31], $0x1, s5, s3, $0xb8;
	[tilespmem:$0x1D380] =	vst v63  }
0x5da: {  	s7 =	simm.s32 $0x1CF80  }
0x5db: {  	p1 =	por $0x0, $0x0;
	s0 =	simm.s32 $0x1;
	v0 =	vld [tilespmem:s7+$0x0]  }
0x5dc: {  	s0 =	simm.s32 @!p1 $0x0  }
0x5dd: {  	s0 =	sshll.u32 s0, $0x6  }
0x5de: {  	s3 =	simm.s32 $0x0;
	s0 =	sadd.s32 $0x0, s0  }
0x5df: {  	s24 =	sand.u32 $0x3C0, s3;
	s9 =	sor.u32 $0x280, s0  }
0x5e0: {  	s25 =	sadd.s32 $0x1CF80, s24;
	[tilespmem:s9+$0x1AB80] =	vst v0  }
0x5e1: {  	v0 =	vld [tilespmem:s25+$0x10];
	_ =	sdelay $0x2  }
0x5e2: {  	s30 =	sadd.s32 $0x10, s0  }
0x5e3: {  	s7 =	sor.u32 $0x280, s30  }
0x5e4: {  	[tilespmem:s7+$0x1AB80] =	vst v0  }
0x5e5: {  	v0 =	vld [tilespmem:s25+$0x20];
	_ =	sdelay $0x2  }
0x5e6: {  	s31 =	sadd.s32 $0x20, s0  }
0x5e7: {  	s7 =	sor.u32 $0x280, s31  }
0x5e8: {  	[tilespmem:s7+$0x1AB80] =	vst v0  }
0x5e9: {  	v0 =	vld [tilespmem:s25+$0x30];
	_ =	sdelay $0x2  }
0x5ea: {  	s0 =	sadd.s32 $0x30, s0  }
0x5eb: {  	s0 =	sor.u32 $0x280, s0  }
0x5ec: {  	[tilespmem:s0+$0x1AB80] =	vst v0;
	s0 =	simm.s32 $0x1CFC0  }
0x5ed: {  	p1 =	por !p1, !p1;
	s9 =	simm.s32 $0x400;
	s7 =	simm.s32 $0x200;
	v0 =	vld [tilespmem:s0+$0x0]  }
.LBB2_130:
0x5ee: {  	s5 =	simm.s32 $0x1  }
0x5ef: {  	p2 =	sne.s32 s9, $0x1E00;
	s5 =	simm.s32 @!p1 $0x0  }
0x5f0: {  	s5 =	sshll.u32 s5, $0x6  }
0x5f1: {  	s3 =	sadd.s32 $0x40, s3;
	s5 =	sadd.s32 s5, s7;
	s7 =	smov.u32 s9  }
0x5f2: {  	s25 =	sand.u32 $0x3C0, s3;
	s24 =	sor.u32 $0x280, s5  }
0x5f3: {  	[tilespmem:s24+$0x1AB80] =	vst v0;
	s24 =	sadd.s32 $0x1CF80, s25  }
0x5f4: {  	v0 =	vld [tilespmem:s24+$0x10];
	_ =	sdelay $0x2  }
0x5f5: {  	s25 =	sadd.s32 $0x10, s5  }
0x5f6: {  	s25 =	sor.u32 $0x280, s25  }
0x5f7: {  	[tilespmem:s25+$0x1AB80] =	vst v0  }
0x5f8: {  	v0 =	vld [tilespmem:s24+$0x20];
	_ =	sdelay $0x2  }
0x5f9: {  	s25 =	sadd.s32 $0x20, s5  }
0x5fa: {  	s25 =	sor.u32 $0x280, s25  }
0x5fb: {  	[tilespmem:s25+$0x1AB80] =	vst v0  }
0x5fc: {  	v0 =	vld [tilespmem:s24+$0x30];
	_ =	sdelay $0x1  }
.Ltmp69:
0x5fd: {  	(pc) =	sbr.rel @p2 .LBB2_130-.Ltmp69, $4  }
0x5fe: {  	s5 =	sadd.s32 $0x30, s5  }
0x5ff: {  	s5 =	sor.u32 $0x280, s5  }
0x600: {  	s0 =	sadd.s32 $0x40, s0;
	[tilespmem:s5+$0x1AB80] =	vst v0  }
0x601: {  	p1 =	por !p1, !p1;
	s9 =	sadd.s32 $0x200, s9;
	v0 =	vld [tilespmem:s0+$0x0]  }
0x602: {  	s0 =	simm.s32 $0x1  }
0x603: {  	s0 =	simm.s32 @!p1 $0x0  }
0x604: {  	s0 =	sshll.u32 s0, $0x6  }
0x605: {  	s3 =	sadd.s32 $0x40, s3;
	s0 =	sadd.s32 s0, s7  }
0x606: {  	s3 =	sand.u32 $0x3C0, s3;
	s5 =	sor.u32 $0x280, s0  }
0x607: {  	s3 =	sadd.s32 $0x1CF80, s3;
	[tilespmem:s5+$0x1AB80] =	vst v0  }
0x608: {  	v0 =	vld [tilespmem:s3+$0x10];
	_ =	sdelay $0x2  }
0x609: {  	s30 =	sadd.s32 $0x10, s0  }
0x60a: {  	s5 =	sor.u32 $0x280, s30  }
0x60b: {  	[tilespmem:s5+$0x1AB80] =	vst v0  }
0x60c: {  	v0 =	vld [tilespmem:s3+$0x20];
	_ =	sdelay $0x2  }
0x60d: {  	s31 =	sadd.s32 $0x20, s0  }
0x60e: {  	s5 =	sor.u32 $0x280, s31  }
0x60f: {  	[tilespmem:s5+$0x1AB80] =	vst v0  }
0x610: {  	v0 =	vld [tilespmem:s3+$0x30];
	_ =	sdelay $0x2  }
0x611: {  	s0 =	sadd.s32 $0x30, s0  }
0x612: {  	s0 =	sor.u32 $0x280, s0  }
0x613: {  	[tilespmem:s0+$0x1AB80] =	vst v0  }
0x614: {  	_ =	swait.ge [sflag:s4], $0x400  }
0x615: {  	[sflag:s4] =	ssyncset.done $0x0  }
0x616: {  	s0 =	simm.s32 $0x0;
	[sflag:s4] =	ssyncadd.s32 $0xFFFFFC00  }
0x617: {  	v2 =	vld [tilespmem:s0+$0x1A780]  }
0x618: {  	v1 =	vld [tilespmem:s0+$0x1A790]  }
0x619: {  	s3 =	simm.s32 $0x100;
	v0 =	vld [tilespmem:s0+$0x1A7A0]  }
.LBB2_132:
0x61a: {  	p1 =	sne.s32 s3, $0xF00;
	v3 =	vld [tilespmem:s0+$0x1A7B0];
	_ =	sdelay $0x1  }
.Ltmp70:
0x61b: {  	v2 =	vadd.s32 $0x18700, v2;
	(pc) =	sbr.rel @p1 .LBB2_132-.Ltmp70, $4  }
0x61c: {  	s5 =	sshra.s32 s3, $0x2;
	[tilespmem:s0+$0x1A780] =	vst v2;
	v1 =	vadd.s32 $0x18700, v1  }
0x61d: {  	v2 =	vld [tilespmem:s5+$0x1A780];
	[tilespmem:s0+$0x1A790] =	vst v1;
	v0 =	vadd.s32 $0x18700, v0  }
0x61e: {  	v1 =	vld [tilespmem:s5+$0x1A790];
	[tilespmem:s0+$0x1A7A0] =	vst v0;
	v3 =	vadd.s32 $0x18700, v3  }
0x61f: {  	s3 =	sadd.s32 $0x100, s3;
	v0 =	vld [tilespmem:s5+$0x1A7A0];
	[tilespmem:s0+$0x1A7B0] =	vst v3;
	s0 =	smov.u32 s5  }
0x620: {  	v3 =	vld [tilespmem:s0+$0x1A7B0];
	_ =	sdelay $0x1  }
0x621: {  	v2 =	vadd.s32 $0x18700, v2  }
0x622: {  	[tilespmem:s0+$0x1A780] =	vst v2;
	v1 =	vadd.s32 $0x18700, v1  }
0x623: {  	[tilespmem:s0+$0x1A790] =	vst v1;
	v0 =	vadd.s32 $0x18700, v0  }
0x624: {  	s31 =	rddreg [dreg:$0x4];
	[tilespmem:s0+$0x1A7A0] =	vst v0;
	v0 =	vadd.s32 $0x18700, v3  }
0x625: {  	s3 =	simm.s32 $0x400;
	s5 =	simm.s32 $0x1A780;
	s7 =	simm.s32 $0x1CF80;
	[tilespmem:s0+$0x1A7B0] =	vst v0  }
0x626: {  	[tilespmem:s7], [sflag:$0x2] =	stream.indirect.gather [spmem:s31], $0x1, s5, s3, $0xb8;
	[tilespmem:$0x1D380] =	vst v63  }
0x627: {  	s7 =	simm.s32 $0x1CB80  }
0x628: {  	p1 =	por $0x0, $0x0;
	s0 =	simm.s32 $0x1;
	v0 =	vld [tilespmem:s7+$0x0]  }
0x629: {  	s0 =	simm.s32 @!p1 $0x0  }
0x62a: {  	s0 =	sshll.u32 s0, $0x6  }
0x62b: {  	s3 =	simm.s32 $0x0;
	s0 =	sadd.s32 $0x0, s0  }
0x62c: {  	s24 =	sand.u32 $0x3C0, s3;
	s9 =	sor.u32 $0x300, s0  }
0x62d: {  	s25 =	sadd.s32 $0x1CB80, s24;
	[tilespmem:s9+$0x1AB80] =	vst v0  }
0x62e: {  	v0 =	vld [tilespmem:s25+$0x10];
	_ =	sdelay $0x2  }
0x62f: {  	s30 =	sadd.s32 $0x10, s0  }
0x630: {  	s7 =	sor.u32 $0x300, s30  }
0x631: {  	[tilespmem:s7+$0x1AB80] =	vst v0  }
0x632: {  	v0 =	vld [tilespmem:s25+$0x20];
	_ =	sdelay $0x2  }
0x633: {  	s31 =	sadd.s32 $0x20, s0  }
0x634: {  	s7 =	sor.u32 $0x300, s31  }
0x635: {  	[tilespmem:s7+$0x1AB80] =	vst v0  }
0x636: {  	v0 =	vld [tilespmem:s25+$0x30];
	_ =	sdelay $0x2  }
0x637: {  	s0 =	sadd.s32 $0x30, s0  }
0x638: {  	s0 =	sor.u32 $0x300, s0  }
0x639: {  	[tilespmem:s0+$0x1AB80] =	vst v0;
	s0 =	simm.s32 $0x1CBC0  }
0x63a: {  	p1 =	por !p1, !p1;
	s9 =	simm.s32 $0x400;
	s7 =	simm.s32 $0x200;
	v0 =	vld [tilespmem:s0+$0x0]  }
.LBB2_134:
0x63b: {  	s5 =	simm.s32 $0x1  }
0x63c: {  	p2 =	sne.s32 s9, $0x1E00;
	s5 =	simm.s32 @!p1 $0x0  }
0x63d: {  	s5 =	sshll.u32 s5, $0x6  }
0x63e: {  	s3 =	sadd.s32 $0x40, s3;
	s5 =	sadd.s32 s5, s7;
	s7 =	smov.u32 s9  }
0x63f: {  	s25 =	sand.u32 $0x3C0, s3;
	s24 =	sor.u32 $0x300, s5  }
0x640: {  	[tilespmem:s24+$0x1AB80] =	vst v0;
	s24 =	sadd.s32 $0x1CB80, s25  }
0x641: {  	v0 =	vld [tilespmem:s24+$0x10];
	_ =	sdelay $0x2  }
0x642: {  	s25 =	sadd.s32 $0x10, s5  }
0x643: {  	s25 =	sor.u32 $0x300, s25  }
0x644: {  	[tilespmem:s25+$0x1AB80] =	vst v0  }
0x645: {  	v0 =	vld [tilespmem:s24+$0x20];
	_ =	sdelay $0x2  }
0x646: {  	s25 =	sadd.s32 $0x20, s5  }
0x647: {  	s25 =	sor.u32 $0x300, s25  }
0x648: {  	[tilespmem:s25+$0x1AB80] =	vst v0  }
0x649: {  	v0 =	vld [tilespmem:s24+$0x30];
	_ =	sdelay $0x1  }
.Ltmp71:
0x64a: {  	(pc) =	sbr.rel @p2 .LBB2_134-.Ltmp71, $4  }
0x64b: {  	s5 =	sadd.s32 $0x30, s5  }
0x64c: {  	s5 =	sor.u32 $0x300, s5  }
0x64d: {  	s0 =	sadd.s32 $0x40, s0;
	[tilespmem:s5+$0x1AB80] =	vst v0  }
0x64e: {  	p1 =	por !p1, !p1;
	s9 =	sadd.s32 $0x200, s9;
	v0 =	vld [tilespmem:s0+$0x0]  }
0x64f: {  	s0 =	simm.s32 $0x1  }
0x650: {  	s0 =	simm.s32 @!p1 $0x0  }
0x651: {  	s0 =	sshll.u32 s0, $0x6  }
0x652: {  	s3 =	sadd.s32 $0x40, s3;
	s0 =	sadd.s32 s0, s7  }
0x653: {  	s3 =	sand.u32 $0x3C0, s3;
	s5 =	sor.u32 $0x300, s0  }
0x654: {  	s3 =	sadd.s32 $0x1CB80, s3;
	[tilespmem:s5+$0x1AB80] =	vst v0  }
0x655: {  	v0 =	vld [tilespmem:s3+$0x10];
	_ =	sdelay $0x2  }
0x656: {  	s30 =	sadd.s32 $0x10, s0  }
0x657: {  	s5 =	sor.u32 $0x300, s30  }
0x658: {  	[tilespmem:s5+$0x1AB80] =	vst v0  }
0x659: {  	v0 =	vld [tilespmem:s3+$0x20];
	_ =	sdelay $0x2  }
0x65a: {  	s31 =	sadd.s32 $0x20, s0  }
0x65b: {  	s5 =	sor.u32 $0x300, s31  }
0x65c: {  	[tilespmem:s5+$0x1AB80] =	vst v0  }
0x65d: {  	v0 =	vld [tilespmem:s3+$0x30];
	_ =	sdelay $0x2  }
0x65e: {  	s0 =	sadd.s32 $0x30, s0  }
0x65f: {  	s0 =	sor.u32 $0x300, s0  }
0x660: {  	[tilespmem:s0+$0x1AB80] =	vst v0  }
0x661: {  	_ =	swait.ge [sflag:s1], $0x400  }
0x662: {  	[sflag:s1] =	ssyncset.done $0x0  }
0x663: {  	s5 =	simm.s32 $0x1CF80;
	[sflag:s1] =	ssyncadd.s32 $0xFFFFFC00  }
0x664: {  	v0 =	vld [tilespmem:s5+$0x0];
	_ =	sdelay $0x1  }
0x665: {  	s3 =	simm.s32 $0x0  }
0x666: {  	s7 =	sor.u32 s3, s3  }
0x667: {  	s9 =	sand.u32 $0x3C0, s3;
	s0 =	sor.u32 $0x380, s7  }
0x668: {  	p1 =	por $0x0, $0x0;
	s24 =	sadd.s32 $0x1CF80, s9;
	s5 =	simm.s32 $0x1;
	[tilespmem:s0+$0x1AB80] =	vst v0  }
0x669: {  	s5 =	simm.s32 @!p1 $0x0;
	v0 =	vld [tilespmem:s24+$0x10]  }
0x66a: {  	s5 =	sshll.u32 s5, $0x6  }
0x66b: {  	s5 =	sadd.s32 $0x0, s5  }
0x66c: {  	s25 =	sadd.s32 $0x10, s5  }
0x66d: {  	s7 =	sor.u32 $0x380, s25  }
0x66e: {  	[tilespmem:s7+$0x1AB80] =	vst v0  }
0x66f: {  	v0 =	vld [tilespmem:s24+$0x20];
	_ =	sdelay $0x2  }
0x670: {  	s30 =	sadd.s32 $0x20, s5  }
0x671: {  	s7 =	sor.u32 $0x380, s30  }
0x672: {  	[tilespmem:s7+$0x1AB80] =	vst v0  }
0x673: {  	v0 =	vld [tilespmem:s24+$0x30];
	_ =	sdelay $0x2  }
0x674: {  	s31 =	sadd.s32 $0x30, s5  }
0x675: {  	s0 =	sor.u32 $0x380, s31  }
0x676: {  	[tilespmem:s0+$0x1AB80] =	vst v0;
	s0 =	simm.s32 $0x1CFC0  }
0x677: {  	s9 =	simm.s32 $0x80;
	s7 =	simm.s32 $0x40;
	v0 =	vld [tilespmem:s0+$0x0]  }
.LBB2_136:
0x678: {  	p2 =	sne.s32 s9, $0x3C0  }
0x679: {  	s3 =	sadd.s32 $0x200, s3  }
0x67a: {  	s5 =	sor.u32 s7, s3  }
0x67b: {  	s24 =	sand.u32 $0x3C0, s7;
	s7 =	smov.u32 s9;
	s5 =	sor.u32 $0x380, s5  }
0x67c: {  	p1 =	por !p1, !p1;
	[tilespmem:s5+$0x1AB80] =	vst v0;
	s5 =	sadd.s32 $0x1CF80, s24;
	s24 =	simm.s32 $0x1  }
0x67d: {  	s24 =	simm.s32 @!p1 $0x0;
	v0 =	vld [tilespmem:s5+$0x10]  }
0x67e: {  	s24 =	sshll.u32 s24, $0x6  }
0x67f: {  	s24 =	sadd.s32 s24, s3  }
0x680: {  	s25 =	sadd.s32 $0x10, s24  }
0x681: {  	s25 =	sor.u32 $0x380, s25  }
0x682: {  	[tilespmem:s25+$0x1AB80] =	vst v0  }
0x683: {  	v0 =	vld [tilespmem:s5+$0x20];
	_ =	sdelay $0x2  }
0x684: {  	s25 =	sadd.s32 $0x20, s24  }
0x685: {  	s25 =	sor.u32 $0x380, s25  }
0x686: {  	[tilespmem:s25+$0x1AB80] =	vst v0  }
0x687: {  	v0 =	vld [tilespmem:s5+$0x30];
	_ =	sdelay $0x1  }
.Ltmp72:
0x688: {  	(pc) =	sbr.rel @p2 .LBB2_136-.Ltmp72, $4  }
0x689: {  	s5 =	sadd.s32 $0x30, s24  }
0x68a: {  	s5 =	sor.u32 $0x380, s5  }
0x68b: {  	s0 =	sadd.s32 $0x40, s0;
	[tilespmem:s5+$0x1AB80] =	vst v0  }
0x68c: {  	s9 =	sadd.s32 $0x40, s9;
	v0 =	vld [tilespmem:s0+$0x0]  }
0x68d: {  	_ = 	snop  }
0x68e: {  	s0 =	sadd.s32 $0x200, s3  }
0x68f: {  	s3 =	sor.u32 s7, s0  }
0x690: {  	s5 =	sand.u32 $0x3C0, s7;
	s3 =	sor.u32 $0x380, s3  }
0x691: {  	p1 =	por !p1, !p1;
	s9 =	sadd.s32 $0x1CF80, s5;
	s5 =	simm.s32 $0x1;
	[tilespmem:s3+$0x1AB80] =	vst v0  }
0x692: {  	s5 =	simm.s32 @!p1 $0x0;
	v0 =	vld [tilespmem:s9+$0x10]  }
0x693: {  	s5 =	sshll.u32 s5, $0x6  }
0x694: {  	s0 =	sadd.s32 s5, s0  }
0x695: {  	s5 =	sadd.s32 $0x10, s0  }
0x696: {  	s5 =	sor.u32 $0x380, s5  }
0x697: {  	[tilespmem:s5+$0x1AB80] =	vst v0  }
0x698: {  	v0 =	vld [tilespmem:s9+$0x20];
	_ =	sdelay $0x2  }
0x699: {  	s24 =	sadd.s32 $0x20, s0  }
0x69a: {  	s5 =	sor.u32 $0x380, s24  }
0x69b: {  	[tilespmem:s5+$0x1AB80] =	vst v0  }
0x69c: {  	v0 =	vld [tilespmem:s9+$0x30];
	_ =	sdelay $0x2  }
0x69d: {  	s0 =	sadd.s32 $0x30, s0  }
.Ltmp73:
0x69e: {  	s25 =	rddreg [dreg:$0x14];
	s0 =	sor.u32 $0x380, s0;
	(pc) =	sbr.rel .LBB2_138-.Ltmp73, $4  }
0x69f: {  	s30 =	simm.s32 $0x0;
	s31 =	simm.s32 $0x1AB80;
	[tilespmem:s0+$0x1AB80] =	vst v0;
	s0 =	sadd.s32 s2, s25  }
0x6a0: {  	[hbm4b:s0+s30] =	stream.linear.scatter [tilespmem:s31], [sflag:$0x4], $0x2000, $0x38;
	[tilespmem:$0x1D380] =	vst v63  }
0x6a1: {  	[bflag:$0x0] =	sbarrier.arrive $0xFFFF  }
0x6a2: {  	s0 =	simm.s32 $0x2;
	s7 =	rddreg [dreg:$0x6]  }
.LBB2_140:
0x6a3: {  	_ =	sfence.sel $0x180000  }
0x6a4: {  	[bflag:$0x0] =	sbarrier.arrive $0xFFFF  }
0x6a5: {  	_ =	strace $0x90000047  }
0x6a6: {  	s0 =	stileid.u32;
	[bflag:$0x2] =	sbarrier.arrive $0xFFFF  }
0x6a7: {  	p0 =	sne.s32 s0, $0x0;
	s0 =	rddreg [dreg:$0x5]  }
0x6a8: {  	s0 =	sadd.s32 @!p0 $0x100000, s0  }
0x6a9: {  	[sflag:s0] =	ssyncadd.tile.s32 @!p0 $0x1;
	_ =	shalt  }
.Lfunc_end2:
_tile_overlayer_lowered:
.L_overlay_start_2:
0x6aa: {  	(tag) =	ssettag $0x2  }
0x6ab: {  	s0 =	rddreg [dreg:$0x0];
	s2 =	stileid.u32  }
0x6ac: {  	s1 =	rddreg [dreg:$0x1];
	p0 =	sne.s32 s2, $0x0  }
0x6ad: {  	s3 =	rddreg [dreg:$0x2];
	[bflag:$0x3] =	sbarrier.arrive $0xFFFF;
	s2 =	simm.s32 @!p0 $0x1C05  }
0x6ae: {  	[timem:s3], [sflag:s2] =	dma.local @!p0 [hbm:s0], s1  }
0x6af: {  	s0 =	simm.s32 @!p0 $0x5  }
0x6b0: {  	_ =	swait.ge @!p0 [sflag:s0], s1  }
0x6b1: {  	s1 =	ssub.s32 @!p0 $0x0, s1;
	[sflag:s0] =	ssyncset.done @!p0 $0x0  }
0x6b2: {  	[sflag:s0] =	ssyncadd.s32 @!p0 s1  }
0x6b3: {  	[bflag:$0x3] =	sbarrier.arrive $0xFFFF  }
0x6b4: {  	_ =	shalt  }

</sc_bundles>
